<compile_context>
chip_gen: v7x
topology: tpu7x:2x2x1
jax: 0.10.2.dev20260603
libtpu: 0.0.44.dev20260713+nightly
codegen_flags: <defaults>
</compile_context>

<pallas_src>
import functools

import jax
import jax.numpy as jnp
from jax import lax
from jax.experimental import pallas as pl
from jax.experimental.pallas import tpu as pltpu
from jax.experimental.pallas import tpu_sc as plsc

EMB = 64
TPAD = 128
FPAD = 256
NC, NS = 2, 16
NW = NC * NS
LANES = 16
NREP = 8
BTILE = 128


def _proj_body(t_ref, w_ref, b_ref, out_ref):
    out_ref[...] = (
        jnp.dot(t_ref[...], w_ref[...], preferred_element_type=jnp.float32)
        + b_ref[...]
    )


def _packed_table(table, W, b):
    tp = jnp.zeros((TPAD, FPAD), jnp.float32).at[: table.shape[0], : table.shape[1]].set(table)
    wp = jnp.zeros((FPAD, EMB), jnp.float32).at[: W.shape[0]].set(W)
    proj = pl.pallas_call(
        _proj_body,
        out_shape=jax.ShapeDtypeStruct((TPAD, EMB), jnp.float32),
    )(tp, wp, b.reshape(1, EMB))
    u = jax.lax.bitcast_convert_type(proj.astype(jnp.bfloat16), jnp.uint16)
    w32 = (u[:, 1::2].astype(jnp.uint32) << 16) | u[:, 0::2].astype(jnp.uint32)
    w32 = w32.T
    tab8 = jnp.broadcast_to(w32[:, :, None], (EMB // 2, TPAD, NREP))
    return jax.lax.bitcast_convert_type(
        tab8.reshape(EMB // 2 * TPAD * NREP), jnp.int32
    )


@functools.lru_cache(maxsize=None)
def _make_lookup(B, L):
    assert B % (NW * BTILE) == 0
    b_per_w = B // NW
    n_bt = b_per_w // BTILE
    n_lt = L * n_bt
    assert n_lt % 2 == 0
    mesh = plsc.VectorSubcoreMesh(core_axis_name="c", subcore_axis_name="s")

    @functools.partial(
        pl.kernel,
        out_type=jax.ShapeDtypeStruct((L, EMB, B), jnp.float32),
        mesh=mesh,
        scratch_types=[
            pltpu.VMEM((b_per_w, L), jnp.int32),
            pltpu.VMEM((EMB // 2 * TPAD * NREP,), jnp.int32),
            pltpu.VMEM((2, EMB, BTILE), jnp.float32),
            pltpu.SemaphoreType.DMA,
            pltpu.SemaphoreType.DMA,
        ],
        compiler_params=pltpu.CompilerParams(needs_layout_passes=False),
    )
    def lookup(tab_hbm, idx_hbm, out_hbm, idx_v, tab_v, tiles_v, s0, s1):
        wid = lax.axis_index("s") * NC + lax.axis_index("c")
        b0 = wid * b_per_w
        sems = (s0, s1)
        pltpu.sync_copy(tab_hbm, tab_v)
        pltpu.sync_copy(idx_hbm.at[pl.ds(b0, b_per_w)], idx_v)
        lane = lax.iota(jnp.int32, LANES)
        lrep = lane & (NREP - 1)
        himask = jnp.broadcast_to(jnp.int32(-65536), (LANES,))

        def fill_slab(s, p):
            l = s // n_bt
            t = s % n_bt

            @pl.loop(0, BTILE // LANES)
            def _(k):
                rows = t * BTILE + k * LANES + lane
                vidx = plsc.load_gather(idx_v, [rows, jnp.broadcast_to(l, (LANES,))])
                vbase = (vidx << 3) | lrep
                kcol = pl.ds(k * LANES, LANES)
                pend = []
                for ep in range(EMB // 2):
                    seg = tab_v.at[pl.ds(ep * TPAD * NREP, TPAD * NREP)]
                    x = plsc.load_gather(seg, [vbase])
                    lo = plsc.bitcast(x << 16, jnp.float32)
                    hi = plsc.bitcast(x, jnp.float32)
                    pend.append((ep, lo, hi))
                    if len(pend) > 4:
                        pep, plo, phi = pend.pop(0)
                        tiles_v[p, 2 * pep, kcol] = plo
                        tiles_v[p, 2 * pep + 1, kcol] = phi
                for pep, plo, phi in pend:
                    tiles_v[p, 2 * pep, kcol] = plo
                    tiles_v[p, 2 * pep + 1, kcol] = phi

        def slab_out_desc(s, p):
            l = s // n_bt
            t = s % n_bt
            return pltpu.make_async_copy(
                tiles_v.at[p],
                out_hbm.at[l, :, pl.ds(b0 + t * BTILE, BTILE)],
                sems[p],
            )

        for p in range(2):
            fill_slab(p, p)
            slab_out_desc(p, p).start()

        @pl.loop(2, n_lt, step=2)
        def _(g0):
            for p in range(2):
                s = g0 + p
                slab_out_desc(s - 2, p).wait()
                fill_slab(s, p)
                slab_out_desc(s, p).start()

        for p in range(2):
            slab_out_desc(n_lt - 2 + p, p).wait()

    return lookup


def kernel(input, table, W, b):
    B, L = input.shape
    tab8 = _packed_table(table, W, b)
    out_t = _make_lookup(B, L)(tab8, input.astype(jnp.int32))
    return jnp.transpose(out_t, (2, 0, 1))

# --- scband reference (transcript-rebuilt; emitter-appended) ---
"""Pipeline reference for scband-element-embedder-45354854646428 (READ-ONLY COPY).

The authoritative reference and input builder live on the scoring server;
editing this copy changes nothing except your own understanding.
"""

import jax, jax.numpy as jnp
import numpy as np

FEATURE_SIZE = 200  # mat2vec feature width
NUM_ELEMENTS = 118  # mat2vec rows; table gets an extra zero row at index 0
EMBEDDING_SIZE = 64

def setup_inputs(seed: int = 0) -> dict:
    key = jax.random.key(seed)
    k1, k2, k3, k4 = jax.random.split(key, 4)
    inp = jax.random.randint(k1, (16384, 50), 0, NUM_ELEMENTS + 1)
    props = jax.random.normal(k2, (NUM_ELEMENTS, FEATURE_SIZE), dtype=jnp.float32)
    table = jnp.concatenate([jnp.zeros((1, FEATURE_SIZE), dtype=jnp.float32), props], axis=0)
    W = jax.random.normal(k3, (FEATURE_SIZE, EMBEDDING_SIZE), dtype=jnp.float32) * 0.05
    b = jax.random.normal(k4, (EMBEDDING_SIZE,), dtype=jnp.float32) * 0.05
    return {"input": inp, "table": table, "W": W, "b": b}

def reference(input, table, W, b):
    # self.cbfv(input): embedding gather from pretrained table (row 0 = padding zeros)
    embedded_input = jnp.take(table, input, axis=0)  # [B, L, feature_size]
    # self.fc_mat2vec(embedded_input): linear feature_size -> embedding_size
    transformed_input = embedded_input @ W + b       # [B, L, embedding_size]
    return transformed_input

if __name__ == "__main__":
    import jax
    _d = setup_inputs()
    print(jax.jit(kernel)(*tuple(_d.values())))

</pallas_src>

<mosaic_0001>
#map = affine_map<(d0, d1) -> (0)>
#map1 = affine_map<(d0, d1) -> (0, 0)>
#map2 = affine_map<(d0, d1) -> (0, 0, 0)>
module attributes {stable_mosaic.version = 14 : i64} {
  func.func @lookup(%arg0: i32, %arg1: i32, %arg2: memref<32768xi32, #tpu.memory_space<hbm>>, %arg3: memref<16384x50xi32, #tpu.memory_space<hbm>>, %arg4: memref<50x64x16384xf32, #tpu.memory_space<hbm>>, %arg5: memref<512x50xi32, #tpu.memory_space<vmem>>, %arg6: memref<32768xi32, #tpu.memory_space<vmem>>, %arg7: memref<2x64x128xf32, #tpu.memory_space<vmem>>, %arg8: memref<!tpu.dma_semaphore, #tpu.memory_space<semaphore_mem>>, %arg9: memref<!tpu.dma_semaphore, #tpu.memory_space<semaphore_mem>>) attributes {dimension_semantics = [#tpu.dimension_semantics<core_parallel>, #tpu.dimension_semantics<subcore_parallel>], iteration_bounds = array<i64: 2, 16>, scalar_prefetch = 0 : i64, scratch_operands = 5 : i64, tpu.core_type = #tpu.core_type<sc_vector_subcore>, window_params = [{transform_indices = #map}, {transform_indices = #map1}, {transform_indices = #map2}]} {
    %mul3A = arith.constant 2 : i32
    %mul3A_0 = arith.muli %arg1, %mul3A : i32
    %add3A = arith.addi %mul3A_0, %arg0 : i32
    %mul3A_1 = arith.constant 512 : i32
    %mul3A_2 = arith.muli %add3A, %mul3A_1 : i32
    "tpu.region"() ({
      %run_scoped3A = tpu.sem_alloc : memref<!tpu.dma_semaphore, #tpu.memory_space<semaphore_mem>>
      tpu.enqueue_dma source(%arg2 : memref<32768xi32, #tpu.memory_space<hbm>>) target(%arg6 : memref<32768xi32, #tpu.memory_space<vmem>>) target_semaphore(%run_scoped3A : memref<!tpu.dma_semaphore, #tpu.memory_space<semaphore_mem>>)
      tpu.wait_dma2 semaphore(%run_scoped3A : memref<!tpu.dma_semaphore, #tpu.memory_space<semaphore_mem>>) src(%arg2 : memref<32768xi32, #tpu.memory_space<hbm>>) dst(%arg6 : memref<32768xi32, #tpu.memory_space<vmem>>)
      tpu.yield
    }) : () -> ()
    "tpu.region"() ({
      %run_scoped3A = tpu.sem_alloc : memref<!tpu.dma_semaphore, #tpu.memory_space<semaphore_mem>>
      %dma_start3A_90 = arith.constant 0 : i32
      %dma_start3A_91 = tpu.memref_slice %arg3[%mul3A_2, %dma_start3A_90] : memref<16384x50xi32, #tpu.memory_space<hbm>> -> memref<512x50xi32, #tpu.memory_space<hbm>>
      %dma_start3A_92 = arith.constant 0 : i32
      %dma_start3A_93 = tpu.memref_slice %arg3[%mul3A_2, %dma_start3A_92] : memref<16384x50xi32, #tpu.memory_space<hbm>> -> memref<512x50xi32, #tpu.memory_space<hbm>>
      tpu.enqueue_dma source(%dma_start3A_93 : memref<512x50xi32, #tpu.memory_space<hbm>>) target(%arg5 : memref<512x50xi32, #tpu.memory_space<vmem>>) target_semaphore(%run_scoped3A : memref<!tpu.dma_semaphore, #tpu.memory_space<semaphore_mem>>)
      %dma_wait3A_94 = arith.constant 0 : i32
      %dma_wait3A_95 = tpu.memref_slice %arg3[%mul3A_2, %dma_wait3A_94] : memref<16384x50xi32, #tpu.memory_space<hbm>> -> memref<512x50xi32, #tpu.memory_space<hbm>>
      %dma_wait3A_96 = arith.constant 0 : i32
      %dma_wait3A_97 = tpu.memref_slice %arg3[%mul3A_2, %dma_wait3A_96] : memref<16384x50xi32, #tpu.memory_space<hbm>> -> memref<512x50xi32, #tpu.memory_space<hbm>>
      tpu.wait_dma2 semaphore(%run_scoped3A : memref<!tpu.dma_semaphore, #tpu.memory_space<semaphore_mem>>) src(%dma_wait3A_97 : memref<512x50xi32, #tpu.memory_space<hbm>>) dst(%arg5 : memref<512x50xi32, #tpu.memory_space<vmem>>)
      tpu.yield
    }) : () -> ()
    %iota3A = tpu.iota {dimensions = array<i32: 0>} : vector<16xi32>
    %and3A = arith.constant 7 : i32
    %and3A_3 = vector.broadcast %and3A : i32 to vector<16xi32>
    %and3A_4 = arith.andi %iota3A, %and3A_3 : vector<16xi32>
    %broadcast_in_dim3A = arith.constant -65536 : i32
    %broadcast_in_dim3A_5 = vector.broadcast %broadcast_in_dim3A : i32 to vector<16xi32>
    %scan3A = arith.constant 0 : i32
    %scan3A_6 = arith.constant 8 : i32
    %scan3A_7 = arith.addi %scan3A, %scan3A_6 : i32
    %scan3A_8 = arith.constant 1 : i32
    scf.for %scan3A_90 = %scan3A to %scan3A_7 step %scan3A_8  : i32 {
      %mul3A_91 = arith.constant 1 : i32
      %mul3A_92 = arith.muli %scan3A_90, %mul3A_91 : i32
      %add3A_93 = arith.constant 0 : i32
      %add3A_94 = arith.addi %add3A_93, %mul3A_92 : i32
      %mul3A_95 = arith.constant 16 : i32
      %mul3A_96 = arith.muli %add3A_94, %mul3A_95 : i32
      %add3A_97 = arith.constant 0 : i32
      %add3A_98 = arith.addi %add3A_97, %mul3A_96 : i32
      %add3A_99 = vector.broadcast %add3A_98 : i32 to vector<16xi32>
      %add3A_100 = arith.addi %add3A_99, %iota3A : vector<16xi32>
      %broadcast_in_dim3A_101 = arith.constant 0 : i32
      %broadcast_in_dim3A_102 = vector.broadcast %broadcast_in_dim3A_101 : i32 to vector<16xi32>
      %gather3A = tpu.vector_load_idx %arg5[%add3A_100, %broadcast_in_dim3A_102] : memref<512x50xi32, #tpu.memory_space<vmem>>[vector<16xi32>, vector<16xi32>], vector<16xi32>,
      %shift_left3A = arith.constant 3 : i32
      %shift_left3A_103 = vector.broadcast %shift_left3A : i32 to vector<16xi32>
      %shift_left3A_104 = arith.shli %gather3A, %shift_left3A_103 : vector<16xi32>
      %or3A = arith.ori %shift_left3A_104, %and3A_4 : vector<16xi32>
      %mul3A_105 = arith.constant 16 : i32
      %mul3A_106 = arith.muli %add3A_94, %mul3A_105 : i32
      %gather3A_107 = arith.constant 0 : i32
      %gather3A_108 = tpu.memref_slice %arg6[%gather3A_107] : memref<32768xi32, #tpu.memory_space<vmem>> -> memref<1024xi32, #tpu.memory_space<vmem>>
      %gather3A_109 = tpu.vector_load_idx %gather3A_108[%or3A] : memref<1024xi32, #tpu.memory_space<vmem>>[vector<16xi32>], vector<16xi32>,
      %shift_left3A_110 = arith.constant 16 : i32
      %shift_left3A_111 = vector.broadcast %shift_left3A_110 : i32 to vector<16xi32>
      %shift_left3A_112 = arith.shli %gather3A_109, %shift_left3A_111 : vector<16xi32>
      %bitcast3A = vector.bitcast %shift_left3A_112 : vector<16xi32> to vector<16xf32>
      %bitcast3A_113 = vector.bitcast %gather3A_109 : vector<16xi32> to vector<16xf32>
      %gather3A_114 = arith.constant 1024 : i32
      %gather3A_115 = tpu.memref_slice %arg6[%gather3A_114] : memref<32768xi32, #tpu.memory_space<vmem>> -> memref<1024xi32, #tpu.memory_space<vmem>>
      %gather3A_116 = tpu.vector_load_idx %gather3A_115[%or3A] : memref<1024xi32, #tpu.memory_space<vmem>>[vector<16xi32>], vector<16xi32>,
      %shift_left3A_117 = arith.constant 16 : i32
      %shift_left3A_118 = vector.broadcast %shift_left3A_117 : i32 to vector<16xi32>
      %shift_left3A_119 = arith.shli %gather3A_116, %shift_left3A_118 : vector<16xi32>
      %bitcast3A_120 = vector.bitcast %shift_left3A_119 : vector<16xi32> to vector<16xf32>
      %bitcast3A_121 = vector.bitcast %gather3A_116 : vector<16xi32> to vector<16xf32>
      %gather3A_122 = arith.constant 2048 : i32
      %gather3A_123 = tpu.memref_slice %arg6[%gather3A_122] : memref<32768xi32, #tpu.memory_space<vmem>> -> memref<1024xi32, #tpu.memory_space<vmem>>
      %gather3A_124 = tpu.vector_load_idx %gather3A_123[%or3A] : memref<1024xi32, #tpu.memory_space<vmem>>[vector<16xi32>], vector<16xi32>,
      %shift_left3A_125 = arith.constant 16 : i32
      %shift_left3A_126 = vector.broadcast %shift_left3A_125 : i32 to vector<16xi32>
      %shift_left3A_127 = arith.shli %gather3A_124, %shift_left3A_126 : vector<16xi32>
      %bitcast3A_128 = vector.bitcast %shift_left3A_127 : vector<16xi32> to vector<16xf32>
      %bitcast3A_129 = vector.bitcast %gather3A_124 : vector<16xi32> to vector<16xf32>
      %gather3A_130 = arith.constant 3072 : i32
      %gather3A_131 = tpu.memref_slice %arg6[%gather3A_130] : memref<32768xi32, #tpu.memory_space<vmem>> -> memref<1024xi32, #tpu.memory_space<vmem>>
      %gather3A_132 = tpu.vector_load_idx %gather3A_131[%or3A] : memref<1024xi32, #tpu.memory_space<vmem>>[vector<16xi32>], vector<16xi32>,
      %shift_left3A_133 = arith.constant 16 : i32
      %shift_left3A_134 = vector.broadcast %shift_left3A_133 : i32 to vector<16xi32>
      %shift_left3A_135 = arith.shli %gather3A_132, %shift_left3A_134 : vector<16xi32>
      %bitcast3A_136 = vector.bitcast %shift_left3A_135 : vector<16xi32> to vector<16xf32>
      %bitcast3A_137 = vector.bitcast %gather3A_132 : vector<16xi32> to vector<16xf32>
      %gather3A_138 = arith.constant 4096 : i32
      %gather3A_139 = tpu.memref_slice %arg6[%gather3A_138] : memref<32768xi32, #tpu.memory_space<vmem>> -> memref<1024xi32, #tpu.memory_space<vmem>>
      %gather3A_140 = tpu.vector_load_idx %gather3A_139[%or3A] : memref<1024xi32, #tpu.memory_space<vmem>>[vector<16xi32>], vector<16xi32>,
      %shift_left3A_141 = arith.constant 16 : i32
      %shift_left3A_142 = vector.broadcast %shift_left3A_141 : i32 to vector<16xi32>
      %shift_left3A_143 = arith.shli %gather3A_140, %shift_left3A_142 : vector<16xi32>
      %bitcast3A_144 = vector.bitcast %shift_left3A_143 : vector<16xi32> to vector<16xf32>
      %bitcast3A_145 = vector.bitcast %gather3A_140 : vector<16xi32> to vector<16xf32>
      %swap3A = arith.constant 0 : i32
      %swap3A_146 = arith.constant 0 : i32
      %swap3A_147 = arith.index_cast %swap3A : i32 to index
      %swap3A_148 = arith.index_cast %swap3A_146 : i32 to index
      %swap3A_149 = arith.index_cast %mul3A_106 : i32 to index
      %swap3A_150 = tpu.vector_load %arg7[%swap3A_147, %swap3A_148, %swap3A_149] {strides = array<i32>} : memref<2x64x128xf32, #tpu.memory_space<vmem>>, vector<16xf32>,
      tpu.vector_store %arg7[%swap3A_147, %swap3A_148, %swap3A_149], %bitcast3A {strides = array<i32>} : memref<2x64x128xf32, #tpu.memory_space<vmem>>, vector<16xf32>,
      %swap3A_151 = arith.constant 0 : i32
      %swap3A_152 = arith.constant 1 : i32
      %swap3A_153 = arith.index_cast %swap3A_151 : i32 to index
      %swap3A_154 = arith.index_cast %swap3A_152 : i32 to index
      %swap3A_155 = arith.index_cast %mul3A_106 : i32 to index
      %swap3A_156 = tpu.vector_load %arg7[%swap3A_153, %swap3A_154, %swap3A_155] {strides = array<i32>} : memref<2x64x128xf32, #tpu.memory_space<vmem>>, vector<16xf32>,
      tpu.vector_store %arg7[%swap3A_153, %swap3A_154, %swap3A_155], %bitcast3A_113 {strides = array<i32>} : memref<2x64x128xf32, #tpu.memory_space<vmem>>, vector<16xf32>,
      %gather3A_157 = arith.constant 5120 : i32
      %gather3A_158 = tpu.memref_slice %arg6[%gather3A_157] : memref<32768xi32, #tpu.memory_space<vmem>> -> memref<1024xi32, #tpu.memory_space<vmem>>
      %gather3A_159 = tpu.vector_load_idx %gather3A_158[%or3A] : memref<1024xi32, #tpu.memory_space<vmem>>[vector<16xi32>], vector<16xi32>,
      %shift_left3A_160 = arith.constant 16 : i32
      %shift_left3A_161 = vector.broadcast %shift_left3A_160 : i32 to vector<16xi32>
      %shift_left3A_162 = arith.shli %gather3A_159, %shift_left3A_161 : vector<16xi32>
      %bitcast3A_163 = vector.bitcast %shift_left3A_162 : vector<16xi32> to vector<16xf32>
      %bitcast3A_164 = vector.bitcast %gather3A_159 : vector<16xi32> to vector<16xf32>
      %swap3A_165 = arith.constant 0 : i32
      %swap3A_166 = arith.constant 2 : i32
      %swap3A_167 = arith.index_cast %swap3A_165 : i32 to index
      %swap3A_168 = arith.index_cast %swap3A_166 : i32 to index
      %swap3A_169 = arith.index_cast %mul3A_106 : i32 to index
      %swap3A_170 = tpu.vector_load %arg7[%swap3A_167, %swap3A_168, %swap3A_169] {strides = array<i32>} : memref<2x64x128xf32, #tpu.memory_space<vmem>>, vector<16xf32>,
      tpu.vector_store %arg7[%swap3A_167, %swap3A_168, %swap3A_169], %bitcast3A_120 {strides = array<i32>} : memref<2x64x128xf32, #tpu.memory_space<vmem>>, vector<16xf32>,
      %swap3A_171 = arith.constant 0 : i32
      %swap3A_172 = arith.constant 3 : i32
      %swap3A_173 = arith.index_cast %swap3A_171 : i32 to index
      %swap3A_174 = arith.index_cast %swap3A_172 : i32 to index
      %swap3A_175 = arith.index_cast %mul3A_106 : i32 to index
      %swap3A_176 = tpu.vector_load %arg7[%swap3A_173, %swap3A_174, %swap3A_175] {strides = array<i32>} : memref<2x64x128xf32, #tpu.memory_space<vmem>>, vector<16xf32>,
      tpu.vector_store %arg7[%swap3A_173, %swap3A_174, %swap3A_175], %bitcast3A_121 {strides = array<i32>} : memref<2x64x128xf32, #tpu.memory_space<vmem>>, vector<16xf32>,
      %gather3A_177 = arith.constant 6144 : i32
      %gather3A_178 = tpu.memref_slice %arg6[%gather3A_177] : memref<32768xi32, #tpu.memory_space<vmem>> -> memref<1024xi32, #tpu.memory_space<vmem>>
      %gather3A_179 = tpu.vector_load_idx %gather3A_178[%or3A] : memref<1024xi32, #tpu.memory_space<vmem>>[vector<16xi32>], vector<16xi32>,
      %shift_left3A_180 = arith.constant 16 : i32
      %shift_left3A_181 = vector.broadcast %shift_left3A_180 : i32 to vector<16xi32>
      %shift_left3A_182 = arith.shli %gather3A_179, %shift_left3A_181 : vector<16xi32>
      %bitcast3A_183 = vector.bitcast %shift_left3A_182 : vector<16xi32> to vector<16xf32>
      %bitcast3A_184 = vector.bitcast %gather3A_179 : vector<16xi32> to vector<16xf32>
      %swap3A_185 = arith.constant 0 : i32
      %swap3A_186 = arith.constant 4 : i32
      %swap3A_187 = arith.index_cast %swap3A_185 : i32 to index
      %swap3A_188 = arith.index_cast %swap3A_186 : i32 to index
      %swap3A_189 = arith.index_cast %mul3A_106 : i32 to index
      %swap3A_190 = tpu.vector_load %arg7[%swap3A_187, %swap3A_188, %swap3A_189] {strides = array<i32>} : memref<2x64x128xf32, #tpu.memory_space<vmem>>, vector<16xf32>,
      tpu.vector_store %arg7[%swap3A_187, %swap3A_188, %swap3A_189], %bitcast3A_128 {strides = array<i32>} : memref<2x64x128xf32, #tpu.memory_space<vmem>>, vector<16xf32>,
      %swap3A_191 = arith.constant 0 : i32
      %swap3A_192 = arith.constant 5 : i32
      %swap3A_193 = arith.index_cast %swap3A_191 : i32 to index
      %swap3A_194 = arith.index_cast %swap3A_192 : i32 to index
      %swap3A_195 = arith.index_cast %mul3A_106 : i32 to index
      %swap3A_196 = tpu.vector_load %arg7[%swap3A_193, %swap3A_194, %swap3A_195] {strides = array<i32>} : memref<2x64x128xf32, #tpu.memory_space<vmem>>, vector<16xf32>,
      tpu.vector_store %arg7[%swap3A_193, %swap3A_194, %swap3A_195], %bitcast3A_129 {strides = array<i32>} : memref<2x64x128xf32, #tpu.memory_space<vmem>>, vector<16xf32>,
      %gather3A_197 = arith.constant 7168 : i32
      %gather3A_198 = tpu.memref_slice %arg6[%gather3A_197] : memref<32768xi32, #tpu.memory_space<vmem>> -> memref<1024xi32, #tpu.memory_space<vmem>>
      %gather3A_199 = tpu.vector_load_idx %gather3A_198[%or3A] : memref<1024xi32, #tpu.memory_space<vmem>>[vector<16xi32>], vector<16xi32>,
      %shift_left3A_200 = arith.constant 16 : i32
      %shift_left3A_201 = vector.broadcast %shift_left3A_200 : i32 to vector<16xi32>
      %shift_left3A_202 = arith.shli %gather3A_199, %shift_left3A_201 : vector<16xi32>
      %bitcast3A_203 = vector.bitcast %shift_left3A_202 : vector<16xi32> to vector<16xf32>
      %bitcast3A_204 = vector.bitcast %gather3A_199 : vector<16xi32> to vector<16xf32>
      %swap3A_205 = arith.constant 0 : i32
      %swap3A_206 = arith.constant 6 : i32
      %swap3A_207 = arith.index_cast %swap3A_205 : i32 to index
      %swap3A_208 = arith.index_cast %swap3A_206 : i32 to index
      %swap3A_209 = arith.index_cast %mul3A_106 : i32 to index
      %swap3A_210 = tpu.vector_load %arg7[%swap3A_207, %swap3A_208, %swap3A_209] {strides = array<i32>} : memref<2x64x128xf32, #tpu.memory_space<vmem>>, vector<16xf32>,
      tpu.vector_store %arg7[%swap3A_207, %swap3A_208, %swap3A_209], %bitcast3A_136 {strides = array<i32>} : memref<2x64x128xf32, #tpu.memory_space<vmem>>, vector<16xf32>,
      %swap3A_211 = arith.constant 0 : i32
      %swap3A_212 = arith.constant 7 : i32
      %swap3A_213 = arith.index_cast %swap3A_211 : i32 to index
      %swap3A_214 = arith.index_cast %swap3A_212 : i32 to index
      %swap3A_215 = arith.index_cast %mul3A_106 : i32 to index
      %swap3A_216 = tpu.vector_load %arg7[%swap3A_213, %swap3A_214, %swap3A_215] {strides = array<i32>} : memref<2x64x128xf32, #tpu.memory_space<vmem>>, vector<16xf32>,
      tpu.vector_store %arg7[%swap3A_213, %swap3A_214, %swap3A_215], %bitcast3A_137 {strides = array<i32>} : memref<2x64x128xf32, #tpu.memory_space<vmem>>, vector<16xf32>,
      %gather3A_217 = arith.constant 8192 : i32
      %gather3A_218 = tpu.memref_slice %arg6[%gather3A_217] : memref<32768xi32, #tpu.memory_space<vmem>> -> memref<1024xi32, #tpu.memory_space<vmem>>
      %gather3A_219 = tpu.vector_load_idx %gather3A_218[%or3A] : memref<1024xi32, #tpu.memory_space<vmem>>[vector<16xi32>], vector<16xi32>,
      %shift_left3A_220 = arith.constant 16 : i32
      %shift_left3A_221 = vector.broadcast %shift_left3A_220 : i32 to vector<16xi32>
      %shift_left3A_222 = arith.shli %gather3A_219, %shift_left3A_221 : vector<16xi32>
      %bitcast3A_223 = vector.bitcast %shift_left3A_222 : vector<16xi32> to vector<16xf32>
      %bitcast3A_224 = vector.bitcast %gather3A_219 : vector<16xi32> to vector<16xf32>
      %swap3A_225 = arith.constant 0 : i32
      %swap3A_226 = arith.constant 8 : i32
      %swap3A_227 = arith.index_cast %swap3A_225 : i32 to index
      %swap3A_228 = arith.index_cast %swap3A_226 : i32 to index
      %swap3A_229 = arith.index_cast %mul3A_106 : i32 to index
      %swap3A_230 = tpu.vector_load %arg7[%swap3A_227, %swap3A_228, %swap3A_229] {strides = array<i32>} : memref<2x64x128xf32, #tpu.memory_space<vmem>>, vector<16xf32>,
      tpu.vector_store %arg7[%swap3A_227, %swap3A_228, %swap3A_229], %bitcast3A_144 {strides = array<i32>} : memref<2x64x128xf32, #tpu.memory_space<vmem>>, vector<16xf32>,
      %swap3A_231 = arith.constant 0 : i32
      %swap3A_232 = arith.constant 9 : i32
      %swap3A_233 = arith.index_cast %swap3A_231 : i32 to index
      %swap3A_234 = arith.index_cast %swap3A_232 : i32 to index
      %swap3A_235 = arith.index_cast %mul3A_106 : i32 to index
      %swap3A_236 = tpu.vector_load %arg7[%swap3A_233, %swap3A_234, %swap3A_235] {strides = array<i32>} : memref<2x64x128xf32, #tpu.memory_space<vmem>>, vector<16xf32>,
      tpu.vector_store %arg7[%swap3A_233, %swap3A_234, %swap3A_235], %bitcast3A_145 {strides = array<i32>} : memref<2x64x128xf32, #tpu.memory_space<vmem>>, vector<16xf32>,
      %gather3A_237 = arith.constant 9216 : i32
      %gather3A_238 = tpu.memref_slice %arg6[%gather3A_237] : memref<32768xi32, #tpu.memory_space<vmem>> -> memref<1024xi32, #tpu.memory_space<vmem>>
      %gather3A_239 = tpu.vector_load_idx %gather3A_238[%or3A] : memref<1024xi32, #tpu.memory_space<vmem>>[vector<16xi32>], vector<16xi32>,
      %shift_left3A_240 = arith.constant 16 : i32
      %shift_left3A_241 = vector.broadcast %shift_left3A_240 : i32 to vector<16xi32>
      %shift_left3A_242 = arith.shli %gather3A_239, %shift_left3A_241 : vector<16xi32>
      %bitcast3A_243 = vector.bitcast %shift_left3A_242 : vector<16xi32> to vector<16xf32>
      %bitcast3A_244 = vector.bitcast %gather3A_239 : vector<16xi32> to vector<16xf32>
      %swap3A_245 = arith.constant 0 : i32
      %swap3A_246 = arith.constant 10 : i32
      %swap3A_247 = arith.index_cast %swap3A_245 : i32 to index
      %swap3A_248 = arith.index_cast %swap3A_246 : i32 to index
      %swap3A_249 = arith.index_cast %mul3A_106 : i32 to index
      %swap3A_250 = tpu.vector_load %arg7[%swap3A_247, %swap3A_248, %swap3A_249] {strides = array<i32>} : memref<2x64x128xf32, #tpu.memory_space<vmem>>, vector<16xf32>,
      tpu.vector_store %arg7[%swap3A_247, %swap3A_248, %swap3A_249], %bitcast3A_163 {strides = array<i32>} : memref<2x64x128xf32, #tpu.memory_space<vmem>>, vector<16xf32>,
      %swap3A_251 = arith.constant 0 : i32
      %swap3A_252 = arith.constant 11 : i32
      %swap3A_253 = arith.index_cast %swap3A_251 : i32 to index
      %swap3A_254 = arith.index_cast %swap3A_252 : i32 to index
      %swap3A_255 = arith.index_cast %mul3A_106 : i32 to index
      %swap3A_256 = tpu.vector_load %arg7[%swap3A_253, %swap3A_254, %swap3A_255] {strides = array<i32>} : memref<2x64x128xf32, #tpu.memory_space<vmem>>, vector<16xf32>,
      tpu.vector_store %arg7[%swap3A_253, %swap3A_254, %swap3A_255], %bitcast3A_164 {strides = array<i32>} : memref<2x64x128xf32, #tpu.memory_space<vmem>>, vector<16xf32>,
      %gather3A_257 = arith.constant 10240 : i32
      %gather3A_258 = tpu.memref_slice %arg6[%gather3A_257] : memref<32768xi32, #tpu.memory_space<vmem>> -> memref<1024xi32, #tpu.memory_space<vmem>>
      %gather3A_259 = tpu.vector_load_idx %gather3A_258[%or3A] : memref<1024xi32, #tpu.memory_space<vmem>>[vector<16xi32>], vector<16xi32>,
      %shift_left3A_260 = arith.constant 16 : i32
      %shift_left3A_261 = vector.broadcast %shift_left3A_260 : i32 to vector<16xi32>
      %shift_left3A_262 = arith.shli %gather3A_259, %shift_left3A_261 : vector<16xi32>
      %bitcast3A_263 = vector.bitcast %shift_left3A_262 : vector<16xi32> to vector<16xf32>
      %bitcast3A_264 = vector.bitcast %gather3A_259 : vector<16xi32> to vector<16xf32>
      %swap3A_265 = arith.constant 0 : i32
      %swap3A_266 = arith.constant 12 : i32
      %swap3A_267 = arith.index_cast %swap3A_265 : i32 to index
      %swap3A_268 = arith.index_cast %swap3A_266 : i32 to index
      %swap3A_269 = arith.index_cast %mul3A_106 : i32 to index
      %swap3A_270 = tpu.vector_load %arg7[%swap3A_267, %swap3A_268, %swap3A_269] {strides = array<i32>} : memref<2x64x128xf32, #tpu.memory_space<vmem>>, vector<16xf32>,
      tpu.vector_store %arg7[%swap3A_267, %swap3A_268, %swap3A_269], %bitcast3A_183 {strides = array<i32>} : memref<2x64x128xf32, #tpu.memory_space<vmem>>, vector<16xf32>,
      %swap3A_271 = arith.constant 0 : i32
      %swap3A_272 = arith.constant 13 : i32
      %swap3A_273 = arith.index_cast %swap3A_271 : i32 to index
      %swap3A_274 = arith.index_cast %swap3A_272 : i32 to index
      %swap3A_275 = arith.index_cast %mul3A_106 : i32 to index
      %swap3A_276 = tpu.vector_load %arg7[%swap3A_273, %swap3A_274, %swap3A_275] {strides = array<i32>} : memref<2x64x128xf32, #tpu.memory_space<vmem>>, vector<16xf32>,
      tpu.vector_store %arg7[%swap3A_273, %swap3A_274, %swap3A_275], %bitcast3A_184 {strides = array<i32>} : memref<2x64x128xf32, #tpu.memory_space<vmem>>, vector<16xf32>,
      %gather3A_277 = arith.constant 11264 : i32
      %gather3A_278 = tpu.memref_slice %arg6[%gather3A_277] : memref<32768xi32, #tpu.memory_space<vmem>> -> memref<1024xi32, #tpu.memory_space<vmem>>
      %gather3A_279 = tpu.vector_load_idx %gather3A_278[%or3A] : memref<1024xi32, #tpu.memory_space<vmem>>[vector<16xi32>], vector<16xi32>,
      %shift_left3A_280 = arith.constant 16 : i32
      %shift_left3A_281 = vector.broadcast %shift_left3A_280 : i32 to vector<16xi32>
      %shift_left3A_282 = arith.shli %gather3A_279, %shift_left3A_281 : vector<16xi32>
      %bitcast3A_283 = vector.bitcast %shift_left3A_282 : vector<16xi32> to vector<16xf32>
      %bitcast3A_284 = vector.bitcast %gather3A_279 : vector<16xi32> to vector<16xf32>
      %swap3A_285 = arith.constant 0 : i32
      %swap3A_286 = arith.constant 14 : i32
      %swap3A_287 = arith.index_cast %swap3A_285 : i32 to index
      %swap3A_288 = arith.index_cast %swap3A_286 : i32 to index
      %swap3A_289 = arith.index_cast %mul3A_106 : i32 to index
      %swap3A_290 = tpu.vector_load %arg7[%swap3A_287, %swap3A_288, %swap3A_289] {strides = array<i32>} : memref<2x64x128xf32, #tpu.memory_space<vmem>>, vector<16xf32>,
      tpu.vector_store %arg7[%swap3A_287, %swap3A_288, %swap3A_289], %bitcast3A_203 {strides = array<i32>} : memref<2x64x128xf32, #tpu.memory_space<vmem>>, vector<16xf32>,
      %swap3A_291 = arith.constant 0 : i32
      %swap3A_292 = arith.constant 15 : i32
      %swap3A_293 = arith.index_cast %swap3A_291 : i32 to index
      %swap3A_294 = arith.index_cast %swap3A_292 : i32 to index
      %swap3A_295 = arith.index_cast %mul3A_106 : i32 to index
      %swap3A_296 = tpu.vector_load %arg7[%swap3A_293, %swap3A_294, %swap3A_295] {strides = array<i32>} : memref<2x64x128xf32, #tpu.memory_space<vmem>>, vector<16xf32>,
      tpu.vector_store %arg7[%swap3A_293, %swap3A_294, %swap3A_295], %bitcast3A_204 {strides = array<i32>} : memref<2x64x128xf32, #tpu.memory_space<vmem>>, vector<16xf32>,
      %gather3A_297 = arith.constant 12288 : i32
      %gather3A_298 = tpu.memref_slice %arg6[%gather3A_297] : memref<32768xi32, #tpu.memory_space<vmem>> -> memref<1024xi32, #tpu.memory_space<vmem>>
      %gather3A_299 = tpu.vector_load_idx %gather3A_298[%or3A] : memref<1024xi32, #tpu.memory_space<vmem>>[vector<16xi32>], vector<16xi32>,
      %shift_left3A_300 = arith.constant 16 : i32
      %shift_left3A_301 = vector.broadcast %shift_left3A_300 : i32 to vector<16xi32>
      %shift_left3A_302 = arith.shli %gather3A_299, %shift_left3A_301 : vector<16xi32>
      %bitcast3A_303 = vector.bitcast %shift_left3A_302 : vector<16xi32> to vector<16xf32>
      %bitcast3A_304 = vector.bitcast %gather3A_299 : vector<16xi32> to vector<16xf32>
      %swap3A_305 = arith.constant 0 : i32
      %swap3A_306 = arith.constant 16 : i32
      %swap3A_307 = arith.index_cast %swap3A_305 : i32 to index
      %swap3A_308 = arith.index_cast %swap3A_306 : i32 to index
      %swap3A_309 = arith.index_cast %mul3A_106 : i32 to index
      %swap3A_310 = tpu.vector_load %arg7[%swap3A_307, %swap3A_308, %swap3A_309] {strides = array<i32>} : memref<2x64x128xf32, #tpu.memory_space<vmem>>, vector<16xf32>,
      tpu.vector_store %arg7[%swap3A_307, %swap3A_308, %swap3A_309], %bitcast3A_223 {strides = array<i32>} : memref<2x64x128xf32, #tpu.memory_space<vmem>>, vector<16xf32>,
      %swap3A_311 = arith.constant 0 : i32
      %swap3A_312 = arith.constant 17 : i32
      %swap3A_313 = arith.index_cast %swap3A_311 : i32 to index
      %swap3A_314 = arith.index_cast %swap3A_312 : i32 to index
      %swap3A_315 = arith.index_cast %mul3A_106 : i32 to index
      %swap3A_316 = tpu.vector_load %arg7[%swap3A_313, %swap3A_314, %swap3A_315] {strides = array<i32>} : memref<2x64x128xf32, #tpu.memory_space<vmem>>, vector<16xf32>,
      tpu.vector_store %arg7[%swap3A_313, %swap3A_314, %swap3A_315], %bitcast3A_224 {strides = array<i32>} : memref<2x64x128xf32, #tpu.memory_space<vmem>>, vector<16xf32>,
      %gather3A_317 = arith.constant 13312 : i32
      %gather3A_318 = tpu.memref_slice %arg6[%gather3A_317] : memref<32768xi32, #tpu.memory_space<vmem>> -> memref<1024xi32, #tpu.memory_space<vmem>>
      %gather3A_319 = tpu.vector_load_idx %gather3A_318[%or3A] : memref<1024xi32, #tpu.memory_space<vmem>>[vector<16xi32>], vector<16xi32>,
      %shift_left3A_320 = arith.constant 16 : i32
      %shift_left3A_321 = vector.broadcast %shift_left3A_320 : i32 to vector<16xi32>
      %shift_left3A_322 = arith.shli %gather3A_319, %shift_left3A_321 : vector<16xi32>
      %bitcast3A_323 = vector.bitcast %shift_left3A_322 : vector<16xi32> to vector<16xf32>
      %bitcast3A_324 = vector.bitcast %gather3A_319 : vector<16xi32> to vector<16xf32>
      %swap3A_325 = arith.constant 0 : i32
      %swap3A_326 = arith.constant 18 : i32
      %swap3A_327 = arith.index_cast %swap3A_325 : i32 to index
      %swap3A_328 = arith.index_cast %swap3A_326 : i32 to index
      %swap3A_329 = arith.index_cast %mul3A_106 : i32 to index
      %swap3A_330 = tpu.vector_load %arg7[%swap3A_327, %swap3A_328, %swap3A_329] {strides = array<i32>} : memref<2x64x128xf32, #tpu.memory_space<vmem>>, vector<16xf32>,
      tpu.vector_store %arg7[%swap3A_327, %swap3A_328, %swap3A_329], %bitcast3A_243 {strides = array<i32>} : memref<2x64x128xf32, #tpu.memory_space<vmem>>, vector<16xf32>,
      %swap3A_331 = arith.constant 0 : i32
      %swap3A_332 = arith.constant 19 : i32
      %swap3A_333 = arith.index_cast %swap3A_331 : i32 to index
      %swap3A_334 = arith.index_cast %swap3A_332 : i32 to index
      %swap3A_335 = arith.index_cast %mul3A_106 : i32 to index
      %swap3A_336 = tpu.vector_load %arg7[%swap3A_333, %swap3A_334, %swap3A_335] {strides = array<i32>} : memref<2x64x128xf32, #tpu.memory_space<vmem>>, vector<16xf32>,
      tpu.vector_store %arg7[%swap3A_333, %swap3A_334, %swap3A_335], %bitcast3A_244 {strides = array<i32>} : memref<2x64x128xf32, #tpu.memory_space<vmem>>, vector<16xf32>,
      %gather3A_337 = arith.constant 14336 : i32
      %gather3A_338 = tpu.memref_slice %arg6[%gather3A_337] : memref<32768xi32, #tpu.memory_space<vmem>> -> memref<1024xi32, #tpu.memory_space<vmem>>
      %gather3A_339 = tpu.vector_load_idx %gather3A_338[%or3A] : memref<1024xi32, #tpu.memory_space<vmem>>[vector<16xi32>], vector<16xi32>,
      %shift_left3A_340 = arith.constant 16 : i32
      %shift_left3A_341 = vector.broadcast %shift_left3A_340 : i32 to vector<16xi32>
      %shift_left3A_342 = arith.shli %gather3A_339, %shift_left3A_341 : vector<16xi32>
      %bitcast3A_343 = vector.bitcast %shift_left3A_342 : vector<16xi32> to vector<16xf32>
      %bitcast3A_344 = vector.bitcast %gather3A_339 : vector<16xi32> to vector<16xf32>
      %swap3A_345 = arith.constant 0 : i32
      %swap3A_346 = arith.constant 20 : i32
      %swap3A_347 = arith.index_cast %swap3A_345 : i32 to index
      %swap3A_348 = arith.index_cast %swap3A_346 : i32 to index
      %swap3A_349 = arith.index_cast %mul3A_106 : i32 to index
      %swap3A_350 = tpu.vector_load %arg7[%swap3A_347, %swap3A_348, %swap3A_349] {strides = array<i32>} : memref<2x64x128xf32, #tpu.memory_space<vmem>>, vector<16xf32>,
      tpu.vector_store %arg7[%swap3A_347, %swap3A_348, %swap3A_349], %bitcast3A_263 {strides = array<i32>} : memref<2x64x128xf32, #tpu.memory_space<vmem>>, vector<16xf32>,
      %swap3A_351 = arith.constant 0 : i32
      %swap3A_352 = arith.constant 21 : i32
      %swap3A_353 = arith.index_cast %swap3A_351 : i32 to index
      %swap3A_354 = arith.index_cast %swap3A_352 : i32 to index
      %swap3A_355 = arith.index_cast %mul3A_106 : i32 to index
      %swap3A_356 = tpu.vector_load %arg7[%swap3A_353, %swap3A_354, %swap3A_355] {strides = array<i32>} : memref<2x64x128xf32, #tpu.memory_space<vmem>>, vector<16xf32>,
      tpu.vector_store %arg7[%swap3A_353, %swap3A_354, %swap3A_355], %bitcast3A_264 {strides = array<i32>} : memref<2x64x128xf32, #tpu.memory_space<vmem>>, vector<16xf32>,
      %gather3A_357 = arith.constant 15360 : i32
      %gather3A_358 = tpu.memref_slice %arg6[%gather3A_357] : memref<32768xi32, #tpu.memory_space<vmem>> -> memref<1024xi32, #tpu.memory_space<vmem>>
      %gather3A_359 = tpu.vector_load_idx %gather3A_358[%or3A] : memref<1024xi32, #tpu.memory_space<vmem>>[vector<16xi32>], vector<16xi32>,
      %shift_left3A_360 = arith.constant 16 : i32
      %shift_left3A_361 = vector.broadcast %shift_left3A_360 : i32 to vector<16xi32>
      %shift_left3A_362 = arith.shli %gather3A_359, %shift_left3A_361 : vector<16xi32>
      %bitcast3A_363 = vector.bitcast %shift_left3A_362 : vector<16xi32> to vector<16xf32>
      %bitcast3A_364 = vector.bitcast %gather3A_359 : vector<16xi32> to vector<16xf32>
      %swap3A_365 = arith.constant 0 : i32
      %swap3A_366 = arith.constant 22 : i32
      %swap3A_367 = arith.index_cast %swap3A_365 : i32 to index
      %swap3A_368 = arith.index_cast %swap3A_366 : i32 to index
      %swap3A_369 = arith.index_cast %mul3A_106 : i32 to index
      %swap3A_370 = tpu.vector_load %arg7[%swap3A_367, %swap3A_368, %swap3A_369] {strides = array<i32>} : memref<2x64x128xf32, #tpu.memory_space<vmem>>, vector<16xf32>,
      tpu.vector_store %arg7[%swap3A_367, %swap3A_368, %swap3A_369], %bitcast3A_283 {strides = array<i32>} : memref<2x64x128xf32, #tpu.memory_space<vmem>>, vector<16xf32>,
      %swap3A_371 = arith.constant 0 : i32
      %swap3A_372 = arith.constant 23 : i32
      %swap3A_373 = arith.index_cast %swap3A_371 : i32 to index
      %swap3A_374 = arith.index_cast %swap3A_372 : i32 to index
      %swap3A_375 = arith.index_cast %mul3A_106 : i32 to index
      %swap3A_376 = tpu.vector_load %arg7[%swap3A_373, %swap3A_374, %swap3A_375] {strides = array<i32>} : memref<2x64x128xf32, #tpu.memory_space<vmem>>, vector<16xf32>,
      tpu.vector_store %arg7[%swap3A_373, %swap3A_374, %swap3A_375], %bitcast3A_284 {strides = array<i32>} : memref<2x64x128xf32, #tpu.memory_space<vmem>>, vector<16xf32>,
      %gather3A_377 = arith.constant 16384 : i32
      %gather3A_378 = tpu.memref_slice %arg6[%gather3A_377] : memref<32768xi32, #tpu.memory_space<vmem>> -> memref<1024xi32, #tpu.memory_space<vmem>>
      %gather3A_379 = tpu.vector_load_idx %gather3A_378[%or3A] : memref<1024xi32, #tpu.memory_space<vmem>>[vector<16xi32>], vector<16xi32>,
      %shift_left3A_380 = arith.constant 16 : i32
      %shift_left3A_381 = vector.broadcast %shift_left3A_380 : i32 to vector<16xi32>
      %shift_left3A_382 = arith.shli %gather3A_379, %shift_left3A_381 : vector<16xi32>
      %bitcast3A_383 = vector.bitcast %shift_left3A_382 : vector<16xi32> to vector<16xf32>
      %bitcast3A_384 = vector.bitcast %gather3A_379 : vector<16xi32> to vector<16xf32>
      %swap3A_385 = arith.constant 0 : i32
      %swap3A_386 = arith.constant 24 : i32
      %swap3A_387 = arith.index_cast %swap3A_385 : i32 to index
      %swap3A_388 = arith.index_cast %swap3A_386 : i32 to index
      %swap3A_389 = arith.index_cast %mul3A_106 : i32 to index
      %swap3A_390 = tpu.vector_load %arg7[%swap3A_387, %swap3A_388, %swap3A_389] {strides = array<i32>} : memref<2x64x128xf32, #tpu.memory_space<vmem>>, vector<16xf32>,
      tpu.vector_store %arg7[%swap3A_387, %swap3A_388, %swap3A_389], %bitcast3A_303 {strides = array<i32>} : memref<2x64x128xf32, #tpu.memory_space<vmem>>, vector<16xf32>,
      %swap3A_391 = arith.constant 0 : i32
      %swap3A_392 = arith.constant 25 : i32
      %swap3A_393 = arith.index_cast %swap3A_391 : i32 to index
      %swap3A_394 = arith.index_cast %swap3A_392 : i32 to index
      %swap3A_395 = arith.index_cast %mul3A_106 : i32 to index
      %swap3A_396 = tpu.vector_load %arg7[%swap3A_393, %swap3A_394, %swap3A_395] {strides = array<i32>} : memref<2x64x128xf32, #tpu.memory_space<vmem>>, vector<16xf32>,
      tpu.vector_store %arg7[%swap3A_393, %swap3A_394, %swap3A_395], %bitcast3A_304 {strides = array<i32>} : memref<2x64x128xf32, #tpu.memory_space<vmem>>, vector<16xf32>,
      %gather3A_397 = arith.constant 17408 : i32
      %gather3A_398 = tpu.memref_slice %arg6[%gather3A_397] : memref<32768xi32, #tpu.memory_space<vmem>> -> memref<1024xi32, #tpu.memory_space<vmem>>
      %gather3A_399 = tpu.vector_load_idx %gather3A_398[%or3A] : memref<1024xi32, #tpu.memory_space<vmem>>[vector<16xi32>], vector<16xi32>,
      %shift_left3A_400 = arith.constant 16 : i32
      %shift_left3A_401 = vector.broadcast %shift_left3A_400 : i32 to vector<16xi32>
      %shift_left3A_402 = arith.shli %gather3A_399, %shift_left3A_401 : vector<16xi32>
      %bitcast3A_403 = vector.bitcast %shift_left3A_402 : vector<16xi32> to vector<16xf32>
      %bitcast3A_404 = vector.bitcast %gather3A_399 : vector<16xi32> to vector<16xf32>
      %swap3A_405 = arith.constant 0 : i32
      %swap3A_406 = arith.constant 26 : i32
      %swap3A_407 = arith.index_cast %swap3A_405 : i32 to index
      %swap3A_408 = arith.index_cast %swap3A_406 : i32 to index
      %swap3A_409 = arith.index_cast %mul3A_106 : i32 to index
      %swap3A_410 = tpu.vector_load %arg7[%swap3A_407, %swap3A_408, %swap3A_409] {strides = array<i32>} : memref<2x64x128xf32, #tpu.memory_space<vmem>>, vector<16xf32>,
      tpu.vector_store %arg7[%swap3A_407, %swap3A_408, %swap3A_409], %bitcast3A_323 {strides = array<i32>} : memref<2x64x128xf32, #tpu.memory_space<vmem>>, vector<16xf32>,
      %swap3A_411 = arith.constant 0 : i32
      %swap3A_412 = arith.constant 27 : i32
      %swap3A_413 = arith.index_cast %swap3A_411 : i32 to index
      %swap3A_414 = arith.index_cast %swap3A_412 : i32 to index
      %swap3A_415 = arith.index_cast %mul3A_106 : i32 to index
      %swap3A_416 = tpu.vector_load %arg7[%swap3A_413, %swap3A_414, %swap3A_415] {strides = array<i32>} : memref<2x64x128xf32, #tpu.memory_space<vmem>>, vector<16xf32>,
      tpu.vector_store %arg7[%swap3A_413, %swap3A_414, %swap3A_415], %bitcast3A_324 {strides = array<i32>} : memref<2x64x128xf32, #tpu.memory_space<vmem>>, vector<16xf32>,
      %gather3A_417 = arith.constant 18432 : i32
      %gather3A_418 = tpu.memref_slice %arg6[%gather3A_417] : memref<32768xi32, #tpu.memory_space<vmem>> -> memref<1024xi32, #tpu.memory_space<vmem>>
      %gather3A_419 = tpu.vector_load_idx %gather3A_418[%or3A] : memref<1024xi32, #tpu.memory_space<vmem>>[vector<16xi32>], vector<16xi32>,
      %shift_left3A_420 = arith.constant 16 : i32
      %shift_left3A_421 = vector.broadcast %shift_left3A_420 : i32 to vector<16xi32>
      %shift_left3A_422 = arith.shli %gather3A_419, %shift_left3A_421 : vector<16xi32>
      %bitcast3A_423 = vector.bitcast %shift_left3A_422 : vector<16xi32> to vector<16xf32>
      %bitcast3A_424 = vector.bitcast %gather3A_419 : vector<16xi32> to vector<16xf32>
      %swap3A_425 = arith.constant 0 : i32
      %swap3A_426 = arith.constant 28 : i32
      %swap3A_427 = arith.index_cast %swap3A_425 : i32 to index
      %swap3A_428 = arith.index_cast %swap3A_426 : i32 to index
      %swap3A_429 = arith.index_cast %mul3A_106 : i32 to index
      %swap3A_430 = tpu.vector_load %arg7[%swap3A_427, %swap3A_428, %swap3A_429] {strides = array<i32>} : memref<2x64x128xf32, #tpu.memory_space<vmem>>, vector<16xf32>,
      tpu.vector_store %arg7[%swap3A_427, %swap3A_428, %swap3A_429], %bitcast3A_343 {strides = array<i32>} : memref<2x64x128xf32, #tpu.memory_space<vmem>>, vector<16xf32>,
      %swap3A_431 = arith.constant 0 : i32
      %swap3A_432 = arith.constant 29 : i32
      %swap3A_433 = arith.index_cast %swap3A_431 : i32 to index
      %swap3A_434 = arith.index_cast %swap3A_432 : i32 to index
      %swap3A_435 = arith.index_cast %mul3A_106 : i32 to index
      %swap3A_436 = tpu.vector_load %arg7[%swap3A_433, %swap3A_434, %swap3A_435] {strides = array<i32>} : memref<2x64x128xf32, #tpu.memory_space<vmem>>, vector<16xf32>,
      tpu.vector_store %arg7[%swap3A_433, %swap3A_434, %swap3A_435], %bitcast3A_344 {strides = array<i32>} : memref<2x64x128xf32, #tpu.memory_space<vmem>>, vector<16xf32>,
      %gather3A_437 = arith.constant 19456 : i32
      %gather3A_438 = tpu.memref_slice %arg6[%gather3A_437] : memref<32768xi32, #tpu.memory_space<vmem>> -> memref<1024xi32, #tpu.memory_space<vmem>>
      %gather3A_439 = tpu.vector_load_idx %gather3A_438[%or3A] : memref<1024xi32, #tpu.memory_space<vmem>>[vector<16xi32>], vector<16xi32>,
      %shift_left3A_440 = arith.constant 16 : i32
      %shift_left3A_441 = vector.broadcast %shift_left3A_440 : i32 to vector<16xi32>
      %shift_left3A_442 = arith.shli %gather3A_439, %shift_left3A_441 : vector<16xi32>
      %bitcast3A_443 = vector.bitcast %shift_left3A_442 : vector<16xi32> to vector<16xf32>
      %bitcast3A_444 = vector.bitcast %gather3A_439 : vector<16xi32> to vector<16xf32>
      %swap3A_445 = arith.constant 0 : i32
      %swap3A_446 = arith.constant 30 : i32
      %swap3A_447 = arith.index_cast %swap3A_445 : i32 to index
      %swap3A_448 = arith.index_cast %swap3A_446 : i32 to index
      %swap3A_449 = arith.index_cast %mul3A_106 : i32 to index
      %swap3A_450 = tpu.vector_load %arg7[%swap3A_447, %swap3A_448, %swap3A_449] {strides = array<i32>} : memref<2x64x128xf32, #tpu.memory_space<vmem>>, vector<16xf32>,
      tpu.vector_store %arg7[%swap3A_447, %swap3A_448, %swap3A_449], %bitcast3A_363 {strides = array<i32>} : memref<2x64x128xf32, #tpu.memory_space<vmem>>, vector<16xf32>,
      %swap3A_451 = arith.constant 0 : i32
      %swap3A_452 = arith.constant 31 : i32
      %swap3A_453 = arith.index_cast %swap3A_451 : i32 to index
      %swap3A_454 = arith.index_cast %swap3A_452 : i32 to index
      %swap3A_455 = arith.index_cast %mul3A_106 : i32 to index
      %swap3A_456 = tpu.vector_load %arg7[%swap3A_453, %swap3A_454, %swap3A_455] {strides = array<i32>} : memref<2x64x128xf32, #tpu.memory_space<vmem>>, vector<16xf32>,
      tpu.vector_store %arg7[%swap3A_453, %swap3A_454, %swap3A_455], %bitcast3A_364 {strides = array<i32>} : memref<2x64x128xf32, #tpu.memory_space<vmem>>, vector<16xf32>,
      %gather3A_457 = arith.constant 20480 : i32
      %gather3A_458 = tpu.memref_slice %arg6[%gather3A_457] : memref<32768xi32, #tpu.memory_space<vmem>> -> memref<1024xi32, #tpu.memory_space<vmem>>
      %gather3A_459 = tpu.vector_load_idx %gather3A_458[%or3A] : memref<1024xi32, #tpu.memory_space<vmem>>[vector<16xi32>], vector<16xi32>,
      %shift_left3A_460 = arith.constant 16 : i32
      %shift_left3A_461 = vector.broadcast %shift_left3A_460 : i32 to vector<16xi32>
      %shift_left3A_462 = arith.shli %gather3A_459, %shift_left3A_461 : vector<16xi32>
      %bitcast3A_463 = vector.bitcast %shift_left3A_462 : vector<16xi32> to vector<16xf32>
      %bitcast3A_464 = vector.bitcast %gather3A_459 : vector<16xi32> to vector<16xf32>
      %swap3A_465 = arith.constant 0 : i32
      %swap3A_466 = arith.constant 32 : i32
      %swap3A_467 = arith.index_cast %swap3A_465 : i32 to index
      %swap3A_468 = arith.index_cast %swap3A_466 : i32 to index
      %swap3A_469 = arith.index_cast %mul3A_106 : i32 to index
      %swap3A_470 = tpu.vector_load %arg7[%swap3A_467, %swap3A_468, %swap3A_469] {strides = array<i32>} : memref<2x64x128xf32, #tpu.memory_space<vmem>>, vector<16xf32>,
      tpu.vector_store %arg7[%swap3A_467, %swap3A_468, %swap3A_469], %bitcast3A_383 {strides = array<i32>} : memref<2x64x128xf32, #tpu.memory_space<vmem>>, vector<16xf32>,
      %swap3A_471 = arith.constant 0 : i32
      %swap3A_472 = arith.constant 33 : i32
      %swap3A_473 = arith.index_cast %swap3A_471 : i32 to index
      %swap3A_474 = arith.index_cast %swap3A_472 : i32 to index
      %swap3A_475 = arith.index_cast %mul3A_106 : i32 to index
      %swap3A_476 = tpu.vector_load %arg7[%swap3A_473, %swap3A_474, %swap3A_475] {strides = array<i32>} : memref<2x64x128xf32, #tpu.memory_space<vmem>>, vector<16xf32>,
      tpu.vector_store %arg7[%swap3A_473, %swap3A_474, %swap3A_475], %bitcast3A_384 {strides = array<i32>} : memref<2x64x128xf32, #tpu.memory_space<vmem>>, vector<16xf32>,
      %gather3A_477 = arith.constant 21504 : i32
      %gather3A_478 = tpu.memref_slice %arg6[%gather3A_477] : memref<32768xi32, #tpu.memory_space<vmem>> -> memref<1024xi32, #tpu.memory_space<vmem>>
      %gather3A_479 = tpu.vector_load_idx %gather3A_478[%or3A] : memref<1024xi32, #tpu.memory_space<vmem>>[vector<16xi32>], vector<16xi32>,
      %shift_left3A_480 = arith.constant 16 : i32
      %shift_left3A_481 = vector.broadcast %shift_left3A_480 : i32 to vector<16xi32>
      %shift_left3A_482 = arith.shli %gather3A_479, %shift_left3A_481 : vector<16xi32>
      %bitcast3A_483 = vector.bitcast %shift_left3A_482 : vector<16xi32> to vector<16xf32>
      %bitcast3A_484 = vector.bitcast %gather3A_479 : vector<16xi32> to vector<16xf32>
      %swap3A_485 = arith.constant 0 : i32
      %swap3A_486 = arith.constant 34 : i32
      %swap3A_487 = arith.index_cast %swap3A_485 : i32 to index
      %swap3A_488 = arith.index_cast %swap3A_486 : i32 to index
      %swap3A_489 = arith.index_cast %mul3A_106 : i32 to index
      %swap3A_490 = tpu.vector_load %arg7[%swap3A_487, %swap3A_488, %swap3A_489] {strides = array<i32>} : memref<2x64x128xf32, #tpu.memory_space<vmem>>, vector<16xf32>,
      tpu.vector_store %arg7[%swap3A_487, %swap3A_488, %swap3A_489], %bitcast3A_403 {strides = array<i32>} : memref<2x64x128xf32, #tpu.memory_space<vmem>>, vector<16xf32>,
      %swap3A_491 = arith.constant 0 : i32
      %swap3A_492 = arith.constant 35 : i32
      %swap3A_493 = arith.index_cast %swap3A_491 : i32 to index
      %swap3A_494 = arith.index_cast %swap3A_492 : i32 to index
      %swap3A_495 = arith.index_cast %mul3A_106 : i32 to index
      %swap3A_496 = tpu.vector_load %arg7[%swap3A_493, %swap3A_494, %swap3A_495] {strides = array<i32>} : memref<2x64x128xf32, #tpu.memory_space<vmem>>, vector<16xf32>,
      tpu.vector_store %arg7[%swap3A_493, %swap3A_494, %swap3A_495], %bitcast3A_404 {strides = array<i32>} : memref<2x64x128xf32, #tpu.memory_space<vmem>>, vector<16xf32>,
      %gather3A_497 = arith.constant 22528 : i32
      %gather3A_498 = tpu.memref_slice %arg6[%gather3A_497] : memref<32768xi32, #tpu.memory_space<vmem>> -> memref<1024xi32, #tpu.memory_space<vmem>>
      %gather3A_499 = tpu.vector_load_idx %gather3A_498[%or3A] : memref<1024xi32, #tpu.memory_space<vmem>>[vector<16xi32>], vector<16xi32>,
      %shift_left3A_500 = arith.constant 16 : i32
      %shift_left3A_501 = vector.broadcast %shift_left3A_500 : i32 to vector<16xi32>
      %shift_left3A_502 = arith.shli %gather3A_499, %shift_left3A_501 : vector<16xi32>
      %bitcast3A_503 = vector.bitcast %shift_left3A_502 : vector<16xi32> to vector<16xf32>
      %bitcast3A_504 = vector.bitcast %gather3A_499 : vector<16xi32> to vector<16xf32>
      %swap3A_505 = arith.constant 0 : i32
      %swap3A_506 = arith.constant 36 : i32
      %swap3A_507 = arith.index_cast %swap3A_505 : i32 to index
      %swap3A_508 = arith.index_cast %swap3A_506 : i32 to index
      %swap3A_509 = arith.index_cast %mul3A_106 : i32 to index
      %swap3A_510 = tpu.vector_load %arg7[%swap3A_507, %swap3A_508, %swap3A_509] {strides = array<i32>} : memref<2x64x128xf32, #tpu.memory_space<vmem>>, vector<16xf32>,
      tpu.vector_store %arg7[%swap3A_507, %swap3A_508, %swap3A_509], %bitcast3A_423 {strides = array<i32>} : memref<2x64x128xf32, #tpu.memory_space<vmem>>, vector<16xf32>,
      %swap3A_511 = arith.constant 0 : i32
      %swap3A_512 = arith.constant 37 : i32
      %swap3A_513 = arith.index_cast %swap3A_511 : i32 to index
      %swap3A_514 = arith.index_cast %swap3A_512 : i32 to index
      %swap3A_515 = arith.index_cast %mul3A_106 : i32 to index
      %swap3A_516 = tpu.vector_load %arg7[%swap3A_513, %swap3A_514, %swap3A_515] {strides = array<i32>} : memref<2x64x128xf32, #tpu.memory_space<vmem>>, vector<16xf32>,
      tpu.vector_store %arg7[%swap3A_513, %swap3A_514, %swap3A_515], %bitcast3A_424 {strides = array<i32>} : memref<2x64x128xf32, #tpu.memory_space<vmem>>, vector<16xf32>,
      %gather3A_517 = arith.constant 23552 : i32
      %gather3A_518 = tpu.memref_slice %arg6[%gather3A_517] : memref<32768xi32, #tpu.memory_space<vmem>> -> memref<1024xi32, #tpu.memory_space<vmem>>
      %gather3A_519 = tpu.vector_load_idx %gather3A_518[%or3A] : memref<1024xi32, #tpu.memory_space<vmem>>[vector<16xi32>], vector<16xi32>,
      %shift_left3A_520 = arith.constant 16 : i32
      %shift_left3A_521 = vector.broadcast %shift_left3A_520 : i32 to vector<16xi32>
      %shift_left3A_522 = arith.shli %gather3A_519, %shift_left3A_521 : vector<16xi32>
      %bitcast3A_523 = vector.bitcast %shift_left3A_522 : vector<16xi32> to vector<16xf32>
      %bitcast3A_524 = vector.bitcast %gather3A_519 : vector<16xi32> to vector<16xf32>
      %swap3A_525 = arith.constant 0 : i32
      %swap3A_526 = arith.constant 38 : i32
      %swap3A_527 = arith.index_cast %swap3A_525 : i32 to index
      %swap3A_528 = arith.index_cast %swap3A_526 : i32 to index
      %swap3A_529 = arith.index_cast %mul3A_106 : i32 to index
      %swap3A_530 = tpu.vector_load %arg7[%swap3A_527, %swap3A_528, %swap3A_529] {strides = array<i32>} : memref<2x64x128xf32, #tpu.memory_space<vmem>>, vector<16xf32>,
      tpu.vector_store %arg7[%swap3A_527, %swap3A_528, %swap3A_529], %bitcast3A_443 {strides = array<i32>} : memref<2x64x128xf32, #tpu.memory_space<vmem>>, vector<16xf32>,
      %swap3A_531 = arith.constant 0 : i32
      %swap3A_532 = arith.constant 39 : i32
      %swap3A_533 = arith.index_cast %swap3A_531 : i32 to index
      %swap3A_534 = arith.index_cast %swap3A_532 : i32 to index
      %swap3A_535 = arith.index_cast %mul3A_106 : i32 to index
      %swap3A_536 = tpu.vector_load %arg7[%swap3A_533, %swap3A_534, %swap3A_535] {strides = array<i32>} : memref<2x64x128xf32, #tpu.memory_space<vmem>>, vector<16xf32>,
      tpu.vector_store %arg7[%swap3A_533, %swap3A_534, %swap3A_535], %bitcast3A_444 {strides = array<i32>} : memref<2x64x128xf32, #tpu.memory_space<vmem>>, vector<16xf32>,
      %gather3A_537 = arith.constant 24576 : i32
      %gather3A_538 = tpu.memref_slice %arg6[%gather3A_537] : memref<32768xi32, #tpu.memory_space<vmem>> -> memref<1024xi32, #tpu.memory_space<vmem>>
      %gather3A_539 = tpu.vector_load_idx %gather3A_538[%or3A] : memref<1024xi32, #tpu.memory_space<vmem>>[vector<16xi32>], vector<16xi32>,
      %shift_left3A_540 = arith.constant 16 : i32
      %shift_left3A_541 = vector.broadcast %shift_left3A_540 : i32 to vector<16xi32>
      %shift_left3A_542 = arith.shli %gather3A_539, %shift_left3A_541 : vector<16xi32>
      %bitcast3A_543 = vector.bitcast %shift_left3A_542 : vector<16xi32> to vector<16xf32>
      %bitcast3A_544 = vector.bitcast %gather3A_539 : vector<16xi32> to vector<16xf32>
      %swap3A_545 = arith.constant 0 : i32
      %swap3A_546 = arith.constant 40 : i32
      %swap3A_547 = arith.index_cast %swap3A_545 : i32 to index
      %swap3A_548 = arith.index_cast %swap3A_546 : i32 to index
      %swap3A_549 = arith.index_cast %mul3A_106 : i32 to index
      %swap3A_550 = tpu.vector_load %arg7[%swap3A_547, %swap3A_548, %swap3A_549] {strides = array<i32>} : memref<2x64x128xf32, #tpu.memory_space<vmem>>, vector<16xf32>,
      tpu.vector_store %arg7[%swap3A_547, %swap3A_548, %swap3A_549], %bitcast3A_463 {strides = array<i32>} : memref<2x64x128xf32, #tpu.memory_space<vmem>>, vector<16xf32>,
      %swap3A_551 = arith.constant 0 : i32
      %swap3A_552 = arith.constant 41 : i32
      %swap3A_553 = arith.index_cast %swap3A_551 : i32 to index
      %swap3A_554 = arith.index_cast %swap3A_552 : i32 to index
      %swap3A_555 = arith.index_cast %mul3A_106 : i32 to index
      %swap3A_556 = tpu.vector_load %arg7[%swap3A_553, %swap3A_554, %swap3A_555] {strides = array<i32>} : memref<2x64x128xf32, #tpu.memory_space<vmem>>, vector<16xf32>,
      tpu.vector_store %arg7[%swap3A_553, %swap3A_554, %swap3A_555], %bitcast3A_464 {strides = array<i32>} : memref<2x64x128xf32, #tpu.memory_space<vmem>>, vector<16xf32>,
      %gather3A_557 = arith.constant 25600 : i32
      %gather3A_558 = tpu.memref_slice %arg6[%gather3A_557] : memref<32768xi32, #tpu.memory_space<vmem>> -> memref<1024xi32, #tpu.memory_space<vmem>>
      %gather3A_559 = tpu.vector_load_idx %gather3A_558[%or3A] : memref<1024xi32, #tpu.memory_space<vmem>>[vector<16xi32>], vector<16xi32>,
      %shift_left3A_560 = arith.constant 16 : i32
      %shift_left3A_561 = vector.broadcast %shift_left3A_560 : i32 to vector<16xi32>
      %shift_left3A_562 = arith.shli %gather3A_559, %shift_left3A_561 : vector<16xi32>
      %bitcast3A_563 = vector.bitcast %shift_left3A_562 : vector<16xi32> to vector<16xf32>
      %bitcast3A_564 = vector.bitcast %gather3A_559 : vector<16xi32> to vector<16xf32>
      %swap3A_565 = arith.constant 0 : i32
      %swap3A_566 = arith.constant 42 : i32
      %swap3A_567 = arith.index_cast %swap3A_565 : i32 to index
      %swap3A_568 = arith.index_cast %swap3A_566 : i32 to index
      %swap3A_569 = arith.index_cast %mul3A_106 : i32 to index
      %swap3A_570 = tpu.vector_load %arg7[%swap3A_567, %swap3A_568, %swap3A_569] {strides = array<i32>} : memref<2x64x128xf32, #tpu.memory_space<vmem>>, vector<16xf32>,
      tpu.vector_store %arg7[%swap3A_567, %swap3A_568, %swap3A_569], %bitcast3A_483 {strides = array<i32>} : memref<2x64x128xf32, #tpu.memory_space<vmem>>, vector<16xf32>,
      %swap3A_571 = arith.constant 0 : i32
      %swap3A_572 = arith.constant 43 : i32
      %swap3A_573 = arith.index_cast %swap3A_571 : i32 to index
      %swap3A_574 = arith.index_cast %swap3A_572 : i32 to index
      %swap3A_575 = arith.index_cast %mul3A_106 : i32 to index
      %swap3A_576 = tpu.vector_load %arg7[%swap3A_573, %swap3A_574, %swap3A_575] {strides = array<i32>} : memref<2x64x128xf32, #tpu.memory_space<vmem>>, vector<16xf32>,
      tpu.vector_store %arg7[%swap3A_573, %swap3A_574, %swap3A_575], %bitcast3A_484 {strides = array<i32>} : memref<2x64x128xf32, #tpu.memory_space<vmem>>, vector<16xf32>,
      %gather3A_577 = arith.constant 26624 : i32
      %gather3A_578 = tpu.memref_slice %arg6[%gather3A_577] : memref<32768xi32, #tpu.memory_space<vmem>> -> memref<1024xi32, #tpu.memory_space<vmem>>
      %gather3A_579 = tpu.vector_load_idx %gather3A_578[%or3A] : memref<1024xi32, #tpu.memory_space<vmem>>[vector<16xi32>], vector<16xi32>,
      %shift_left3A_580 = arith.constant 16 : i32
      %shift_left3A_581 = vector.broadcast %shift_left3A_580 : i32 to vector<16xi32>
      %shift_left3A_582 = arith.shli %gather3A_579, %shift_left3A_581 : vector<16xi32>
      %bitcast3A_583 = vector.bitcast %shift_left3A_582 : vector<16xi32> to vector<16xf32>
      %bitcast3A_584 = vector.bitcast %gather3A_579 : vector<16xi32> to vector<16xf32>
      %swap3A_585 = arith.constant 0 : i32
      %swap3A_586 = arith.constant 44 : i32
      %swap3A_587 = arith.index_cast %swap3A_585 : i32 to index
      %swap3A_588 = arith.index_cast %swap3A_586 : i32 to index
      %swap3A_589 = arith.index_cast %mul3A_106 : i32 to index
      %swap3A_590 = tpu.vector_load %arg7[%swap3A_587, %swap3A_588, %swap3A_589] {strides = array<i32>} : memref<2x64x128xf32, #tpu.memory_space<vmem>>, vector<16xf32>,
      tpu.vector_store %arg7[%swap3A_587, %swap3A_588, %swap3A_589], %bitcast3A_503 {strides = array<i32>} : memref<2x64x128xf32, #tpu.memory_space<vmem>>, vector<16xf32>,
      %swap3A_591 = arith.constant 0 : i32
      %swap3A_592 = arith.constant 45 : i32
      %swap3A_593 = arith.index_cast %swap3A_591 : i32 to index
      %swap3A_594 = arith.index_cast %swap3A_592 : i32 to index
      %swap3A_595 = arith.index_cast %mul3A_106 : i32 to index
      %swap3A_596 = tpu.vector_load %arg7[%swap3A_593, %swap3A_594, %swap3A_595] {strides = array<i32>} : memref<2x64x128xf32, #tpu.memory_space<vmem>>, vector<16xf32>,
      tpu.vector_store %arg7[%swap3A_593, %swap3A_594, %swap3A_595], %bitcast3A_504 {strides = array<i32>} : memref<2x64x128xf32, #tpu.memory_space<vmem>>, vector<16xf32>,
      %gather3A_597 = arith.constant 27648 : i32
      %gather3A_598 = tpu.memref_slice %arg6[%gather3A_597] : memref<32768xi32, #tpu.memory_space<vmem>> -> memref<1024xi32, #tpu.memory_space<vmem>>
      %gather3A_599 = tpu.vector_load_idx %gather3A_598[%or3A] : memref<1024xi32, #tpu.memory_space<vmem>>[vector<16xi32>], vector<16xi32>,
      %shift_left3A_600 = arith.constant 16 : i32
      %shift_left3A_601 = vector.broadcast %shift_left3A_600 : i32 to vector<16xi32>
      %shift_left3A_602 = arith.shli %gather3A_599, %shift_left3A_601 : vector<16xi32>
      %bitcast3A_603 = vector.bitcast %shift_left3A_602 : vector<16xi32> to vector<16xf32>
      %bitcast3A_604 = vector.bitcast %gather3A_599 : vector<16xi32> to vector<16xf32>
      %swap3A_605 = arith.constant 0 : i32
      %swap3A_606 = arith.constant 46 : i32
      %swap3A_607 = arith.index_cast %swap3A_605 : i32 to index
      %swap3A_608 = arith.index_cast %swap3A_606 : i32 to index
      %swap3A_609 = arith.index_cast %mul3A_106 : i32 to index
      %swap3A_610 = tpu.vector_load %arg7[%swap3A_607, %swap3A_608, %swap3A_609] {strides = array<i32>} : memref<2x64x128xf32, #tpu.memory_space<vmem>>, vector<16xf32>,
      tpu.vector_store %arg7[%swap3A_607, %swap3A_608, %swap3A_609], %bitcast3A_523 {strides = array<i32>} : memref<2x64x128xf32, #tpu.memory_space<vmem>>, vector<16xf32>,
      %swap3A_611 = arith.constant 0 : i32
      %swap3A_612 = arith.constant 47 : i32
      %swap3A_613 = arith.index_cast %swap3A_611 : i32 to index
      %swap3A_614 = arith.index_cast %swap3A_612 : i32 to index
      %swap3A_615 = arith.index_cast %mul3A_106 : i32 to index
      %swap3A_616 = tpu.vector_load %arg7[%swap3A_613, %swap3A_614, %swap3A_615] {strides = array<i32>} : memref<2x64x128xf32, #tpu.memory_space<vmem>>, vector<16xf32>,
      tpu.vector_store %arg7[%swap3A_613, %swap3A_614, %swap3A_615], %bitcast3A_524 {strides = array<i32>} : memref<2x64x128xf32, #tpu.memory_space<vmem>>, vector<16xf32>,
      %gather3A_617 = arith.constant 28672 : i32
      %gather3A_618 = tpu.memref_slice %arg6[%gather3A_617] : memref<32768xi32, #tpu.memory_space<vmem>> -> memref<1024xi32, #tpu.memory_space<vmem>>
      %gather3A_619 = tpu.vector_load_idx %gather3A_618[%or3A] : memref<1024xi32, #tpu.memory_space<vmem>>[vector<16xi32>], vector<16xi32>,
      %shift_left3A_620 = arith.constant 16 : i32
      %shift_left3A_621 = vector.broadcast %shift_left3A_620 : i32 to vector<16xi32>
      %shift_left3A_622 = arith.shli %gather3A_619, %shift_left3A_621 : vector<16xi32>
      %bitcast3A_623 = vector.bitcast %shift_left3A_622 : vector<16xi32> to vector<16xf32>
      %bitcast3A_624 = vector.bitcast %gather3A_619 : vector<16xi32> to vector<16xf32>
      %swap3A_625 = arith.constant 0 : i32
      %swap3A_626 = arith.constant 48 : i32
      %swap3A_627 = arith.index_cast %swap3A_625 : i32 to index
      %swap3A_628 = arith.index_cast %swap3A_626 : i32 to index
      %swap3A_629 = arith.index_cast %mul3A_106 : i32 to index
      %swap3A_630 = tpu.vector_load %arg7[%swap3A_627, %swap3A_628, %swap3A_629] {strides = array<i32>} : memref<2x64x128xf32, #tpu.memory_space<vmem>>, vector<16xf32>,
      tpu.vector_store %arg7[%swap3A_627, %swap3A_628, %swap3A_629], %bitcast3A_543 {strides = array<i32>} : memref<2x64x128xf32, #tpu.memory_space<vmem>>, vector<16xf32>,
      %swap3A_631 = arith.constant 0 : i32
      %swap3A_632 = arith.constant 49 : i32
      %swap3A_633 = arith.index_cast %swap3A_631 : i32 to index
      %swap3A_634 = arith.index_cast %swap3A_632 : i32 to index
      %swap3A_635 = arith.index_cast %mul3A_106 : i32 to index
      %swap3A_636 = tpu.vector_load %arg7[%swap3A_633, %swap3A_634, %swap3A_635] {strides = array<i32>} : memref<2x64x128xf32, #tpu.memory_space<vmem>>, vector<16xf32>,
      tpu.vector_store %arg7[%swap3A_633, %swap3A_634, %swap3A_635], %bitcast3A_544 {strides = array<i32>} : memref<2x64x128xf32, #tpu.memory_space<vmem>>, vector<16xf32>,
      %gather3A_637 = arith.constant 29696 : i32
      %gather3A_638 = tpu.memref_slice %arg6[%gather3A_637] : memref<32768xi32, #tpu.memory_space<vmem>> -> memref<1024xi32, #tpu.memory_space<vmem>>
      %gather3A_639 = tpu.vector_load_idx %gather3A_638[%or3A] : memref<1024xi32, #tpu.memory_space<vmem>>[vector<16xi32>], vector<16xi32>,
      %shift_left3A_640 = arith.constant 16 : i32
      %shift_left3A_641 = vector.broadcast %shift_left3A_640 : i32 to vector<16xi32>
      %shift_left3A_642 = arith.shli %gather3A_639, %shift_left3A_641 : vector<16xi32>
      %bitcast3A_643 = vector.bitcast %shift_left3A_642 : vector<16xi32> to vector<16xf32>
      %bitcast3A_644 = vector.bitcast %gather3A_639 : vector<16xi32> to vector<16xf32>
      %swap3A_645 = arith.constant 0 : i32
      %swap3A_646 = arith.constant 50 : i32
      %swap3A_647 = arith.index_cast %swap3A_645 : i32 to index
      %swap3A_648 = arith.index_cast %swap3A_646 : i32 to index
      %swap3A_649 = arith.index_cast %mul3A_106 : i32 to index
      %swap3A_650 = tpu.vector_load %arg7[%swap3A_647, %swap3A_648, %swap3A_649] {strides = array<i32>} : memref<2x64x128xf32, #tpu.memory_space<vmem>>, vector<16xf32>,
      tpu.vector_store %arg7[%swap3A_647, %swap3A_648, %swap3A_649], %bitcast3A_563 {strides = array<i32>} : memref<2x64x128xf32, #tpu.memory_space<vmem>>, vector<16xf32>,
      %swap3A_651 = arith.constant 0 : i32
      %swap3A_652 = arith.constant 51 : i32
      %swap3A_653 = arith.index_cast %swap3A_651 : i32 to index
      %swap3A_654 = arith.index_cast %swap3A_652 : i32 to index
      %swap3A_655 = arith.index_cast %mul3A_106 : i32 to index
      %swap3A_656 = tpu.vector_load %arg7[%swap3A_653, %swap3A_654, %swap3A_655] {strides = array<i32>} : memref<2x64x128xf32, #tpu.memory_space<vmem>>, vector<16xf32>,
      tpu.vector_store %arg7[%swap3A_653, %swap3A_654, %swap3A_655], %bitcast3A_564 {strides = array<i32>} : memref<2x64x128xf32, #tpu.memory_space<vmem>>, vector<16xf32>,
      %gather3A_657 = arith.constant 30720 : i32
      %gather3A_658 = tpu.memref_slice %arg6[%gather3A_657] : memref<32768xi32, #tpu.memory_space<vmem>> -> memref<1024xi32, #tpu.memory_space<vmem>>
      %gather3A_659 = tpu.vector_load_idx %gather3A_658[%or3A] : memref<1024xi32, #tpu.memory_space<vmem>>[vector<16xi32>], vector<16xi32>,
      %shift_left3A_660 = arith.constant 16 : i32
      %shift_left3A_661 = vector.broadcast %shift_left3A_660 : i32 to vector<16xi32>
      %shift_left3A_662 = arith.shli %gather3A_659, %shift_left3A_661 : vector<16xi32>
      %bitcast3A_663 = vector.bitcast %shift_left3A_662 : vector<16xi32> to vector<16xf32>
      %bitcast3A_664 = vector.bitcast %gather3A_659 : vector<16xi32> to vector<16xf32>
      %swap3A_665 = arith.constant 0 : i32
      %swap3A_666 = arith.constant 52 : i32
      %swap3A_667 = arith.index_cast %swap3A_665 : i32 to index
      %swap3A_668 = arith.index_cast %swap3A_666 : i32 to index
      %swap3A_669 = arith.index_cast %mul3A_106 : i32 to index
      %swap3A_670 = tpu.vector_load %arg7[%swap3A_667, %swap3A_668, %swap3A_669] {strides = array<i32>} : memref<2x64x128xf32, #tpu.memory_space<vmem>>, vector<16xf32>,
      tpu.vector_store %arg7[%swap3A_667, %swap3A_668, %swap3A_669], %bitcast3A_583 {strides = array<i32>} : memref<2x64x128xf32, #tpu.memory_space<vmem>>, vector<16xf32>,
      %swap3A_671 = arith.constant 0 : i32
      %swap3A_672 = arith.constant 53 : i32
      %swap3A_673 = arith.index_cast %swap3A_671 : i32 to index
      %swap3A_674 = arith.index_cast %swap3A_672 : i32 to index
      %swap3A_675 = arith.index_cast %mul3A_106 : i32 to index
      %swap3A_676 = tpu.vector_load %arg7[%swap3A_673, %swap3A_674, %swap3A_675] {strides = array<i32>} : memref<2x64x128xf32, #tpu.memory_space<vmem>>, vector<16xf32>,
      tpu.vector_store %arg7[%swap3A_673, %swap3A_674, %swap3A_675], %bitcast3A_584 {strides = array<i32>} : memref<2x64x128xf32, #tpu.memory_space<vmem>>, vector<16xf32>,
      %gather3A_677 = arith.constant 31744 : i32
      %gather3A_678 = tpu.memref_slice %arg6[%gather3A_677] : memref<32768xi32, #tpu.memory_space<vmem>> -> memref<1024xi32, #tpu.memory_space<vmem>>
      %gather3A_679 = tpu.vector_load_idx %gather3A_678[%or3A] : memref<1024xi32, #tpu.memory_space<vmem>>[vector<16xi32>], vector<16xi32>,
      %shift_left3A_680 = arith.constant 16 : i32
      %shift_left3A_681 = vector.broadcast %shift_left3A_680 : i32 to vector<16xi32>
      %shift_left3A_682 = arith.shli %gather3A_679, %shift_left3A_681 : vector<16xi32>
      %bitcast3A_683 = vector.bitcast %shift_left3A_682 : vector<16xi32> to vector<16xf32>
      %bitcast3A_684 = vector.bitcast %gather3A_679 : vector<16xi32> to vector<16xf32>
      %swap3A_685 = arith.constant 0 : i32
      %swap3A_686 = arith.constant 54 : i32
      %swap3A_687 = arith.index_cast %swap3A_685 : i32 to index
      %swap3A_688 = arith.index_cast %swap3A_686 : i32 to index
      %swap3A_689 = arith.index_cast %mul3A_106 : i32 to index
      %swap3A_690 = tpu.vector_load %arg7[%swap3A_687, %swap3A_688, %swap3A_689] {strides = array<i32>} : memref<2x64x128xf32, #tpu.memory_space<vmem>>, vector<16xf32>,
      tpu.vector_store %arg7[%swap3A_687, %swap3A_688, %swap3A_689], %bitcast3A_603 {strides = array<i32>} : memref<2x64x128xf32, #tpu.memory_space<vmem>>, vector<16xf32>,
      %swap3A_691 = arith.constant 0 : i32
      %swap3A_692 = arith.constant 55 : i32
      %swap3A_693 = arith.index_cast %swap3A_691 : i32 to index
      %swap3A_694 = arith.index_cast %swap3A_692 : i32 to index
      %swap3A_695 = arith.index_cast %mul3A_106 : i32 to index
      %swap3A_696 = tpu.vector_load %arg7[%swap3A_693, %swap3A_694, %swap3A_695] {strides = array<i32>} : memref<2x64x128xf32, #tpu.memory_space<vmem>>, vector<16xf32>,
      tpu.vector_store %arg7[%swap3A_693, %swap3A_694, %swap3A_695], %bitcast3A_604 {strides = array<i32>} : memref<2x64x128xf32, #tpu.memory_space<vmem>>, vector<16xf32>,
      %swap3A_697 = arith.constant 0 : i32
      %swap3A_698 = arith.constant 56 : i32
      %swap3A_699 = arith.index_cast %swap3A_697 : i32 to index
      %swap3A_700 = arith.index_cast %swap3A_698 : i32 to index
      %swap3A_701 = arith.index_cast %mul3A_106 : i32 to index
      %swap3A_702 = tpu.vector_load %arg7[%swap3A_699, %swap3A_700, %swap3A_701] {strides = array<i32>} : memref<2x64x128xf32, #tpu.memory_space<vmem>>, vector<16xf32>,
      tpu.vector_store %arg7[%swap3A_699, %swap3A_700, %swap3A_701], %bitcast3A_623 {strides = array<i32>} : memref<2x64x128xf32, #tpu.memory_space<vmem>>, vector<16xf32>,
      %swap3A_703 = arith.constant 0 : i32
      %swap3A_704 = arith.constant 57 : i32
      %swap3A_705 = arith.index_cast %swap3A_703 : i32 to index
      %swap3A_706 = arith.index_cast %swap3A_704 : i32 to index
      %swap3A_707 = arith.index_cast %mul3A_106 : i32 to index
      %swap3A_708 = tpu.vector_load %arg7[%swap3A_705, %swap3A_706, %swap3A_707] {strides = array<i32>} : memref<2x64x128xf32, #tpu.memory_space<vmem>>, vector<16xf32>,
      tpu.vector_store %arg7[%swap3A_705, %swap3A_706, %swap3A_707], %bitcast3A_624 {strides = array<i32>} : memref<2x64x128xf32, #tpu.memory_space<vmem>>, vector<16xf32>,
      %swap3A_709 = arith.constant 0 : i32
      %swap3A_710 = arith.constant 58 : i32
      %swap3A_711 = arith.index_cast %swap3A_709 : i32 to index
      %swap3A_712 = arith.index_cast %swap3A_710 : i32 to index
      %swap3A_713 = arith.index_cast %mul3A_106 : i32 to index
      %swap3A_714 = tpu.vector_load %arg7[%swap3A_711, %swap3A_712, %swap3A_713] {strides = array<i32>} : memref<2x64x128xf32, #tpu.memory_space<vmem>>, vector<16xf32>,
      tpu.vector_store %arg7[%swap3A_711, %swap3A_712, %swap3A_713], %bitcast3A_643 {strides = array<i32>} : memref<2x64x128xf32, #tpu.memory_space<vmem>>, vector<16xf32>,
      %swap3A_715 = arith.constant 0 : i32
      %swap3A_716 = arith.constant 59 : i32
      %swap3A_717 = arith.index_cast %swap3A_715 : i32 to index
      %swap3A_718 = arith.index_cast %swap3A_716 : i32 to index
      %swap3A_719 = arith.index_cast %mul3A_106 : i32 to index
      %swap3A_720 = tpu.vector_load %arg7[%swap3A_717, %swap3A_718, %swap3A_719] {strides = array<i32>} : memref<2x64x128xf32, #tpu.memory_space<vmem>>, vector<16xf32>,
      tpu.vector_store %arg7[%swap3A_717, %swap3A_718, %swap3A_719], %bitcast3A_644 {strides = array<i32>} : memref<2x64x128xf32, #tpu.memory_space<vmem>>, vector<16xf32>,
      %swap3A_721 = arith.constant 0 : i32
      %swap3A_722 = arith.constant 60 : i32
      %swap3A_723 = arith.index_cast %swap3A_721 : i32 to index
      %swap3A_724 = arith.index_cast %swap3A_722 : i32 to index
      %swap3A_725 = arith.index_cast %mul3A_106 : i32 to index
      %swap3A_726 = tpu.vector_load %arg7[%swap3A_723, %swap3A_724, %swap3A_725] {strides = array<i32>} : memref<2x64x128xf32, #tpu.memory_space<vmem>>, vector<16xf32>,
      tpu.vector_store %arg7[%swap3A_723, %swap3A_724, %swap3A_725], %bitcast3A_663 {strides = array<i32>} : memref<2x64x128xf32, #tpu.memory_space<vmem>>, vector<16xf32>,
      %swap3A_727 = arith.constant 0 : i32
      %swap3A_728 = arith.constant 61 : i32
      %swap3A_729 = arith.index_cast %swap3A_727 : i32 to index
      %swap3A_730 = arith.index_cast %swap3A_728 : i32 to index
      %swap3A_731 = arith.index_cast %mul3A_106 : i32 to index
      %swap3A_732 = tpu.vector_load %arg7[%swap3A_729, %swap3A_730, %swap3A_731] {strides = array<i32>} : memref<2x64x128xf32, #tpu.memory_space<vmem>>, vector<16xf32>,
      tpu.vector_store %arg7[%swap3A_729, %swap3A_730, %swap3A_731], %bitcast3A_664 {strides = array<i32>} : memref<2x64x128xf32, #tpu.memory_space<vmem>>, vector<16xf32>,
      %swap3A_733 = arith.constant 0 : i32
      %swap3A_734 = arith.constant 62 : i32
      %swap3A_735 = arith.index_cast %swap3A_733 : i32 to index
      %swap3A_736 = arith.index_cast %swap3A_734 : i32 to index
      %swap3A_737 = arith.index_cast %mul3A_106 : i32 to index
      %swap3A_738 = tpu.vector_load %arg7[%swap3A_735, %swap3A_736, %swap3A_737] {strides = array<i32>} : memref<2x64x128xf32, #tpu.memory_space<vmem>>, vector<16xf32>,
      tpu.vector_store %arg7[%swap3A_735, %swap3A_736, %swap3A_737], %bitcast3A_683 {strides = array<i32>} : memref<2x64x128xf32, #tpu.memory_space<vmem>>, vector<16xf32>,
      %swap3A_739 = arith.constant 0 : i32
      %swap3A_740 = arith.constant 63 : i32
      %swap3A_741 = arith.index_cast %swap3A_739 : i32 to index
      %swap3A_742 = arith.index_cast %swap3A_740 : i32 to index
      %swap3A_743 = arith.index_cast %mul3A_106 : i32 to index
      %swap3A_744 = tpu.vector_load %arg7[%swap3A_741, %swap3A_742, %swap3A_743] {strides = array<i32>} : memref<2x64x128xf32, #tpu.memory_space<vmem>>, vector<16xf32>,
      tpu.vector_store %arg7[%swap3A_741, %swap3A_742, %swap3A_743], %bitcast3A_684 {strides = array<i32>} : memref<2x64x128xf32, #tpu.memory_space<vmem>>, vector<16xf32>,
    }
    %scan3A_9 = arith.constant 8 : i32
    %add3A_10 = arith.constant 0 : i32
    %add3A_11 = arith.addi %mul3A_2, %add3A_10 : i32
    %dma_start3A = arith.constant 0 : i32
    %dma_start3A_12 = arith.constant 0 : i32
    %dma_start3A_13 = arith.constant 0 : i32
    %dma_start3A_14 = arith.constant 0 : i32
    %dma_start3A_15 = tpu.memref_slice %arg7[%dma_start3A, %dma_start3A_13, %dma_start3A_14] : memref<2x64x128xf32, #tpu.memory_space<vmem>> -> memref<1x64x128xf32, #tpu.memory_space<vmem>>
    %dma_start3A_16 = tpu.memref_squeeze %dma_start3A_15 : memref<1x64x128xf32, #tpu.memory_space<vmem>> -> memref<64x128xf32, #tpu.memory_space<vmem>>
    %dma_start3A_17 = arith.constant 0 : i32
    %dma_start3A_18 = tpu.memref_slice %arg4[%dma_start3A_12, %dma_start3A_17, %add3A_11] : memref<50x64x16384xf32, #tpu.memory_space<hbm>> -> memref<1x64x128xf32, #tpu.memory_space<hbm>>
    %dma_start3A_19 = tpu.memref_squeeze %dma_start3A_18 : memref<1x64x128xf32, #tpu.memory_space<hbm>> -> memref<64x128xf32, #tpu.memory_space<hbm>>
    %dma_start3A_20 = arith.constant 0 : i32
    %dma_start3A_21 = tpu.memref_slice %arg4[%dma_start3A_12, %dma_start3A_20, %add3A_11] : memref<50x64x16384xf32, #tpu.memory_space<hbm>> -> memref<1x64x128xf32, #tpu.memory_space<hbm>>
    %dma_start3A_22 = tpu.memref_squeeze %dma_start3A_21 : memref<1x64x128xf32, #tpu.memory_space<hbm>> -> memref<64x128xf32, #tpu.memory_space<hbm>>
    %dma_start3A_23 = arith.constant 0 : i32
    %dma_start3A_24 = arith.constant 0 : i32
    %dma_start3A_25 = tpu.memref_slice %arg7[%dma_start3A, %dma_start3A_23, %dma_start3A_24] : memref<2x64x128xf32, #tpu.memory_space<vmem>> -> memref<1x64x128xf32, #tpu.memory_space<vmem>>
    %dma_start3A_26 = tpu.memref_squeeze %dma_start3A_25 : memref<1x64x128xf32, #tpu.memory_space<vmem>> -> memref<64x128xf32, #tpu.memory_space<vmem>>
    tpu.enqueue_dma source(%dma_start3A_26 : memref<64x128xf32, #tpu.memory_space<vmem>>) target(%dma_start3A_22 : memref<64x128xf32, #tpu.memory_space<hbm>>) target_semaphore(%arg8 : memref<!tpu.dma_semaphore, #tpu.memory_space<semaphore_mem>>)
    %scan3A_27 = arith.constant 0 : i32
    %scan3A_28 = arith.constant 8 : i32
    %scan3A_29 = arith.addi %scan3A_27, %scan3A_28 : i32
    %scan3A_30 = arith.constant 1 : i32
    scf.for %scan3A_90 = %scan3A_27 to %scan3A_29 step %scan3A_30  : i32 {
      %mul3A_91 = arith.constant 1 : i32
      %mul3A_92 = arith.muli %scan3A_90, %mul3A_91 : i32
      %add3A_93 = arith.constant 0 : i32
      %add3A_94 = arith.addi %add3A_93, %mul3A_92 : i32
      %mul3A_95 = arith.constant 16 : i32
      %mul3A_96 = arith.muli %add3A_94, %mul3A_95 : i32
      %add3A_97 = arith.constant 128 : i32
      %add3A_98 = arith.addi %add3A_97, %mul3A_96 : i32
      %add3A_99 = vector.broadcast %add3A_98 : i32 to vector<16xi32>
      %add3A_100 = arith.addi %add3A_99, %iota3A : vector<16xi32>
      %broadcast_in_dim3A_101 = arith.constant 0 : i32
      %broadcast_in_dim3A_102 = vector.broadcast %broadcast_in_dim3A_101 : i32 to vector<16xi32>
      %gather3A = tpu.vector_load_idx %arg5[%add3A_100, %broadcast_in_dim3A_102] : memref<512x50xi32, #tpu.memory_space<vmem>>[vector<16xi32>, vector<16xi32>], vector<16xi32>,
      %shift_left3A = arith.constant 3 : i32
      %shift_left3A_103 = vector.broadcast %shift_left3A : i32 to vector<16xi32>
      %shift_left3A_104 = arith.shli %gather3A, %shift_left3A_103 : vector<16xi32>
      %or3A = arith.ori %shift_left3A_104, %and3A_4 : vector<16xi32>
      %mul3A_105 = arith.constant 16 : i32
      %mul3A_106 = arith.muli %add3A_94, %mul3A_105 : i32
      %gather3A_107 = arith.constant 0 : i32
      %gather3A_108 = tpu.memref_slice %arg6[%gather3A_107] : memref<32768xi32, #tpu.memory_space<vmem>> -> memref<1024xi32, #tpu.memory_space<vmem>>
      %gather3A_109 = tpu.vector_load_idx %gather3A_108[%or3A] : memref<1024xi32, #tpu.memory_space<vmem>>[vector<16xi32>], vector<16xi32>,
      %shift_left3A_110 = arith.constant 16 : i32
      %shift_left3A_111 = vector.broadcast %shift_left3A_110 : i32 to vector<16xi32>
      %shift_left3A_112 = arith.shli %gather3A_109, %shift_left3A_111 : vector<16xi32>
      %bitcast3A = vector.bitcast %shift_left3A_112 : vector<16xi32> to vector<16xf32>
      %bitcast3A_113 = vector.bitcast %gather3A_109 : vector<16xi32> to vector<16xf32>
      %gather3A_114 = arith.constant 1024 : i32
      %gather3A_115 = tpu.memref_slice %arg6[%gather3A_114] : memref<32768xi32, #tpu.memory_space<vmem>> -> memref<1024xi32, #tpu.memory_space<vmem>>
      %gather3A_116 = tpu.vector_load_idx %gather3A_115[%or3A] : memref<1024xi32, #tpu.memory_space<vmem>>[vector<16xi32>], vector<16xi32>,
      %shift_left3A_117 = arith.constant 16 : i32
      %shift_left3A_118 = vector.broadcast %shift_left3A_117 : i32 to vector<16xi32>
      %shift_left3A_119 = arith.shli %gather3A_116, %shift_left3A_118 : vector<16xi32>
      %bitcast3A_120 = vector.bitcast %shift_left3A_119 : vector<16xi32> to vector<16xf32>
      %bitcast3A_121 = vector.bitcast %gather3A_116 : vector<16xi32> to vector<16xf32>
      %gather3A_122 = arith.constant 2048 : i32
      %gather3A_123 = tpu.memref_slice %arg6[%gather3A_122] : memref<32768xi32, #tpu.memory_space<vmem>> -> memref<1024xi32, #tpu.memory_space<vmem>>
      %gather3A_124 = tpu.vector_load_idx %gather3A_123[%or3A] : memref<1024xi32, #tpu.memory_space<vmem>>[vector<16xi32>], vector<16xi32>,
      %shift_left3A_125 = arith.constant 16 : i32
      %shift_left3A_126 = vector.broadcast %shift_left3A_125 : i32 to vector<16xi32>
      %shift_left3A_127 = arith.shli %gather3A_124, %shift_left3A_126 : vector<16xi32>
      %bitcast3A_128 = vector.bitcast %shift_left3A_127 : vector<16xi32> to vector<16xf32>
      %bitcast3A_129 = vector.bitcast %gather3A_124 : vector<16xi32> to vector<16xf32>
      %gather3A_130 = arith.constant 3072 : i32
      %gather3A_131 = tpu.memref_slice %arg6[%gather3A_130] : memref<32768xi32, #tpu.memory_space<vmem>> -> memref<1024xi32, #tpu.memory_space<vmem>>
      %gather3A_132 = tpu.vector_load_idx %gather3A_131[%or3A] : memref<1024xi32, #tpu.memory_space<vmem>>[vector<16xi32>], vector<16xi32>,
      %shift_left3A_133 = arith.constant 16 : i32
      %shift_left3A_134 = vector.broadcast %shift_left3A_133 : i32 to vector<16xi32>
      %shift_left3A_135 = arith.shli %gather3A_132, %shift_left3A_134 : vector<16xi32>
      %bitcast3A_136 = vector.bitcast %shift_left3A_135 : vector<16xi32> to vector<16xf32>
      %bitcast3A_137 = vector.bitcast %gather3A_132 : vector<16xi32> to vector<16xf32>
      %gather3A_138 = arith.constant 4096 : i32
      %gather3A_139 = tpu.memref_slice %arg6[%gather3A_138] : memref<32768xi32, #tpu.memory_space<vmem>> -> memref<1024xi32, #tpu.memory_space<vmem>>
      %gather3A_140 = tpu.vector_load_idx %gather3A_139[%or3A] : memref<1024xi32, #tpu.memory_space<vmem>>[vector<16xi32>], vector<16xi32>,
      %shift_left3A_141 = arith.constant 16 : i32
      %shift_left3A_142 = vector.broadcast %shift_left3A_141 : i32 to vector<16xi32>
      %shift_left3A_143 = arith.shli %gather3A_140, %shift_left3A_142 : vector<16xi32>
      %bitcast3A_144 = vector.bitcast %shift_left3A_143 : vector<16xi32> to vector<16xf32>
      %bitcast3A_145 = vector.bitcast %gather3A_140 : vector<16xi32> to vector<16xf32>
      %swap3A = arith.constant 1 : i32
      %swap3A_146 = arith.constant 0 : i32
      %swap3A_147 = arith.index_cast %swap3A : i32 to index
      %swap3A_148 = arith.index_cast %swap3A_146 : i32 to index
      %swap3A_149 = arith.index_cast %mul3A_106 : i32 to index
      %swap3A_150 = tpu.vector_load %arg7[%swap3A_147, %swap3A_148, %swap3A_149] {strides = array<i32>} : memref<2x64x128xf32, #tpu.memory_space<vmem>>, vector<16xf32>,
      tpu.vector_store %arg7[%swap3A_147, %swap3A_148, %swap3A_149], %bitcast3A {strides = array<i32>} : memref<2x64x128xf32, #tpu.memory_space<vmem>>, vector<16xf32>,
      %swap3A_151 = arith.constant 1 : i32
      %swap3A_152 = arith.constant 1 : i32
      %swap3A_153 = arith.index_cast %swap3A_151 : i32 to index
      %swap3A_154 = arith.index_cast %swap3A_152 : i32 to index
      %swap3A_155 = arith.index_cast %mul3A_106 : i32 to index
      %swap3A_156 = tpu.vector_load %arg7[%swap3A_153, %swap3A_154, %swap3A_155] {strides = array<i32>} : memref<2x64x128xf32, #tpu.memory_space<vmem>>, vector<16xf32>,
      tpu.vector_store %arg7[%swap3A_153, %swap3A_154, %swap3A_155], %bitcast3A_113 {strides = array<i32>} : memref<2x64x128xf32, #tpu.memory_space<vmem>>, vector<16xf32>,
      %gather3A_157 = arith.constant 5120 : i32
      %gather3A_158 = tpu.memref_slice %arg6[%gather3A_157] : memref<32768xi32, #tpu.memory_space<vmem>> -> memref<1024xi32, #tpu.memory_space<vmem>>
      %gather3A_159 = tpu.vector_load_idx %gather3A_158[%or3A] : memref<1024xi32, #tpu.memory_space<vmem>>[vector<16xi32>], vector<16xi32>,
      %shift_left3A_160 = arith.constant 16 : i32
      %shift_left3A_161 = vector.broadcast %shift_left3A_160 : i32 to vector<16xi32>
      %shift_left3A_162 = arith.shli %gather3A_159, %shift_left3A_161 : vector<16xi32>
      %bitcast3A_163 = vector.bitcast %shift_left3A_162 : vector<16xi32> to vector<16xf32>
      %bitcast3A_164 = vector.bitcast %gather3A_159 : vector<16xi32> to vector<16xf32>
      %swap3A_165 = arith.constant 1 : i32
      %swap3A_166 = arith.constant 2 : i32
      %swap3A_167 = arith.index_cast %swap3A_165 : i32 to index
      %swap3A_168 = arith.index_cast %swap3A_166 : i32 to index
      %swap3A_169 = arith.index_cast %mul3A_106 : i32 to index
      %swap3A_170 = tpu.vector_load %arg7[%swap3A_167, %swap3A_168, %swap3A_169] {strides = array<i32>} : memref<2x64x128xf32, #tpu.memory_space<vmem>>, vector<16xf32>,
      tpu.vector_store %arg7[%swap3A_167, %swap3A_168, %swap3A_169], %bitcast3A_120 {strides = array<i32>} : memref<2x64x128xf32, #tpu.memory_space<vmem>>, vector<16xf32>,
      %swap3A_171 = arith.constant 1 : i32
      %swap3A_172 = arith.constant 3 : i32
      %swap3A_173 = arith.index_cast %swap3A_171 : i32 to index
      %swap3A_174 = arith.index_cast %swap3A_172 : i32 to index
      %swap3A_175 = arith.index_cast %mul3A_106 : i32 to index
      %swap3A_176 = tpu.vector_load %arg7[%swap3A_173, %swap3A_174, %swap3A_175] {strides = array<i32>} : memref<2x64x128xf32, #tpu.memory_space<vmem>>, vector<16xf32>,
      tpu.vector_store %arg7[%swap3A_173, %swap3A_174, %swap3A_175], %bitcast3A_121 {strides = array<i32>} : memref<2x64x128xf32, #tpu.memory_space<vmem>>, vector<16xf32>,
      %gather3A_177 = arith.constant 6144 : i32
      %gather3A_178 = tpu.memref_slice %arg6[%gather3A_177] : memref<32768xi32, #tpu.memory_space<vmem>> -> memref<1024xi32, #tpu.memory_space<vmem>>
      %gather3A_179 = tpu.vector_load_idx %gather3A_178[%or3A] : memref<1024xi32, #tpu.memory_space<vmem>>[vector<16xi32>], vector<16xi32>,
      %shift_left3A_180 = arith.constant 16 : i32
      %shift_left3A_181 = vector.broadcast %shift_left3A_180 : i32 to vector<16xi32>
      %shift_left3A_182 = arith.shli %gather3A_179, %shift_left3A_181 : vector<16xi32>
      %bitcast3A_183 = vector.bitcast %shift_left3A_182 : vector<16xi32> to vector<16xf32>
      %bitcast3A_184 = vector.bitcast %gather3A_179 : vector<16xi32> to vector<16xf32>
      %swap3A_185 = arith.constant 1 : i32
      %swap3A_186 = arith.constant 4 : i32
      %swap3A_187 = arith.index_cast %swap3A_185 : i32 to index
      %swap3A_188 = arith.index_cast %swap3A_186 : i32 to index
      %swap3A_189 = arith.index_cast %mul3A_106 : i32 to index
      %swap3A_190 = tpu.vector_load %arg7[%swap3A_187, %swap3A_188, %swap3A_189] {strides = array<i32>} : memref<2x64x128xf32, #tpu.memory_space<vmem>>, vector<16xf32>,
      tpu.vector_store %arg7[%swap3A_187, %swap3A_188, %swap3A_189], %bitcast3A_128 {strides = array<i32>} : memref<2x64x128xf32, #tpu.memory_space<vmem>>, vector<16xf32>,
      %swap3A_191 = arith.constant 1 : i32
      %swap3A_192 = arith.constant 5 : i32
      %swap3A_193 = arith.index_cast %swap3A_191 : i32 to index
      %swap3A_194 = arith.index_cast %swap3A_192 : i32 to index
      %swap3A_195 = arith.index_cast %mul3A_106 : i32 to index
      %swap3A_196 = tpu.vector_load %arg7[%swap3A_193, %swap3A_194, %swap3A_195] {strides = array<i32>} : memref<2x64x128xf32, #tpu.memory_space<vmem>>, vector<16xf32>,
      tpu.vector_store %arg7[%swap3A_193, %swap3A_194, %swap3A_195], %bitcast3A_129 {strides = array<i32>} : memref<2x64x128xf32, #tpu.memory_space<vmem>>, vector<16xf32>,
      %gather3A_197 = arith.constant 7168 : i32
      %gather3A_198 = tpu.memref_slice %arg6[%gather3A_197] : memref<32768xi32, #tpu.memory_space<vmem>> -> memref<1024xi32, #tpu.memory_space<vmem>>
      %gather3A_199 = tpu.vector_load_idx %gather3A_198[%or3A] : memref<1024xi32, #tpu.memory_space<vmem>>[vector<16xi32>], vector<16xi32>,
      %shift_left3A_200 = arith.constant 16 : i32
      %shift_left3A_201 = vector.broadcast %shift_left3A_200 : i32 to vector<16xi32>
      %shift_left3A_202 = arith.shli %gather3A_199, %shift_left3A_201 : vector<16xi32>
      %bitcast3A_203 = vector.bitcast %shift_left3A_202 : vector<16xi32> to vector<16xf32>
      %bitcast3A_204 = vector.bitcast %gather3A_199 : vector<16xi32> to vector<16xf32>
      %swap3A_205 = arith.constant 1 : i32
      %swap3A_206 = arith.constant 6 : i32
      %swap3A_207 = arith.index_cast %swap3A_205 : i32 to index
      %swap3A_208 = arith.index_cast %swap3A_206 : i32 to index
      %swap3A_209 = arith.index_cast %mul3A_106 : i32 to index
      %swap3A_210 = tpu.vector_load %arg7[%swap3A_207, %swap3A_208, %swap3A_209] {strides = array<i32>} : memref<2x64x128xf32, #tpu.memory_space<vmem>>, vector<16xf32>,
      tpu.vector_store %arg7[%swap3A_207, %swap3A_208, %swap3A_209], %bitcast3A_136 {strides = array<i32>} : memref<2x64x128xf32, #tpu.memory_space<vmem>>, vector<16xf32>,
      %swap3A_211 = arith.constant 1 : i32
      %swap3A_212 = arith.constant 7 : i32
      %swap3A_213 = arith.index_cast %swap3A_211 : i32 to index
      %swap3A_214 = arith.index_cast %swap3A_212 : i32 to index
      %swap3A_215 = arith.index_cast %mul3A_106 : i32 to index
      %swap3A_216 = tpu.vector_load %arg7[%swap3A_213, %swap3A_214, %swap3A_215] {strides = array<i32>} : memref<2x64x128xf32, #tpu.memory_space<vmem>>, vector<16xf32>,
      tpu.vector_store %arg7[%swap3A_213, %swap3A_214, %swap3A_215], %bitcast3A_137 {strides = array<i32>} : memref<2x64x128xf32, #tpu.memory_space<vmem>>, vector<16xf32>,
      %gather3A_217 = arith.constant 8192 : i32
      %gather3A_218 = tpu.memref_slice %arg6[%gather3A_217] : memref<32768xi32, #tpu.memory_space<vmem>> -> memref<1024xi32, #tpu.memory_space<vmem>>
      %gather3A_219 = tpu.vector_load_idx %gather3A_218[%or3A] : memref<1024xi32, #tpu.memory_space<vmem>>[vector<16xi32>], vector<16xi32>,
      %shift_left3A_220 = arith.constant 16 : i32
      %shift_left3A_221 = vector.broadcast %shift_left3A_220 : i32 to vector<16xi32>
      %shift_left3A_222 = arith.shli %gather3A_219, %shift_left3A_221 : vector<16xi32>
      %bitcast3A_223 = vector.bitcast %shift_left3A_222 : vector<16xi32> to vector<16xf32>
      %bitcast3A_224 = vector.bitcast %gather3A_219 : vector<16xi32> to vector<16xf32>
      %swap3A_225 = arith.constant 1 : i32
      %swap3A_226 = arith.constant 8 : i32
      %swap3A_227 = arith.index_cast %swap3A_225 : i32 to index
      %swap3A_228 = arith.index_cast %swap3A_226 : i32 to index
      %swap3A_229 = arith.index_cast %mul3A_106 : i32 to index
      %swap3A_230 = tpu.vector_load %arg7[%swap3A_227, %swap3A_228, %swap3A_229] {strides = array<i32>} : memref<2x64x128xf32, #tpu.memory_space<vmem>>, vector<16xf32>,
      tpu.vector_store %arg7[%swap3A_227, %swap3A_228, %swap3A_229], %bitcast3A_144 {strides = array<i32>} : memref<2x64x128xf32, #tpu.memory_space<vmem>>, vector<16xf32>,
      %swap3A_231 = arith.constant 1 : i32
      %swap3A_232 = arith.constant 9 : i32
      %swap3A_233 = arith.index_cast %swap3A_231 : i32 to index
      %swap3A_234 = arith.index_cast %swap3A_232 : i32 to index
      %swap3A_235 = arith.index_cast %mul3A_106 : i32 to index
      %swap3A_236 = tpu.vector_load %arg7[%swap3A_233, %swap3A_234, %swap3A_235] {strides = array<i32>} : memref<2x64x128xf32, #tpu.memory_space<vmem>>, vector<16xf32>,
      tpu.vector_store %arg7[%swap3A_233, %swap3A_234, %swap3A_235], %bitcast3A_145 {strides = array<i32>} : memref<2x64x128xf32, #tpu.memory_space<vmem>>, vector<16xf32>,
      %gather3A_237 = arith.constant 9216 : i32
      %gather3A_238 = tpu.memref_slice %arg6[%gather3A_237] : memref<32768xi32, #tpu.memory_space<vmem>> -> memref<1024xi32, #tpu.memory_space<vmem>>
      %gather3A_239 = tpu.vector_load_idx %gather3A_238[%or3A] : memref<1024xi32, #tpu.memory_space<vmem>>[vector<16xi32>], vector<16xi32>,
      %shift_left3A_240 = arith.constant 16 : i32
      %shift_left3A_241 = vector.broadcast %shift_left3A_240 : i32 to vector<16xi32>
      %shift_left3A_242 = arith.shli %gather3A_239, %shift_left3A_241 : vector<16xi32>
      %bitcast3A_243 = vector.bitcast %shift_left3A_242 : vector<16xi32> to vector<16xf32>
      %bitcast3A_244 = vector.bitcast %gather3A_239 : vector<16xi32> to vector<16xf32>
      %swap3A_245 = arith.constant 1 : i32
      %swap3A_246 = arith.constant 10 : i32
      %swap3A_247 = arith.index_cast %swap3A_245 : i32 to index
      %swap3A_248 = arith.index_cast %swap3A_246 : i32 to index
      %swap3A_249 = arith.index_cast %mul3A_106 : i32 to index
      %swap3A_250 = tpu.vector_load %arg7[%swap3A_247, %swap3A_248, %swap3A_249] {strides = array<i32>} : memref<2x64x128xf32, #tpu.memory_space<vmem>>, vector<16xf32>,
      tpu.vector_store %arg7[%swap3A_247, %swap3A_248, %swap3A_249], %bitcast3A_163 {strides = array<i32>} : memref<2x64x128xf32, #tpu.memory_space<vmem>>, vector<16xf32>,
      %swap3A_251 = arith.constant 1 : i32
      %swap3A_252 = arith.constant 11 : i32
      %swap3A_253 = arith.index_cast %swap3A_251 : i32 to index
      %swap3A_254 = arith.index_cast %swap3A_252 : i32 to index
      %swap3A_255 = arith.index_cast %mul3A_106 : i32 to index
      %swap3A_256 = tpu.vector_load %arg7[%swap3A_253, %swap3A_254, %swap3A_255] {strides = array<i32>} : memref<2x64x128xf32, #tpu.memory_space<vmem>>, vector<16xf32>,
      tpu.vector_store %arg7[%swap3A_253, %swap3A_254, %swap3A_255], %bitcast3A_164 {strides = array<i32>} : memref<2x64x128xf32, #tpu.memory_space<vmem>>, vector<16xf32>,
      %gather3A_257 = arith.constant 10240 : i32
      %gather3A_258 = tpu.memref_slice %arg6[%gather3A_257] : memref<32768xi32, #tpu.memory_space<vmem>> -> memref<1024xi32, #tpu.memory_space<vmem>>
      %gather3A_259 = tpu.vector_load_idx %gather3A_258[%or3A] : memref<1024xi32, #tpu.memory_space<vmem>>[vector<16xi32>], vector<16xi32>,
      %shift_left3A_260 = arith.constant 16 : i32
      %shift_left3A_261 = vector.broadcast %shift_left3A_260 : i32 to vector<16xi32>
      %shift_left3A_262 = arith.shli %gather3A_259, %shift_left3A_261 : vector<16xi32>
      %bitcast3A_263 = vector.bitcast %shift_left3A_262 : vector<16xi32> to vector<16xf32>
      %bitcast3A_264 = vector.bitcast %gather3A_259 : vector<16xi32> to vector<16xf32>
      %swap3A_265 = arith.constant 1 : i32
      %swap3A_266 = arith.constant 12 : i32
      %swap3A_267 = arith.index_cast %swap3A_265 : i32 to index
      %swap3A_268 = arith.index_cast %swap3A_266 : i32 to index
      %swap3A_269 = arith.index_cast %mul3A_106 : i32 to index
      %swap3A_270 = tpu.vector_load %arg7[%swap3A_267, %swap3A_268, %swap3A_269] {strides = array<i32>} : memref<2x64x128xf32, #tpu.memory_space<vmem>>, vector<16xf32>,
      tpu.vector_store %arg7[%swap3A_267, %swap3A_268, %swap3A_269], %bitcast3A_183 {strides = array<i32>} : memref<2x64x128xf32, #tpu.memory_space<vmem>>, vector<16xf32>,
      %swap3A_271 = arith.constant 1 : i32
      %swap3A_272 = arith.constant 13 : i32
      %swap3A_273 = arith.index_cast %swap3A_271 : i32 to index
      %swap3A_274 = arith.index_cast %swap3A_272 : i32 to index
      %swap3A_275 = arith.index_cast %mul3A_106 : i32 to index
      %swap3A_276 = tpu.vector_load %arg7[%swap3A_273, %swap3A_274, %swap3A_275] {strides = array<i32>} : memref<2x64x128xf32, #tpu.memory_space<vmem>>, vector<16xf32>,
      tpu.vector_store %arg7[%swap3A_273, %swap3A_274, %swap3A_275], %bitcast3A_184 {strides = array<i32>} : memref<2x64x128xf32, #tpu.memory_space<vmem>>, vector<16xf32>,
      %gather3A_277 = arith.constant 11264 : i32
      %gather3A_278 = tpu.memref_slice %arg6[%gather3A_277] : memref<32768xi32, #tpu.memory_space<vmem>> -> memref<1024xi32, #tpu.memory_space<vmem>>
      %gather3A_279 = tpu.vector_load_idx %gather3A_278[%or3A] : memref<1024xi32, #tpu.memory_space<vmem>>[vector<16xi32>], vector<16xi32>,
      %shift_left3A_280 = arith.constant 16 : i32
      %shift_left3A_281 = vector.broadcast %shift_left3A_280 : i32 to vector<16xi32>
      %shift_left3A_282 = arith.shli %gather3A_279, %shift_left3A_281 : vector<16xi32>
      %bitcast3A_283 = vector.bitcast %shift_left3A_282 : vector<16xi32> to vector<16xf32>
      %bitcast3A_284 = vector.bitcast %gather3A_279 : vector<16xi32> to vector<16xf32>
      %swap3A_285 = arith.constant 1 : i32
      %swap3A_286 = arith.constant 14 : i32
      %swap3A_287 = arith.index_cast %swap3A_285 : i32 to index
      %swap3A_288 = arith.index_cast %swap3A_286 : i32 to index
      %swap3A_289 = arith.index_cast %mul3A_106 : i32 to index
      %swap3A_290 = tpu.vector_load %arg7[%swap3A_287, %swap3A_288, %swap3A_289] {strides = array<i32>} : memref<2x64x128xf32, #tpu.memory_space<vmem>>, vector<16xf32>,
      tpu.vector_store %arg7[%swap3A_287, %swap3A_288, %swap3A_289], %bitcast3A_203 {strides = array<i32>} : memref<2x64x128xf32, #tpu.memory_space<vmem>>, vector<16xf32>,
      %swap3A_291 = arith.constant 1 : i32
      %swap3A_292 = arith.constant 15 : i32
      %swap3A_293 = arith.index_cast %swap3A_291 : i32 to index
      %swap3A_294 = arith.index_cast %swap3A_292 : i32 to index
      %swap3A_295 = arith.index_cast %mul3A_106 : i32 to index
      %swap3A_296 = tpu.vector_load %arg7[%swap3A_293, %swap3A_294, %swap3A_295] {strides = array<i32>} : memref<2x64x128xf32, #tpu.memory_space<vmem>>, vector<16xf32>,
      tpu.vector_store %arg7[%swap3A_293, %swap3A_294, %swap3A_295], %bitcast3A_204 {strides = array<i32>} : memref<2x64x128xf32, #tpu.memory_space<vmem>>, vector<16xf32>,
      %gather3A_297 = arith.constant 12288 : i32
      %gather3A_298 = tpu.memref_slice %arg6[%gather3A_297] : memref<32768xi32, #tpu.memory_space<vmem>> -> memref<1024xi32, #tpu.memory_space<vmem>>
      %gather3A_299 = tpu.vector_load_idx %gather3A_298[%or3A] : memref<1024xi32, #tpu.memory_space<vmem>>[vector<16xi32>], vector<16xi32>,
      %shift_left3A_300 = arith.constant 16 : i32
      %shift_left3A_301 = vector.broadcast %shift_left3A_300 : i32 to vector<16xi32>
      %shift_left3A_302 = arith.shli %gather3A_299, %shift_left3A_301 : vector<16xi32>
      %bitcast3A_303 = vector.bitcast %shift_left3A_302 : vector<16xi32> to vector<16xf32>
      %bitcast3A_304 = vector.bitcast %gather3A_299 : vector<16xi32> to vector<16xf32>
      %swap3A_305 = arith.constant 1 : i32
      %swap3A_306 = arith.constant 16 : i32
      %swap3A_307 = arith.index_cast %swap3A_305 : i32 to index
      %swap3A_308 = arith.index_cast %swap3A_306 : i32 to index
      %swap3A_309 = arith.index_cast %mul3A_106 : i32 to index
      %swap3A_310 = tpu.vector_load %arg7[%swap3A_307, %swap3A_308, %swap3A_309] {strides = array<i32>} : memref<2x64x128xf32, #tpu.memory_space<vmem>>, vector<16xf32>,
      tpu.vector_store %arg7[%swap3A_307, %swap3A_308, %swap3A_309], %bitcast3A_223 {strides = array<i32>} : memref<2x64x128xf32, #tpu.memory_space<vmem>>, vector<16xf32>,
      %swap3A_311 = arith.constant 1 : i32
      %swap3A_312 = arith.constant 17 : i32
      %swap3A_313 = arith.index_cast %swap3A_311 : i32 to index
      %swap3A_314 = arith.index_cast %swap3A_312 : i32 to index
      %swap3A_315 = arith.index_cast %mul3A_106 : i32 to index
      %swap3A_316 = tpu.vector_load %arg7[%swap3A_313, %swap3A_314, %swap3A_315] {strides = array<i32>} : memref<2x64x128xf32, #tpu.memory_space<vmem>>, vector<16xf32>,
      tpu.vector_store %arg7[%swap3A_313, %swap3A_314, %swap3A_315], %bitcast3A_224 {strides = array<i32>} : memref<2x64x128xf32, #tpu.memory_space<vmem>>, vector<16xf32>,
      %gather3A_317 = arith.constant 13312 : i32
      %gather3A_318 = tpu.memref_slice %arg6[%gather3A_317] : memref<32768xi32, #tpu.memory_space<vmem>> -> memref<1024xi32, #tpu.memory_space<vmem>>
      %gather3A_319 = tpu.vector_load_idx %gather3A_318[%or3A] : memref<1024xi32, #tpu.memory_space<vmem>>[vector<16xi32>], vector<16xi32>,
      %shift_left3A_320 = arith.constant 16 : i32
      %shift_left3A_321 = vector.broadcast %shift_left3A_320 : i32 to vector<16xi32>
      %shift_left3A_322 = arith.shli %gather3A_319, %shift_left3A_321 : vector<16xi32>
      %bitcast3A_323 = vector.bitcast %shift_left3A_322 : vector<16xi32> to vector<16xf32>
      %bitcast3A_324 = vector.bitcast %gather3A_319 : vector<16xi32> to vector<16xf32>
      %swap3A_325 = arith.constant 1 : i32
      %swap3A_326 = arith.constant 18 : i32
      %swap3A_327 = arith.index_cast %swap3A_325 : i32 to index
      %swap3A_328 = arith.index_cast %swap3A_326 : i32 to index
      %swap3A_329 = arith.index_cast %mul3A_106 : i32 to index
      %swap3A_330 = tpu.vector_load %arg7[%swap3A_327, %swap3A_328, %swap3A_329] {strides = array<i32>} : memref<2x64x128xf32, #tpu.memory_space<vmem>>, vector<16xf32>,
      tpu.vector_store %arg7[%swap3A_327, %swap3A_328, %swap3A_329], %bitcast3A_243 {strides = array<i32>} : memref<2x64x128xf32, #tpu.memory_space<vmem>>, vector<16xf32>,
      %swap3A_331 = arith.constant 1 : i32
      %swap3A_332 = arith.constant 19 : i32
      %swap3A_333 = arith.index_cast %swap3A_331 : i32 to index
      %swap3A_334 = arith.index_cast %swap3A_332 : i32 to index
      %swap3A_335 = arith.index_cast %mul3A_106 : i32 to index
      %swap3A_336 = tpu.vector_load %arg7[%swap3A_333, %swap3A_334, %swap3A_335] {strides = array<i32>} : memref<2x64x128xf32, #tpu.memory_space<vmem>>, vector<16xf32>,
      tpu.vector_store %arg7[%swap3A_333, %swap3A_334, %swap3A_335], %bitcast3A_244 {strides = array<i32>} : memref<2x64x128xf32, #tpu.memory_space<vmem>>, vector<16xf32>,
      %gather3A_337 = arith.constant 14336 : i32
      %gather3A_338 = tpu.memref_slice %arg6[%gather3A_337] : memref<32768xi32, #tpu.memory_space<vmem>> -> memref<1024xi32, #tpu.memory_space<vmem>>
      %gather3A_339 = tpu.vector_load_idx %gather3A_338[%or3A] : memref<1024xi32, #tpu.memory_space<vmem>>[vector<16xi32>], vector<16xi32>,
      %shift_left3A_340 = arith.constant 16 : i32
      %shift_left3A_341 = vector.broadcast %shift_left3A_340 : i32 to vector<16xi32>
      %shift_left3A_342 = arith.shli %gather3A_339, %shift_left3A_341 : vector<16xi32>
      %bitcast3A_343 = vector.bitcast %shift_left3A_342 : vector<16xi32> to vector<16xf32>
      %bitcast3A_344 = vector.bitcast %gather3A_339 : vector<16xi32> to vector<16xf32>
      %swap3A_345 = arith.constant 1 : i32
      %swap3A_346 = arith.constant 20 : i32
      %swap3A_347 = arith.index_cast %swap3A_345 : i32 to index
      %swap3A_348 = arith.index_cast %swap3A_346 : i32 to index
      %swap3A_349 = arith.index_cast %mul3A_106 : i32 to index
      %swap3A_350 = tpu.vector_load %arg7[%swap3A_347, %swap3A_348, %swap3A_349] {strides = array<i32>} : memref<2x64x128xf32, #tpu.memory_space<vmem>>, vector<16xf32>,
      tpu.vector_store %arg7[%swap3A_347, %swap3A_348, %swap3A_349], %bitcast3A_263 {strides = array<i32>} : memref<2x64x128xf32, #tpu.memory_space<vmem>>, vector<16xf32>,
      %swap3A_351 = arith.constant 1 : i32
      %swap3A_352 = arith.constant 21 : i32
      %swap3A_353 = arith.index_cast %swap3A_351 : i32 to index
      %swap3A_354 = arith.index_cast %swap3A_352 : i32 to index
      %swap3A_355 = arith.index_cast %mul3A_106 : i32 to index
      %swap3A_356 = tpu.vector_load %arg7[%swap3A_353, %swap3A_354, %swap3A_355] {strides = array<i32>} : memref<2x64x128xf32, #tpu.memory_space<vmem>>, vector<16xf32>,
      tpu.vector_store %arg7[%swap3A_353, %swap3A_354, %swap3A_355], %bitcast3A_264 {strides = array<i32>} : memref<2x64x128xf32, #tpu.memory_space<vmem>>, vector<16xf32>,
      %gather3A_357 = arith.constant 15360 : i32
      %gather3A_358 = tpu.memref_slice %arg6[%gather3A_357] : memref<32768xi32, #tpu.memory_space<vmem>> -> memref<1024xi32, #tpu.memory_space<vmem>>
      %gather3A_359 = tpu.vector_load_idx %gather3A_358[%or3A] : memref<1024xi32, #tpu.memory_space<vmem>>[vector<16xi32>], vector<16xi32>,
      %shift_left3A_360 = arith.constant 16 : i32
      %shift_left3A_361 = vector.broadcast %shift_left3A_360 : i32 to vector<16xi32>
      %shift_left3A_362 = arith.shli %gather3A_359, %shift_left3A_361 : vector<16xi32>
      %bitcast3A_363 = vector.bitcast %shift_left3A_362 : vector<16xi32> to vector<16xf32>
      %bitcast3A_364 = vector.bitcast %gather3A_359 : vector<16xi32> to vector<16xf32>
      %swap3A_365 = arith.constant 1 : i32
      %swap3A_366 = arith.constant 22 : i32
      %swap3A_367 = arith.index_cast %swap3A_365 : i32 to index
      %swap3A_368 = arith.index_cast %swap3A_366 : i32 to index
      %swap3A_369 = arith.index_cast %mul3A_106 : i32 to index
      %swap3A_370 = tpu.vector_load %arg7[%swap3A_367, %swap3A_368, %swap3A_369] {strides = array<i32>} : memref<2x64x128xf32, #tpu.memory_space<vmem>>, vector<16xf32>,
      tpu.vector_store %arg7[%swap3A_367, %swap3A_368, %swap3A_369], %bitcast3A_283 {strides = array<i32>} : memref<2x64x128xf32, #tpu.memory_space<vmem>>, vector<16xf32>,
      %swap3A_371 = arith.constant 1 : i32
      %swap3A_372 = arith.constant 23 : i32
      %swap3A_373 = arith.index_cast %swap3A_371 : i32 to index
      %swap3A_374 = arith.index_cast %swap3A_372 : i32 to index
      %swap3A_375 = arith.index_cast %mul3A_106 : i32 to index
      %swap3A_376 = tpu.vector_load %arg7[%swap3A_373, %swap3A_374, %swap3A_375] {strides = array<i32>} : memref<2x64x128xf32, #tpu.memory_space<vmem>>, vector<16xf32>,
      tpu.vector_store %arg7[%swap3A_373, %swap3A_374, %swap3A_375], %bitcast3A_284 {strides = array<i32>} : memref<2x64x128xf32, #tpu.memory_space<vmem>>, vector<16xf32>,
      %gather3A_377 = arith.constant 16384 : i32
      %gather3A_378 = tpu.memref_slice %arg6[%gather3A_377] : memref<32768xi32, #tpu.memory_space<vmem>> -> memref<1024xi32, #tpu.memory_space<vmem>>
      %gather3A_379 = tpu.vector_load_idx %gather3A_378[%or3A] : memref<1024xi32, #tpu.memory_space<vmem>>[vector<16xi32>], vector<16xi32>,
      %shift_left3A_380 = arith.constant 16 : i32
      %shift_left3A_381 = vector.broadcast %shift_left3A_380 : i32 to vector<16xi32>
      %shift_left3A_382 = arith.shli %gather3A_379, %shift_left3A_381 : vector<16xi32>
      %bitcast3A_383 = vector.bitcast %shift_left3A_382 : vector<16xi32> to vector<16xf32>
      %bitcast3A_384 = vector.bitcast %gather3A_379 : vector<16xi32> to vector<16xf32>
      %swap3A_385 = arith.constant 1 : i32
      %swap3A_386 = arith.constant 24 : i32
      %swap3A_387 = arith.index_cast %swap3A_385 : i32 to index
      %swap3A_388 = arith.index_cast %swap3A_386 : i32 to index
      %swap3A_389 = arith.index_cast %mul3A_106 : i32 to index
      %swap3A_390 = tpu.vector_load %arg7[%swap3A_387, %swap3A_388, %swap3A_389] {strides = array<i32>} : memref<2x64x128xf32, #tpu.memory_space<vmem>>, vector<16xf32>,
      tpu.vector_store %arg7[%swap3A_387, %swap3A_388, %swap3A_389], %bitcast3A_303 {strides = array<i32>} : memref<2x64x128xf32, #tpu.memory_space<vmem>>, vector<16xf32>,
      %swap3A_391 = arith.constant 1 : i32
      %swap3A_392 = arith.constant 25 : i32
      %swap3A_393 = arith.index_cast %swap3A_391 : i32 to index
      %swap3A_394 = arith.index_cast %swap3A_392 : i32 to index
      %swap3A_395 = arith.index_cast %mul3A_106 : i32 to index
      %swap3A_396 = tpu.vector_load %arg7[%swap3A_393, %swap3A_394, %swap3A_395] {strides = array<i32>} : memref<2x64x128xf32, #tpu.memory_space<vmem>>, vector<16xf32>,
      tpu.vector_store %arg7[%swap3A_393, %swap3A_394, %swap3A_395], %bitcast3A_304 {strides = array<i32>} : memref<2x64x128xf32, #tpu.memory_space<vmem>>, vector<16xf32>,
      %gather3A_397 = arith.constant 17408 : i32
      %gather3A_398 = tpu.memref_slice %arg6[%gather3A_397] : memref<32768xi32, #tpu.memory_space<vmem>> -> memref<1024xi32, #tpu.memory_space<vmem>>
      %gather3A_399 = tpu.vector_load_idx %gather3A_398[%or3A] : memref<1024xi32, #tpu.memory_space<vmem>>[vector<16xi32>], vector<16xi32>,
      %shift_left3A_400 = arith.constant 16 : i32
      %shift_left3A_401 = vector.broadcast %shift_left3A_400 : i32 to vector<16xi32>
      %shift_left3A_402 = arith.shli %gather3A_399, %shift_left3A_401 : vector<16xi32>
      %bitcast3A_403 = vector.bitcast %shift_left3A_402 : vector<16xi32> to vector<16xf32>
      %bitcast3A_404 = vector.bitcast %gather3A_399 : vector<16xi32> to vector<16xf32>
      %swap3A_405 = arith.constant 1 : i32
      %swap3A_406 = arith.constant 26 : i32
      %swap3A_407 = arith.index_cast %swap3A_405 : i32 to index
      %swap3A_408 = arith.index_cast %swap3A_406 : i32 to index
      %swap3A_409 = arith.index_cast %mul3A_106 : i32 to index
      %swap3A_410 = tpu.vector_load %arg7[%swap3A_407, %swap3A_408, %swap3A_409] {strides = array<i32>} : memref<2x64x128xf32, #tpu.memory_space<vmem>>, vector<16xf32>,
      tpu.vector_store %arg7[%swap3A_407, %swap3A_408, %swap3A_409], %bitcast3A_323 {strides = array<i32>} : memref<2x64x128xf32, #tpu.memory_space<vmem>>, vector<16xf32>,
      %swap3A_411 = arith.constant 1 : i32
      %swap3A_412 = arith.constant 27 : i32
      %swap3A_413 = arith.index_cast %swap3A_411 : i32 to index
      %swap3A_414 = arith.index_cast %swap3A_412 : i32 to index
      %swap3A_415 = arith.index_cast %mul3A_106 : i32 to index
      %swap3A_416 = tpu.vector_load %arg7[%swap3A_413, %swap3A_414, %swap3A_415] {strides = array<i32>} : memref<2x64x128xf32, #tpu.memory_space<vmem>>, vector<16xf32>,
      tpu.vector_store %arg7[%swap3A_413, %swap3A_414, %swap3A_415], %bitcast3A_324 {strides = array<i32>} : memref<2x64x128xf32, #tpu.memory_space<vmem>>, vector<16xf32>,
      %gather3A_417 = arith.constant 18432 : i32
      %gather3A_418 = tpu.memref_slice %arg6[%gather3A_417] : memref<32768xi32, #tpu.memory_space<vmem>> -> memref<1024xi32, #tpu.memory_space<vmem>>
      %gather3A_419 = tpu.vector_load_idx %gather3A_418[%or3A] : memref<1024xi32, #tpu.memory_space<vmem>>[vector<16xi32>], vector<16xi32>,
      %shift_left3A_420 = arith.constant 16 : i32
      %shift_left3A_421 = vector.broadcast %shift_left3A_420 : i32 to vector<16xi32>
      %shift_left3A_422 = arith.shli %gather3A_419, %shift_left3A_421 : vector<16xi32>
      %bitcast3A_423 = vector.bitcast %shift_left3A_422 : vector<16xi32> to vector<16xf32>
      %bitcast3A_424 = vector.bitcast %gather3A_419 : vector<16xi32> to vector<16xf32>
      %swap3A_425 = arith.constant 1 : i32
      %swap3A_426 = arith.constant 28 : i32
      %swap3A_427 = arith.index_cast %swap3A_425 : i32 to index
      %swap3A_428 = arith.index_cast %swap3A_426 : i32 to index
      %swap3A_429 = arith.index_cast %mul3A_106 : i32 to index
      %swap3A_430 = tpu.vector_load %arg7[%swap3A_427, %swap3A_428, %swap3A_429] {strides = array<i32>} : memref<2x64x128xf32, #tpu.memory_space<vmem>>, vector<16xf32>,
      tpu.vector_store %arg7[%swap3A_427, %swap3A_428, %swap3A_429], %bitcast3A_343 {strides = array<i32>} : memref<2x64x128xf32, #tpu.memory_space<vmem>>, vector<16xf32>,
      %swap3A_431 = arith.constant 1 : i32
      %swap3A_432 = arith.constant 29 : i32
      %swap3A_433 = arith.index_cast %swap3A_431 : i32 to index
      %swap3A_434 = arith.index_cast %swap3A_432 : i32 to index
      %swap3A_435 = arith.index_cast %mul3A_106 : i32 to index
      %swap3A_436 = tpu.vector_load %arg7[%swap3A_433, %swap3A_434, %swap3A_435] {strides = array<i32>} : memref<2x64x128xf32, #tpu.memory_space<vmem>>, vector<16xf32>,
      tpu.vector_store %arg7[%swap3A_433, %swap3A_434, %swap3A_435], %bitcast3A_344 {strides = array<i32>} : memref<2x64x128xf32, #tpu.memory_space<vmem>>, vector<16xf32>,
      %gather3A_437 = arith.constant 19456 : i32
      %gather3A_438 = tpu.memref_slice %arg6[%gather3A_437] : memref<32768xi32, #tpu.memory_space<vmem>> -> memref<1024xi32, #tpu.memory_space<vmem>>
      %gather3A_439 = tpu.vector_load_idx %gather3A_438[%or3A] : memref<1024xi32, #tpu.memory_space<vmem>>[vector<16xi32>], vector<16xi32>,
      %shift_left3A_440 = arith.constant 16 : i32
      %shift_left3A_441 = vector.broadcast %shift_left3A_440 : i32 to vector<16xi32>
      %shift_left3A_442 = arith.shli %gather3A_439, %shift_left3A_441 : vector<16xi32>
      %bitcast3A_443 = vector.bitcast %shift_left3A_442 : vector<16xi32> to vector<16xf32>
      %bitcast3A_444 = vector.bitcast %gather3A_439 : vector<16xi32> to vector<16xf32>
      %swap3A_445 = arith.constant 1 : i32
      %swap3A_446 = arith.constant 30 : i32
      %swap3A_447 = arith.index_cast %swap3A_445 : i32 to index
      %swap3A_448 = arith.index_cast %swap3A_446 : i32 to index
      %swap3A_449 = arith.index_cast %mul3A_106 : i32 to index
      %swap3A_450 = tpu.vector_load %arg7[%swap3A_447, %swap3A_448, %swap3A_449] {strides = array<i32>} : memref<2x64x128xf32, #tpu.memory_space<vmem>>, vector<16xf32>,
      tpu.vector_store %arg7[%swap3A_447, %swap3A_448, %swap3A_449], %bitcast3A_363 {strides = array<i32>} : memref<2x64x128xf32, #tpu.memory_space<vmem>>, vector<16xf32>,
      %swap3A_451 = arith.constant 1 : i32
      %swap3A_452 = arith.constant 31 : i32
      %swap3A_453 = arith.index_cast %swap3A_451 : i32 to index
      %swap3A_454 = arith.index_cast %swap3A_452 : i32 to index
      %swap3A_455 = arith.index_cast %mul3A_106 : i32 to index
      %swap3A_456 = tpu.vector_load %arg7[%swap3A_453, %swap3A_454, %swap3A_455] {strides = array<i32>} : memref<2x64x128xf32, #tpu.memory_space<vmem>>, vector<16xf32>,
      tpu.vector_store %arg7[%swap3A_453, %swap3A_454, %swap3A_455], %bitcast3A_364 {strides = array<i32>} : memref<2x64x128xf32, #tpu.memory_space<vmem>>, vector<16xf32>,
      %gather3A_457 = arith.constant 20480 : i32
      %gather3A_458 = tpu.memref_slice %arg6[%gather3A_457] : memref<32768xi32, #tpu.memory_space<vmem>> -> memref<1024xi32, #tpu.memory_space<vmem>>
      %gather3A_459 = tpu.vector_load_idx %gather3A_458[%or3A] : memref<1024xi32, #tpu.memory_space<vmem>>[vector<16xi32>], vector<16xi32>,
      %shift_left3A_460 = arith.constant 16 : i32
      %shift_left3A_461 = vector.broadcast %shift_left3A_460 : i32 to vector<16xi32>
      %shift_left3A_462 = arith.shli %gather3A_459, %shift_left3A_461 : vector<16xi32>
      %bitcast3A_463 = vector.bitcast %shift_left3A_462 : vector<16xi32> to vector<16xf32>
      %bitcast3A_464 = vector.bitcast %gather3A_459 : vector<16xi32> to vector<16xf32>
      %swap3A_465 = arith.constant 1 : i32
      %swap3A_466 = arith.constant 32 : i32
      %swap3A_467 = arith.index_cast %swap3A_465 : i32 to index
      %swap3A_468 = arith.index_cast %swap3A_466 : i32 to index
      %swap3A_469 = arith.index_cast %mul3A_106 : i32 to index
      %swap3A_470 = tpu.vector_load %arg7[%swap3A_467, %swap3A_468, %swap3A_469] {strides = array<i32>} : memref<2x64x128xf32, #tpu.memory_space<vmem>>, vector<16xf32>,
      tpu.vector_store %arg7[%swap3A_467, %swap3A_468, %swap3A_469], %bitcast3A_383 {strides = array<i32>} : memref<2x64x128xf32, #tpu.memory_space<vmem>>, vector<16xf32>,
      %swap3A_471 = arith.constant 1 : i32
      %swap3A_472 = arith.constant 33 : i32
      %swap3A_473 = arith.index_cast %swap3A_471 : i32 to index
      %swap3A_474 = arith.index_cast %swap3A_472 : i32 to index
      %swap3A_475 = arith.index_cast %mul3A_106 : i32 to index
      %swap3A_476 = tpu.vector_load %arg7[%swap3A_473, %swap3A_474, %swap3A_475] {strides = array<i32>} : memref<2x64x128xf32, #tpu.memory_space<vmem>>, vector<16xf32>,
      tpu.vector_store %arg7[%swap3A_473, %swap3A_474, %swap3A_475], %bitcast3A_384 {strides = array<i32>} : memref<2x64x128xf32, #tpu.memory_space<vmem>>, vector<16xf32>,
      %gather3A_477 = arith.constant 21504 : i32
      %gather3A_478 = tpu.memref_slice %arg6[%gather3A_477] : memref<32768xi32, #tpu.memory_space<vmem>> -> memref<1024xi32, #tpu.memory_space<vmem>>
      %gather3A_479 = tpu.vector_load_idx %gather3A_478[%or3A] : memref<1024xi32, #tpu.memory_space<vmem>>[vector<16xi32>], vector<16xi32>,
      %shift_left3A_480 = arith.constant 16 : i32
      %shift_left3A_481 = vector.broadcast %shift_left3A_480 : i32 to vector<16xi32>
      %shift_left3A_482 = arith.shli %gather3A_479, %shift_left3A_481 : vector<16xi32>
      %bitcast3A_483 = vector.bitcast %shift_left3A_482 : vector<16xi32> to vector<16xf32>
      %bitcast3A_484 = vector.bitcast %gather3A_479 : vector<16xi32> to vector<16xf32>
      %swap3A_485 = arith.constant 1 : i32
      %swap3A_486 = arith.constant 34 : i32
      %swap3A_487 = arith.index_cast %swap3A_485 : i32 to index
      %swap3A_488 = arith.index_cast %swap3A_486 : i32 to index
      %swap3A_489 = arith.index_cast %mul3A_106 : i32 to index
      %swap3A_490 = tpu.vector_load %arg7[%swap3A_487, %swap3A_488, %swap3A_489] {strides = array<i32>} : memref<2x64x128xf32, #tpu.memory_space<vmem>>, vector<16xf32>,
      tpu.vector_store %arg7[%swap3A_487, %swap3A_488, %swap3A_489], %bitcast3A_403 {strides = array<i32>} : memref<2x64x128xf32, #tpu.memory_space<vmem>>, vector<16xf32>,
      %swap3A_491 = arith.constant 1 : i32
      %swap3A_492 = arith.constant 35 : i32
      %swap3A_493 = arith.index_cast %swap3A_491 : i32 to index
      %swap3A_494 = arith.index_cast %swap3A_492 : i32 to index
      %swap3A_495 = arith.index_cast %mul3A_106 : i32 to index
      %swap3A_496 = tpu.vector_load %arg7[%swap3A_493, %swap3A_494, %swap3A_495] {strides = array<i32>} : memref<2x64x128xf32, #tpu.memory_space<vmem>>, vector<16xf32>,
      tpu.vector_store %arg7[%swap3A_493, %swap3A_494, %swap3A_495], %bitcast3A_404 {strides = array<i32>} : memref<2x64x128xf32, #tpu.memory_space<vmem>>, vector<16xf32>,
      %gather3A_497 = arith.constant 22528 : i32
      %gather3A_498 = tpu.memref_slice %arg6[%gather3A_497] : memref<32768xi32, #tpu.memory_space<vmem>> -> memref<1024xi32, #tpu.memory_space<vmem>>
      %gather3A_499 = tpu.vector_load_idx %gather3A_498[%or3A] : memref<1024xi32, #tpu.memory_space<vmem>>[vector<16xi32>], vector<16xi32>,
      %shift_left3A_500 = arith.constant 16 : i32
      %shift_left3A_501 = vector.broadcast %shift_left3A_500 : i32 to vector<16xi32>
      %shift_left3A_502 = arith.shli %gather3A_499, %shift_left3A_501 : vector<16xi32>
      %bitcast3A_503 = vector.bitcast %shift_left3A_502 : vector<16xi32> to vector<16xf32>
      %bitcast3A_504 = vector.bitcast %gather3A_499 : vector<16xi32> to vector<16xf32>
      %swap3A_505 = arith.constant 1 : i32
      %swap3A_506 = arith.constant 36 : i32
      %swap3A_507 = arith.index_cast %swap3A_505 : i32 to index
      %swap3A_508 = arith.index_cast %swap3A_506 : i32 to index
      %swap3A_509 = arith.index_cast %mul3A_106 : i32 to index
      %swap3A_510 = tpu.vector_load %arg7[%swap3A_507, %swap3A_508, %swap3A_509] {strides = array<i32>} : memref<2x64x128xf32, #tpu.memory_space<vmem>>, vector<16xf32>,
      tpu.vector_store %arg7[%swap3A_507, %swap3A_508, %swap3A_509], %bitcast3A_423 {strides = array<i32>} : memref<2x64x128xf32, #tpu.memory_space<vmem>>, vector<16xf32>,
      %swap3A_511 = arith.constant 1 : i32
      %swap3A_512 = arith.constant 37 : i32
      %swap3A_513 = arith.index_cast %swap3A_511 : i32 to index
      %swap3A_514 = arith.index_cast %swap3A_512 : i32 to index
      %swap3A_515 = arith.index_cast %mul3A_106 : i32 to index
      %swap3A_516 = tpu.vector_load %arg7[%swap3A_513, %swap3A_514, %swap3A_515] {strides = array<i32>} : memref<2x64x128xf32, #tpu.memory_space<vmem>>, vector<16xf32>,
      tpu.vector_store %arg7[%swap3A_513, %swap3A_514, %swap3A_515], %bitcast3A_424 {strides = array<i32>} : memref<2x64x128xf32, #tpu.memory_space<vmem>>, vector<16xf32>,
      %gather3A_517 = arith.constant 23552 : i32
      %gather3A_518 = tpu.memref_slice %arg6[%gather3A_517] : memref<32768xi32, #tpu.memory_space<vmem>> -> memref<1024xi32, #tpu.memory_space<vmem>>
      %gather3A_519 = tpu.vector_load_idx %gather3A_518[%or3A] : memref<1024xi32, #tpu.memory_space<vmem>>[vector<16xi32>], vector<16xi32>,
      %shift_left3A_520 = arith.constant 16 : i32
      %shift_left3A_521 = vector.broadcast %shift_left3A_520 : i32 to vector<16xi32>
      %shift_left3A_522 = arith.shli %gather3A_519, %shift_left3A_521 : vector<16xi32>
      %bitcast3A_523 = vector.bitcast %shift_left3A_522 : vector<16xi32> to vector<16xf32>
      %bitcast3A_524 = vector.bitcast %gather3A_519 : vector<16xi32> to vector<16xf32>
      %swap3A_525 = arith.constant 1 : i32
      %swap3A_526 = arith.constant 38 : i32
      %swap3A_527 = arith.index_cast %swap3A_525 : i32 to index
      %swap3A_528 = arith.index_cast %swap3A_526 : i32 to index
      %swap3A_529 = arith.index_cast %mul3A_106 : i32 to index
      %swap3A_530 = tpu.vector_load %arg7[%swap3A_527, %swap3A_528, %swap3A_529] {strides = array<i32>} : memref<2x64x128xf32, #tpu.memory_space<vmem>>, vector<16xf32>,
      tpu.vector_store %arg7[%swap3A_527, %swap3A_528, %swap3A_529], %bitcast3A_443 {strides = array<i32>} : memref<2x64x128xf32, #tpu.memory_space<vmem>>, vector<16xf32>,
      %swap3A_531 = arith.constant 1 : i32
      %swap3A_532 = arith.constant 39 : i32
      %swap3A_533 = arith.index_cast %swap3A_531 : i32 to index
      %swap3A_534 = arith.index_cast %swap3A_532 : i32 to index
      %swap3A_535 = arith.index_cast %mul3A_106 : i32 to index
      %swap3A_536 = tpu.vector_load %arg7[%swap3A_533, %swap3A_534, %swap3A_535] {strides = array<i32>} : memref<2x64x128xf32, #tpu.memory_space<vmem>>, vector<16xf32>,
      tpu.vector_store %arg7[%swap3A_533, %swap3A_534, %swap3A_535], %bitcast3A_444 {strides = array<i32>} : memref<2x64x128xf32, #tpu.memory_space<vmem>>, vector<16xf32>,
      %gather3A_537 = arith.constant 24576 : i32
      %gather3A_538 = tpu.memref_slice %arg6[%gather3A_537] : memref<32768xi32, #tpu.memory_space<vmem>> -> memref<1024xi32, #tpu.memory_space<vmem>>
      %gather3A_539 = tpu.vector_load_idx %gather3A_538[%or3A] : memref<1024xi32, #tpu.memory_space<vmem>>[vector<16xi32>], vector<16xi32>,
      %shift_left3A_540 = arith.constant 16 : i32
      %shift_left3A_541 = vector.broadcast %shift_left3A_540 : i32 to vector<16xi32>
      %shift_left3A_542 = arith.shli %gather3A_539, %shift_left3A_541 : vector<16xi32>
      %bitcast3A_543 = vector.bitcast %shift_left3A_542 : vector<16xi32> to vector<16xf32>
      %bitcast3A_544 = vector.bitcast %gather3A_539 : vector<16xi32> to vector<16xf32>
      %swap3A_545 = arith.constant 1 : i32
      %swap3A_546 = arith.constant 40 : i32
      %swap3A_547 = arith.index_cast %swap3A_545 : i32 to index
      %swap3A_548 = arith.index_cast %swap3A_546 : i32 to index
      %swap3A_549 = arith.index_cast %mul3A_106 : i32 to index
      %swap3A_550 = tpu.vector_load %arg7[%swap3A_547, %swap3A_548, %swap3A_549] {strides = array<i32>} : memref<2x64x128xf32, #tpu.memory_space<vmem>>, vector<16xf32>,
      tpu.vector_store %arg7[%swap3A_547, %swap3A_548, %swap3A_549], %bitcast3A_463 {strides = array<i32>} : memref<2x64x128xf32, #tpu.memory_space<vmem>>, vector<16xf32>,
      %swap3A_551 = arith.constant 1 : i32
      %swap3A_552 = arith.constant 41 : i32
      %swap3A_553 = arith.index_cast %swap3A_551 : i32 to index
      %swap3A_554 = arith.index_cast %swap3A_552 : i32 to index
      %swap3A_555 = arith.index_cast %mul3A_106 : i32 to index
      %swap3A_556 = tpu.vector_load %arg7[%swap3A_553, %swap3A_554, %swap3A_555] {strides = array<i32>} : memref<2x64x128xf32, #tpu.memory_space<vmem>>, vector<16xf32>,
      tpu.vector_store %arg7[%swap3A_553, %swap3A_554, %swap3A_555], %bitcast3A_464 {strides = array<i32>} : memref<2x64x128xf32, #tpu.memory_space<vmem>>, vector<16xf32>,
      %gather3A_557 = arith.constant 25600 : i32
      %gather3A_558 = tpu.memref_slice %arg6[%gather3A_557] : memref<32768xi32, #tpu.memory_space<vmem>> -> memref<1024xi32, #tpu.memory_space<vmem>>
      %gather3A_559 = tpu.vector_load_idx %gather3A_558[%or3A] : memref<1024xi32, #tpu.memory_space<vmem>>[vector<16xi32>], vector<16xi32>,
      %shift_left3A_560 = arith.constant 16 : i32
      %shift_left3A_561 = vector.broadcast %shift_left3A_560 : i32 to vector<16xi32>
      %shift_left3A_562 = arith.shli %gather3A_559, %shift_left3A_561 : vector<16xi32>
      %bitcast3A_563 = vector.bitcast %shift_left3A_562 : vector<16xi32> to vector<16xf32>
      %bitcast3A_564 = vector.bitcast %gather3A_559 : vector<16xi32> to vector<16xf32>
      %swap3A_565 = arith.constant 1 : i32
      %swap3A_566 = arith.constant 42 : i32
      %swap3A_567 = arith.index_cast %swap3A_565 : i32 to index
      %swap3A_568 = arith.index_cast %swap3A_566 : i32 to index
      %swap3A_569 = arith.index_cast %mul3A_106 : i32 to index
      %swap3A_570 = tpu.vector_load %arg7[%swap3A_567, %swap3A_568, %swap3A_569] {strides = array<i32>} : memref<2x64x128xf32, #tpu.memory_space<vmem>>, vector<16xf32>,
      tpu.vector_store %arg7[%swap3A_567, %swap3A_568, %swap3A_569], %bitcast3A_483 {strides = array<i32>} : memref<2x64x128xf32, #tpu.memory_space<vmem>>, vector<16xf32>,
      %swap3A_571 = arith.constant 1 : i32
      %swap3A_572 = arith.constant 43 : i32
      %swap3A_573 = arith.index_cast %swap3A_571 : i32 to index
      %swap3A_574 = arith.index_cast %swap3A_572 : i32 to index
      %swap3A_575 = arith.index_cast %mul3A_106 : i32 to index
      %swap3A_576 = tpu.vector_load %arg7[%swap3A_573, %swap3A_574, %swap3A_575] {strides = array<i32>} : memref<2x64x128xf32, #tpu.memory_space<vmem>>, vector<16xf32>,
      tpu.vector_store %arg7[%swap3A_573, %swap3A_574, %swap3A_575], %bitcast3A_484 {strides = array<i32>} : memref<2x64x128xf32, #tpu.memory_space<vmem>>, vector<16xf32>,
      %gather3A_577 = arith.constant 26624 : i32
      %gather3A_578 = tpu.memref_slice %arg6[%gather3A_577] : memref<32768xi32, #tpu.memory_space<vmem>> -> memref<1024xi32, #tpu.memory_space<vmem>>
      %gather3A_579 = tpu.vector_load_idx %gather3A_578[%or3A] : memref<1024xi32, #tpu.memory_space<vmem>>[vector<16xi32>], vector<16xi32>,
      %shift_left3A_580 = arith.constant 16 : i32
      %shift_left3A_581 = vector.broadcast %shift_left3A_580 : i32 to vector<16xi32>
      %shift_left3A_582 = arith.shli %gather3A_579, %shift_left3A_581 : vector<16xi32>
      %bitcast3A_583 = vector.bitcast %shift_left3A_582 : vector<16xi32> to vector<16xf32>
      %bitcast3A_584 = vector.bitcast %gather3A_579 : vector<16xi32> to vector<16xf32>
      %swap3A_585 = arith.constant 1 : i32
      %swap3A_586 = arith.constant 44 : i32
      %swap3A_587 = arith.index_cast %swap3A_585 : i32 to index
      %swap3A_588 = arith.index_cast %swap3A_586 : i32 to index
      %swap3A_589 = arith.index_cast %mul3A_106 : i32 to index
      %swap3A_590 = tpu.vector_load %arg7[%swap3A_587, %swap3A_588, %swap3A_589] {strides = array<i32>} : memref<2x64x128xf32, #tpu.memory_space<vmem>>, vector<16xf32>,
      tpu.vector_store %arg7[%swap3A_587, %swap3A_588, %swap3A_589], %bitcast3A_503 {strides = array<i32>} : memref<2x64x128xf32, #tpu.memory_space<vmem>>, vector<16xf32>,
      %swap3A_591 = arith.constant 1 : i32
      %swap3A_592 = arith.constant 45 : i32
      %swap3A_593 = arith.index_cast %swap3A_591 : i32 to index
      %swap3A_594 = arith.index_cast %swap3A_592 : i32 to index
      %swap3A_595 = arith.index_cast %mul3A_106 : i32 to index
      %swap3A_596 = tpu.vector_load %arg7[%swap3A_593, %swap3A_594, %swap3A_595] {strides = array<i32>} : memref<2x64x128xf32, #tpu.memory_space<vmem>>, vector<16xf32>,
      tpu.vector_store %arg7[%swap3A_593, %swap3A_594, %swap3A_595], %bitcast3A_504 {strides = array<i32>} : memref<2x64x128xf32, #tpu.memory_space<vmem>>, vector<16xf32>,
      %gather3A_597 = arith.constant 27648 : i32
      %gather3A_598 = tpu.memref_slice %arg6[%gather3A_597] : memref<32768xi32, #tpu.memory_space<vmem>> -> memref<1024xi32, #tpu.memory_space<vmem>>
      %gather3A_599 = tpu.vector_load_idx %gather3A_598[%or3A] : memref<1024xi32, #tpu.memory_space<vmem>>[vector<16xi32>], vector<16xi32>,
      %shift_left3A_600 = arith.constant 16 : i32
      %shift_left3A_601 = vector.broadcast %shift_left3A_600 : i32 to vector<16xi32>
      %shift_left3A_602 = arith.shli %gather3A_599, %shift_left3A_601 : vector<16xi32>
      %bitcast3A_603 = vector.bitcast %shift_left3A_602 : vector<16xi32> to vector<16xf32>
      %bitcast3A_604 = vector.bitcast %gather3A_599 : vector<16xi32> to vector<16xf32>
      %swap3A_605 = arith.constant 1 : i32
      %swap3A_606 = arith.constant 46 : i32
      %swap3A_607 = arith.index_cast %swap3A_605 : i32 to index
      %swap3A_608 = arith.index_cast %swap3A_606 : i32 to index
      %swap3A_609 = arith.index_cast %mul3A_106 : i32 to index
      %swap3A_610 = tpu.vector_load %arg7[%swap3A_607, %swap3A_608, %swap3A_609] {strides = array<i32>} : memref<2x64x128xf32, #tpu.memory_space<vmem>>, vector<16xf32>,
      tpu.vector_store %arg7[%swap3A_607, %swap3A_608, %swap3A_609], %bitcast3A_523 {strides = array<i32>} : memref<2x64x128xf32, #tpu.memory_space<vmem>>, vector<16xf32>,
      %swap3A_611 = arith.constant 1 : i32
      %swap3A_612 = arith.constant 47 : i32
      %swap3A_613 = arith.index_cast %swap3A_611 : i32 to index
      %swap3A_614 = arith.index_cast %swap3A_612 : i32 to index
      %swap3A_615 = arith.index_cast %mul3A_106 : i32 to index
      %swap3A_616 = tpu.vector_load %arg7[%swap3A_613, %swap3A_614, %swap3A_615] {strides = array<i32>} : memref<2x64x128xf32, #tpu.memory_space<vmem>>, vector<16xf32>,
      tpu.vector_store %arg7[%swap3A_613, %swap3A_614, %swap3A_615], %bitcast3A_524 {strides = array<i32>} : memref<2x64x128xf32, #tpu.memory_space<vmem>>, vector<16xf32>,
      %gather3A_617 = arith.constant 28672 : i32
      %gather3A_618 = tpu.memref_slice %arg6[%gather3A_617] : memref<32768xi32, #tpu.memory_space<vmem>> -> memref<1024xi32, #tpu.memory_space<vmem>>
      %gather3A_619 = tpu.vector_load_idx %gather3A_618[%or3A] : memref<1024xi32, #tpu.memory_space<vmem>>[vector<16xi32>], vector<16xi32>,
      %shift_left3A_620 = arith.constant 16 : i32
      %shift_left3A_621 = vector.broadcast %shift_left3A_620 : i32 to vector<16xi32>
      %shift_left3A_622 = arith.shli %gather3A_619, %shift_left3A_621 : vector<16xi32>
      %bitcast3A_623 = vector.bitcast %shift_left3A_622 : vector<16xi32> to vector<16xf32>
      %bitcast3A_624 = vector.bitcast %gather3A_619 : vector<16xi32> to vector<16xf32>
      %swap3A_625 = arith.constant 1 : i32
      %swap3A_626 = arith.constant 48 : i32
      %swap3A_627 = arith.index_cast %swap3A_625 : i32 to index
      %swap3A_628 = arith.index_cast %swap3A_626 : i32 to index
      %swap3A_629 = arith.index_cast %mul3A_106 : i32 to index
      %swap3A_630 = tpu.vector_load %arg7[%swap3A_627, %swap3A_628, %swap3A_629] {strides = array<i32>} : memref<2x64x128xf32, #tpu.memory_space<vmem>>, vector<16xf32>,
      tpu.vector_store %arg7[%swap3A_627, %swap3A_628, %swap3A_629], %bitcast3A_543 {strides = array<i32>} : memref<2x64x128xf32, #tpu.memory_space<vmem>>, vector<16xf32>,
      %swap3A_631 = arith.constant 1 : i32
      %swap3A_632 = arith.constant 49 : i32
      %swap3A_633 = arith.index_cast %swap3A_631 : i32 to index
      %swap3A_634 = arith.index_cast %swap3A_632 : i32 to index
      %swap3A_635 = arith.index_cast %mul3A_106 : i32 to index
      %swap3A_636 = tpu.vector_load %arg7[%swap3A_633, %swap3A_634, %swap3A_635] {strides = array<i32>} : memref<2x64x128xf32, #tpu.memory_space<vmem>>, vector<16xf32>,
      tpu.vector_store %arg7[%swap3A_633, %swap3A_634, %swap3A_635], %bitcast3A_544 {strides = array<i32>} : memref<2x64x128xf32, #tpu.memory_space<vmem>>, vector<16xf32>,
      %gather3A_637 = arith.constant 29696 : i32
      %gather3A_638 = tpu.memref_slice %arg6[%gather3A_637] : memref<32768xi32, #tpu.memory_space<vmem>> -> memref<1024xi32, #tpu.memory_space<vmem>>
      %gather3A_639 = tpu.vector_load_idx %gather3A_638[%or3A] : memref<1024xi32, #tpu.memory_space<vmem>>[vector<16xi32>], vector<16xi32>,
      %shift_left3A_640 = arith.constant 16 : i32
      %shift_left3A_641 = vector.broadcast %shift_left3A_640 : i32 to vector<16xi32>
      %shift_left3A_642 = arith.shli %gather3A_639, %shift_left3A_641 : vector<16xi32>
      %bitcast3A_643 = vector.bitcast %shift_left3A_642 : vector<16xi32> to vector<16xf32>
      %bitcast3A_644 = vector.bitcast %gather3A_639 : vector<16xi32> to vector<16xf32>
      %swap3A_645 = arith.constant 1 : i32
      %swap3A_646 = arith.constant 50 : i32
      %swap3A_647 = arith.index_cast %swap3A_645 : i32 to index
      %swap3A_648 = arith.index_cast %swap3A_646 : i32 to index
      %swap3A_649 = arith.index_cast %mul3A_106 : i32 to index
      %swap3A_650 = tpu.vector_load %arg7[%swap3A_647, %swap3A_648, %swap3A_649] {strides = array<i32>} : memref<2x64x128xf32, #tpu.memory_space<vmem>>, vector<16xf32>,
      tpu.vector_store %arg7[%swap3A_647, %swap3A_648, %swap3A_649], %bitcast3A_563 {strides = array<i32>} : memref<2x64x128xf32, #tpu.memory_space<vmem>>, vector<16xf32>,
      %swap3A_651 = arith.constant 1 : i32
      %swap3A_652 = arith.constant 51 : i32
      %swap3A_653 = arith.index_cast %swap3A_651 : i32 to index
      %swap3A_654 = arith.index_cast %swap3A_652 : i32 to index
      %swap3A_655 = arith.index_cast %mul3A_106 : i32 to index
      %swap3A_656 = tpu.vector_load %arg7[%swap3A_653, %swap3A_654, %swap3A_655] {strides = array<i32>} : memref<2x64x128xf32, #tpu.memory_space<vmem>>, vector<16xf32>,
      tpu.vector_store %arg7[%swap3A_653, %swap3A_654, %swap3A_655], %bitcast3A_564 {strides = array<i32>} : memref<2x64x128xf32, #tpu.memory_space<vmem>>, vector<16xf32>,
      %gather3A_657 = arith.constant 30720 : i32
      %gather3A_658 = tpu.memref_slice %arg6[%gather3A_657] : memref<32768xi32, #tpu.memory_space<vmem>> -> memref<1024xi32, #tpu.memory_space<vmem>>
      %gather3A_659 = tpu.vector_load_idx %gather3A_658[%or3A] : memref<1024xi32, #tpu.memory_space<vmem>>[vector<16xi32>], vector<16xi32>,
      %shift_left3A_660 = arith.constant 16 : i32
      %shift_left3A_661 = vector.broadcast %shift_left3A_660 : i32 to vector<16xi32>
      %shift_left3A_662 = arith.shli %gather3A_659, %shift_left3A_661 : vector<16xi32>
      %bitcast3A_663 = vector.bitcast %shift_left3A_662 : vector<16xi32> to vector<16xf32>
      %bitcast3A_664 = vector.bitcast %gather3A_659 : vector<16xi32> to vector<16xf32>
      %swap3A_665 = arith.constant 1 : i32
      %swap3A_666 = arith.constant 52 : i32
      %swap3A_667 = arith.index_cast %swap3A_665 : i32 to index
      %swap3A_668 = arith.index_cast %swap3A_666 : i32 to index
      %swap3A_669 = arith.index_cast %mul3A_106 : i32 to index
      %swap3A_670 = tpu.vector_load %arg7[%swap3A_667, %swap3A_668, %swap3A_669] {strides = array<i32>} : memref<2x64x128xf32, #tpu.memory_space<vmem>>, vector<16xf32>,
      tpu.vector_store %arg7[%swap3A_667, %swap3A_668, %swap3A_669], %bitcast3A_583 {strides = array<i32>} : memref<2x64x128xf32, #tpu.memory_space<vmem>>, vector<16xf32>,
      %swap3A_671 = arith.constant 1 : i32
      %swap3A_672 = arith.constant 53 : i32
      %swap3A_673 = arith.index_cast %swap3A_671 : i32 to index
      %swap3A_674 = arith.index_cast %swap3A_672 : i32 to index
      %swap3A_675 = arith.index_cast %mul3A_106 : i32 to index
      %swap3A_676 = tpu.vector_load %arg7[%swap3A_673, %swap3A_674, %swap3A_675] {strides = array<i32>} : memref<2x64x128xf32, #tpu.memory_space<vmem>>, vector<16xf32>,
      tpu.vector_store %arg7[%swap3A_673, %swap3A_674, %swap3A_675], %bitcast3A_584 {strides = array<i32>} : memref<2x64x128xf32, #tpu.memory_space<vmem>>, vector<16xf32>,
      %gather3A_677 = arith.constant 31744 : i32
      %gather3A_678 = tpu.memref_slice %arg6[%gather3A_677] : memref<32768xi32, #tpu.memory_space<vmem>> -> memref<1024xi32, #tpu.memory_space<vmem>>
      %gather3A_679 = tpu.vector_load_idx %gather3A_678[%or3A] : memref<1024xi32, #tpu.memory_space<vmem>>[vector<16xi32>], vector<16xi32>,
      %shift_left3A_680 = arith.constant 16 : i32
      %shift_left3A_681 = vector.broadcast %shift_left3A_680 : i32 to vector<16xi32>
      %shift_left3A_682 = arith.shli %gather3A_679, %shift_left3A_681 : vector<16xi32>
      %bitcast3A_683 = vector.bitcast %shift_left3A_682 : vector<16xi32> to vector<16xf32>
      %bitcast3A_684 = vector.bitcast %gather3A_679 : vector<16xi32> to vector<16xf32>
      %swap3A_685 = arith.constant 1 : i32
      %swap3A_686 = arith.constant 54 : i32
      %swap3A_687 = arith.index_cast %swap3A_685 : i32 to index
      %swap3A_688 = arith.index_cast %swap3A_686 : i32 to index
      %swap3A_689 = arith.index_cast %mul3A_106 : i32 to index
      %swap3A_690 = tpu.vector_load %arg7[%swap3A_687, %swap3A_688, %swap3A_689] {strides = array<i32>} : memref<2x64x128xf32, #tpu.memory_space<vmem>>, vector<16xf32>,
      tpu.vector_store %arg7[%swap3A_687, %swap3A_688, %swap3A_689], %bitcast3A_603 {strides = array<i32>} : memref<2x64x128xf32, #tpu.memory_space<vmem>>, vector<16xf32>,
      %swap3A_691 = arith.constant 1 : i32
      %swap3A_692 = arith.constant 55 : i32
      %swap3A_693 = arith.index_cast %swap3A_691 : i32 to index
      %swap3A_694 = arith.index_cast %swap3A_692 : i32 to index
      %swap3A_695 = arith.index_cast %mul3A_106 : i32 to index
      %swap3A_696 = tpu.vector_load %arg7[%swap3A_693, %swap3A_694, %swap3A_695] {strides = array<i32>} : memref<2x64x128xf32, #tpu.memory_space<vmem>>, vector<16xf32>,
      tpu.vector_store %arg7[%swap3A_693, %swap3A_694, %swap3A_695], %bitcast3A_604 {strides = array<i32>} : memref<2x64x128xf32, #tpu.memory_space<vmem>>, vector<16xf32>,
      %swap3A_697 = arith.constant 1 : i32
      %swap3A_698 = arith.constant 56 : i32
      %swap3A_699 = arith.index_cast %swap3A_697 : i32 to index
      %swap3A_700 = arith.index_cast %swap3A_698 : i32 to index
      %swap3A_701 = arith.index_cast %mul3A_106 : i32 to index
      %swap3A_702 = tpu.vector_load %arg7[%swap3A_699, %swap3A_700, %swap3A_701] {strides = array<i32>} : memref<2x64x128xf32, #tpu.memory_space<vmem>>, vector<16xf32>,
      tpu.vector_store %arg7[%swap3A_699, %swap3A_700, %swap3A_701], %bitcast3A_623 {strides = array<i32>} : memref<2x64x128xf32, #tpu.memory_space<vmem>>, vector<16xf32>,
      %swap3A_703 = arith.constant 1 : i32
      %swap3A_704 = arith.constant 57 : i32
      %swap3A_705 = arith.index_cast %swap3A_703 : i32 to index
      %swap3A_706 = arith.index_cast %swap3A_704 : i32 to index
      %swap3A_707 = arith.index_cast %mul3A_106 : i32 to index
      %swap3A_708 = tpu.vector_load %arg7[%swap3A_705, %swap3A_706, %swap3A_707] {strides = array<i32>} : memref<2x64x128xf32, #tpu.memory_space<vmem>>, vector<16xf32>,
      tpu.vector_store %arg7[%swap3A_705, %swap3A_706, %swap3A_707], %bitcast3A_624 {strides = array<i32>} : memref<2x64x128xf32, #tpu.memory_space<vmem>>, vector<16xf32>,
      %swap3A_709 = arith.constant 1 : i32
      %swap3A_710 = arith.constant 58 : i32
      %swap3A_711 = arith.index_cast %swap3A_709 : i32 to index
      %swap3A_712 = arith.index_cast %swap3A_710 : i32 to index
      %swap3A_713 = arith.index_cast %mul3A_106 : i32 to index
      %swap3A_714 = tpu.vector_load %arg7[%swap3A_711, %swap3A_712, %swap3A_713] {strides = array<i32>} : memref<2x64x128xf32, #tpu.memory_space<vmem>>, vector<16xf32>,
      tpu.vector_store %arg7[%swap3A_711, %swap3A_712, %swap3A_713], %bitcast3A_643 {strides = array<i32>} : memref<2x64x128xf32, #tpu.memory_space<vmem>>, vector<16xf32>,
      %swap3A_715 = arith.constant 1 : i32
      %swap3A_716 = arith.constant 59 : i32
      %swap3A_717 = arith.index_cast %swap3A_715 : i32 to index
      %swap3A_718 = arith.index_cast %swap3A_716 : i32 to index
      %swap3A_719 = arith.index_cast %mul3A_106 : i32 to index
      %swap3A_720 = tpu.vector_load %arg7[%swap3A_717, %swap3A_718, %swap3A_719] {strides = array<i32>} : memref<2x64x128xf32, #tpu.memory_space<vmem>>, vector<16xf32>,
      tpu.vector_store %arg7[%swap3A_717, %swap3A_718, %swap3A_719], %bitcast3A_644 {strides = array<i32>} : memref<2x64x128xf32, #tpu.memory_space<vmem>>, vector<16xf32>,
      %swap3A_721 = arith.constant 1 : i32
      %swap3A_722 = arith.constant 60 : i32
      %swap3A_723 = arith.index_cast %swap3A_721 : i32 to index
      %swap3A_724 = arith.index_cast %swap3A_722 : i32 to index
      %swap3A_725 = arith.index_cast %mul3A_106 : i32 to index
      %swap3A_726 = tpu.vector_load %arg7[%swap3A_723, %swap3A_724, %swap3A_725] {strides = array<i32>} : memref<2x64x128xf32, #tpu.memory_space<vmem>>, vector<16xf32>,
      tpu.vector_store %arg7[%swap3A_723, %swap3A_724, %swap3A_725], %bitcast3A_663 {strides = array<i32>} : memref<2x64x128xf32, #tpu.memory_space<vmem>>, vector<16xf32>,
      %swap3A_727 = arith.constant 1 : i32
      %swap3A_728 = arith.constant 61 : i32
      %swap3A_729 = arith.index_cast %swap3A_727 : i32 to index
      %swap3A_730 = arith.index_cast %swap3A_728 : i32 to index
      %swap3A_731 = arith.index_cast %mul3A_106 : i32 to index
      %swap3A_732 = tpu.vector_load %arg7[%swap3A_729, %swap3A_730, %swap3A_731] {strides = array<i32>} : memref<2x64x128xf32, #tpu.memory_space<vmem>>, vector<16xf32>,
      tpu.vector_store %arg7[%swap3A_729, %swap3A_730, %swap3A_731], %bitcast3A_664 {strides = array<i32>} : memref<2x64x128xf32, #tpu.memory_space<vmem>>, vector<16xf32>,
      %swap3A_733 = arith.constant 1 : i32
      %swap3A_734 = arith.constant 62 : i32
      %swap3A_735 = arith.index_cast %swap3A_733 : i32 to index
      %swap3A_736 = arith.index_cast %swap3A_734 : i32 to index
      %swap3A_737 = arith.index_cast %mul3A_106 : i32 to index
      %swap3A_738 = tpu.vector_load %arg7[%swap3A_735, %swap3A_736, %swap3A_737] {strides = array<i32>} : memref<2x64x128xf32, #tpu.memory_space<vmem>>, vector<16xf32>,
      tpu.vector_store %arg7[%swap3A_735, %swap3A_736, %swap3A_737], %bitcast3A_683 {strides = array<i32>} : memref<2x64x128xf32, #tpu.memory_space<vmem>>, vector<16xf32>,
      %swap3A_739 = arith.constant 1 : i32
      %swap3A_740 = arith.constant 63 : i32
      %swap3A_741 = arith.index_cast %swap3A_739 : i32 to index
      %swap3A_742 = arith.index_cast %swap3A_740 : i32 to index
      %swap3A_743 = arith.index_cast %mul3A_106 : i32 to index
      %swap3A_744 = tpu.vector_load %arg7[%swap3A_741, %swap3A_742, %swap3A_743] {strides = array<i32>} : memref<2x64x128xf32, #tpu.memory_space<vmem>>, vector<16xf32>,
      tpu.vector_store %arg7[%swap3A_741, %swap3A_742, %swap3A_743], %bitcast3A_684 {strides = array<i32>} : memref<2x64x128xf32, #tpu.memory_space<vmem>>, vector<16xf32>,
    }
    %scan3A_31 = arith.constant 8 : i32
    %add3A_32 = arith.constant 128 : i32
    %add3A_33 = arith.addi %mul3A_2, %add3A_32 : i32
    %dma_start3A_34 = arith.constant 1 : i32
    %dma_start3A_35 = arith.constant 0 : i32
    %dma_start3A_36 = arith.constant 0 : i32
    %dma_start3A_37 = arith.constant 0 : i32
    %dma_start3A_38 = tpu.memref_slice %arg7[%dma_start3A_34, %dma_start3A_36, %dma_start3A_37] : memref<2x64x128xf32, #tpu.memory_space<vmem>> -> memref<1x64x128xf32, #tpu.memory_space<vmem>>
    %dma_start3A_39 = tpu.memref_squeeze %dma_start3A_38 : memref<1x64x128xf32, #tpu.memory_space<vmem>> -> memref<64x128xf32, #tpu.memory_space<vmem>>
    %dma_start3A_40 = arith.constant 0 : i32
    %dma_start3A_41 = tpu.memref_slice %arg4[%dma_start3A_35, %dma_start3A_40, %add3A_33] : memref<50x64x16384xf32, #tpu.memory_space<hbm>> -> memref<1x64x128xf32, #tpu.memory_space<hbm>>
    %dma_start3A_42 = tpu.memref_squeeze %dma_start3A_41 : memref<1x64x128xf32, #tpu.memory_space<hbm>> -> memref<64x128xf32, #tpu.memory_space<hbm>>
    %dma_start3A_43 = arith.constant 0 : i32
    %dma_start3A_44 = tpu.memref_slice %arg4[%dma_start3A_35, %dma_start3A_43, %add3A_33] : memref<50x64x16384xf32, #tpu.memory_space<hbm>> -> memref<1x64x128xf32, #tpu.memory_space<hbm>>
    %dma_start3A_45 = tpu.memref_squeeze %dma_start3A_44 : memref<1x64x128xf32, #tpu.memory_space<hbm>> -> memref<64x128xf32, #tpu.memory_space<hbm>>
    %dma_start3A_46 = arith.constant 0 : i32
    %dma_start3A_47 = arith.constant 0 : i32
    %dma_start3A_48 = tpu.memref_slice %arg7[%dma_start3A_34, %dma_start3A_46, %dma_start3A_47] : memref<2x64x128xf32, #tpu.memory_space<vmem>> -> memref<1x64x128xf32, #tpu.memory_space<vmem>>
    %dma_start3A_49 = tpu.memref_squeeze %dma_start3A_48 : memref<1x64x128xf32, #tpu.memory_space<vmem>> -> memref<64x128xf32, #tpu.memory_space<vmem>>
    tpu.enqueue_dma source(%dma_start3A_49 : memref<64x128xf32, #tpu.memory_space<vmem>>) target(%dma_start3A_45 : memref<64x128xf32, #tpu.memory_space<hbm>>) target_semaphore(%arg9 : memref<!tpu.dma_semaphore, #tpu.memory_space<semaphore_mem>>)
    %scan3A_50 = arith.constant 0 : i32
    %scan3A_51 = arith.constant 99 : i32
    %scan3A_52 = arith.addi %scan3A_50, %scan3A_51 : i32
    %scan3A_53 = arith.constant 1 : i32
    scf.for %scan3A_90 = %scan3A_50 to %scan3A_52 step %scan3A_53  : i32 {
      %mul3A_91 = arith.constant 2 : i32
      %mul3A_92 = arith.muli %scan3A_90, %mul3A_91 : i32
      %add3A_93 = arith.constant 2 : i32
      %add3A_94 = arith.addi %add3A_93, %mul3A_92 : i32
      %add3A_95 = arith.constant 0 : i32
      %add3A_96 = arith.addi %add3A_94, %add3A_95 : i32
      %sub3A = arith.constant 2 : i32
      %sub3A_97 = arith.subi %add3A_96, %sub3A : i32
      %jit3A = arith.constant 4 : i32
      %div3A = arith.divsi %sub3A_97, %jit3A : i32
      %sign3A = arith.constant 0 : i32
      %sign3A_98 = arith.cmpi sgt, %sub3A_97, %sign3A : i32
      %sign3A_99 = arith.extui %sign3A_98 : i1 to i32
      %sign3A_100 = arith.constant 0 : i32
      %sign3A_101 = arith.cmpi slt, %sub3A_97, %sign3A_100 : i32
      %sign3A_102 = arith.extui %sign3A_101 : i1 to i32
      %sign3A_103 = arith.subi %sign3A_99, %sign3A_102 : i32
      %sign3A_104 = arith.constant 0 : i32
      %sign3A_105 = arith.cmpi sgt, %jit3A, %sign3A_104 : i32
      %sign3A_106 = arith.extui %sign3A_105 : i1 to i32
      %sign3A_107 = arith.constant 0 : i32
      %sign3A_108 = arith.cmpi slt, %jit3A, %sign3A_107 : i32
      %sign3A_109 = arith.extui %sign3A_108 : i1 to i32
      %sign3A_110 = arith.subi %sign3A_106, %sign3A_109 : i32
      %ne3A = arith.cmpi ne, %sign3A_103, %sign3A_110 : i32
      %rem3A = arith.remsi %sub3A_97, %jit3A : i32
      %ne3A_111 = arith.constant 0 : i32
      %ne3A_112 = arith.cmpi ne, %rem3A, %ne3A_111 : i32
      %and3A_113 = arith.andi %ne3A, %ne3A_112 : i1
      %sub3A_114 = arith.constant 1 : i32
      %sub3A_115 = arith.subi %div3A, %sub3A_114 : i32
      %select_n3A = arith.select %and3A_113, %sub3A_115, %div3A : i32
      %jit3A_116 = arith.constant 4 : i32
      %eq3A = arith.constant 0 : i32
      %eq3A_117 = arith.cmpi eq, %jit3A_116, %eq3A : i32
      %jit3A_118 = arith.constant 1 : i32
      %select_n3A_119 = arith.select %eq3A_117, %jit3A_118, %jit3A_116 : i32
      %rem3A_120 = arith.remsi %sub3A_97, %select_n3A_119 : i32
      %ne3A_121 = arith.constant 0 : i32
      %ne3A_122 = arith.cmpi ne, %rem3A_120, %ne3A_121 : i32
      %lt3A = arith.constant 0 : i32
      %lt3A_123 = arith.cmpi slt, %rem3A_120, %lt3A : i32
      %lt3A_124 = arith.constant 0 : i32
      %lt3A_125 = arith.cmpi slt, %select_n3A_119, %lt3A_124 : i32
      %ne3A_126 = arith.xori %lt3A_123, %lt3A_125 : i1
      %and3A_127 = arith.andi %ne3A_126, %ne3A_122 : i1
      %add3A_128 = arith.addi %rem3A_120, %select_n3A_119 : i32
      %select_n3A_129 = arith.select %and3A_127, %add3A_128, %rem3A_120 : i32
      %mul3A_130 = arith.constant 128 : i32
      %mul3A_131 = arith.muli %select_n3A_129, %mul3A_130 : i32
      %add3A_132 = arith.addi %mul3A_2, %mul3A_131 : i32
      %dma_wait3A_133 = arith.constant 0 : i32
      %dma_wait3A_134 = arith.constant 0 : i32
      %dma_wait3A_135 = arith.constant 0 : i32
      %dma_wait3A_136 = tpu.memref_slice %arg7[%dma_wait3A_133, %dma_wait3A_134, %dma_wait3A_135] : memref<2x64x128xf32, #tpu.memory_space<vmem>> -> memref<1x64x128xf32, #tpu.memory_space<vmem>>
      %dma_wait3A_137 = tpu.memref_squeeze %dma_wait3A_136 : memref<1x64x128xf32, #tpu.memory_space<vmem>> -> memref<64x128xf32, #tpu.memory_space<vmem>>
      %dma_wait3A_138 = arith.constant 0 : i32
      %dma_wait3A_139 = tpu.memref_slice %arg4[%select_n3A, %dma_wait3A_138, %add3A_132] : memref<50x64x16384xf32, #tpu.memory_space<hbm>> -> memref<1x64x128xf32, #tpu.memory_space<hbm>>
      %dma_wait3A_140 = tpu.memref_squeeze %dma_wait3A_139 : memref<1x64x128xf32, #tpu.memory_space<hbm>> -> memref<64x128xf32, #tpu.memory_space<hbm>>
      %dma_wait3A_141 = arith.constant 0 : i32
      %dma_wait3A_142 = tpu.memref_slice %arg4[%select_n3A, %dma_wait3A_141, %add3A_132] : memref<50x64x16384xf32, #tpu.memory_space<hbm>> -> memref<1x64x128xf32, #tpu.memory_space<hbm>>
      %dma_wait3A_143 = tpu.memref_squeeze %dma_wait3A_142 : memref<1x64x128xf32, #tpu.memory_space<hbm>> -> memref<64x128xf32, #tpu.memory_space<hbm>>
      %dma_wait3A_144 = arith.constant 0 : i32
      %dma_wait3A_145 = arith.constant 0 : i32
      %dma_wait3A_146 = tpu.memref_slice %arg7[%dma_wait3A_133, %dma_wait3A_144, %dma_wait3A_145] : memref<2x64x128xf32, #tpu.memory_space<vmem>> -> memref<1x64x128xf32, #tpu.memory_space<vmem>>
      %dma_wait3A_147 = tpu.memref_squeeze %dma_wait3A_146 : memref<1x64x128xf32, #tpu.memory_space<vmem>> -> memref<64x128xf32, #tpu.memory_space<vmem>>
      tpu.wait_dma2 semaphore(%arg8 : memref<!tpu.dma_semaphore, #tpu.memory_space<semaphore_mem>>) src(%dma_wait3A_147 : memref<64x128xf32, #tpu.memory_space<vmem>>) dst(%dma_wait3A_143 : memref<64x128xf32, #tpu.memory_space<hbm>>)
      %jit3A_148 = arith.constant 4 : i32
      %div3A_149 = arith.divsi %add3A_96, %jit3A_148 : i32
      %sign3A_150 = arith.constant 0 : i32
      %sign3A_151 = arith.cmpi sgt, %add3A_96, %sign3A_150 : i32
      %sign3A_152 = arith.extui %sign3A_151 : i1 to i32
      %sign3A_153 = arith.constant 0 : i32
      %sign3A_154 = arith.cmpi slt, %add3A_96, %sign3A_153 : i32
      %sign3A_155 = arith.extui %sign3A_154 : i1 to i32
      %sign3A_156 = arith.subi %sign3A_152, %sign3A_155 : i32
      %sign3A_157 = arith.constant 0 : i32
      %sign3A_158 = arith.cmpi sgt, %jit3A_148, %sign3A_157 : i32
      %sign3A_159 = arith.extui %sign3A_158 : i1 to i32
      %sign3A_160 = arith.constant 0 : i32
      %sign3A_161 = arith.cmpi slt, %jit3A_148, %sign3A_160 : i32
      %sign3A_162 = arith.extui %sign3A_161 : i1 to i32
      %sign3A_163 = arith.subi %sign3A_159, %sign3A_162 : i32
      %ne3A_164 = arith.cmpi ne, %sign3A_156, %sign3A_163 : i32
      %rem3A_165 = arith.remsi %add3A_96, %jit3A_148 : i32
      %ne3A_166 = arith.constant 0 : i32
      %ne3A_167 = arith.cmpi ne, %rem3A_165, %ne3A_166 : i32
      %and3A_168 = arith.andi %ne3A_164, %ne3A_167 : i1
      %sub3A_169 = arith.constant 1 : i32
      %sub3A_170 = arith.subi %div3A_149, %sub3A_169 : i32
      %select_n3A_171 = arith.select %and3A_168, %sub3A_170, %div3A_149 : i32
      %jit3A_172 = arith.constant 4 : i32
      %eq3A_173 = arith.constant 0 : i32
      %eq3A_174 = arith.cmpi eq, %jit3A_172, %eq3A_173 : i32
      %jit3A_175 = arith.constant 1 : i32
      %select_n3A_176 = arith.select %eq3A_174, %jit3A_175, %jit3A_172 : i32
      %rem3A_177 = arith.remsi %add3A_96, %select_n3A_176 : i32
      %ne3A_178 = arith.constant 0 : i32
      %ne3A_179 = arith.cmpi ne, %rem3A_177, %ne3A_178 : i32
      %lt3A_180 = arith.constant 0 : i32
      %lt3A_181 = arith.cmpi slt, %rem3A_177, %lt3A_180 : i32
      %lt3A_182 = arith.constant 0 : i32
      %lt3A_183 = arith.cmpi slt, %select_n3A_176, %lt3A_182 : i32
      %ne3A_184 = arith.xori %lt3A_181, %lt3A_183 : i1
      %and3A_185 = arith.andi %ne3A_184, %ne3A_179 : i1
      %add3A_186 = arith.addi %rem3A_177, %select_n3A_176 : i32
      %select_n3A_187 = arith.select %and3A_185, %add3A_186, %rem3A_177 : i32
      %scan3A_188 = arith.constant 0 : i32
      %scan3A_189 = arith.constant 8 : i32
      %scan3A_190 = arith.addi %scan3A_188, %scan3A_189 : i32
      %scan3A_191 = arith.constant 1 : i32
      scf.for %scan3A_416 = %scan3A_188 to %scan3A_190 step %scan3A_191  : i32 {
        %mul3A_417 = arith.constant 1 : i32
        %mul3A_418 = arith.muli %scan3A_416, %mul3A_417 : i32
        %add3A_419 = arith.constant 0 : i32
        %add3A_420 = arith.addi %add3A_419, %mul3A_418 : i32
        %mul3A_421 = arith.constant 128 : i32
        %mul3A_422 = arith.muli %select_n3A_187, %mul3A_421 : i32
        %mul3A_423 = arith.constant 16 : i32
        %mul3A_424 = arith.muli %add3A_420, %mul3A_423 : i32
        %add3A_425 = arith.addi %mul3A_422, %mul3A_424 : i32
        %add3A_426 = vector.broadcast %add3A_425 : i32 to vector<16xi32>
        %add3A_427 = arith.addi %add3A_426, %iota3A : vector<16xi32>
        %broadcast_in_dim3A_428 = vector.broadcast %select_n3A_171 : i32 to vector<16xi32>
        %gather3A = tpu.vector_load_idx %arg5[%add3A_427, %broadcast_in_dim3A_428] : memref<512x50xi32, #tpu.memory_space<vmem>>[vector<16xi32>, vector<16xi32>], vector<16xi32>,
        %shift_left3A = arith.constant 3 : i32
        %shift_left3A_429 = vector.broadcast %shift_left3A : i32 to vector<16xi32>
        %shift_left3A_430 = arith.shli %gather3A, %shift_left3A_429 : vector<16xi32>
        %or3A = arith.ori %shift_left3A_430, %and3A_4 : vector<16xi32>
        %mul3A_431 = arith.constant 16 : i32
        %mul3A_432 = arith.muli %add3A_420, %mul3A_431 : i32
        %gather3A_433 = arith.constant 0 : i32
        %gather3A_434 = tpu.memref_slice %arg6[%gather3A_433] : memref<32768xi32, #tpu.memory_space<vmem>> -> memref<1024xi32, #tpu.memory_space<vmem>>
        %gather3A_435 = tpu.vector_load_idx %gather3A_434[%or3A] : memref<1024xi32, #tpu.memory_space<vmem>>[vector<16xi32>], vector<16xi32>,
        %shift_left3A_436 = arith.constant 16 : i32
        %shift_left3A_437 = vector.broadcast %shift_left3A_436 : i32 to vector<16xi32>
        %shift_left3A_438 = arith.shli %gather3A_435, %shift_left3A_437 : vector<16xi32>
        %bitcast3A = vector.bitcast %shift_left3A_438 : vector<16xi32> to vector<16xf32>
        %bitcast3A_439 = vector.bitcast %gather3A_435 : vector<16xi32> to vector<16xf32>
        %gather3A_440 = arith.constant 1024 : i32
        %gather3A_441 = tpu.memref_slice %arg6[%gather3A_440] : memref<32768xi32, #tpu.memory_space<vmem>> -> memref<1024xi32, #tpu.memory_space<vmem>>
        %gather3A_442 = tpu.vector_load_idx %gather3A_441[%or3A] : memref<1024xi32, #tpu.memory_space<vmem>>[vector<16xi32>], vector<16xi32>,
        %shift_left3A_443 = arith.constant 16 : i32
        %shift_left3A_444 = vector.broadcast %shift_left3A_443 : i32 to vector<16xi32>
        %shift_left3A_445 = arith.shli %gather3A_442, %shift_left3A_444 : vector<16xi32>
        %bitcast3A_446 = vector.bitcast %shift_left3A_445 : vector<16xi32> to vector<16xf32>
        %bitcast3A_447 = vector.bitcast %gather3A_442 : vector<16xi32> to vector<16xf32>
        %gather3A_448 = arith.constant 2048 : i32
        %gather3A_449 = tpu.memref_slice %arg6[%gather3A_448] : memref<32768xi32, #tpu.memory_space<vmem>> -> memref<1024xi32, #tpu.memory_space<vmem>>
        %gather3A_450 = tpu.vector_load_idx %gather3A_449[%or3A] : memref<1024xi32, #tpu.memory_space<vmem>>[vector<16xi32>], vector<16xi32>,
        %shift_left3A_451 = arith.constant 16 : i32
        %shift_left3A_452 = vector.broadcast %shift_left3A_451 : i32 to vector<16xi32>
        %shift_left3A_453 = arith.shli %gather3A_450, %shift_left3A_452 : vector<16xi32>
        %bitcast3A_454 = vector.bitcast %shift_left3A_453 : vector<16xi32> to vector<16xf32>
        %bitcast3A_455 = vector.bitcast %gather3A_450 : vector<16xi32> to vector<16xf32>
        %gather3A_456 = arith.constant 3072 : i32
        %gather3A_457 = tpu.memref_slice %arg6[%gather3A_456] : memref<32768xi32, #tpu.memory_space<vmem>> -> memref<1024xi32, #tpu.memory_space<vmem>>
        %gather3A_458 = tpu.vector_load_idx %gather3A_457[%or3A] : memref<1024xi32, #tpu.memory_space<vmem>>[vector<16xi32>], vector<16xi32>,
        %shift_left3A_459 = arith.constant 16 : i32
        %shift_left3A_460 = vector.broadcast %shift_left3A_459 : i32 to vector<16xi32>
        %shift_left3A_461 = arith.shli %gather3A_458, %shift_left3A_460 : vector<16xi32>
        %bitcast3A_462 = vector.bitcast %shift_left3A_461 : vector<16xi32> to vector<16xf32>
        %bitcast3A_463 = vector.bitcast %gather3A_458 : vector<16xi32> to vector<16xf32>
        %gather3A_464 = arith.constant 4096 : i32
        %gather3A_465 = tpu.memref_slice %arg6[%gather3A_464] : memref<32768xi32, #tpu.memory_space<vmem>> -> memref<1024xi32, #tpu.memory_space<vmem>>
        %gather3A_466 = tpu.vector_load_idx %gather3A_465[%or3A] : memref<1024xi32, #tpu.memory_space<vmem>>[vector<16xi32>], vector<16xi32>,
        %shift_left3A_467 = arith.constant 16 : i32
        %shift_left3A_468 = vector.broadcast %shift_left3A_467 : i32 to vector<16xi32>
        %shift_left3A_469 = arith.shli %gather3A_466, %shift_left3A_468 : vector<16xi32>
        %bitcast3A_470 = vector.bitcast %shift_left3A_469 : vector<16xi32> to vector<16xf32>
        %bitcast3A_471 = vector.bitcast %gather3A_466 : vector<16xi32> to vector<16xf32>
        %swap3A = arith.constant 0 : i32
        %swap3A_472 = arith.constant 0 : i32
        %swap3A_473 = arith.index_cast %swap3A : i32 to index
        %swap3A_474 = arith.index_cast %swap3A_472 : i32 to index
        %swap3A_475 = arith.index_cast %mul3A_432 : i32 to index
        %swap3A_476 = tpu.vector_load %arg7[%swap3A_473, %swap3A_474, %swap3A_475] {strides = array<i32>} : memref<2x64x128xf32, #tpu.memory_space<vmem>>, vector<16xf32>,
        tpu.vector_store %arg7[%swap3A_473, %swap3A_474, %swap3A_475], %bitcast3A {strides = array<i32>} : memref<2x64x128xf32, #tpu.memory_space<vmem>>, vector<16xf32>,
        %swap3A_477 = arith.constant 0 : i32
        %swap3A_478 = arith.constant 1 : i32
        %swap3A_479 = arith.index_cast %swap3A_477 : i32 to index
        %swap3A_480 = arith.index_cast %swap3A_478 : i32 to index
        %swap3A_481 = arith.index_cast %mul3A_432 : i32 to index
        %swap3A_482 = tpu.vector_load %arg7[%swap3A_479, %swap3A_480, %swap3A_481] {strides = array<i32>} : memref<2x64x128xf32, #tpu.memory_space<vmem>>, vector<16xf32>,
        tpu.vector_store %arg7[%swap3A_479, %swap3A_480, %swap3A_481], %bitcast3A_439 {strides = array<i32>} : memref<2x64x128xf32, #tpu.memory_space<vmem>>, vector<16xf32>,
        %gather3A_483 = arith.constant 5120 : i32
        %gather3A_484 = tpu.memref_slice %arg6[%gather3A_483] : memref<32768xi32, #tpu.memory_space<vmem>> -> memref<1024xi32, #tpu.memory_space<vmem>>
        %gather3A_485 = tpu.vector_load_idx %gather3A_484[%or3A] : memref<1024xi32, #tpu.memory_space<vmem>>[vector<16xi32>], vector<16xi32>,
        %shift_left3A_486 = arith.constant 16 : i32
        %shift_left3A_487 = vector.broadcast %shift_left3A_486 : i32 to vector<16xi32>
        %shift_left3A_488 = arith.shli %gather3A_485, %shift_left3A_487 : vector<16xi32>
        %bitcast3A_489 = vector.bitcast %shift_left3A_488 : vector<16xi32> to vector<16xf32>
        %bitcast3A_490 = vector.bitcast %gather3A_485 : vector<16xi32> to vector<16xf32>
        %swap3A_491 = arith.constant 0 : i32
        %swap3A_492 = arith.constant 2 : i32
        %swap3A_493 = arith.index_cast %swap3A_491 : i32 to index
        %swap3A_494 = arith.index_cast %swap3A_492 : i32 to index
        %swap3A_495 = arith.index_cast %mul3A_432 : i32 to index
        %swap3A_496 = tpu.vector_load %arg7[%swap3A_493, %swap3A_494, %swap3A_495] {strides = array<i32>} : memref<2x64x128xf32, #tpu.memory_space<vmem>>, vector<16xf32>,
        tpu.vector_store %arg7[%swap3A_493, %swap3A_494, %swap3A_495], %bitcast3A_446 {strides = array<i32>} : memref<2x64x128xf32, #tpu.memory_space<vmem>>, vector<16xf32>,
        %swap3A_497 = arith.constant 0 : i32
        %swap3A_498 = arith.constant 3 : i32
        %swap3A_499 = arith.index_cast %swap3A_497 : i32 to index
        %swap3A_500 = arith.index_cast %swap3A_498 : i32 to index
        %swap3A_501 = arith.index_cast %mul3A_432 : i32 to index
        %swap3A_502 = tpu.vector_load %arg7[%swap3A_499, %swap3A_500, %swap3A_501] {strides = array<i32>} : memref<2x64x128xf32, #tpu.memory_space<vmem>>, vector<16xf32>,
        tpu.vector_store %arg7[%swap3A_499, %swap3A_500, %swap3A_501], %bitcast3A_447 {strides = array<i32>} : memref<2x64x128xf32, #tpu.memory_space<vmem>>, vector<16xf32>,
        %gather3A_503 = arith.constant 6144 : i32
        %gather3A_504 = tpu.memref_slice %arg6[%gather3A_503] : memref<32768xi32, #tpu.memory_space<vmem>> -> memref<1024xi32, #tpu.memory_space<vmem>>
        %gather3A_505 = tpu.vector_load_idx %gather3A_504[%or3A] : memref<1024xi32, #tpu.memory_space<vmem>>[vector<16xi32>], vector<16xi32>,
        %shift_left3A_506 = arith.constant 16 : i32
        %shift_left3A_507 = vector.broadcast %shift_left3A_506 : i32 to vector<16xi32>
        %shift_left3A_508 = arith.shli %gather3A_505, %shift_left3A_507 : vector<16xi32>
        %bitcast3A_509 = vector.bitcast %shift_left3A_508 : vector<16xi32> to vector<16xf32>
        %bitcast3A_510 = vector.bitcast %gather3A_505 : vector<16xi32> to vector<16xf32>
        %swap3A_511 = arith.constant 0 : i32
        %swap3A_512 = arith.constant 4 : i32
        %swap3A_513 = arith.index_cast %swap3A_511 : i32 to index
        %swap3A_514 = arith.index_cast %swap3A_512 : i32 to index
        %swap3A_515 = arith.index_cast %mul3A_432 : i32 to index
        %swap3A_516 = tpu.vector_load %arg7[%swap3A_513, %swap3A_514, %swap3A_515] {strides = array<i32>} : memref<2x64x128xf32, #tpu.memory_space<vmem>>, vector<16xf32>,
        tpu.vector_store %arg7[%swap3A_513, %swap3A_514, %swap3A_515], %bitcast3A_454 {strides = array<i32>} : memref<2x64x128xf32, #tpu.memory_space<vmem>>, vector<16xf32>,
        %swap3A_517 = arith.constant 0 : i32
        %swap3A_518 = arith.constant 5 : i32
        %swap3A_519 = arith.index_cast %swap3A_517 : i32 to index
        %swap3A_520 = arith.index_cast %swap3A_518 : i32 to index
        %swap3A_521 = arith.index_cast %mul3A_432 : i32 to index
        %swap3A_522 = tpu.vector_load %arg7[%swap3A_519, %swap3A_520, %swap3A_521] {strides = array<i32>} : memref<2x64x128xf32, #tpu.memory_space<vmem>>, vector<16xf32>,
        tpu.vector_store %arg7[%swap3A_519, %swap3A_520, %swap3A_521], %bitcast3A_455 {strides = array<i32>} : memref<2x64x128xf32, #tpu.memory_space<vmem>>, vector<16xf32>,
        %gather3A_523 = arith.constant 7168 : i32
        %gather3A_524 = tpu.memref_slice %arg6[%gather3A_523] : memref<32768xi32, #tpu.memory_space<vmem>> -> memref<1024xi32, #tpu.memory_space<vmem>>
        %gather3A_525 = tpu.vector_load_idx %gather3A_524[%or3A] : memref<1024xi32, #tpu.memory_space<vmem>>[vector<16xi32>], vector<16xi32>,
        %shift_left3A_526 = arith.constant 16 : i32
        %shift_left3A_527 = vector.broadcast %shift_left3A_526 : i32 to vector<16xi32>
        %shift_left3A_528 = arith.shli %gather3A_525, %shift_left3A_527 : vector<16xi32>
        %bitcast3A_529 = vector.bitcast %shift_left3A_528 : vector<16xi32> to vector<16xf32>
        %bitcast3A_530 = vector.bitcast %gather3A_525 : vector<16xi32> to vector<16xf32>
        %swap3A_531 = arith.constant 0 : i32
        %swap3A_532 = arith.constant 6 : i32
        %swap3A_533 = arith.index_cast %swap3A_531 : i32 to index
        %swap3A_534 = arith.index_cast %swap3A_532 : i32 to index
        %swap3A_535 = arith.index_cast %mul3A_432 : i32 to index
        %swap3A_536 = tpu.vector_load %arg7[%swap3A_533, %swap3A_534, %swap3A_535] {strides = array<i32>} : memref<2x64x128xf32, #tpu.memory_space<vmem>>, vector<16xf32>,
        tpu.vector_store %arg7[%swap3A_533, %swap3A_534, %swap3A_535], %bitcast3A_462 {strides = array<i32>} : memref<2x64x128xf32, #tpu.memory_space<vmem>>, vector<16xf32>,
        %swap3A_537 = arith.constant 0 : i32
        %swap3A_538 = arith.constant 7 : i32
        %swap3A_539 = arith.index_cast %swap3A_537 : i32 to index
        %swap3A_540 = arith.index_cast %swap3A_538 : i32 to index
        %swap3A_541 = arith.index_cast %mul3A_432 : i32 to index
        %swap3A_542 = tpu.vector_load %arg7[%swap3A_539, %swap3A_540, %swap3A_541] {strides = array<i32>} : memref<2x64x128xf32, #tpu.memory_space<vmem>>, vector<16xf32>,
        tpu.vector_store %arg7[%swap3A_539, %swap3A_540, %swap3A_541], %bitcast3A_463 {strides = array<i32>} : memref<2x64x128xf32, #tpu.memory_space<vmem>>, vector<16xf32>,
        %gather3A_543 = arith.constant 8192 : i32
        %gather3A_544 = tpu.memref_slice %arg6[%gather3A_543] : memref<32768xi32, #tpu.memory_space<vmem>> -> memref<1024xi32, #tpu.memory_space<vmem>>
        %gather3A_545 = tpu.vector_load_idx %gather3A_544[%or3A] : memref<1024xi32, #tpu.memory_space<vmem>>[vector<16xi32>], vector<16xi32>,
        %shift_left3A_546 = arith.constant 16 : i32
        %shift_left3A_547 = vector.broadcast %shift_left3A_546 : i32 to vector<16xi32>
        %shift_left3A_548 = arith.shli %gather3A_545, %shift_left3A_547 : vector<16xi32>
        %bitcast3A_549 = vector.bitcast %shift_left3A_548 : vector<16xi32> to vector<16xf32>
        %bitcast3A_550 = vector.bitcast %gather3A_545 : vector<16xi32> to vector<16xf32>
        %swap3A_551 = arith.constant 0 : i32
        %swap3A_552 = arith.constant 8 : i32
        %swap3A_553 = arith.index_cast %swap3A_551 : i32 to index
        %swap3A_554 = arith.index_cast %swap3A_552 : i32 to index
        %swap3A_555 = arith.index_cast %mul3A_432 : i32 to index
        %swap3A_556 = tpu.vector_load %arg7[%swap3A_553, %swap3A_554, %swap3A_555] {strides = array<i32>} : memref<2x64x128xf32, #tpu.memory_space<vmem>>, vector<16xf32>,
        tpu.vector_store %arg7[%swap3A_553, %swap3A_554, %swap3A_555], %bitcast3A_470 {strides = array<i32>} : memref<2x64x128xf32, #tpu.memory_space<vmem>>, vector<16xf32>,
        %swap3A_557 = arith.constant 0 : i32
        %swap3A_558 = arith.constant 9 : i32
        %swap3A_559 = arith.index_cast %swap3A_557 : i32 to index
        %swap3A_560 = arith.index_cast %swap3A_558 : i32 to index
        %swap3A_561 = arith.index_cast %mul3A_432 : i32 to index
        %swap3A_562 = tpu.vector_load %arg7[%swap3A_559, %swap3A_560, %swap3A_561] {strides = array<i32>} : memref<2x64x128xf32, #tpu.memory_space<vmem>>, vector<16xf32>,
        tpu.vector_store %arg7[%swap3A_559, %swap3A_560, %swap3A_561], %bitcast3A_471 {strides = array<i32>} : memref<2x64x128xf32, #tpu.memory_space<vmem>>, vector<16xf32>,
        %gather3A_563 = arith.constant 9216 : i32
        %gather3A_564 = tpu.memref_slice %arg6[%gather3A_563] : memref<32768xi32, #tpu.memory_space<vmem>> -> memref<1024xi32, #tpu.memory_space<vmem>>
        %gather3A_565 = tpu.vector_load_idx %gather3A_564[%or3A] : memref<1024xi32, #tpu.memory_space<vmem>>[vector<16xi32>], vector<16xi32>,
        %shift_left3A_566 = arith.constant 16 : i32
        %shift_left3A_567 = vector.broadcast %shift_left3A_566 : i32 to vector<16xi32>
        %shift_left3A_568 = arith.shli %gather3A_565, %shift_left3A_567 : vector<16xi32>
        %bitcast3A_569 = vector.bitcast %shift_left3A_568 : vector<16xi32> to vector<16xf32>
        %bitcast3A_570 = vector.bitcast %gather3A_565 : vector<16xi32> to vector<16xf32>
        %swap3A_571 = arith.constant 0 : i32
        %swap3A_572 = arith.constant 10 : i32
        %swap3A_573 = arith.index_cast %swap3A_571 : i32 to index
        %swap3A_574 = arith.index_cast %swap3A_572 : i32 to index
        %swap3A_575 = arith.index_cast %mul3A_432 : i32 to index
        %swap3A_576 = tpu.vector_load %arg7[%swap3A_573, %swap3A_574, %swap3A_575] {strides = array<i32>} : memref<2x64x128xf32, #tpu.memory_space<vmem>>, vector<16xf32>,
        tpu.vector_store %arg7[%swap3A_573, %swap3A_574, %swap3A_575], %bitcast3A_489 {strides = array<i32>} : memref<2x64x128xf32, #tpu.memory_space<vmem>>, vector<16xf32>,
        %swap3A_577 = arith.constant 0 : i32
        %swap3A_578 = arith.constant 11 : i32
        %swap3A_579 = arith.index_cast %swap3A_577 : i32 to index
        %swap3A_580 = arith.index_cast %swap3A_578 : i32 to index
        %swap3A_581 = arith.index_cast %mul3A_432 : i32 to index
        %swap3A_582 = tpu.vector_load %arg7[%swap3A_579, %swap3A_580, %swap3A_581] {strides = array<i32>} : memref<2x64x128xf32, #tpu.memory_space<vmem>>, vector<16xf32>,
        tpu.vector_store %arg7[%swap3A_579, %swap3A_580, %swap3A_581], %bitcast3A_490 {strides = array<i32>} : memref<2x64x128xf32, #tpu.memory_space<vmem>>, vector<16xf32>,
        %gather3A_583 = arith.constant 10240 : i32
        %gather3A_584 = tpu.memref_slice %arg6[%gather3A_583] : memref<32768xi32, #tpu.memory_space<vmem>> -> memref<1024xi32, #tpu.memory_space<vmem>>
        %gather3A_585 = tpu.vector_load_idx %gather3A_584[%or3A] : memref<1024xi32, #tpu.memory_space<vmem>>[vector<16xi32>], vector<16xi32>,
        %shift_left3A_586 = arith.constant 16 : i32
        %shift_left3A_587 = vector.broadcast %shift_left3A_586 : i32 to vector<16xi32>
        %shift_left3A_588 = arith.shli %gather3A_585, %shift_left3A_587 : vector<16xi32>
        %bitcast3A_589 = vector.bitcast %shift_left3A_588 : vector<16xi32> to vector<16xf32>
        %bitcast3A_590 = vector.bitcast %gather3A_585 : vector<16xi32> to vector<16xf32>
        %swap3A_591 = arith.constant 0 : i32
        %swap3A_592 = arith.constant 12 : i32
        %swap3A_593 = arith.index_cast %swap3A_591 : i32 to index
        %swap3A_594 = arith.index_cast %swap3A_592 : i32 to index
        %swap3A_595 = arith.index_cast %mul3A_432 : i32 to index
        %swap3A_596 = tpu.vector_load %arg7[%swap3A_593, %swap3A_594, %swap3A_595] {strides = array<i32>} : memref<2x64x128xf32, #tpu.memory_space<vmem>>, vector<16xf32>,
        tpu.vector_store %arg7[%swap3A_593, %swap3A_594, %swap3A_595], %bitcast3A_509 {strides = array<i32>} : memref<2x64x128xf32, #tpu.memory_space<vmem>>, vector<16xf32>,
        %swap3A_597 = arith.constant 0 : i32
        %swap3A_598 = arith.constant 13 : i32
        %swap3A_599 = arith.index_cast %swap3A_597 : i32 to index
        %swap3A_600 = arith.index_cast %swap3A_598 : i32 to index
        %swap3A_601 = arith.index_cast %mul3A_432 : i32 to index
        %swap3A_602 = tpu.vector_load %arg7[%swap3A_599, %swap3A_600, %swap3A_601] {strides = array<i32>} : memref<2x64x128xf32, #tpu.memory_space<vmem>>, vector<16xf32>,
        tpu.vector_store %arg7[%swap3A_599, %swap3A_600, %swap3A_601], %bitcast3A_510 {strides = array<i32>} : memref<2x64x128xf32, #tpu.memory_space<vmem>>, vector<16xf32>,
        %gather3A_603 = arith.constant 11264 : i32
        %gather3A_604 = tpu.memref_slice %arg6[%gather3A_603] : memref<32768xi32, #tpu.memory_space<vmem>> -> memref<1024xi32, #tpu.memory_space<vmem>>
        %gather3A_605 = tpu.vector_load_idx %gather3A_604[%or3A] : memref<1024xi32, #tpu.memory_space<vmem>>[vector<16xi32>], vector<16xi32>,
        %shift_left3A_606 = arith.constant 16 : i32
        %shift_left3A_607 = vector.broadcast %shift_left3A_606 : i32 to vector<16xi32>
        %shift_left3A_608 = arith.shli %gather3A_605, %shift_left3A_607 : vector<16xi32>
        %bitcast3A_609 = vector.bitcast %shift_left3A_608 : vector<16xi32> to vector<16xf32>
        %bitcast3A_610 = vector.bitcast %gather3A_605 : vector<16xi32> to vector<16xf32>
        %swap3A_611 = arith.constant 0 : i32
        %swap3A_612 = arith.constant 14 : i32
        %swap3A_613 = arith.index_cast %swap3A_611 : i32 to index
        %swap3A_614 = arith.index_cast %swap3A_612 : i32 to index
        %swap3A_615 = arith.index_cast %mul3A_432 : i32 to index
        %swap3A_616 = tpu.vector_load %arg7[%swap3A_613, %swap3A_614, %swap3A_615] {strides = array<i32>} : memref<2x64x128xf32, #tpu.memory_space<vmem>>, vector<16xf32>,
        tpu.vector_store %arg7[%swap3A_613, %swap3A_614, %swap3A_615], %bitcast3A_529 {strides = array<i32>} : memref<2x64x128xf32, #tpu.memory_space<vmem>>, vector<16xf32>,
        %swap3A_617 = arith.constant 0 : i32
        %swap3A_618 = arith.constant 15 : i32
        %swap3A_619 = arith.index_cast %swap3A_617 : i32 to index
        %swap3A_620 = arith.index_cast %swap3A_618 : i32 to index
        %swap3A_621 = arith.index_cast %mul3A_432 : i32 to index
        %swap3A_622 = tpu.vector_load %arg7[%swap3A_619, %swap3A_620, %swap3A_621] {strides = array<i32>} : memref<2x64x128xf32, #tpu.memory_space<vmem>>, vector<16xf32>,
        tpu.vector_store %arg7[%swap3A_619, %swap3A_620, %swap3A_621], %bitcast3A_530 {strides = array<i32>} : memref<2x64x128xf32, #tpu.memory_space<vmem>>, vector<16xf32>,
        %gather3A_623 = arith.constant 12288 : i32
        %gather3A_624 = tpu.memref_slice %arg6[%gather3A_623] : memref<32768xi32, #tpu.memory_space<vmem>> -> memref<1024xi32, #tpu.memory_space<vmem>>
        %gather3A_625 = tpu.vector_load_idx %gather3A_624[%or3A] : memref<1024xi32, #tpu.memory_space<vmem>>[vector<16xi32>], vector<16xi32>,
        %shift_left3A_626 = arith.constant 16 : i32
        %shift_left3A_627 = vector.broadcast %shift_left3A_626 : i32 to vector<16xi32>
        %shift_left3A_628 = arith.shli %gather3A_625, %shift_left3A_627 : vector<16xi32>
        %bitcast3A_629 = vector.bitcast %shift_left3A_628 : vector<16xi32> to vector<16xf32>
        %bitcast3A_630 = vector.bitcast %gather3A_625 : vector<16xi32> to vector<16xf32>
        %swap3A_631 = arith.constant 0 : i32
        %swap3A_632 = arith.constant 16 : i32
        %swap3A_633 = arith.index_cast %swap3A_631 : i32 to index
        %swap3A_634 = arith.index_cast %swap3A_632 : i32 to index
        %swap3A_635 = arith.index_cast %mul3A_432 : i32 to index
        %swap3A_636 = tpu.vector_load %arg7[%swap3A_633, %swap3A_634, %swap3A_635] {strides = array<i32>} : memref<2x64x128xf32, #tpu.memory_space<vmem>>, vector<16xf32>,
        tpu.vector_store %arg7[%swap3A_633, %swap3A_634, %swap3A_635], %bitcast3A_549 {strides = array<i32>} : memref<2x64x128xf32, #tpu.memory_space<vmem>>, vector<16xf32>,
        %swap3A_637 = arith.constant 0 : i32
        %swap3A_638 = arith.constant 17 : i32
        %swap3A_639 = arith.index_cast %swap3A_637 : i32 to index
        %swap3A_640 = arith.index_cast %swap3A_638 : i32 to index
        %swap3A_641 = arith.index_cast %mul3A_432 : i32 to index
        %swap3A_642 = tpu.vector_load %arg7[%swap3A_639, %swap3A_640, %swap3A_641] {strides = array<i32>} : memref<2x64x128xf32, #tpu.memory_space<vmem>>, vector<16xf32>,
        tpu.vector_store %arg7[%swap3A_639, %swap3A_640, %swap3A_641], %bitcast3A_550 {strides = array<i32>} : memref<2x64x128xf32, #tpu.memory_space<vmem>>, vector<16xf32>,
        %gather3A_643 = arith.constant 13312 : i32
        %gather3A_644 = tpu.memref_slice %arg6[%gather3A_643] : memref<32768xi32, #tpu.memory_space<vmem>> -> memref<1024xi32, #tpu.memory_space<vmem>>
        %gather3A_645 = tpu.vector_load_idx %gather3A_644[%or3A] : memref<1024xi32, #tpu.memory_space<vmem>>[vector<16xi32>], vector<16xi32>,
        %shift_left3A_646 = arith.constant 16 : i32
        %shift_left3A_647 = vector.broadcast %shift_left3A_646 : i32 to vector<16xi32>
        %shift_left3A_648 = arith.shli %gather3A_645, %shift_left3A_647 : vector<16xi32>
        %bitcast3A_649 = vector.bitcast %shift_left3A_648 : vector<16xi32> to vector<16xf32>
        %bitcast3A_650 = vector.bitcast %gather3A_645 : vector<16xi32> to vector<16xf32>
        %swap3A_651 = arith.constant 0 : i32
        %swap3A_652 = arith.constant 18 : i32
        %swap3A_653 = arith.index_cast %swap3A_651 : i32 to index
        %swap3A_654 = arith.index_cast %swap3A_652 : i32 to index
        %swap3A_655 = arith.index_cast %mul3A_432 : i32 to index
        %swap3A_656 = tpu.vector_load %arg7[%swap3A_653, %swap3A_654, %swap3A_655] {strides = array<i32>} : memref<2x64x128xf32, #tpu.memory_space<vmem>>, vector<16xf32>,
        tpu.vector_store %arg7[%swap3A_653, %swap3A_654, %swap3A_655], %bitcast3A_569 {strides = array<i32>} : memref<2x64x128xf32, #tpu.memory_space<vmem>>, vector<16xf32>,
        %swap3A_657 = arith.constant 0 : i32
        %swap3A_658 = arith.constant 19 : i32
        %swap3A_659 = arith.index_cast %swap3A_657 : i32 to index
        %swap3A_660 = arith.index_cast %swap3A_658 : i32 to index
        %swap3A_661 = arith.index_cast %mul3A_432 : i32 to index
        %swap3A_662 = tpu.vector_load %arg7[%swap3A_659, %swap3A_660, %swap3A_661] {strides = array<i32>} : memref<2x64x128xf32, #tpu.memory_space<vmem>>, vector<16xf32>,
        tpu.vector_store %arg7[%swap3A_659, %swap3A_660, %swap3A_661], %bitcast3A_570 {strides = array<i32>} : memref<2x64x128xf32, #tpu.memory_space<vmem>>, vector<16xf32>,
        %gather3A_663 = arith.constant 14336 : i32
        %gather3A_664 = tpu.memref_slice %arg6[%gather3A_663] : memref<32768xi32, #tpu.memory_space<vmem>> -> memref<1024xi32, #tpu.memory_space<vmem>>
        %gather3A_665 = tpu.vector_load_idx %gather3A_664[%or3A] : memref<1024xi32, #tpu.memory_space<vmem>>[vector<16xi32>], vector<16xi32>,
        %shift_left3A_666 = arith.constant 16 : i32
        %shift_left3A_667 = vector.broadcast %shift_left3A_666 : i32 to vector<16xi32>
        %shift_left3A_668 = arith.shli %gather3A_665, %shift_left3A_667 : vector<16xi32>
        %bitcast3A_669 = vector.bitcast %shift_left3A_668 : vector<16xi32> to vector<16xf32>
        %bitcast3A_670 = vector.bitcast %gather3A_665 : vector<16xi32> to vector<16xf32>
        %swap3A_671 = arith.constant 0 : i32
        %swap3A_672 = arith.constant 20 : i32
        %swap3A_673 = arith.index_cast %swap3A_671 : i32 to index
        %swap3A_674 = arith.index_cast %swap3A_672 : i32 to index
        %swap3A_675 = arith.index_cast %mul3A_432 : i32 to index
        %swap3A_676 = tpu.vector_load %arg7[%swap3A_673, %swap3A_674, %swap3A_675] {strides = array<i32>} : memref<2x64x128xf32, #tpu.memory_space<vmem>>, vector<16xf32>,
        tpu.vector_store %arg7[%swap3A_673, %swap3A_674, %swap3A_675], %bitcast3A_589 {strides = array<i32>} : memref<2x64x128xf32, #tpu.memory_space<vmem>>, vector<16xf32>,
        %swap3A_677 = arith.constant 0 : i32
        %swap3A_678 = arith.constant 21 : i32
        %swap3A_679 = arith.index_cast %swap3A_677 : i32 to index
        %swap3A_680 = arith.index_cast %swap3A_678 : i32 to index
        %swap3A_681 = arith.index_cast %mul3A_432 : i32 to index
        %swap3A_682 = tpu.vector_load %arg7[%swap3A_679, %swap3A_680, %swap3A_681] {strides = array<i32>} : memref<2x64x128xf32, #tpu.memory_space<vmem>>, vector<16xf32>,
        tpu.vector_store %arg7[%swap3A_679, %swap3A_680, %swap3A_681], %bitcast3A_590 {strides = array<i32>} : memref<2x64x128xf32, #tpu.memory_space<vmem>>, vector<16xf32>,
        %gather3A_683 = arith.constant 15360 : i32
        %gather3A_684 = tpu.memref_slice %arg6[%gather3A_683] : memref<32768xi32, #tpu.memory_space<vmem>> -> memref<1024xi32, #tpu.memory_space<vmem>>
        %gather3A_685 = tpu.vector_load_idx %gather3A_684[%or3A] : memref<1024xi32, #tpu.memory_space<vmem>>[vector<16xi32>], vector<16xi32>,
        %shift_left3A_686 = arith.constant 16 : i32
        %shift_left3A_687 = vector.broadcast %shift_left3A_686 : i32 to vector<16xi32>
        %shift_left3A_688 = arith.shli %gather3A_685, %shift_left3A_687 : vector<16xi32>
        %bitcast3A_689 = vector.bitcast %shift_left3A_688 : vector<16xi32> to vector<16xf32>
        %bitcast3A_690 = vector.bitcast %gather3A_685 : vector<16xi32> to vector<16xf32>
        %swap3A_691 = arith.constant 0 : i32
        %swap3A_692 = arith.constant 22 : i32
        %swap3A_693 = arith.index_cast %swap3A_691 : i32 to index
        %swap3A_694 = arith.index_cast %swap3A_692 : i32 to index
        %swap3A_695 = arith.index_cast %mul3A_432 : i32 to index
        %swap3A_696 = tpu.vector_load %arg7[%swap3A_693, %swap3A_694, %swap3A_695] {strides = array<i32>} : memref<2x64x128xf32, #tpu.memory_space<vmem>>, vector<16xf32>,
        tpu.vector_store %arg7[%swap3A_693, %swap3A_694, %swap3A_695], %bitcast3A_609 {strides = array<i32>} : memref<2x64x128xf32, #tpu.memory_space<vmem>>, vector<16xf32>,
        %swap3A_697 = arith.constant 0 : i32
        %swap3A_698 = arith.constant 23 : i32
        %swap3A_699 = arith.index_cast %swap3A_697 : i32 to index
        %swap3A_700 = arith.index_cast %swap3A_698 : i32 to index
        %swap3A_701 = arith.index_cast %mul3A_432 : i32 to index
        %swap3A_702 = tpu.vector_load %arg7[%swap3A_699, %swap3A_700, %swap3A_701] {strides = array<i32>} : memref<2x64x128xf32, #tpu.memory_space<vmem>>, vector<16xf32>,
        tpu.vector_store %arg7[%swap3A_699, %swap3A_700, %swap3A_701], %bitcast3A_610 {strides = array<i32>} : memref<2x64x128xf32, #tpu.memory_space<vmem>>, vector<16xf32>,
        %gather3A_703 = arith.constant 16384 : i32
        %gather3A_704 = tpu.memref_slice %arg6[%gather3A_703] : memref<32768xi32, #tpu.memory_space<vmem>> -> memref<1024xi32, #tpu.memory_space<vmem>>
        %gather3A_705 = tpu.vector_load_idx %gather3A_704[%or3A] : memref<1024xi32, #tpu.memory_space<vmem>>[vector<16xi32>], vector<16xi32>,
        %shift_left3A_706 = arith.constant 16 : i32
        %shift_left3A_707 = vector.broadcast %shift_left3A_706 : i32 to vector<16xi32>
        %shift_left3A_708 = arith.shli %gather3A_705, %shift_left3A_707 : vector<16xi32>
        %bitcast3A_709 = vector.bitcast %shift_left3A_708 : vector<16xi32> to vector<16xf32>
        %bitcast3A_710 = vector.bitcast %gather3A_705 : vector<16xi32> to vector<16xf32>
        %swap3A_711 = arith.constant 0 : i32
        %swap3A_712 = arith.constant 24 : i32
        %swap3A_713 = arith.index_cast %swap3A_711 : i32 to index
        %swap3A_714 = arith.index_cast %swap3A_712 : i32 to index
        %swap3A_715 = arith.index_cast %mul3A_432 : i32 to index
        %swap3A_716 = tpu.vector_load %arg7[%swap3A_713, %swap3A_714, %swap3A_715] {strides = array<i32>} : memref<2x64x128xf32, #tpu.memory_space<vmem>>, vector<16xf32>,
        tpu.vector_store %arg7[%swap3A_713, %swap3A_714, %swap3A_715], %bitcast3A_629 {strides = array<i32>} : memref<2x64x128xf32, #tpu.memory_space<vmem>>, vector<16xf32>,
        %swap3A_717 = arith.constant 0 : i32
        %swap3A_718 = arith.constant 25 : i32
        %swap3A_719 = arith.index_cast %swap3A_717 : i32 to index
        %swap3A_720 = arith.index_cast %swap3A_718 : i32 to index
        %swap3A_721 = arith.index_cast %mul3A_432 : i32 to index
        %swap3A_722 = tpu.vector_load %arg7[%swap3A_719, %swap3A_720, %swap3A_721] {strides = array<i32>} : memref<2x64x128xf32, #tpu.memory_space<vmem>>, vector<16xf32>,
        tpu.vector_store %arg7[%swap3A_719, %swap3A_720, %swap3A_721], %bitcast3A_630 {strides = array<i32>} : memref<2x64x128xf32, #tpu.memory_space<vmem>>, vector<16xf32>,
        %gather3A_723 = arith.constant 17408 : i32
        %gather3A_724 = tpu.memref_slice %arg6[%gather3A_723] : memref<32768xi32, #tpu.memory_space<vmem>> -> memref<1024xi32, #tpu.memory_space<vmem>>
        %gather3A_725 = tpu.vector_load_idx %gather3A_724[%or3A] : memref<1024xi32, #tpu.memory_space<vmem>>[vector<16xi32>], vector<16xi32>,
        %shift_left3A_726 = arith.constant 16 : i32
        %shift_left3A_727 = vector.broadcast %shift_left3A_726 : i32 to vector<16xi32>
        %shift_left3A_728 = arith.shli %gather3A_725, %shift_left3A_727 : vector<16xi32>
        %bitcast3A_729 = vector.bitcast %shift_left3A_728 : vector<16xi32> to vector<16xf32>
        %bitcast3A_730 = vector.bitcast %gather3A_725 : vector<16xi32> to vector<16xf32>
        %swap3A_731 = arith.constant 0 : i32
        %swap3A_732 = arith.constant 26 : i32
        %swap3A_733 = arith.index_cast %swap3A_731 : i32 to index
        %swap3A_734 = arith.index_cast %swap3A_732 : i32 to index
        %swap3A_735 = arith.index_cast %mul3A_432 : i32 to index
        %swap3A_736 = tpu.vector_load %arg7[%swap3A_733, %swap3A_734, %swap3A_735] {strides = array<i32>} : memref<2x64x128xf32, #tpu.memory_space<vmem>>, vector<16xf32>,
        tpu.vector_store %arg7[%swap3A_733, %swap3A_734, %swap3A_735], %bitcast3A_649 {strides = array<i32>} : memref<2x64x128xf32, #tpu.memory_space<vmem>>, vector<16xf32>,
        %swap3A_737 = arith.constant 0 : i32
        %swap3A_738 = arith.constant 27 : i32
        %swap3A_739 = arith.index_cast %swap3A_737 : i32 to index
        %swap3A_740 = arith.index_cast %swap3A_738 : i32 to index
        %swap3A_741 = arith.index_cast %mul3A_432 : i32 to index
        %swap3A_742 = tpu.vector_load %arg7[%swap3A_739, %swap3A_740, %swap3A_741] {strides = array<i32>} : memref<2x64x128xf32, #tpu.memory_space<vmem>>, vector<16xf32>,
        tpu.vector_store %arg7[%swap3A_739, %swap3A_740, %swap3A_741], %bitcast3A_650 {strides = array<i32>} : memref<2x64x128xf32, #tpu.memory_space<vmem>>, vector<16xf32>,
        %gather3A_743 = arith.constant 18432 : i32
        %gather3A_744 = tpu.memref_slice %arg6[%gather3A_743] : memref<32768xi32, #tpu.memory_space<vmem>> -> memref<1024xi32, #tpu.memory_space<vmem>>
        %gather3A_745 = tpu.vector_load_idx %gather3A_744[%or3A] : memref<1024xi32, #tpu.memory_space<vmem>>[vector<16xi32>], vector<16xi32>,
        %shift_left3A_746 = arith.constant 16 : i32
        %shift_left3A_747 = vector.broadcast %shift_left3A_746 : i32 to vector<16xi32>
        %shift_left3A_748 = arith.shli %gather3A_745, %shift_left3A_747 : vector<16xi32>
        %bitcast3A_749 = vector.bitcast %shift_left3A_748 : vector<16xi32> to vector<16xf32>
        %bitcast3A_750 = vector.bitcast %gather3A_745 : vector<16xi32> to vector<16xf32>
        %swap3A_751 = arith.constant 0 : i32
        %swap3A_752 = arith.constant 28 : i32
        %swap3A_753 = arith.index_cast %swap3A_751 : i32 to index
        %swap3A_754 = arith.index_cast %swap3A_752 : i32 to index
        %swap3A_755 = arith.index_cast %mul3A_432 : i32 to index
        %swap3A_756 = tpu.vector_load %arg7[%swap3A_753, %swap3A_754, %swap3A_755] {strides = array<i32>} : memref<2x64x128xf32, #tpu.memory_space<vmem>>, vector<16xf32>,
        tpu.vector_store %arg7[%swap3A_753, %swap3A_754, %swap3A_755], %bitcast3A_669 {strides = array<i32>} : memref<2x64x128xf32, #tpu.memory_space<vmem>>, vector<16xf32>,
        %swap3A_757 = arith.constant 0 : i32
        %swap3A_758 = arith.constant 29 : i32
        %swap3A_759 = arith.index_cast %swap3A_757 : i32 to index
        %swap3A_760 = arith.index_cast %swap3A_758 : i32 to index
        %swap3A_761 = arith.index_cast %mul3A_432 : i32 to index
        %swap3A_762 = tpu.vector_load %arg7[%swap3A_759, %swap3A_760, %swap3A_761] {strides = array<i32>} : memref<2x64x128xf32, #tpu.memory_space<vmem>>, vector<16xf32>,
        tpu.vector_store %arg7[%swap3A_759, %swap3A_760, %swap3A_761], %bitcast3A_670 {strides = array<i32>} : memref<2x64x128xf32, #tpu.memory_space<vmem>>, vector<16xf32>,
        %gather3A_763 = arith.constant 19456 : i32
        %gather3A_764 = tpu.memref_slice %arg6[%gather3A_763] : memref<32768xi32, #tpu.memory_space<vmem>> -> memref<1024xi32, #tpu.memory_space<vmem>>
        %gather3A_765 = tpu.vector_load_idx %gather3A_764[%or3A] : memref<1024xi32, #tpu.memory_space<vmem>>[vector<16xi32>], vector<16xi32>,
        %shift_left3A_766 = arith.constant 16 : i32
        %shift_left3A_767 = vector.broadcast %shift_left3A_766 : i32 to vector<16xi32>
        %shift_left3A_768 = arith.shli %gather3A_765, %shift_left3A_767 : vector<16xi32>
        %bitcast3A_769 = vector.bitcast %shift_left3A_768 : vector<16xi32> to vector<16xf32>
        %bitcast3A_770 = vector.bitcast %gather3A_765 : vector<16xi32> to vector<16xf32>
        %swap3A_771 = arith.constant 0 : i32
        %swap3A_772 = arith.constant 30 : i32
        %swap3A_773 = arith.index_cast %swap3A_771 : i32 to index
        %swap3A_774 = arith.index_cast %swap3A_772 : i32 to index
        %swap3A_775 = arith.index_cast %mul3A_432 : i32 to index
        %swap3A_776 = tpu.vector_load %arg7[%swap3A_773, %swap3A_774, %swap3A_775] {strides = array<i32>} : memref<2x64x128xf32, #tpu.memory_space<vmem>>, vector<16xf32>,
        tpu.vector_store %arg7[%swap3A_773, %swap3A_774, %swap3A_775], %bitcast3A_689 {strides = array<i32>} : memref<2x64x128xf32, #tpu.memory_space<vmem>>, vector<16xf32>,
        %swap3A_777 = arith.constant 0 : i32
        %swap3A_778 = arith.constant 31 : i32
        %swap3A_779 = arith.index_cast %swap3A_777 : i32 to index
        %swap3A_780 = arith.index_cast %swap3A_778 : i32 to index
        %swap3A_781 = arith.index_cast %mul3A_432 : i32 to index
        %swap3A_782 = tpu.vector_load %arg7[%swap3A_779, %swap3A_780, %swap3A_781] {strides = array<i32>} : memref<2x64x128xf32, #tpu.memory_space<vmem>>, vector<16xf32>,
        tpu.vector_store %arg7[%swap3A_779, %swap3A_780, %swap3A_781], %bitcast3A_690 {strides = array<i32>} : memref<2x64x128xf32, #tpu.memory_space<vmem>>, vector<16xf32>,
        %gather3A_783 = arith.constant 20480 : i32
        %gather3A_784 = tpu.memref_slice %arg6[%gather3A_783] : memref<32768xi32, #tpu.memory_space<vmem>> -> memref<1024xi32, #tpu.memory_space<vmem>>
        %gather3A_785 = tpu.vector_load_idx %gather3A_784[%or3A] : memref<1024xi32, #tpu.memory_space<vmem>>[vector<16xi32>], vector<16xi32>,
        %shift_left3A_786 = arith.constant 16 : i32
        %shift_left3A_787 = vector.broadcast %shift_left3A_786 : i32 to vector<16xi32>
        %shift_left3A_788 = arith.shli %gather3A_785, %shift_left3A_787 : vector<16xi32>
        %bitcast3A_789 = vector.bitcast %shift_left3A_788 : vector<16xi32> to vector<16xf32>
        %bitcast3A_790 = vector.bitcast %gather3A_785 : vector<16xi32> to vector<16xf32>
        %swap3A_791 = arith.constant 0 : i32
        %swap3A_792 = arith.constant 32 : i32
        %swap3A_793 = arith.index_cast %swap3A_791 : i32 to index
        %swap3A_794 = arith.index_cast %swap3A_792 : i32 to index
        %swap3A_795 = arith.index_cast %mul3A_432 : i32 to index
        %swap3A_796 = tpu.vector_load %arg7[%swap3A_793, %swap3A_794, %swap3A_795] {strides = array<i32>} : memref<2x64x128xf32, #tpu.memory_space<vmem>>, vector<16xf32>,
        tpu.vector_store %arg7[%swap3A_793, %swap3A_794, %swap3A_795], %bitcast3A_709 {strides = array<i32>} : memref<2x64x128xf32, #tpu.memory_space<vmem>>, vector<16xf32>,
        %swap3A_797 = arith.constant 0 : i32
        %swap3A_798 = arith.constant 33 : i32
        %swap3A_799 = arith.index_cast %swap3A_797 : i32 to index
        %swap3A_800 = arith.index_cast %swap3A_798 : i32 to index
        %swap3A_801 = arith.index_cast %mul3A_432 : i32 to index
        %swap3A_802 = tpu.vector_load %arg7[%swap3A_799, %swap3A_800, %swap3A_801] {strides = array<i32>} : memref<2x64x128xf32, #tpu.memory_space<vmem>>, vector<16xf32>,
        tpu.vector_store %arg7[%swap3A_799, %swap3A_800, %swap3A_801], %bitcast3A_710 {strides = array<i32>} : memref<2x64x128xf32, #tpu.memory_space<vmem>>, vector<16xf32>,
        %gather3A_803 = arith.constant 21504 : i32
        %gather3A_804 = tpu.memref_slice %arg6[%gather3A_803] : memref<32768xi32, #tpu.memory_space<vmem>> -> memref<1024xi32, #tpu.memory_space<vmem>>
        %gather3A_805 = tpu.vector_load_idx %gather3A_804[%or3A] : memref<1024xi32, #tpu.memory_space<vmem>>[vector<16xi32>], vector<16xi32>,
        %shift_left3A_806 = arith.constant 16 : i32
        %shift_left3A_807 = vector.broadcast %shift_left3A_806 : i32 to vector<16xi32>
        %shift_left3A_808 = arith.shli %gather3A_805, %shift_left3A_807 : vector<16xi32>
        %bitcast3A_809 = vector.bitcast %shift_left3A_808 : vector<16xi32> to vector<16xf32>
        %bitcast3A_810 = vector.bitcast %gather3A_805 : vector<16xi32> to vector<16xf32>
        %swap3A_811 = arith.constant 0 : i32
        %swap3A_812 = arith.constant 34 : i32
        %swap3A_813 = arith.index_cast %swap3A_811 : i32 to index
        %swap3A_814 = arith.index_cast %swap3A_812 : i32 to index
        %swap3A_815 = arith.index_cast %mul3A_432 : i32 to index
        %swap3A_816 = tpu.vector_load %arg7[%swap3A_813, %swap3A_814, %swap3A_815] {strides = array<i32>} : memref<2x64x128xf32, #tpu.memory_space<vmem>>, vector<16xf32>,
        tpu.vector_store %arg7[%swap3A_813, %swap3A_814, %swap3A_815], %bitcast3A_729 {strides = array<i32>} : memref<2x64x128xf32, #tpu.memory_space<vmem>>, vector<16xf32>,
        %swap3A_817 = arith.constant 0 : i32
        %swap3A_818 = arith.constant 35 : i32
        %swap3A_819 = arith.index_cast %swap3A_817 : i32 to index
        %swap3A_820 = arith.index_cast %swap3A_818 : i32 to index
        %swap3A_821 = arith.index_cast %mul3A_432 : i32 to index
        %swap3A_822 = tpu.vector_load %arg7[%swap3A_819, %swap3A_820, %swap3A_821] {strides = array<i32>} : memref<2x64x128xf32, #tpu.memory_space<vmem>>, vector<16xf32>,
        tpu.vector_store %arg7[%swap3A_819, %swap3A_820, %swap3A_821], %bitcast3A_730 {strides = array<i32>} : memref<2x64x128xf32, #tpu.memory_space<vmem>>, vector<16xf32>,
        %gather3A_823 = arith.constant 22528 : i32
        %gather3A_824 = tpu.memref_slice %arg6[%gather3A_823] : memref<32768xi32, #tpu.memory_space<vmem>> -> memref<1024xi32, #tpu.memory_space<vmem>>
        %gather3A_825 = tpu.vector_load_idx %gather3A_824[%or3A] : memref<1024xi32, #tpu.memory_space<vmem>>[vector<16xi32>], vector<16xi32>,
        %shift_left3A_826 = arith.constant 16 : i32
        %shift_left3A_827 = vector.broadcast %shift_left3A_826 : i32 to vector<16xi32>
        %shift_left3A_828 = arith.shli %gather3A_825, %shift_left3A_827 : vector<16xi32>
        %bitcast3A_829 = vector.bitcast %shift_left3A_828 : vector<16xi32> to vector<16xf32>
        %bitcast3A_830 = vector.bitcast %gather3A_825 : vector<16xi32> to vector<16xf32>
        %swap3A_831 = arith.constant 0 : i32
        %swap3A_832 = arith.constant 36 : i32
        %swap3A_833 = arith.index_cast %swap3A_831 : i32 to index
        %swap3A_834 = arith.index_cast %swap3A_832 : i32 to index
        %swap3A_835 = arith.index_cast %mul3A_432 : i32 to index
        %swap3A_836 = tpu.vector_load %arg7[%swap3A_833, %swap3A_834, %swap3A_835] {strides = array<i32>} : memref<2x64x128xf32, #tpu.memory_space<vmem>>, vector<16xf32>,
        tpu.vector_store %arg7[%swap3A_833, %swap3A_834, %swap3A_835], %bitcast3A_749 {strides = array<i32>} : memref<2x64x128xf32, #tpu.memory_space<vmem>>, vector<16xf32>,
        %swap3A_837 = arith.constant 0 : i32
        %swap3A_838 = arith.constant 37 : i32
        %swap3A_839 = arith.index_cast %swap3A_837 : i32 to index
        %swap3A_840 = arith.index_cast %swap3A_838 : i32 to index
        %swap3A_841 = arith.index_cast %mul3A_432 : i32 to index
        %swap3A_842 = tpu.vector_load %arg7[%swap3A_839, %swap3A_840, %swap3A_841] {strides = array<i32>} : memref<2x64x128xf32, #tpu.memory_space<vmem>>, vector<16xf32>,
        tpu.vector_store %arg7[%swap3A_839, %swap3A_840, %swap3A_841], %bitcast3A_750 {strides = array<i32>} : memref<2x64x128xf32, #tpu.memory_space<vmem>>, vector<16xf32>,
        %gather3A_843 = arith.constant 23552 : i32
        %gather3A_844 = tpu.memref_slice %arg6[%gather3A_843] : memref<32768xi32, #tpu.memory_space<vmem>> -> memref<1024xi32, #tpu.memory_space<vmem>>
        %gather3A_845 = tpu.vector_load_idx %gather3A_844[%or3A] : memref<1024xi32, #tpu.memory_space<vmem>>[vector<16xi32>], vector<16xi32>,
        %shift_left3A_846 = arith.constant 16 : i32
        %shift_left3A_847 = vector.broadcast %shift_left3A_846 : i32 to vector<16xi32>
        %shift_left3A_848 = arith.shli %gather3A_845, %shift_left3A_847 : vector<16xi32>
        %bitcast3A_849 = vector.bitcast %shift_left3A_848 : vector<16xi32> to vector<16xf32>
        %bitcast3A_850 = vector.bitcast %gather3A_845 : vector<16xi32> to vector<16xf32>
        %swap3A_851 = arith.constant 0 : i32
        %swap3A_852 = arith.constant 38 : i32
        %swap3A_853 = arith.index_cast %swap3A_851 : i32 to index
        %swap3A_854 = arith.index_cast %swap3A_852 : i32 to index
        %swap3A_855 = arith.index_cast %mul3A_432 : i32 to index
        %swap3A_856 = tpu.vector_load %arg7[%swap3A_853, %swap3A_854, %swap3A_855] {strides = array<i32>} : memref<2x64x128xf32, #tpu.memory_space<vmem>>, vector<16xf32>,
        tpu.vector_store %arg7[%swap3A_853, %swap3A_854, %swap3A_855], %bitcast3A_769 {strides = array<i32>} : memref<2x64x128xf32, #tpu.memory_space<vmem>>, vector<16xf32>,
        %swap3A_857 = arith.constant 0 : i32
        %swap3A_858 = arith.constant 39 : i32
        %swap3A_859 = arith.index_cast %swap3A_857 : i32 to index
        %swap3A_860 = arith.index_cast %swap3A_858 : i32 to index
        %swap3A_861 = arith.index_cast %mul3A_432 : i32 to index
        %swap3A_862 = tpu.vector_load %arg7[%swap3A_859, %swap3A_860, %swap3A_861] {strides = array<i32>} : memref<2x64x128xf32, #tpu.memory_space<vmem>>, vector<16xf32>,
        tpu.vector_store %arg7[%swap3A_859, %swap3A_860, %swap3A_861], %bitcast3A_770 {strides = array<i32>} : memref<2x64x128xf32, #tpu.memory_space<vmem>>, vector<16xf32>,
        %gather3A_863 = arith.constant 24576 : i32
        %gather3A_864 = tpu.memref_slice %arg6[%gather3A_863] : memref<32768xi32, #tpu.memory_space<vmem>> -> memref<1024xi32, #tpu.memory_space<vmem>>
        %gather3A_865 = tpu.vector_load_idx %gather3A_864[%or3A] : memref<1024xi32, #tpu.memory_space<vmem>>[vector<16xi32>], vector<16xi32>,
        %shift_left3A_866 = arith.constant 16 : i32
        %shift_left3A_867 = vector.broadcast %shift_left3A_866 : i32 to vector<16xi32>
        %shift_left3A_868 = arith.shli %gather3A_865, %shift_left3A_867 : vector<16xi32>
        %bitcast3A_869 = vector.bitcast %shift_left3A_868 : vector<16xi32> to vector<16xf32>
        %bitcast3A_870 = vector.bitcast %gather3A_865 : vector<16xi32> to vector<16xf32>
        %swap3A_871 = arith.constant 0 : i32
        %swap3A_872 = arith.constant 40 : i32
        %swap3A_873 = arith.index_cast %swap3A_871 : i32 to index
        %swap3A_874 = arith.index_cast %swap3A_872 : i32 to index
        %swap3A_875 = arith.index_cast %mul3A_432 : i32 to index
        %swap3A_876 = tpu.vector_load %arg7[%swap3A_873, %swap3A_874, %swap3A_875] {strides = array<i32>} : memref<2x64x128xf32, #tpu.memory_space<vmem>>, vector<16xf32>,
        tpu.vector_store %arg7[%swap3A_873, %swap3A_874, %swap3A_875], %bitcast3A_789 {strides = array<i32>} : memref<2x64x128xf32, #tpu.memory_space<vmem>>, vector<16xf32>,
        %swap3A_877 = arith.constant 0 : i32
        %swap3A_878 = arith.constant 41 : i32
        %swap3A_879 = arith.index_cast %swap3A_877 : i32 to index
        %swap3A_880 = arith.index_cast %swap3A_878 : i32 to index
        %swap3A_881 = arith.index_cast %mul3A_432 : i32 to index
        %swap3A_882 = tpu.vector_load %arg7[%swap3A_879, %swap3A_880, %swap3A_881] {strides = array<i32>} : memref<2x64x128xf32, #tpu.memory_space<vmem>>, vector<16xf32>,
        tpu.vector_store %arg7[%swap3A_879, %swap3A_880, %swap3A_881], %bitcast3A_790 {strides = array<i32>} : memref<2x64x128xf32, #tpu.memory_space<vmem>>, vector<16xf32>,
        %gather3A_883 = arith.constant 25600 : i32
        %gather3A_884 = tpu.memref_slice %arg6[%gather3A_883] : memref<32768xi32, #tpu.memory_space<vmem>> -> memref<1024xi32, #tpu.memory_space<vmem>>
        %gather3A_885 = tpu.vector_load_idx %gather3A_884[%or3A] : memref<1024xi32, #tpu.memory_space<vmem>>[vector<16xi32>], vector<16xi32>,
        %shift_left3A_886 = arith.constant 16 : i32
        %shift_left3A_887 = vector.broadcast %shift_left3A_886 : i32 to vector<16xi32>
        %shift_left3A_888 = arith.shli %gather3A_885, %shift_left3A_887 : vector<16xi32>
        %bitcast3A_889 = vector.bitcast %shift_left3A_888 : vector<16xi32> to vector<16xf32>
        %bitcast3A_890 = vector.bitcast %gather3A_885 : vector<16xi32> to vector<16xf32>
        %swap3A_891 = arith.constant 0 : i32
        %swap3A_892 = arith.constant 42 : i32
        %swap3A_893 = arith.index_cast %swap3A_891 : i32 to index
        %swap3A_894 = arith.index_cast %swap3A_892 : i32 to index
        %swap3A_895 = arith.index_cast %mul3A_432 : i32 to index
        %swap3A_896 = tpu.vector_load %arg7[%swap3A_893, %swap3A_894, %swap3A_895] {strides = array<i32>} : memref<2x64x128xf32, #tpu.memory_space<vmem>>, vector<16xf32>,
        tpu.vector_store %arg7[%swap3A_893, %swap3A_894, %swap3A_895], %bitcast3A_809 {strides = array<i32>} : memref<2x64x128xf32, #tpu.memory_space<vmem>>, vector<16xf32>,
        %swap3A_897 = arith.constant 0 : i32
        %swap3A_898 = arith.constant 43 : i32
        %swap3A_899 = arith.index_cast %swap3A_897 : i32 to index
        %swap3A_900 = arith.index_cast %swap3A_898 : i32 to index
        %swap3A_901 = arith.index_cast %mul3A_432 : i32 to index
        %swap3A_902 = tpu.vector_load %arg7[%swap3A_899, %swap3A_900, %swap3A_901] {strides = array<i32>} : memref<2x64x128xf32, #tpu.memory_space<vmem>>, vector<16xf32>,
        tpu.vector_store %arg7[%swap3A_899, %swap3A_900, %swap3A_901], %bitcast3A_810 {strides = array<i32>} : memref<2x64x128xf32, #tpu.memory_space<vmem>>, vector<16xf32>,
        %gather3A_903 = arith.constant 26624 : i32
        %gather3A_904 = tpu.memref_slice %arg6[%gather3A_903] : memref<32768xi32, #tpu.memory_space<vmem>> -> memref<1024xi32, #tpu.memory_space<vmem>>
        %gather3A_905 = tpu.vector_load_idx %gather3A_904[%or3A] : memref<1024xi32, #tpu.memory_space<vmem>>[vector<16xi32>], vector<16xi32>,
        %shift_left3A_906 = arith.constant 16 : i32
        %shift_left3A_907 = vector.broadcast %shift_left3A_906 : i32 to vector<16xi32>
        %shift_left3A_908 = arith.shli %gather3A_905, %shift_left3A_907 : vector<16xi32>
        %bitcast3A_909 = vector.bitcast %shift_left3A_908 : vector<16xi32> to vector<16xf32>
        %bitcast3A_910 = vector.bitcast %gather3A_905 : vector<16xi32> to vector<16xf32>
        %swap3A_911 = arith.constant 0 : i32
        %swap3A_912 = arith.constant 44 : i32
        %swap3A_913 = arith.index_cast %swap3A_911 : i32 to index
        %swap3A_914 = arith.index_cast %swap3A_912 : i32 to index
        %swap3A_915 = arith.index_cast %mul3A_432 : i32 to index
        %swap3A_916 = tpu.vector_load %arg7[%swap3A_913, %swap3A_914, %swap3A_915] {strides = array<i32>} : memref<2x64x128xf32, #tpu.memory_space<vmem>>, vector<16xf32>,
        tpu.vector_store %arg7[%swap3A_913, %swap3A_914, %swap3A_915], %bitcast3A_829 {strides = array<i32>} : memref<2x64x128xf32, #tpu.memory_space<vmem>>, vector<16xf32>,
        %swap3A_917 = arith.constant 0 : i32
        %swap3A_918 = arith.constant 45 : i32
        %swap3A_919 = arith.index_cast %swap3A_917 : i32 to index
        %swap3A_920 = arith.index_cast %swap3A_918 : i32 to index
        %swap3A_921 = arith.index_cast %mul3A_432 : i32 to index
        %swap3A_922 = tpu.vector_load %arg7[%swap3A_919, %swap3A_920, %swap3A_921] {strides = array<i32>} : memref<2x64x128xf32, #tpu.memory_space<vmem>>, vector<16xf32>,
        tpu.vector_store %arg7[%swap3A_919, %swap3A_920, %swap3A_921], %bitcast3A_830 {strides = array<i32>} : memref<2x64x128xf32, #tpu.memory_space<vmem>>, vector<16xf32>,
        %gather3A_923 = arith.constant 27648 : i32
        %gather3A_924 = tpu.memref_slice %arg6[%gather3A_923] : memref<32768xi32, #tpu.memory_space<vmem>> -> memref<1024xi32, #tpu.memory_space<vmem>>
        %gather3A_925 = tpu.vector_load_idx %gather3A_924[%or3A] : memref<1024xi32, #tpu.memory_space<vmem>>[vector<16xi32>], vector<16xi32>,
        %shift_left3A_926 = arith.constant 16 : i32
        %shift_left3A_927 = vector.broadcast %shift_left3A_926 : i32 to vector<16xi32>
        %shift_left3A_928 = arith.shli %gather3A_925, %shift_left3A_927 : vector<16xi32>
        %bitcast3A_929 = vector.bitcast %shift_left3A_928 : vector<16xi32> to vector<16xf32>
        %bitcast3A_930 = vector.bitcast %gather3A_925 : vector<16xi32> to vector<16xf32>
        %swap3A_931 = arith.constant 0 : i32
        %swap3A_932 = arith.constant 46 : i32
        %swap3A_933 = arith.index_cast %swap3A_931 : i32 to index
        %swap3A_934 = arith.index_cast %swap3A_932 : i32 to index
        %swap3A_935 = arith.index_cast %mul3A_432 : i32 to index
        %swap3A_936 = tpu.vector_load %arg7[%swap3A_933, %swap3A_934, %swap3A_935] {strides = array<i32>} : memref<2x64x128xf32, #tpu.memory_space<vmem>>, vector<16xf32>,
        tpu.vector_store %arg7[%swap3A_933, %swap3A_934, %swap3A_935], %bitcast3A_849 {strides = array<i32>} : memref<2x64x128xf32, #tpu.memory_space<vmem>>, vector<16xf32>,
        %swap3A_937 = arith.constant 0 : i32
        %swap3A_938 = arith.constant 47 : i32
        %swap3A_939 = arith.index_cast %swap3A_937 : i32 to index
        %swap3A_940 = arith.index_cast %swap3A_938 : i32 to index
        %swap3A_941 = arith.index_cast %mul3A_432 : i32 to index
        %swap3A_942 = tpu.vector_load %arg7[%swap3A_939, %swap3A_940, %swap3A_941] {strides = array<i32>} : memref<2x64x128xf32, #tpu.memory_space<vmem>>, vector<16xf32>,
        tpu.vector_store %arg7[%swap3A_939, %swap3A_940, %swap3A_941], %bitcast3A_850 {strides = array<i32>} : memref<2x64x128xf32, #tpu.memory_space<vmem>>, vector<16xf32>,
        %gather3A_943 = arith.constant 28672 : i32
        %gather3A_944 = tpu.memref_slice %arg6[%gather3A_943] : memref<32768xi32, #tpu.memory_space<vmem>> -> memref<1024xi32, #tpu.memory_space<vmem>>
        %gather3A_945 = tpu.vector_load_idx %gather3A_944[%or3A] : memref<1024xi32, #tpu.memory_space<vmem>>[vector<16xi32>], vector<16xi32>,
        %shift_left3A_946 = arith.constant 16 : i32
        %shift_left3A_947 = vector.broadcast %shift_left3A_946 : i32 to vector<16xi32>
        %shift_left3A_948 = arith.shli %gather3A_945, %shift_left3A_947 : vector<16xi32>
        %bitcast3A_949 = vector.bitcast %shift_left3A_948 : vector<16xi32> to vector<16xf32>
        %bitcast3A_950 = vector.bitcast %gather3A_945 : vector<16xi32> to vector<16xf32>
        %swap3A_951 = arith.constant 0 : i32
        %swap3A_952 = arith.constant 48 : i32
        %swap3A_953 = arith.index_cast %swap3A_951 : i32 to index
        %swap3A_954 = arith.index_cast %swap3A_952 : i32 to index
        %swap3A_955 = arith.index_cast %mul3A_432 : i32 to index
        %swap3A_956 = tpu.vector_load %arg7[%swap3A_953, %swap3A_954, %swap3A_955] {strides = array<i32>} : memref<2x64x128xf32, #tpu.memory_space<vmem>>, vector<16xf32>,
        tpu.vector_store %arg7[%swap3A_953, %swap3A_954, %swap3A_955], %bitcast3A_869 {strides = array<i32>} : memref<2x64x128xf32, #tpu.memory_space<vmem>>, vector<16xf32>,
        %swap3A_957 = arith.constant 0 : i32
        %swap3A_958 = arith.constant 49 : i32
        %swap3A_959 = arith.index_cast %swap3A_957 : i32 to index
        %swap3A_960 = arith.index_cast %swap3A_958 : i32 to index
        %swap3A_961 = arith.index_cast %mul3A_432 : i32 to index
        %swap3A_962 = tpu.vector_load %arg7[%swap3A_959, %swap3A_960, %swap3A_961] {strides = array<i32>} : memref<2x64x128xf32, #tpu.memory_space<vmem>>, vector<16xf32>,
        tpu.vector_store %arg7[%swap3A_959, %swap3A_960, %swap3A_961], %bitcast3A_870 {strides = array<i32>} : memref<2x64x128xf32, #tpu.memory_space<vmem>>, vector<16xf32>,
        %gather3A_963 = arith.constant 29696 : i32
        %gather3A_964 = tpu.memref_slice %arg6[%gather3A_963] : memref<32768xi32, #tpu.memory_space<vmem>> -> memref<1024xi32, #tpu.memory_space<vmem>>
        %gather3A_965 = tpu.vector_load_idx %gather3A_964[%or3A] : memref<1024xi32, #tpu.memory_space<vmem>>[vector<16xi32>], vector<16xi32>,
        %shift_left3A_966 = arith.constant 16 : i32
        %shift_left3A_967 = vector.broadcast %shift_left3A_966 : i32 to vector<16xi32>
        %shift_left3A_968 = arith.shli %gather3A_965, %shift_left3A_967 : vector<16xi32>
        %bitcast3A_969 = vector.bitcast %shift_left3A_968 : vector<16xi32> to vector<16xf32>
        %bitcast3A_970 = vector.bitcast %gather3A_965 : vector<16xi32> to vector<16xf32>
        %swap3A_971 = arith.constant 0 : i32
        %swap3A_972 = arith.constant 50 : i32
        %swap3A_973 = arith.index_cast %swap3A_971 : i32 to index
        %swap3A_974 = arith.index_cast %swap3A_972 : i32 to index
        %swap3A_975 = arith.index_cast %mul3A_432 : i32 to index
        %swap3A_976 = tpu.vector_load %arg7[%swap3A_973, %swap3A_974, %swap3A_975] {strides = array<i32>} : memref<2x64x128xf32, #tpu.memory_space<vmem>>, vector<16xf32>,
        tpu.vector_store %arg7[%swap3A_973, %swap3A_974, %swap3A_975], %bitcast3A_889 {strides = array<i32>} : memref<2x64x128xf32, #tpu.memory_space<vmem>>, vector<16xf32>,
        %swap3A_977 = arith.constant 0 : i32
        %swap3A_978 = arith.constant 51 : i32
        %swap3A_979 = arith.index_cast %swap3A_977 : i32 to index
        %swap3A_980 = arith.index_cast %swap3A_978 : i32 to index
        %swap3A_981 = arith.index_cast %mul3A_432 : i32 to index
        %swap3A_982 = tpu.vector_load %arg7[%swap3A_979, %swap3A_980, %swap3A_981] {strides = array<i32>} : memref<2x64x128xf32, #tpu.memory_space<vmem>>, vector<16xf32>,
        tpu.vector_store %arg7[%swap3A_979, %swap3A_980, %swap3A_981], %bitcast3A_890 {strides = array<i32>} : memref<2x64x128xf32, #tpu.memory_space<vmem>>, vector<16xf32>,
        %gather3A_983 = arith.constant 30720 : i32
        %gather3A_984 = tpu.memref_slice %arg6[%gather3A_983] : memref<32768xi32, #tpu.memory_space<vmem>> -> memref<1024xi32, #tpu.memory_space<vmem>>
        %gather3A_985 = tpu.vector_load_idx %gather3A_984[%or3A] : memref<1024xi32, #tpu.memory_space<vmem>>[vector<16xi32>], vector<16xi32>,
        %shift_left3A_986 = arith.constant 16 : i32
        %shift_left3A_987 = vector.broadcast %shift_left3A_986 : i32 to vector<16xi32>
        %shift_left3A_988 = arith.shli %gather3A_985, %shift_left3A_987 : vector<16xi32>
        %bitcast3A_989 = vector.bitcast %shift_left3A_988 : vector<16xi32> to vector<16xf32>
        %bitcast3A_990 = vector.bitcast %gather3A_985 : vector<16xi32> to vector<16xf32>
        %swap3A_991 = arith.constant 0 : i32
        %swap3A_992 = arith.constant 52 : i32
        %swap3A_993 = arith.index_cast %swap3A_991 : i32 to index
        %swap3A_994 = arith.index_cast %swap3A_992 : i32 to index
        %swap3A_995 = arith.index_cast %mul3A_432 : i32 to index
        %swap3A_996 = tpu.vector_load %arg7[%swap3A_993, %swap3A_994, %swap3A_995] {strides = array<i32>} : memref<2x64x128xf32, #tpu.memory_space<vmem>>, vector<16xf32>,
        tpu.vector_store %arg7[%swap3A_993, %swap3A_994, %swap3A_995], %bitcast3A_909 {strides = array<i32>} : memref<2x64x128xf32, #tpu.memory_space<vmem>>, vector<16xf32>,
        %swap3A_997 = arith.constant 0 : i32
        %swap3A_998 = arith.constant 53 : i32
        %swap3A_999 = arith.index_cast %swap3A_997 : i32 to index
        %swap3A_1000 = arith.index_cast %swap3A_998 : i32 to index
        %swap3A_1001 = arith.index_cast %mul3A_432 : i32 to index
        %swap3A_1002 = tpu.vector_load %arg7[%swap3A_999, %swap3A_1000, %swap3A_1001] {strides = array<i32>} : memref<2x64x128xf32, #tpu.memory_space<vmem>>, vector<16xf32>,
        tpu.vector_store %arg7[%swap3A_999, %swap3A_1000, %swap3A_1001], %bitcast3A_910 {strides = array<i32>} : memref<2x64x128xf32, #tpu.memory_space<vmem>>, vector<16xf32>,
        %gather3A_1003 = arith.constant 31744 : i32
        %gather3A_1004 = tpu.memref_slice %arg6[%gather3A_1003] : memref<32768xi32, #tpu.memory_space<vmem>> -> memref<1024xi32, #tpu.memory_space<vmem>>
        %gather3A_1005 = tpu.vector_load_idx %gather3A_1004[%or3A] : memref<1024xi32, #tpu.memory_space<vmem>>[vector<16xi32>], vector<16xi32>,
        %shift_left3A_1006 = arith.constant 16 : i32
        %shift_left3A_1007 = vector.broadcast %shift_left3A_1006 : i32 to vector<16xi32>
        %shift_left3A_1008 = arith.shli %gather3A_1005, %shift_left3A_1007 : vector<16xi32>
        %bitcast3A_1009 = vector.bitcast %shift_left3A_1008 : vector<16xi32> to vector<16xf32>
        %bitcast3A_1010 = vector.bitcast %gather3A_1005 : vector<16xi32> to vector<16xf32>
        %swap3A_1011 = arith.constant 0 : i32
        %swap3A_1012 = arith.constant 54 : i32
        %swap3A_1013 = arith.index_cast %swap3A_1011 : i32 to index
        %swap3A_1014 = arith.index_cast %swap3A_1012 : i32 to index
        %swap3A_1015 = arith.index_cast %mul3A_432 : i32 to index
        %swap3A_1016 = tpu.vector_load %arg7[%swap3A_1013, %swap3A_1014, %swap3A_1015] {strides = array<i32>} : memref<2x64x128xf32, #tpu.memory_space<vmem>>, vector<16xf32>,
        tpu.vector_store %arg7[%swap3A_1013, %swap3A_1014, %swap3A_1015], %bitcast3A_929 {strides = array<i32>} : memref<2x64x128xf32, #tpu.memory_space<vmem>>, vector<16xf32>,
        %swap3A_1017 = arith.constant 0 : i32
        %swap3A_1018 = arith.constant 55 : i32
        %swap3A_1019 = arith.index_cast %swap3A_1017 : i32 to index
        %swap3A_1020 = arith.index_cast %swap3A_1018 : i32 to index
        %swap3A_1021 = arith.index_cast %mul3A_432 : i32 to index
        %swap3A_1022 = tpu.vector_load %arg7[%swap3A_1019, %swap3A_1020, %swap3A_1021] {strides = array<i32>} : memref<2x64x128xf32, #tpu.memory_space<vmem>>, vector<16xf32>,
        tpu.vector_store %arg7[%swap3A_1019, %swap3A_1020, %swap3A_1021], %bitcast3A_930 {strides = array<i32>} : memref<2x64x128xf32, #tpu.memory_space<vmem>>, vector<16xf32>,
        %swap3A_1023 = arith.constant 0 : i32
        %swap3A_1024 = arith.constant 56 : i32
        %swap3A_1025 = arith.index_cast %swap3A_1023 : i32 to index
        %swap3A_1026 = arith.index_cast %swap3A_1024 : i32 to index
        %swap3A_1027 = arith.index_cast %mul3A_432 : i32 to index
        %swap3A_1028 = tpu.vector_load %arg7[%swap3A_1025, %swap3A_1026, %swap3A_1027] {strides = array<i32>} : memref<2x64x128xf32, #tpu.memory_space<vmem>>, vector<16xf32>,
        tpu.vector_store %arg7[%swap3A_1025, %swap3A_1026, %swap3A_1027], %bitcast3A_949 {strides = array<i32>} : memref<2x64x128xf32, #tpu.memory_space<vmem>>, vector<16xf32>,
        %swap3A_1029 = arith.constant 0 : i32
        %swap3A_1030 = arith.constant 57 : i32
        %swap3A_1031 = arith.index_cast %swap3A_1029 : i32 to index
        %swap3A_1032 = arith.index_cast %swap3A_1030 : i32 to index
        %swap3A_1033 = arith.index_cast %mul3A_432 : i32 to index
        %swap3A_1034 = tpu.vector_load %arg7[%swap3A_1031, %swap3A_1032, %swap3A_1033] {strides = array<i32>} : memref<2x64x128xf32, #tpu.memory_space<vmem>>, vector<16xf32>,
        tpu.vector_store %arg7[%swap3A_1031, %swap3A_1032, %swap3A_1033], %bitcast3A_950 {strides = array<i32>} : memref<2x64x128xf32, #tpu.memory_space<vmem>>, vector<16xf32>,
        %swap3A_1035 = arith.constant 0 : i32
        %swap3A_1036 = arith.constant 58 : i32
        %swap3A_1037 = arith.index_cast %swap3A_1035 : i32 to index
        %swap3A_1038 = arith.index_cast %swap3A_1036 : i32 to index
        %swap3A_1039 = arith.index_cast %mul3A_432 : i32 to index
        %swap3A_1040 = tpu.vector_load %arg7[%swap3A_1037, %swap3A_1038, %swap3A_1039] {strides = array<i32>} : memref<2x64x128xf32, #tpu.memory_space<vmem>>, vector<16xf32>,
        tpu.vector_store %arg7[%swap3A_1037, %swap3A_1038, %swap3A_1039], %bitcast3A_969 {strides = array<i32>} : memref<2x64x128xf32, #tpu.memory_space<vmem>>, vector<16xf32>,
        %swap3A_1041 = arith.constant 0 : i32
        %swap3A_1042 = arith.constant 59 : i32
        %swap3A_1043 = arith.index_cast %swap3A_1041 : i32 to index
        %swap3A_1044 = arith.index_cast %swap3A_1042 : i32 to index
        %swap3A_1045 = arith.index_cast %mul3A_432 : i32 to index
        %swap3A_1046 = tpu.vector_load %arg7[%swap3A_1043, %swap3A_1044, %swap3A_1045] {strides = array<i32>} : memref<2x64x128xf32, #tpu.memory_space<vmem>>, vector<16xf32>,
        tpu.vector_store %arg7[%swap3A_1043, %swap3A_1044, %swap3A_1045], %bitcast3A_970 {strides = array<i32>} : memref<2x64x128xf32, #tpu.memory_space<vmem>>, vector<16xf32>,
        %swap3A_1047 = arith.constant 0 : i32
        %swap3A_1048 = arith.constant 60 : i32
        %swap3A_1049 = arith.index_cast %swap3A_1047 : i32 to index
        %swap3A_1050 = arith.index_cast %swap3A_1048 : i32 to index
        %swap3A_1051 = arith.index_cast %mul3A_432 : i32 to index
        %swap3A_1052 = tpu.vector_load %arg7[%swap3A_1049, %swap3A_1050, %swap3A_1051] {strides = array<i32>} : memref<2x64x128xf32, #tpu.memory_space<vmem>>, vector<16xf32>,
        tpu.vector_store %arg7[%swap3A_1049, %swap3A_1050, %swap3A_1051], %bitcast3A_989 {strides = array<i32>} : memref<2x64x128xf32, #tpu.memory_space<vmem>>, vector<16xf32>,
        %swap3A_1053 = arith.constant 0 : i32
        %swap3A_1054 = arith.constant 61 : i32
        %swap3A_1055 = arith.index_cast %swap3A_1053 : i32 to index
        %swap3A_1056 = arith.index_cast %swap3A_1054 : i32 to index
        %swap3A_1057 = arith.index_cast %mul3A_432 : i32 to index
        %swap3A_1058 = tpu.vector_load %arg7[%swap3A_1055, %swap3A_1056, %swap3A_1057] {strides = array<i32>} : memref<2x64x128xf32, #tpu.memory_space<vmem>>, vector<16xf32>,
        tpu.vector_store %arg7[%swap3A_1055, %swap3A_1056, %swap3A_1057], %bitcast3A_990 {strides = array<i32>} : memref<2x64x128xf32, #tpu.memory_space<vmem>>, vector<16xf32>,
        %swap3A_1059 = arith.constant 0 : i32
        %swap3A_1060 = arith.constant 62 : i32
        %swap3A_1061 = arith.index_cast %swap3A_1059 : i32 to index
        %swap3A_1062 = arith.index_cast %swap3A_1060 : i32 to index
        %swap3A_1063 = arith.index_cast %mul3A_432 : i32 to index
        %swap3A_1064 = tpu.vector_load %arg7[%swap3A_1061, %swap3A_1062, %swap3A_1063] {strides = array<i32>} : memref<2x64x128xf32, #tpu.memory_space<vmem>>, vector<16xf32>,
        tpu.vector_store %arg7[%swap3A_1061, %swap3A_1062, %swap3A_1063], %bitcast3A_1009 {strides = array<i32>} : memref<2x64x128xf32, #tpu.memory_space<vmem>>, vector<16xf32>,
        %swap3A_1065 = arith.constant 0 : i32
        %swap3A_1066 = arith.constant 63 : i32
        %swap3A_1067 = arith.index_cast %swap3A_1065 : i32 to index
        %swap3A_1068 = arith.index_cast %swap3A_1066 : i32 to index
        %swap3A_1069 = arith.index_cast %mul3A_432 : i32 to index
        %swap3A_1070 = tpu.vector_load %arg7[%swap3A_1067, %swap3A_1068, %swap3A_1069] {strides = array<i32>} : memref<2x64x128xf32, #tpu.memory_space<vmem>>, vector<16xf32>,
        tpu.vector_store %arg7[%swap3A_1067, %swap3A_1068, %swap3A_1069], %bitcast3A_1010 {strides = array<i32>} : memref<2x64x128xf32, #tpu.memory_space<vmem>>, vector<16xf32>,
      }
      %scan3A_192 = arith.constant 8 : i32
      %jit3A_193 = arith.constant 4 : i32
      %div3A_194 = arith.divsi %add3A_96, %jit3A_193 : i32
      %sign3A_195 = arith.constant 0 : i32
      %sign3A_196 = arith.cmpi sgt, %add3A_96, %sign3A_195 : i32
      %sign3A_197 = arith.extui %sign3A_196 : i1 to i32
      %sign3A_198 = arith.constant 0 : i32
      %sign3A_199 = arith.cmpi slt, %add3A_96, %sign3A_198 : i32
      %sign3A_200 = arith.extui %sign3A_199 : i1 to i32
      %sign3A_201 = arith.subi %sign3A_197, %sign3A_200 : i32
      %sign3A_202 = arith.constant 0 : i32
      %sign3A_203 = arith.cmpi sgt, %jit3A_193, %sign3A_202 : i32
      %sign3A_204 = arith.extui %sign3A_203 : i1 to i32
      %sign3A_205 = arith.constant 0 : i32
      %sign3A_206 = arith.cmpi slt, %jit3A_193, %sign3A_205 : i32
      %sign3A_207 = arith.extui %sign3A_206 : i1 to i32
      %sign3A_208 = arith.subi %sign3A_204, %sign3A_207 : i32
      %ne3A_209 = arith.cmpi ne, %sign3A_201, %sign3A_208 : i32
      %rem3A_210 = arith.remsi %add3A_96, %jit3A_193 : i32
      %ne3A_211 = arith.constant 0 : i32
      %ne3A_212 = arith.cmpi ne, %rem3A_210, %ne3A_211 : i32
      %and3A_213 = arith.andi %ne3A_209, %ne3A_212 : i1
      %sub3A_214 = arith.constant 1 : i32
      %sub3A_215 = arith.subi %div3A_194, %sub3A_214 : i32
      %select_n3A_216 = arith.select %and3A_213, %sub3A_215, %div3A_194 : i32
      %jit3A_217 = arith.constant 4 : i32
      %eq3A_218 = arith.constant 0 : i32
      %eq3A_219 = arith.cmpi eq, %jit3A_217, %eq3A_218 : i32
      %jit3A_220 = arith.constant 1 : i32
      %select_n3A_221 = arith.select %eq3A_219, %jit3A_220, %jit3A_217 : i32
      %rem3A_222 = arith.remsi %add3A_96, %select_n3A_221 : i32
      %ne3A_223 = arith.constant 0 : i32
      %ne3A_224 = arith.cmpi ne, %rem3A_222, %ne3A_223 : i32
      %lt3A_225 = arith.constant 0 : i32
      %lt3A_226 = arith.cmpi slt, %rem3A_222, %lt3A_225 : i32
      %lt3A_227 = arith.constant 0 : i32
      %lt3A_228 = arith.cmpi slt, %select_n3A_221, %lt3A_227 : i32
      %ne3A_229 = arith.xori %lt3A_226, %lt3A_228 : i1
      %and3A_230 = arith.andi %ne3A_229, %ne3A_224 : i1
      %add3A_231 = arith.addi %rem3A_222, %select_n3A_221 : i32
      %select_n3A_232 = arith.select %and3A_230, %add3A_231, %rem3A_222 : i32
      %mul3A_233 = arith.constant 128 : i32
      %mul3A_234 = arith.muli %select_n3A_232, %mul3A_233 : i32
      %add3A_235 = arith.addi %mul3A_2, %mul3A_234 : i32
      %dma_start3A_236 = arith.constant 0 : i32
      %dma_start3A_237 = arith.constant 0 : i32
      %dma_start3A_238 = arith.constant 0 : i32
      %dma_start3A_239 = tpu.memref_slice %arg7[%dma_start3A_236, %dma_start3A_237, %dma_start3A_238] : memref<2x64x128xf32, #tpu.memory_space<vmem>> -> memref<1x64x128xf32, #tpu.memory_space<vmem>>
      %dma_start3A_240 = tpu.memref_squeeze %dma_start3A_239 : memref<1x64x128xf32, #tpu.memory_space<vmem>> -> memref<64x128xf32, #tpu.memory_space<vmem>>
      %dma_start3A_241 = arith.constant 0 : i32
      %dma_start3A_242 = tpu.memref_slice %arg4[%select_n3A_216, %dma_start3A_241, %add3A_235] : memref<50x64x16384xf32, #tpu.memory_space<hbm>> -> memref<1x64x128xf32, #tpu.memory_space<hbm>>
      %dma_start3A_243 = tpu.memref_squeeze %dma_start3A_242 : memref<1x64x128xf32, #tpu.memory_space<hbm>> -> memref<64x128xf32, #tpu.memory_space<hbm>>
      %dma_start3A_244 = arith.constant 0 : i32
      %dma_start3A_245 = tpu.memref_slice %arg4[%select_n3A_216, %dma_start3A_244, %add3A_235] : memref<50x64x16384xf32, #tpu.memory_space<hbm>> -> memref<1x64x128xf32, #tpu.memory_space<hbm>>
      %dma_start3A_246 = tpu.memref_squeeze %dma_start3A_245 : memref<1x64x128xf32, #tpu.memory_space<hbm>> -> memref<64x128xf32, #tpu.memory_space<hbm>>
      %dma_start3A_247 = arith.constant 0 : i32
      %dma_start3A_248 = arith.constant 0 : i32
      %dma_start3A_249 = tpu.memref_slice %arg7[%dma_start3A_236, %dma_start3A_247, %dma_start3A_248] : memref<2x64x128xf32, #tpu.memory_space<vmem>> -> memref<1x64x128xf32, #tpu.memory_space<vmem>>
      %dma_start3A_250 = tpu.memref_squeeze %dma_start3A_249 : memref<1x64x128xf32, #tpu.memory_space<vmem>> -> memref<64x128xf32, #tpu.memory_space<vmem>>
      tpu.enqueue_dma source(%dma_start3A_250 : memref<64x128xf32, #tpu.memory_space<vmem>>) target(%dma_start3A_246 : memref<64x128xf32, #tpu.memory_space<hbm>>) target_semaphore(%arg8 : memref<!tpu.dma_semaphore, #tpu.memory_space<semaphore_mem>>)
      %add3A_251 = arith.constant 1 : i32
      %add3A_252 = arith.addi %add3A_94, %add3A_251 : i32
      %sub3A_253 = arith.constant 2 : i32
      %sub3A_254 = arith.subi %add3A_252, %sub3A_253 : i32
      %jit3A_255 = arith.constant 4 : i32
      %div3A_256 = arith.divsi %sub3A_254, %jit3A_255 : i32
      %sign3A_257 = arith.constant 0 : i32
      %sign3A_258 = arith.cmpi sgt, %sub3A_254, %sign3A_257 : i32
      %sign3A_259 = arith.extui %sign3A_258 : i1 to i32
      %sign3A_260 = arith.constant 0 : i32
      %sign3A_261 = arith.cmpi slt, %sub3A_254, %sign3A_260 : i32
      %sign3A_262 = arith.extui %sign3A_261 : i1 to i32
      %sign3A_263 = arith.subi %sign3A_259, %sign3A_262 : i32
      %sign3A_264 = arith.constant 0 : i32
      %sign3A_265 = arith.cmpi sgt, %jit3A_255, %sign3A_264 : i32
      %sign3A_266 = arith.extui %sign3A_265 : i1 to i32
      %sign3A_267 = arith.constant 0 : i32
      %sign3A_268 = arith.cmpi slt, %jit3A_255, %sign3A_267 : i32
      %sign3A_269 = arith.extui %sign3A_268 : i1 to i32
      %sign3A_270 = arith.subi %sign3A_266, %sign3A_269 : i32
      %ne3A_271 = arith.cmpi ne, %sign3A_263, %sign3A_270 : i32
      %rem3A_272 = arith.remsi %sub3A_254, %jit3A_255 : i32
      %ne3A_273 = arith.constant 0 : i32
      %ne3A_274 = arith.cmpi ne, %rem3A_272, %ne3A_273 : i32
      %and3A_275 = arith.andi %ne3A_271, %ne3A_274 : i1
      %sub3A_276 = arith.constant 1 : i32
      %sub3A_277 = arith.subi %div3A_256, %sub3A_276 : i32
      %select_n3A_278 = arith.select %and3A_275, %sub3A_277, %div3A_256 : i32
      %jit3A_279 = arith.constant 4 : i32
      %eq3A_280 = arith.constant 0 : i32
      %eq3A_281 = arith.cmpi eq, %jit3A_279, %eq3A_280 : i32
      %jit3A_282 = arith.constant 1 : i32
      %select_n3A_283 = arith.select %eq3A_281, %jit3A_282, %jit3A_279 : i32
      %rem3A_284 = arith.remsi %sub3A_254, %select_n3A_283 : i32
      %ne3A_285 = arith.constant 0 : i32
      %ne3A_286 = arith.cmpi ne, %rem3A_284, %ne3A_285 : i32
      %lt3A_287 = arith.constant 0 : i32
      %lt3A_288 = arith.cmpi slt, %rem3A_284, %lt3A_287 : i32
      %lt3A_289 = arith.constant 0 : i32
      %lt3A_290 = arith.cmpi slt, %select_n3A_283, %lt3A_289 : i32
      %ne3A_291 = arith.xori %lt3A_288, %lt3A_290 : i1
      %and3A_292 = arith.andi %ne3A_291, %ne3A_286 : i1
      %add3A_293 = arith.addi %rem3A_284, %select_n3A_283 : i32
      %select_n3A_294 = arith.select %and3A_292, %add3A_293, %rem3A_284 : i32
      %mul3A_295 = arith.constant 128 : i32
      %mul3A_296 = arith.muli %select_n3A_294, %mul3A_295 : i32
      %add3A_297 = arith.addi %mul3A_2, %mul3A_296 : i32
      %dma_wait3A_298 = arith.constant 1 : i32
      %dma_wait3A_299 = arith.constant 0 : i32
      %dma_wait3A_300 = arith.constant 0 : i32
      %dma_wait3A_301 = tpu.memref_slice %arg7[%dma_wait3A_298, %dma_wait3A_299, %dma_wait3A_300] : memref<2x64x128xf32, #tpu.memory_space<vmem>> -> memref<1x64x128xf32, #tpu.memory_space<vmem>>
      %dma_wait3A_302 = tpu.memref_squeeze %dma_wait3A_301 : memref<1x64x128xf32, #tpu.memory_space<vmem>> -> memref<64x128xf32, #tpu.memory_space<vmem>>
      %dma_wait3A_303 = arith.constant 0 : i32
      %dma_wait3A_304 = tpu.memref_slice %arg4[%select_n3A_278, %dma_wait3A_303, %add3A_297] : memref<50x64x16384xf32, #tpu.memory_space<hbm>> -> memref<1x64x128xf32, #tpu.memory_space<hbm>>
      %dma_wait3A_305 = tpu.memref_squeeze %dma_wait3A_304 : memref<1x64x128xf32, #tpu.memory_space<hbm>> -> memref<64x128xf32, #tpu.memory_space<hbm>>
      %dma_wait3A_306 = arith.constant 0 : i32
      %dma_wait3A_307 = tpu.memref_slice %arg4[%select_n3A_278, %dma_wait3A_306, %add3A_297] : memref<50x64x16384xf32, #tpu.memory_space<hbm>> -> memref<1x64x128xf32, #tpu.memory_space<hbm>>
      %dma_wait3A_308 = tpu.memref_squeeze %dma_wait3A_307 : memref<1x64x128xf32, #tpu.memory_space<hbm>> -> memref<64x128xf32, #tpu.memory_space<hbm>>
      %dma_wait3A_309 = arith.constant 0 : i32
      %dma_wait3A_310 = arith.constant 0 : i32
      %dma_wait3A_311 = tpu.memref_slice %arg7[%dma_wait3A_298, %dma_wait3A_309, %dma_wait3A_310] : memref<2x64x128xf32, #tpu.memory_space<vmem>> -> memref<1x64x128xf32, #tpu.memory_space<vmem>>
      %dma_wait3A_312 = tpu.memref_squeeze %dma_wait3A_311 : memref<1x64x128xf32, #tpu.memory_space<vmem>> -> memref<64x128xf32, #tpu.memory_space<vmem>>
      tpu.wait_dma2 semaphore(%arg9 : memref<!tpu.dma_semaphore, #tpu.memory_space<semaphore_mem>>) src(%dma_wait3A_312 : memref<64x128xf32, #tpu.memory_space<vmem>>) dst(%dma_wait3A_308 : memref<64x128xf32, #tpu.memory_space<hbm>>)
      %jit3A_313 = arith.constant 4 : i32
      %div3A_314 = arith.divsi %add3A_252, %jit3A_313 : i32
      %sign3A_315 = arith.constant 0 : i32
      %sign3A_316 = arith.cmpi sgt, %add3A_252, %sign3A_315 : i32
      %sign3A_317 = arith.extui %sign3A_316 : i1 to i32
      %sign3A_318 = arith.constant 0 : i32
      %sign3A_319 = arith.cmpi slt, %add3A_252, %sign3A_318 : i32
      %sign3A_320 = arith.extui %sign3A_319 : i1 to i32
      %sign3A_321 = arith.subi %sign3A_317, %sign3A_320 : i32
      %sign3A_322 = arith.constant 0 : i32
      %sign3A_323 = arith.cmpi sgt, %jit3A_313, %sign3A_322 : i32
      %sign3A_324 = arith.extui %sign3A_323 : i1 to i32
      %sign3A_325 = arith.constant 0 : i32
      %sign3A_326 = arith.cmpi slt, %jit3A_313, %sign3A_325 : i32
      %sign3A_327 = arith.extui %sign3A_326 : i1 to i32
      %sign3A_328 = arith.subi %sign3A_324, %sign3A_327 : i32
      %ne3A_329 = arith.cmpi ne, %sign3A_321, %sign3A_328 : i32
      %rem3A_330 = arith.remsi %add3A_252, %jit3A_313 : i32
      %ne3A_331 = arith.constant 0 : i32
      %ne3A_332 = arith.cmpi ne, %rem3A_330, %ne3A_331 : i32
      %and3A_333 = arith.andi %ne3A_329, %ne3A_332 : i1
      %sub3A_334 = arith.constant 1 : i32
      %sub3A_335 = arith.subi %div3A_314, %sub3A_334 : i32
      %select_n3A_336 = arith.select %and3A_333, %sub3A_335, %div3A_314 : i32
      %jit3A_337 = arith.constant 4 : i32
      %eq3A_338 = arith.constant 0 : i32
      %eq3A_339 = arith.cmpi eq, %jit3A_337, %eq3A_338 : i32
      %jit3A_340 = arith.constant 1 : i32
      %select_n3A_341 = arith.select %eq3A_339, %jit3A_340, %jit3A_337 : i32
      %rem3A_342 = arith.remsi %add3A_252, %select_n3A_341 : i32
      %ne3A_343 = arith.constant 0 : i32
      %ne3A_344 = arith.cmpi ne, %rem3A_342, %ne3A_343 : i32
      %lt3A_345 = arith.constant 0 : i32
      %lt3A_346 = arith.cmpi slt, %rem3A_342, %lt3A_345 : i32
      %lt3A_347 = arith.constant 0 : i32
      %lt3A_348 = arith.cmpi slt, %select_n3A_341, %lt3A_347 : i32
      %ne3A_349 = arith.xori %lt3A_346, %lt3A_348 : i1
      %and3A_350 = arith.andi %ne3A_349, %ne3A_344 : i1
      %add3A_351 = arith.addi %rem3A_342, %select_n3A_341 : i32
      %select_n3A_352 = arith.select %and3A_350, %add3A_351, %rem3A_342 : i32
      %scan3A_353 = arith.constant 0 : i32
      %scan3A_354 = arith.constant 8 : i32
      %scan3A_355 = arith.addi %scan3A_353, %scan3A_354 : i32
      %scan3A_356 = arith.constant 1 : i32
      scf.for %scan3A_416 = %scan3A_353 to %scan3A_355 step %scan3A_356  : i32 {
        %mul3A_417 = arith.constant 1 : i32
        %mul3A_418 = arith.muli %scan3A_416, %mul3A_417 : i32
        %add3A_419 = arith.constant 0 : i32
        %add3A_420 = arith.addi %add3A_419, %mul3A_418 : i32
        %mul3A_421 = arith.constant 128 : i32
        %mul3A_422 = arith.muli %select_n3A_352, %mul3A_421 : i32
        %mul3A_423 = arith.constant 16 : i32
        %mul3A_424 = arith.muli %add3A_420, %mul3A_423 : i32
        %add3A_425 = arith.addi %mul3A_422, %mul3A_424 : i32
        %add3A_426 = vector.broadcast %add3A_425 : i32 to vector<16xi32>
        %add3A_427 = arith.addi %add3A_426, %iota3A : vector<16xi32>
        %broadcast_in_dim3A_428 = vector.broadcast %select_n3A_336 : i32 to vector<16xi32>
        %gather3A = tpu.vector_load_idx %arg5[%add3A_427, %broadcast_in_dim3A_428] : memref<512x50xi32, #tpu.memory_space<vmem>>[vector<16xi32>, vector<16xi32>], vector<16xi32>,
        %shift_left3A = arith.constant 3 : i32
        %shift_left3A_429 = vector.broadcast %shift_left3A : i32 to vector<16xi32>
        %shift_left3A_430 = arith.shli %gather3A, %shift_left3A_429 : vector<16xi32>
        %or3A = arith.ori %shift_left3A_430, %and3A_4 : vector<16xi32>
        %mul3A_431 = arith.constant 16 : i32
        %mul3A_432 = arith.muli %add3A_420, %mul3A_431 : i32
        %gather3A_433 = arith.constant 0 : i32
        %gather3A_434 = tpu.memref_slice %arg6[%gather3A_433] : memref<32768xi32, #tpu.memory_space<vmem>> -> memref<1024xi32, #tpu.memory_space<vmem>>
        %gather3A_435 = tpu.vector_load_idx %gather3A_434[%or3A] : memref<1024xi32, #tpu.memory_space<vmem>>[vector<16xi32>], vector<16xi32>,
        %shift_left3A_436 = arith.constant 16 : i32
        %shift_left3A_437 = vector.broadcast %shift_left3A_436 : i32 to vector<16xi32>
        %shift_left3A_438 = arith.shli %gather3A_435, %shift_left3A_437 : vector<16xi32>
        %bitcast3A = vector.bitcast %shift_left3A_438 : vector<16xi32> to vector<16xf32>
        %bitcast3A_439 = vector.bitcast %gather3A_435 : vector<16xi32> to vector<16xf32>
        %gather3A_440 = arith.constant 1024 : i32
        %gather3A_441 = tpu.memref_slice %arg6[%gather3A_440] : memref<32768xi32, #tpu.memory_space<vmem>> -> memref<1024xi32, #tpu.memory_space<vmem>>
        %gather3A_442 = tpu.vector_load_idx %gather3A_441[%or3A] : memref<1024xi32, #tpu.memory_space<vmem>>[vector<16xi32>], vector<16xi32>,
        %shift_left3A_443 = arith.constant 16 : i32
        %shift_left3A_444 = vector.broadcast %shift_left3A_443 : i32 to vector<16xi32>
        %shift_left3A_445 = arith.shli %gather3A_442, %shift_left3A_444 : vector<16xi32>
        %bitcast3A_446 = vector.bitcast %shift_left3A_445 : vector<16xi32> to vector<16xf32>
        %bitcast3A_447 = vector.bitcast %gather3A_442 : vector<16xi32> to vector<16xf32>
        %gather3A_448 = arith.constant 2048 : i32
        %gather3A_449 = tpu.memref_slice %arg6[%gather3A_448] : memref<32768xi32, #tpu.memory_space<vmem>> -> memref<1024xi32, #tpu.memory_space<vmem>>
        %gather3A_450 = tpu.vector_load_idx %gather3A_449[%or3A] : memref<1024xi32, #tpu.memory_space<vmem>>[vector<16xi32>], vector<16xi32>,
        %shift_left3A_451 = arith.constant 16 : i32
        %shift_left3A_452 = vector.broadcast %shift_left3A_451 : i32 to vector<16xi32>
        %shift_left3A_453 = arith.shli %gather3A_450, %shift_left3A_452 : vector<16xi32>
        %bitcast3A_454 = vector.bitcast %shift_left3A_453 : vector<16xi32> to vector<16xf32>
        %bitcast3A_455 = vector.bitcast %gather3A_450 : vector<16xi32> to vector<16xf32>
        %gather3A_456 = arith.constant 3072 : i32
        %gather3A_457 = tpu.memref_slice %arg6[%gather3A_456] : memref<32768xi32, #tpu.memory_space<vmem>> -> memref<1024xi32, #tpu.memory_space<vmem>>
        %gather3A_458 = tpu.vector_load_idx %gather3A_457[%or3A] : memref<1024xi32, #tpu.memory_space<vmem>>[vector<16xi32>], vector<16xi32>,
        %shift_left3A_459 = arith.constant 16 : i32
        %shift_left3A_460 = vector.broadcast %shift_left3A_459 : i32 to vector<16xi32>
        %shift_left3A_461 = arith.shli %gather3A_458, %shift_left3A_460 : vector<16xi32>
        %bitcast3A_462 = vector.bitcast %shift_left3A_461 : vector<16xi32> to vector<16xf32>
        %bitcast3A_463 = vector.bitcast %gather3A_458 : vector<16xi32> to vector<16xf32>
        %gather3A_464 = arith.constant 4096 : i32
        %gather3A_465 = tpu.memref_slice %arg6[%gather3A_464] : memref<32768xi32, #tpu.memory_space<vmem>> -> memref<1024xi32, #tpu.memory_space<vmem>>
        %gather3A_466 = tpu.vector_load_idx %gather3A_465[%or3A] : memref<1024xi32, #tpu.memory_space<vmem>>[vector<16xi32>], vector<16xi32>,
        %shift_left3A_467 = arith.constant 16 : i32
        %shift_left3A_468 = vector.broadcast %shift_left3A_467 : i32 to vector<16xi32>
        %shift_left3A_469 = arith.shli %gather3A_466, %shift_left3A_468 : vector<16xi32>
        %bitcast3A_470 = vector.bitcast %shift_left3A_469 : vector<16xi32> to vector<16xf32>
        %bitcast3A_471 = vector.bitcast %gather3A_466 : vector<16xi32> to vector<16xf32>
        %swap3A = arith.constant 1 : i32
        %swap3A_472 = arith.constant 0 : i32
        %swap3A_473 = arith.index_cast %swap3A : i32 to index
        %swap3A_474 = arith.index_cast %swap3A_472 : i32 to index
        %swap3A_475 = arith.index_cast %mul3A_432 : i32 to index
        %swap3A_476 = tpu.vector_load %arg7[%swap3A_473, %swap3A_474, %swap3A_475] {strides = array<i32>} : memref<2x64x128xf32, #tpu.memory_space<vmem>>, vector<16xf32>,
        tpu.vector_store %arg7[%swap3A_473, %swap3A_474, %swap3A_475], %bitcast3A {strides = array<i32>} : memref<2x64x128xf32, #tpu.memory_space<vmem>>, vector<16xf32>,
        %swap3A_477 = arith.constant 1 : i32
        %swap3A_478 = arith.constant 1 : i32
        %swap3A_479 = arith.index_cast %swap3A_477 : i32 to index
        %swap3A_480 = arith.index_cast %swap3A_478 : i32 to index
        %swap3A_481 = arith.index_cast %mul3A_432 : i32 to index
        %swap3A_482 = tpu.vector_load %arg7[%swap3A_479, %swap3A_480, %swap3A_481] {strides = array<i32>} : memref<2x64x128xf32, #tpu.memory_space<vmem>>, vector<16xf32>,
        tpu.vector_store %arg7[%swap3A_479, %swap3A_480, %swap3A_481], %bitcast3A_439 {strides = array<i32>} : memref<2x64x128xf32, #tpu.memory_space<vmem>>, vector<16xf32>,
        %gather3A_483 = arith.constant 5120 : i32
        %gather3A_484 = tpu.memref_slice %arg6[%gather3A_483] : memref<32768xi32, #tpu.memory_space<vmem>> -> memref<1024xi32, #tpu.memory_space<vmem>>
        %gather3A_485 = tpu.vector_load_idx %gather3A_484[%or3A] : memref<1024xi32, #tpu.memory_space<vmem>>[vector<16xi32>], vector<16xi32>,
        %shift_left3A_486 = arith.constant 16 : i32
        %shift_left3A_487 = vector.broadcast %shift_left3A_486 : i32 to vector<16xi32>
        %shift_left3A_488 = arith.shli %gather3A_485, %shift_left3A_487 : vector<16xi32>
        %bitcast3A_489 = vector.bitcast %shift_left3A_488 : vector<16xi32> to vector<16xf32>
        %bitcast3A_490 = vector.bitcast %gather3A_485 : vector<16xi32> to vector<16xf32>
        %swap3A_491 = arith.constant 1 : i32
        %swap3A_492 = arith.constant 2 : i32
        %swap3A_493 = arith.index_cast %swap3A_491 : i32 to index
        %swap3A_494 = arith.index_cast %swap3A_492 : i32 to index
        %swap3A_495 = arith.index_cast %mul3A_432 : i32 to index
        %swap3A_496 = tpu.vector_load %arg7[%swap3A_493, %swap3A_494, %swap3A_495] {strides = array<i32>} : memref<2x64x128xf32, #tpu.memory_space<vmem>>, vector<16xf32>,
        tpu.vector_store %arg7[%swap3A_493, %swap3A_494, %swap3A_495], %bitcast3A_446 {strides = array<i32>} : memref<2x64x128xf32, #tpu.memory_space<vmem>>, vector<16xf32>,
        %swap3A_497 = arith.constant 1 : i32
        %swap3A_498 = arith.constant 3 : i32
        %swap3A_499 = arith.index_cast %swap3A_497 : i32 to index
        %swap3A_500 = arith.index_cast %swap3A_498 : i32 to index
        %swap3A_501 = arith.index_cast %mul3A_432 : i32 to index
        %swap3A_502 = tpu.vector_load %arg7[%swap3A_499, %swap3A_500, %swap3A_501] {strides = array<i32>} : memref<2x64x128xf32, #tpu.memory_space<vmem>>, vector<16xf32>,
        tpu.vector_store %arg7[%swap3A_499, %swap3A_500, %swap3A_501], %bitcast3A_447 {strides = array<i32>} : memref<2x64x128xf32, #tpu.memory_space<vmem>>, vector<16xf32>,
        %gather3A_503 = arith.constant 6144 : i32
        %gather3A_504 = tpu.memref_slice %arg6[%gather3A_503] : memref<32768xi32, #tpu.memory_space<vmem>> -> memref<1024xi32, #tpu.memory_space<vmem>>
        %gather3A_505 = tpu.vector_load_idx %gather3A_504[%or3A] : memref<1024xi32, #tpu.memory_space<vmem>>[vector<16xi32>], vector<16xi32>,
        %shift_left3A_506 = arith.constant 16 : i32
        %shift_left3A_507 = vector.broadcast %shift_left3A_506 : i32 to vector<16xi32>
        %shift_left3A_508 = arith.shli %gather3A_505, %shift_left3A_507 : vector<16xi32>
        %bitcast3A_509 = vector.bitcast %shift_left3A_508 : vector<16xi32> to vector<16xf32>
        %bitcast3A_510 = vector.bitcast %gather3A_505 : vector<16xi32> to vector<16xf32>
        %swap3A_511 = arith.constant 1 : i32
        %swap3A_512 = arith.constant 4 : i32
        %swap3A_513 = arith.index_cast %swap3A_511 : i32 to index
        %swap3A_514 = arith.index_cast %swap3A_512 : i32 to index
        %swap3A_515 = arith.index_cast %mul3A_432 : i32 to index
        %swap3A_516 = tpu.vector_load %arg7[%swap3A_513, %swap3A_514, %swap3A_515] {strides = array<i32>} : memref<2x64x128xf32, #tpu.memory_space<vmem>>, vector<16xf32>,
        tpu.vector_store %arg7[%swap3A_513, %swap3A_514, %swap3A_515], %bitcast3A_454 {strides = array<i32>} : memref<2x64x128xf32, #tpu.memory_space<vmem>>, vector<16xf32>,
        %swap3A_517 = arith.constant 1 : i32
        %swap3A_518 = arith.constant 5 : i32
        %swap3A_519 = arith.index_cast %swap3A_517 : i32 to index
        %swap3A_520 = arith.index_cast %swap3A_518 : i32 to index
        %swap3A_521 = arith.index_cast %mul3A_432 : i32 to index
        %swap3A_522 = tpu.vector_load %arg7[%swap3A_519, %swap3A_520, %swap3A_521] {strides = array<i32>} : memref<2x64x128xf32, #tpu.memory_space<vmem>>, vector<16xf32>,
        tpu.vector_store %arg7[%swap3A_519, %swap3A_520, %swap3A_521], %bitcast3A_455 {strides = array<i32>} : memref<2x64x128xf32, #tpu.memory_space<vmem>>, vector<16xf32>,
        %gather3A_523 = arith.constant 7168 : i32
        %gather3A_524 = tpu.memref_slice %arg6[%gather3A_523] : memref<32768xi32, #tpu.memory_space<vmem>> -> memref<1024xi32, #tpu.memory_space<vmem>>
        %gather3A_525 = tpu.vector_load_idx %gather3A_524[%or3A] : memref<1024xi32, #tpu.memory_space<vmem>>[vector<16xi32>], vector<16xi32>,
        %shift_left3A_526 = arith.constant 16 : i32
        %shift_left3A_527 = vector.broadcast %shift_left3A_526 : i32 to vector<16xi32>
        %shift_left3A_528 = arith.shli %gather3A_525, %shift_left3A_527 : vector<16xi32>
        %bitcast3A_529 = vector.bitcast %shift_left3A_528 : vector<16xi32> to vector<16xf32>
        %bitcast3A_530 = vector.bitcast %gather3A_525 : vector<16xi32> to vector<16xf32>
        %swap3A_531 = arith.constant 1 : i32
        %swap3A_532 = arith.constant 6 : i32
        %swap3A_533 = arith.index_cast %swap3A_531 : i32 to index
        %swap3A_534 = arith.index_cast %swap3A_532 : i32 to index
        %swap3A_535 = arith.index_cast %mul3A_432 : i32 to index
        %swap3A_536 = tpu.vector_load %arg7[%swap3A_533, %swap3A_534, %swap3A_535] {strides = array<i32>} : memref<2x64x128xf32, #tpu.memory_space<vmem>>, vector<16xf32>,
        tpu.vector_store %arg7[%swap3A_533, %swap3A_534, %swap3A_535], %bitcast3A_462 {strides = array<i32>} : memref<2x64x128xf32, #tpu.memory_space<vmem>>, vector<16xf32>,
        %swap3A_537 = arith.constant 1 : i32
        %swap3A_538 = arith.constant 7 : i32
        %swap3A_539 = arith.index_cast %swap3A_537 : i32 to index
        %swap3A_540 = arith.index_cast %swap3A_538 : i32 to index
        %swap3A_541 = arith.index_cast %mul3A_432 : i32 to index
        %swap3A_542 = tpu.vector_load %arg7[%swap3A_539, %swap3A_540, %swap3A_541] {strides = array<i32>} : memref<2x64x128xf32, #tpu.memory_space<vmem>>, vector<16xf32>,
        tpu.vector_store %arg7[%swap3A_539, %swap3A_540, %swap3A_541], %bitcast3A_463 {strides = array<i32>} : memref<2x64x128xf32, #tpu.memory_space<vmem>>, vector<16xf32>,
        %gather3A_543 = arith.constant 8192 : i32
        %gather3A_544 = tpu.memref_slice %arg6[%gather3A_543] : memref<32768xi32, #tpu.memory_space<vmem>> -> memref<1024xi32, #tpu.memory_space<vmem>>
        %gather3A_545 = tpu.vector_load_idx %gather3A_544[%or3A] : memref<1024xi32, #tpu.memory_space<vmem>>[vector<16xi32>], vector<16xi32>,
        %shift_left3A_546 = arith.constant 16 : i32
        %shift_left3A_547 = vector.broadcast %shift_left3A_546 : i32 to vector<16xi32>
        %shift_left3A_548 = arith.shli %gather3A_545, %shift_left3A_547 : vector<16xi32>
        %bitcast3A_549 = vector.bitcast %shift_left3A_548 : vector<16xi32> to vector<16xf32>
        %bitcast3A_550 = vector.bitcast %gather3A_545 : vector<16xi32> to vector<16xf32>
        %swap3A_551 = arith.constant 1 : i32
        %swap3A_552 = arith.constant 8 : i32
        %swap3A_553 = arith.index_cast %swap3A_551 : i32 to index
        %swap3A_554 = arith.index_cast %swap3A_552 : i32 to index
        %swap3A_555 = arith.index_cast %mul3A_432 : i32 to index
        %swap3A_556 = tpu.vector_load %arg7[%swap3A_553, %swap3A_554, %swap3A_555] {strides = array<i32>} : memref<2x64x128xf32, #tpu.memory_space<vmem>>, vector<16xf32>,
        tpu.vector_store %arg7[%swap3A_553, %swap3A_554, %swap3A_555], %bitcast3A_470 {strides = array<i32>} : memref<2x64x128xf32, #tpu.memory_space<vmem>>, vector<16xf32>,
        %swap3A_557 = arith.constant 1 : i32
        %swap3A_558 = arith.constant 9 : i32
        %swap3A_559 = arith.index_cast %swap3A_557 : i32 to index
        %swap3A_560 = arith.index_cast %swap3A_558 : i32 to index
        %swap3A_561 = arith.index_cast %mul3A_432 : i32 to index
        %swap3A_562 = tpu.vector_load %arg7[%swap3A_559, %swap3A_560, %swap3A_561] {strides = array<i32>} : memref<2x64x128xf32, #tpu.memory_space<vmem>>, vector<16xf32>,
        tpu.vector_store %arg7[%swap3A_559, %swap3A_560, %swap3A_561], %bitcast3A_471 {strides = array<i32>} : memref<2x64x128xf32, #tpu.memory_space<vmem>>, vector<16xf32>,
        %gather3A_563 = arith.constant 9216 : i32
        %gather3A_564 = tpu.memref_slice %arg6[%gather3A_563] : memref<32768xi32, #tpu.memory_space<vmem>> -> memref<1024xi32, #tpu.memory_space<vmem>>
        %gather3A_565 = tpu.vector_load_idx %gather3A_564[%or3A] : memref<1024xi32, #tpu.memory_space<vmem>>[vector<16xi32>], vector<16xi32>,
        %shift_left3A_566 = arith.constant 16 : i32
        %shift_left3A_567 = vector.broadcast %shift_left3A_566 : i32 to vector<16xi32>
        %shift_left3A_568 = arith.shli %gather3A_565, %shift_left3A_567 : vector<16xi32>
        %bitcast3A_569 = vector.bitcast %shift_left3A_568 : vector<16xi32> to vector<16xf32>
        %bitcast3A_570 = vector.bitcast %gather3A_565 : vector<16xi32> to vector<16xf32>
        %swap3A_571 = arith.constant 1 : i32
        %swap3A_572 = arith.constant 10 : i32
        %swap3A_573 = arith.index_cast %swap3A_571 : i32 to index
        %swap3A_574 = arith.index_cast %swap3A_572 : i32 to index
        %swap3A_575 = arith.index_cast %mul3A_432 : i32 to index
        %swap3A_576 = tpu.vector_load %arg7[%swap3A_573, %swap3A_574, %swap3A_575] {strides = array<i32>} : memref<2x64x128xf32, #tpu.memory_space<vmem>>, vector<16xf32>,
        tpu.vector_store %arg7[%swap3A_573, %swap3A_574, %swap3A_575], %bitcast3A_489 {strides = array<i32>} : memref<2x64x128xf32, #tpu.memory_space<vmem>>, vector<16xf32>,
        %swap3A_577 = arith.constant 1 : i32
        %swap3A_578 = arith.constant 11 : i32
        %swap3A_579 = arith.index_cast %swap3A_577 : i32 to index
        %swap3A_580 = arith.index_cast %swap3A_578 : i32 to index
        %swap3A_581 = arith.index_cast %mul3A_432 : i32 to index
        %swap3A_582 = tpu.vector_load %arg7[%swap3A_579, %swap3A_580, %swap3A_581] {strides = array<i32>} : memref<2x64x128xf32, #tpu.memory_space<vmem>>, vector<16xf32>,
        tpu.vector_store %arg7[%swap3A_579, %swap3A_580, %swap3A_581], %bitcast3A_490 {strides = array<i32>} : memref<2x64x128xf32, #tpu.memory_space<vmem>>, vector<16xf32>,
        %gather3A_583 = arith.constant 10240 : i32
        %gather3A_584 = tpu.memref_slice %arg6[%gather3A_583] : memref<32768xi32, #tpu.memory_space<vmem>> -> memref<1024xi32, #tpu.memory_space<vmem>>
        %gather3A_585 = tpu.vector_load_idx %gather3A_584[%or3A] : memref<1024xi32, #tpu.memory_space<vmem>>[vector<16xi32>], vector<16xi32>,
        %shift_left3A_586 = arith.constant 16 : i32
        %shift_left3A_587 = vector.broadcast %shift_left3A_586 : i32 to vector<16xi32>
        %shift_left3A_588 = arith.shli %gather3A_585, %shift_left3A_587 : vector<16xi32>
        %bitcast3A_589 = vector.bitcast %shift_left3A_588 : vector<16xi32> to vector<16xf32>
        %bitcast3A_590 = vector.bitcast %gather3A_585 : vector<16xi32> to vector<16xf32>
        %swap3A_591 = arith.constant 1 : i32
        %swap3A_592 = arith.constant 12 : i32
        %swap3A_593 = arith.index_cast %swap3A_591 : i32 to index
        %swap3A_594 = arith.index_cast %swap3A_592 : i32 to index
        %swap3A_595 = arith.index_cast %mul3A_432 : i32 to index
        %swap3A_596 = tpu.vector_load %arg7[%swap3A_593, %swap3A_594, %swap3A_595] {strides = array<i32>} : memref<2x64x128xf32, #tpu.memory_space<vmem>>, vector<16xf32>,
        tpu.vector_store %arg7[%swap3A_593, %swap3A_594, %swap3A_595], %bitcast3A_509 {strides = array<i32>} : memref<2x64x128xf32, #tpu.memory_space<vmem>>, vector<16xf32>,
        %swap3A_597 = arith.constant 1 : i32
        %swap3A_598 = arith.constant 13 : i32
        %swap3A_599 = arith.index_cast %swap3A_597 : i32 to index
        %swap3A_600 = arith.index_cast %swap3A_598 : i32 to index
        %swap3A_601 = arith.index_cast %mul3A_432 : i32 to index
        %swap3A_602 = tpu.vector_load %arg7[%swap3A_599, %swap3A_600, %swap3A_601] {strides = array<i32>} : memref<2x64x128xf32, #tpu.memory_space<vmem>>, vector<16xf32>,
        tpu.vector_store %arg7[%swap3A_599, %swap3A_600, %swap3A_601], %bitcast3A_510 {strides = array<i32>} : memref<2x64x128xf32, #tpu.memory_space<vmem>>, vector<16xf32>,
        %gather3A_603 = arith.constant 11264 : i32
        %gather3A_604 = tpu.memref_slice %arg6[%gather3A_603] : memref<32768xi32, #tpu.memory_space<vmem>> -> memref<1024xi32, #tpu.memory_space<vmem>>
        %gather3A_605 = tpu.vector_load_idx %gather3A_604[%or3A] : memref<1024xi32, #tpu.memory_space<vmem>>[vector<16xi32>], vector<16xi32>,
        %shift_left3A_606 = arith.constant 16 : i32
        %shift_left3A_607 = vector.broadcast %shift_left3A_606 : i32 to vector<16xi32>
        %shift_left3A_608 = arith.shli %gather3A_605, %shift_left3A_607 : vector<16xi32>
        %bitcast3A_609 = vector.bitcast %shift_left3A_608 : vector<16xi32> to vector<16xf32>
        %bitcast3A_610 = vector.bitcast %gather3A_605 : vector<16xi32> to vector<16xf32>
        %swap3A_611 = arith.constant 1 : i32
        %swap3A_612 = arith.constant 14 : i32
        %swap3A_613 = arith.index_cast %swap3A_611 : i32 to index
        %swap3A_614 = arith.index_cast %swap3A_612 : i32 to index
        %swap3A_615 = arith.index_cast %mul3A_432 : i32 to index
        %swap3A_616 = tpu.vector_load %arg7[%swap3A_613, %swap3A_614, %swap3A_615] {strides = array<i32>} : memref<2x64x128xf32, #tpu.memory_space<vmem>>, vector<16xf32>,
        tpu.vector_store %arg7[%swap3A_613, %swap3A_614, %swap3A_615], %bitcast3A_529 {strides = array<i32>} : memref<2x64x128xf32, #tpu.memory_space<vmem>>, vector<16xf32>,
        %swap3A_617 = arith.constant 1 : i32
        %swap3A_618 = arith.constant 15 : i32
        %swap3A_619 = arith.index_cast %swap3A_617 : i32 to index
        %swap3A_620 = arith.index_cast %swap3A_618 : i32 to index
        %swap3A_621 = arith.index_cast %mul3A_432 : i32 to index
        %swap3A_622 = tpu.vector_load %arg7[%swap3A_619, %swap3A_620, %swap3A_621] {strides = array<i32>} : memref<2x64x128xf32, #tpu.memory_space<vmem>>, vector<16xf32>,
        tpu.vector_store %arg7[%swap3A_619, %swap3A_620, %swap3A_621], %bitcast3A_530 {strides = array<i32>} : memref<2x64x128xf32, #tpu.memory_space<vmem>>, vector<16xf32>,
        %gather3A_623 = arith.constant 12288 : i32
        %gather3A_624 = tpu.memref_slice %arg6[%gather3A_623] : memref<32768xi32, #tpu.memory_space<vmem>> -> memref<1024xi32, #tpu.memory_space<vmem>>
        %gather3A_625 = tpu.vector_load_idx %gather3A_624[%or3A] : memref<1024xi32, #tpu.memory_space<vmem>>[vector<16xi32>], vector<16xi32>,
        %shift_left3A_626 = arith.constant 16 : i32
        %shift_left3A_627 = vector.broadcast %shift_left3A_626 : i32 to vector<16xi32>
        %shift_left3A_628 = arith.shli %gather3A_625, %shift_left3A_627 : vector<16xi32>
        %bitcast3A_629 = vector.bitcast %shift_left3A_628 : vector<16xi32> to vector<16xf32>
        %bitcast3A_630 = vector.bitcast %gather3A_625 : vector<16xi32> to vector<16xf32>
        %swap3A_631 = arith.constant 1 : i32
        %swap3A_632 = arith.constant 16 : i32
        %swap3A_633 = arith.index_cast %swap3A_631 : i32 to index
        %swap3A_634 = arith.index_cast %swap3A_632 : i32 to index
        %swap3A_635 = arith.index_cast %mul3A_432 : i32 to index
        %swap3A_636 = tpu.vector_load %arg7[%swap3A_633, %swap3A_634, %swap3A_635] {strides = array<i32>} : memref<2x64x128xf32, #tpu.memory_space<vmem>>, vector<16xf32>,
        tpu.vector_store %arg7[%swap3A_633, %swap3A_634, %swap3A_635], %bitcast3A_549 {strides = array<i32>} : memref<2x64x128xf32, #tpu.memory_space<vmem>>, vector<16xf32>,
        %swap3A_637 = arith.constant 1 : i32
        %swap3A_638 = arith.constant 17 : i32
        %swap3A_639 = arith.index_cast %swap3A_637 : i32 to index
        %swap3A_640 = arith.index_cast %swap3A_638 : i32 to index
        %swap3A_641 = arith.index_cast %mul3A_432 : i32 to index
        %swap3A_642 = tpu.vector_load %arg7[%swap3A_639, %swap3A_640, %swap3A_641] {strides = array<i32>} : memref<2x64x128xf32, #tpu.memory_space<vmem>>, vector<16xf32>,
        tpu.vector_store %arg7[%swap3A_639, %swap3A_640, %swap3A_641], %bitcast3A_550 {strides = array<i32>} : memref<2x64x128xf32, #tpu.memory_space<vmem>>, vector<16xf32>,
        %gather3A_643 = arith.constant 13312 : i32
        %gather3A_644 = tpu.memref_slice %arg6[%gather3A_643] : memref<32768xi32, #tpu.memory_space<vmem>> -> memref<1024xi32, #tpu.memory_space<vmem>>
        %gather3A_645 = tpu.vector_load_idx %gather3A_644[%or3A] : memref<1024xi32, #tpu.memory_space<vmem>>[vector<16xi32>], vector<16xi32>,
        %shift_left3A_646 = arith.constant 16 : i32
        %shift_left3A_647 = vector.broadcast %shift_left3A_646 : i32 to vector<16xi32>
        %shift_left3A_648 = arith.shli %gather3A_645, %shift_left3A_647 : vector<16xi32>
        %bitcast3A_649 = vector.bitcast %shift_left3A_648 : vector<16xi32> to vector<16xf32>
        %bitcast3A_650 = vector.bitcast %gather3A_645 : vector<16xi32> to vector<16xf32>
        %swap3A_651 = arith.constant 1 : i32
        %swap3A_652 = arith.constant 18 : i32
        %swap3A_653 = arith.index_cast %swap3A_651 : i32 to index
        %swap3A_654 = arith.index_cast %swap3A_652 : i32 to index
        %swap3A_655 = arith.index_cast %mul3A_432 : i32 to index
        %swap3A_656 = tpu.vector_load %arg7[%swap3A_653, %swap3A_654, %swap3A_655] {strides = array<i32>} : memref<2x64x128xf32, #tpu.memory_space<vmem>>, vector<16xf32>,
        tpu.vector_store %arg7[%swap3A_653, %swap3A_654, %swap3A_655], %bitcast3A_569 {strides = array<i32>} : memref<2x64x128xf32, #tpu.memory_space<vmem>>, vector<16xf32>,
        %swap3A_657 = arith.constant 1 : i32
        %swap3A_658 = arith.constant 19 : i32
        %swap3A_659 = arith.index_cast %swap3A_657 : i32 to index
        %swap3A_660 = arith.index_cast %swap3A_658 : i32 to index
        %swap3A_661 = arith.index_cast %mul3A_432 : i32 to index
        %swap3A_662 = tpu.vector_load %arg7[%swap3A_659, %swap3A_660, %swap3A_661] {strides = array<i32>} : memref<2x64x128xf32, #tpu.memory_space<vmem>>, vector<16xf32>,
        tpu.vector_store %arg7[%swap3A_659, %swap3A_660, %swap3A_661], %bitcast3A_570 {strides = array<i32>} : memref<2x64x128xf32, #tpu.memory_space<vmem>>, vector<16xf32>,
        %gather3A_663 = arith.constant 14336 : i32
        %gather3A_664 = tpu.memref_slice %arg6[%gather3A_663] : memref<32768xi32, #tpu.memory_space<vmem>> -> memref<1024xi32, #tpu.memory_space<vmem>>
        %gather3A_665 = tpu.vector_load_idx %gather3A_664[%or3A] : memref<1024xi32, #tpu.memory_space<vmem>>[vector<16xi32>], vector<16xi32>,
        %shift_left3A_666 = arith.constant 16 : i32
        %shift_left3A_667 = vector.broadcast %shift_left3A_666 : i32 to vector<16xi32>
        %shift_left3A_668 = arith.shli %gather3A_665, %shift_left3A_667 : vector<16xi32>
        %bitcast3A_669 = vector.bitcast %shift_left3A_668 : vector<16xi32> to vector<16xf32>
        %bitcast3A_670 = vector.bitcast %gather3A_665 : vector<16xi32> to vector<16xf32>
        %swap3A_671 = arith.constant 1 : i32
        %swap3A_672 = arith.constant 20 : i32
        %swap3A_673 = arith.index_cast %swap3A_671 : i32 to index
        %swap3A_674 = arith.index_cast %swap3A_672 : i32 to index
        %swap3A_675 = arith.index_cast %mul3A_432 : i32 to index
        %swap3A_676 = tpu.vector_load %arg7[%swap3A_673, %swap3A_674, %swap3A_675] {strides = array<i32>} : memref<2x64x128xf32, #tpu.memory_space<vmem>>, vector<16xf32>,
        tpu.vector_store %arg7[%swap3A_673, %swap3A_674, %swap3A_675], %bitcast3A_589 {strides = array<i32>} : memref<2x64x128xf32, #tpu.memory_space<vmem>>, vector<16xf32>,
        %swap3A_677 = arith.constant 1 : i32
        %swap3A_678 = arith.constant 21 : i32
        %swap3A_679 = arith.index_cast %swap3A_677 : i32 to index
        %swap3A_680 = arith.index_cast %swap3A_678 : i32 to index
        %swap3A_681 = arith.index_cast %mul3A_432 : i32 to index
        %swap3A_682 = tpu.vector_load %arg7[%swap3A_679, %swap3A_680, %swap3A_681] {strides = array<i32>} : memref<2x64x128xf32, #tpu.memory_space<vmem>>, vector<16xf32>,
        tpu.vector_store %arg7[%swap3A_679, %swap3A_680, %swap3A_681], %bitcast3A_590 {strides = array<i32>} : memref<2x64x128xf32, #tpu.memory_space<vmem>>, vector<16xf32>,
        %gather3A_683 = arith.constant 15360 : i32
        %gather3A_684 = tpu.memref_slice %arg6[%gather3A_683] : memref<32768xi32, #tpu.memory_space<vmem>> -> memref<1024xi32, #tpu.memory_space<vmem>>
        %gather3A_685 = tpu.vector_load_idx %gather3A_684[%or3A] : memref<1024xi32, #tpu.memory_space<vmem>>[vector<16xi32>], vector<16xi32>,
        %shift_left3A_686 = arith.constant 16 : i32
        %shift_left3A_687 = vector.broadcast %shift_left3A_686 : i32 to vector<16xi32>
        %shift_left3A_688 = arith.shli %gather3A_685, %shift_left3A_687 : vector<16xi32>
        %bitcast3A_689 = vector.bitcast %shift_left3A_688 : vector<16xi32> to vector<16xf32>
        %bitcast3A_690 = vector.bitcast %gather3A_685 : vector<16xi32> to vector<16xf32>
        %swap3A_691 = arith.constant 1 : i32
        %swap3A_692 = arith.constant 22 : i32
        %swap3A_693 = arith.index_cast %swap3A_691 : i32 to index
        %swap3A_694 = arith.index_cast %swap3A_692 : i32 to index
        %swap3A_695 = arith.index_cast %mul3A_432 : i32 to index
        %swap3A_696 = tpu.vector_load %arg7[%swap3A_693, %swap3A_694, %swap3A_695] {strides = array<i32>} : memref<2x64x128xf32, #tpu.memory_space<vmem>>, vector<16xf32>,
        tpu.vector_store %arg7[%swap3A_693, %swap3A_694, %swap3A_695], %bitcast3A_609 {strides = array<i32>} : memref<2x64x128xf32, #tpu.memory_space<vmem>>, vector<16xf32>,
        %swap3A_697 = arith.constant 1 : i32
        %swap3A_698 = arith.constant 23 : i32
        %swap3A_699 = arith.index_cast %swap3A_697 : i32 to index
        %swap3A_700 = arith.index_cast %swap3A_698 : i32 to index
        %swap3A_701 = arith.index_cast %mul3A_432 : i32 to index
        %swap3A_702 = tpu.vector_load %arg7[%swap3A_699, %swap3A_700, %swap3A_701] {strides = array<i32>} : memref<2x64x128xf32, #tpu.memory_space<vmem>>, vector<16xf32>,
        tpu.vector_store %arg7[%swap3A_699, %swap3A_700, %swap3A_701], %bitcast3A_610 {strides = array<i32>} : memref<2x64x128xf32, #tpu.memory_space<vmem>>, vector<16xf32>,
        %gather3A_703 = arith.constant 16384 : i32
        %gather3A_704 = tpu.memref_slice %arg6[%gather3A_703] : memref<32768xi32, #tpu.memory_space<vmem>> -> memref<1024xi32, #tpu.memory_space<vmem>>
        %gather3A_705 = tpu.vector_load_idx %gather3A_704[%or3A] : memref<1024xi32, #tpu.memory_space<vmem>>[vector<16xi32>], vector<16xi32>,
        %shift_left3A_706 = arith.constant 16 : i32
        %shift_left3A_707 = vector.broadcast %shift_left3A_706 : i32 to vector<16xi32>
        %shift_left3A_708 = arith.shli %gather3A_705, %shift_left3A_707 : vector<16xi32>
        %bitcast3A_709 = vector.bitcast %shift_left3A_708 : vector<16xi32> to vector<16xf32>
        %bitcast3A_710 = vector.bitcast %gather3A_705 : vector<16xi32> to vector<16xf32>
        %swap3A_711 = arith.constant 1 : i32
        %swap3A_712 = arith.constant 24 : i32
        %swap3A_713 = arith.index_cast %swap3A_711 : i32 to index
        %swap3A_714 = arith.index_cast %swap3A_712 : i32 to index
        %swap3A_715 = arith.index_cast %mul3A_432 : i32 to index
        %swap3A_716 = tpu.vector_load %arg7[%swap3A_713, %swap3A_714, %swap3A_715] {strides = array<i32>} : memref<2x64x128xf32, #tpu.memory_space<vmem>>, vector<16xf32>,
        tpu.vector_store %arg7[%swap3A_713, %swap3A_714, %swap3A_715], %bitcast3A_629 {strides = array<i32>} : memref<2x64x128xf32, #tpu.memory_space<vmem>>, vector<16xf32>,
        %swap3A_717 = arith.constant 1 : i32
        %swap3A_718 = arith.constant 25 : i32
        %swap3A_719 = arith.index_cast %swap3A_717 : i32 to index
        %swap3A_720 = arith.index_cast %swap3A_718 : i32 to index
        %swap3A_721 = arith.index_cast %mul3A_432 : i32 to index
        %swap3A_722 = tpu.vector_load %arg7[%swap3A_719, %swap3A_720, %swap3A_721] {strides = array<i32>} : memref<2x64x128xf32, #tpu.memory_space<vmem>>, vector<16xf32>,
        tpu.vector_store %arg7[%swap3A_719, %swap3A_720, %swap3A_721], %bitcast3A_630 {strides = array<i32>} : memref<2x64x128xf32, #tpu.memory_space<vmem>>, vector<16xf32>,
        %gather3A_723 = arith.constant 17408 : i32
        %gather3A_724 = tpu.memref_slice %arg6[%gather3A_723] : memref<32768xi32, #tpu.memory_space<vmem>> -> memref<1024xi32, #tpu.memory_space<vmem>>
        %gather3A_725 = tpu.vector_load_idx %gather3A_724[%or3A] : memref<1024xi32, #tpu.memory_space<vmem>>[vector<16xi32>], vector<16xi32>,
        %shift_left3A_726 = arith.constant 16 : i32
        %shift_left3A_727 = vector.broadcast %shift_left3A_726 : i32 to vector<16xi32>
        %shift_left3A_728 = arith.shli %gather3A_725, %shift_left3A_727 : vector<16xi32>
        %bitcast3A_729 = vector.bitcast %shift_left3A_728 : vector<16xi32> to vector<16xf32>
        %bitcast3A_730 = vector.bitcast %gather3A_725 : vector<16xi32> to vector<16xf32>
        %swap3A_731 = arith.constant 1 : i32
        %swap3A_732 = arith.constant 26 : i32
        %swap3A_733 = arith.index_cast %swap3A_731 : i32 to index
        %swap3A_734 = arith.index_cast %swap3A_732 : i32 to index
        %swap3A_735 = arith.index_cast %mul3A_432 : i32 to index
        %swap3A_736 = tpu.vector_load %arg7[%swap3A_733, %swap3A_734, %swap3A_735] {strides = array<i32>} : memref<2x64x128xf32, #tpu.memory_space<vmem>>, vector<16xf32>,
        tpu.vector_store %arg7[%swap3A_733, %swap3A_734, %swap3A_735], %bitcast3A_649 {strides = array<i32>} : memref<2x64x128xf32, #tpu.memory_space<vmem>>, vector<16xf32>,
        %swap3A_737 = arith.constant 1 : i32
        %swap3A_738 = arith.constant 27 : i32
        %swap3A_739 = arith.index_cast %swap3A_737 : i32 to index
        %swap3A_740 = arith.index_cast %swap3A_738 : i32 to index
        %swap3A_741 = arith.index_cast %mul3A_432 : i32 to index
        %swap3A_742 = tpu.vector_load %arg7[%swap3A_739, %swap3A_740, %swap3A_741] {strides = array<i32>} : memref<2x64x128xf32, #tpu.memory_space<vmem>>, vector<16xf32>,
        tpu.vector_store %arg7[%swap3A_739, %swap3A_740, %swap3A_741], %bitcast3A_650 {strides = array<i32>} : memref<2x64x128xf32, #tpu.memory_space<vmem>>, vector<16xf32>,
        %gather3A_743 = arith.constant 18432 : i32
        %gather3A_744 = tpu.memref_slice %arg6[%gather3A_743] : memref<32768xi32, #tpu.memory_space<vmem>> -> memref<1024xi32, #tpu.memory_space<vmem>>
        %gather3A_745 = tpu.vector_load_idx %gather3A_744[%or3A] : memref<1024xi32, #tpu.memory_space<vmem>>[vector<16xi32>], vector<16xi32>,
        %shift_left3A_746 = arith.constant 16 : i32
        %shift_left3A_747 = vector.broadcast %shift_left3A_746 : i32 to vector<16xi32>
        %shift_left3A_748 = arith.shli %gather3A_745, %shift_left3A_747 : vector<16xi32>
        %bitcast3A_749 = vector.bitcast %shift_left3A_748 : vector<16xi32> to vector<16xf32>
        %bitcast3A_750 = vector.bitcast %gather3A_745 : vector<16xi32> to vector<16xf32>
        %swap3A_751 = arith.constant 1 : i32
        %swap3A_752 = arith.constant 28 : i32
        %swap3A_753 = arith.index_cast %swap3A_751 : i32 to index
        %swap3A_754 = arith.index_cast %swap3A_752 : i32 to index
        %swap3A_755 = arith.index_cast %mul3A_432 : i32 to index
        %swap3A_756 = tpu.vector_load %arg7[%swap3A_753, %swap3A_754, %swap3A_755] {strides = array<i32>} : memref<2x64x128xf32, #tpu.memory_space<vmem>>, vector<16xf32>,
        tpu.vector_store %arg7[%swap3A_753, %swap3A_754, %swap3A_755], %bitcast3A_669 {strides = array<i32>} : memref<2x64x128xf32, #tpu.memory_space<vmem>>, vector<16xf32>,
        %swap3A_757 = arith.constant 1 : i32
        %swap3A_758 = arith.constant 29 : i32
        %swap3A_759 = arith.index_cast %swap3A_757 : i32 to index
        %swap3A_760 = arith.index_cast %swap3A_758 : i32 to index
        %swap3A_761 = arith.index_cast %mul3A_432 : i32 to index
        %swap3A_762 = tpu.vector_load %arg7[%swap3A_759, %swap3A_760, %swap3A_761] {strides = array<i32>} : memref<2x64x128xf32, #tpu.memory_space<vmem>>, vector<16xf32>,
        tpu.vector_store %arg7[%swap3A_759, %swap3A_760, %swap3A_761], %bitcast3A_670 {strides = array<i32>} : memref<2x64x128xf32, #tpu.memory_space<vmem>>, vector<16xf32>,
        %gather3A_763 = arith.constant 19456 : i32
        %gather3A_764 = tpu.memref_slice %arg6[%gather3A_763] : memref<32768xi32, #tpu.memory_space<vmem>> -> memref<1024xi32, #tpu.memory_space<vmem>>
        %gather3A_765 = tpu.vector_load_idx %gather3A_764[%or3A] : memref<1024xi32, #tpu.memory_space<vmem>>[vector<16xi32>], vector<16xi32>,
        %shift_left3A_766 = arith.constant 16 : i32
        %shift_left3A_767 = vector.broadcast %shift_left3A_766 : i32 to vector<16xi32>
        %shift_left3A_768 = arith.shli %gather3A_765, %shift_left3A_767 : vector<16xi32>
        %bitcast3A_769 = vector.bitcast %shift_left3A_768 : vector<16xi32> to vector<16xf32>
        %bitcast3A_770 = vector.bitcast %gather3A_765 : vector<16xi32> to vector<16xf32>
        %swap3A_771 = arith.constant 1 : i32
        %swap3A_772 = arith.constant 30 : i32
        %swap3A_773 = arith.index_cast %swap3A_771 : i32 to index
        %swap3A_774 = arith.index_cast %swap3A_772 : i32 to index
        %swap3A_775 = arith.index_cast %mul3A_432 : i32 to index
        %swap3A_776 = tpu.vector_load %arg7[%swap3A_773, %swap3A_774, %swap3A_775] {strides = array<i32>} : memref<2x64x128xf32, #tpu.memory_space<vmem>>, vector<16xf32>,
        tpu.vector_store %arg7[%swap3A_773, %swap3A_774, %swap3A_775], %bitcast3A_689 {strides = array<i32>} : memref<2x64x128xf32, #tpu.memory_space<vmem>>, vector<16xf32>,
        %swap3A_777 = arith.constant 1 : i32
        %swap3A_778 = arith.constant 31 : i32
        %swap3A_779 = arith.index_cast %swap3A_777 : i32 to index
        %swap3A_780 = arith.index_cast %swap3A_778 : i32 to index
        %swap3A_781 = arith.index_cast %mul3A_432 : i32 to index
        %swap3A_782 = tpu.vector_load %arg7[%swap3A_779, %swap3A_780, %swap3A_781] {strides = array<i32>} : memref<2x64x128xf32, #tpu.memory_space<vmem>>, vector<16xf32>,
        tpu.vector_store %arg7[%swap3A_779, %swap3A_780, %swap3A_781], %bitcast3A_690 {strides = array<i32>} : memref<2x64x128xf32, #tpu.memory_space<vmem>>, vector<16xf32>,
        %gather3A_783 = arith.constant 20480 : i32
        %gather3A_784 = tpu.memref_slice %arg6[%gather3A_783] : memref<32768xi32, #tpu.memory_space<vmem>> -> memref<1024xi32, #tpu.memory_space<vmem>>
        %gather3A_785 = tpu.vector_load_idx %gather3A_784[%or3A] : memref<1024xi32, #tpu.memory_space<vmem>>[vector<16xi32>], vector<16xi32>,
        %shift_left3A_786 = arith.constant 16 : i32
        %shift_left3A_787 = vector.broadcast %shift_left3A_786 : i32 to vector<16xi32>
        %shift_left3A_788 = arith.shli %gather3A_785, %shift_left3A_787 : vector<16xi32>
        %bitcast3A_789 = vector.bitcast %shift_left3A_788 : vector<16xi32> to vector<16xf32>
        %bitcast3A_790 = vector.bitcast %gather3A_785 : vector<16xi32> to vector<16xf32>
        %swap3A_791 = arith.constant 1 : i32
        %swap3A_792 = arith.constant 32 : i32
        %swap3A_793 = arith.index_cast %swap3A_791 : i32 to index
        %swap3A_794 = arith.index_cast %swap3A_792 : i32 to index
        %swap3A_795 = arith.index_cast %mul3A_432 : i32 to index
        %swap3A_796 = tpu.vector_load %arg7[%swap3A_793, %swap3A_794, %swap3A_795] {strides = array<i32>} : memref<2x64x128xf32, #tpu.memory_space<vmem>>, vector<16xf32>,
        tpu.vector_store %arg7[%swap3A_793, %swap3A_794, %swap3A_795], %bitcast3A_709 {strides = array<i32>} : memref<2x64x128xf32, #tpu.memory_space<vmem>>, vector<16xf32>,
        %swap3A_797 = arith.constant 1 : i32
        %swap3A_798 = arith.constant 33 : i32
        %swap3A_799 = arith.index_cast %swap3A_797 : i32 to index
        %swap3A_800 = arith.index_cast %swap3A_798 : i32 to index
        %swap3A_801 = arith.index_cast %mul3A_432 : i32 to index
        %swap3A_802 = tpu.vector_load %arg7[%swap3A_799, %swap3A_800, %swap3A_801] {strides = array<i32>} : memref<2x64x128xf32, #tpu.memory_space<vmem>>, vector<16xf32>,
        tpu.vector_store %arg7[%swap3A_799, %swap3A_800, %swap3A_801], %bitcast3A_710 {strides = array<i32>} : memref<2x64x128xf32, #tpu.memory_space<vmem>>, vector<16xf32>,
        %gather3A_803 = arith.constant 21504 : i32
        %gather3A_804 = tpu.memref_slice %arg6[%gather3A_803] : memref<32768xi32, #tpu.memory_space<vmem>> -> memref<1024xi32, #tpu.memory_space<vmem>>
        %gather3A_805 = tpu.vector_load_idx %gather3A_804[%or3A] : memref<1024xi32, #tpu.memory_space<vmem>>[vector<16xi32>], vector<16xi32>,
        %shift_left3A_806 = arith.constant 16 : i32
        %shift_left3A_807 = vector.broadcast %shift_left3A_806 : i32 to vector<16xi32>
        %shift_left3A_808 = arith.shli %gather3A_805, %shift_left3A_807 : vector<16xi32>
        %bitcast3A_809 = vector.bitcast %shift_left3A_808 : vector<16xi32> to vector<16xf32>
        %bitcast3A_810 = vector.bitcast %gather3A_805 : vector<16xi32> to vector<16xf32>
        %swap3A_811 = arith.constant 1 : i32
        %swap3A_812 = arith.constant 34 : i32
        %swap3A_813 = arith.index_cast %swap3A_811 : i32 to index
        %swap3A_814 = arith.index_cast %swap3A_812 : i32 to index
        %swap3A_815 = arith.index_cast %mul3A_432 : i32 to index
        %swap3A_816 = tpu.vector_load %arg7[%swap3A_813, %swap3A_814, %swap3A_815] {strides = array<i32>} : memref<2x64x128xf32, #tpu.memory_space<vmem>>, vector<16xf32>,
        tpu.vector_store %arg7[%swap3A_813, %swap3A_814, %swap3A_815], %bitcast3A_729 {strides = array<i32>} : memref<2x64x128xf32, #tpu.memory_space<vmem>>, vector<16xf32>,
        %swap3A_817 = arith.constant 1 : i32
        %swap3A_818 = arith.constant 35 : i32
        %swap3A_819 = arith.index_cast %swap3A_817 : i32 to index
        %swap3A_820 = arith.index_cast %swap3A_818 : i32 to index
        %swap3A_821 = arith.index_cast %mul3A_432 : i32 to index
        %swap3A_822 = tpu.vector_load %arg7[%swap3A_819, %swap3A_820, %swap3A_821] {strides = array<i32>} : memref<2x64x128xf32, #tpu.memory_space<vmem>>, vector<16xf32>,
        tpu.vector_store %arg7[%swap3A_819, %swap3A_820, %swap3A_821], %bitcast3A_730 {strides = array<i32>} : memref<2x64x128xf32, #tpu.memory_space<vmem>>, vector<16xf32>,
        %gather3A_823 = arith.constant 22528 : i32
        %gather3A_824 = tpu.memref_slice %arg6[%gather3A_823] : memref<32768xi32, #tpu.memory_space<vmem>> -> memref<1024xi32, #tpu.memory_space<vmem>>
        %gather3A_825 = tpu.vector_load_idx %gather3A_824[%or3A] : memref<1024xi32, #tpu.memory_space<vmem>>[vector<16xi32>], vector<16xi32>,
        %shift_left3A_826 = arith.constant 16 : i32
        %shift_left3A_827 = vector.broadcast %shift_left3A_826 : i32 to vector<16xi32>
        %shift_left3A_828 = arith.shli %gather3A_825, %shift_left3A_827 : vector<16xi32>
        %bitcast3A_829 = vector.bitcast %shift_left3A_828 : vector<16xi32> to vector<16xf32>
        %bitcast3A_830 = vector.bitcast %gather3A_825 : vector<16xi32> to vector<16xf32>
        %swap3A_831 = arith.constant 1 : i32
        %swap3A_832 = arith.constant 36 : i32
        %swap3A_833 = arith.index_cast %swap3A_831 : i32 to index
        %swap3A_834 = arith.index_cast %swap3A_832 : i32 to index
        %swap3A_835 = arith.index_cast %mul3A_432 : i32 to index
        %swap3A_836 = tpu.vector_load %arg7[%swap3A_833, %swap3A_834, %swap3A_835] {strides = array<i32>} : memref<2x64x128xf32, #tpu.memory_space<vmem>>, vector<16xf32>,
        tpu.vector_store %arg7[%swap3A_833, %swap3A_834, %swap3A_835], %bitcast3A_749 {strides = array<i32>} : memref<2x64x128xf32, #tpu.memory_space<vmem>>, vector<16xf32>,
        %swap3A_837 = arith.constant 1 : i32
        %swap3A_838 = arith.constant 37 : i32
        %swap3A_839 = arith.index_cast %swap3A_837 : i32 to index
        %swap3A_840 = arith.index_cast %swap3A_838 : i32 to index
        %swap3A_841 = arith.index_cast %mul3A_432 : i32 to index
        %swap3A_842 = tpu.vector_load %arg7[%swap3A_839, %swap3A_840, %swap3A_841] {strides = array<i32>} : memref<2x64x128xf32, #tpu.memory_space<vmem>>, vector<16xf32>,
        tpu.vector_store %arg7[%swap3A_839, %swap3A_840, %swap3A_841], %bitcast3A_750 {strides = array<i32>} : memref<2x64x128xf32, #tpu.memory_space<vmem>>, vector<16xf32>,
        %gather3A_843 = arith.constant 23552 : i32
        %gather3A_844 = tpu.memref_slice %arg6[%gather3A_843] : memref<32768xi32, #tpu.memory_space<vmem>> -> memref<1024xi32, #tpu.memory_space<vmem>>
        %gather3A_845 = tpu.vector_load_idx %gather3A_844[%or3A] : memref<1024xi32, #tpu.memory_space<vmem>>[vector<16xi32>], vector<16xi32>,
        %shift_left3A_846 = arith.constant 16 : i32
        %shift_left3A_847 = vector.broadcast %shift_left3A_846 : i32 to vector<16xi32>
        %shift_left3A_848 = arith.shli %gather3A_845, %shift_left3A_847 : vector<16xi32>
        %bitcast3A_849 = vector.bitcast %shift_left3A_848 : vector<16xi32> to vector<16xf32>
        %bitcast3A_850 = vector.bitcast %gather3A_845 : vector<16xi32> to vector<16xf32>
        %swap3A_851 = arith.constant 1 : i32
        %swap3A_852 = arith.constant 38 : i32
        %swap3A_853 = arith.index_cast %swap3A_851 : i32 to index
        %swap3A_854 = arith.index_cast %swap3A_852 : i32 to index
        %swap3A_855 = arith.index_cast %mul3A_432 : i32 to index
        %swap3A_856 = tpu.vector_load %arg7[%swap3A_853, %swap3A_854, %swap3A_855] {strides = array<i32>} : memref<2x64x128xf32, #tpu.memory_space<vmem>>, vector<16xf32>,
        tpu.vector_store %arg7[%swap3A_853, %swap3A_854, %swap3A_855], %bitcast3A_769 {strides = array<i32>} : memref<2x64x128xf32, #tpu.memory_space<vmem>>, vector<16xf32>,
        %swap3A_857 = arith.constant 1 : i32
        %swap3A_858 = arith.constant 39 : i32
        %swap3A_859 = arith.index_cast %swap3A_857 : i32 to index
        %swap3A_860 = arith.index_cast %swap3A_858 : i32 to index
        %swap3A_861 = arith.index_cast %mul3A_432 : i32 to index
        %swap3A_862 = tpu.vector_load %arg7[%swap3A_859, %swap3A_860, %swap3A_861] {strides = array<i32>} : memref<2x64x128xf32, #tpu.memory_space<vmem>>, vector<16xf32>,
        tpu.vector_store %arg7[%swap3A_859, %swap3A_860, %swap3A_861], %bitcast3A_770 {strides = array<i32>} : memref<2x64x128xf32, #tpu.memory_space<vmem>>, vector<16xf32>,
        %gather3A_863 = arith.constant 24576 : i32
        %gather3A_864 = tpu.memref_slice %arg6[%gather3A_863] : memref<32768xi32, #tpu.memory_space<vmem>> -> memref<1024xi32, #tpu.memory_space<vmem>>
        %gather3A_865 = tpu.vector_load_idx %gather3A_864[%or3A] : memref<1024xi32, #tpu.memory_space<vmem>>[vector<16xi32>], vector<16xi32>,
        %shift_left3A_866 = arith.constant 16 : i32
        %shift_left3A_867 = vector.broadcast %shift_left3A_866 : i32 to vector<16xi32>
        %shift_left3A_868 = arith.shli %gather3A_865, %shift_left3A_867 : vector<16xi32>
        %bitcast3A_869 = vector.bitcast %shift_left3A_868 : vector<16xi32> to vector<16xf32>
        %bitcast3A_870 = vector.bitcast %gather3A_865 : vector<16xi32> to vector<16xf32>
        %swap3A_871 = arith.constant 1 : i32
        %swap3A_872 = arith.constant 40 : i32
        %swap3A_873 = arith.index_cast %swap3A_871 : i32 to index
        %swap3A_874 = arith.index_cast %swap3A_872 : i32 to index
        %swap3A_875 = arith.index_cast %mul3A_432 : i32 to index
        %swap3A_876 = tpu.vector_load %arg7[%swap3A_873, %swap3A_874, %swap3A_875] {strides = array<i32>} : memref<2x64x128xf32, #tpu.memory_space<vmem>>, vector<16xf32>,
        tpu.vector_store %arg7[%swap3A_873, %swap3A_874, %swap3A_875], %bitcast3A_789 {strides = array<i32>} : memref<2x64x128xf32, #tpu.memory_space<vmem>>, vector<16xf32>,
        %swap3A_877 = arith.constant 1 : i32
        %swap3A_878 = arith.constant 41 : i32
        %swap3A_879 = arith.index_cast %swap3A_877 : i32 to index
        %swap3A_880 = arith.index_cast %swap3A_878 : i32 to index
        %swap3A_881 = arith.index_cast %mul3A_432 : i32 to index
        %swap3A_882 = tpu.vector_load %arg7[%swap3A_879, %swap3A_880, %swap3A_881] {strides = array<i32>} : memref<2x64x128xf32, #tpu.memory_space<vmem>>, vector<16xf32>,
        tpu.vector_store %arg7[%swap3A_879, %swap3A_880, %swap3A_881], %bitcast3A_790 {strides = array<i32>} : memref<2x64x128xf32, #tpu.memory_space<vmem>>, vector<16xf32>,
        %gather3A_883 = arith.constant 25600 : i32
        %gather3A_884 = tpu.memref_slice %arg6[%gather3A_883] : memref<32768xi32, #tpu.memory_space<vmem>> -> memref<1024xi32, #tpu.memory_space<vmem>>
        %gather3A_885 = tpu.vector_load_idx %gather3A_884[%or3A] : memref<1024xi32, #tpu.memory_space<vmem>>[vector<16xi32>], vector<16xi32>,
        %shift_left3A_886 = arith.constant 16 : i32
        %shift_left3A_887 = vector.broadcast %shift_left3A_886 : i32 to vector<16xi32>
        %shift_left3A_888 = arith.shli %gather3A_885, %shift_left3A_887 : vector<16xi32>
        %bitcast3A_889 = vector.bitcast %shift_left3A_888 : vector<16xi32> to vector<16xf32>
        %bitcast3A_890 = vector.bitcast %gather3A_885 : vector<16xi32> to vector<16xf32>
        %swap3A_891 = arith.constant 1 : i32
        %swap3A_892 = arith.constant 42 : i32
        %swap3A_893 = arith.index_cast %swap3A_891 : i32 to index
        %swap3A_894 = arith.index_cast %swap3A_892 : i32 to index
        %swap3A_895 = arith.index_cast %mul3A_432 : i32 to index
        %swap3A_896 = tpu.vector_load %arg7[%swap3A_893, %swap3A_894, %swap3A_895] {strides = array<i32>} : memref<2x64x128xf32, #tpu.memory_space<vmem>>, vector<16xf32>,
        tpu.vector_store %arg7[%swap3A_893, %swap3A_894, %swap3A_895], %bitcast3A_809 {strides = array<i32>} : memref<2x64x128xf32, #tpu.memory_space<vmem>>, vector<16xf32>,
        %swap3A_897 = arith.constant 1 : i32
        %swap3A_898 = arith.constant 43 : i32
        %swap3A_899 = arith.index_cast %swap3A_897 : i32 to index
        %swap3A_900 = arith.index_cast %swap3A_898 : i32 to index
        %swap3A_901 = arith.index_cast %mul3A_432 : i32 to index
        %swap3A_902 = tpu.vector_load %arg7[%swap3A_899, %swap3A_900, %swap3A_901] {strides = array<i32>} : memref<2x64x128xf32, #tpu.memory_space<vmem>>, vector<16xf32>,
        tpu.vector_store %arg7[%swap3A_899, %swap3A_900, %swap3A_901], %bitcast3A_810 {strides = array<i32>} : memref<2x64x128xf32, #tpu.memory_space<vmem>>, vector<16xf32>,
        %gather3A_903 = arith.constant 26624 : i32
        %gather3A_904 = tpu.memref_slice %arg6[%gather3A_903] : memref<32768xi32, #tpu.memory_space<vmem>> -> memref<1024xi32, #tpu.memory_space<vmem>>
        %gather3A_905 = tpu.vector_load_idx %gather3A_904[%or3A] : memref<1024xi32, #tpu.memory_space<vmem>>[vector<16xi32>], vector<16xi32>,
        %shift_left3A_906 = arith.constant 16 : i32
        %shift_left3A_907 = vector.broadcast %shift_left3A_906 : i32 to vector<16xi32>
        %shift_left3A_908 = arith.shli %gather3A_905, %shift_left3A_907 : vector<16xi32>
        %bitcast3A_909 = vector.bitcast %shift_left3A_908 : vector<16xi32> to vector<16xf32>
        %bitcast3A_910 = vector.bitcast %gather3A_905 : vector<16xi32> to vector<16xf32>
        %swap3A_911 = arith.constant 1 : i32
        %swap3A_912 = arith.constant 44 : i32
        %swap3A_913 = arith.index_cast %swap3A_911 : i32 to index
        %swap3A_914 = arith.index_cast %swap3A_912 : i32 to index
        %swap3A_915 = arith.index_cast %mul3A_432 : i32 to index
        %swap3A_916 = tpu.vector_load %arg7[%swap3A_913, %swap3A_914, %swap3A_915] {strides = array<i32>} : memref<2x64x128xf32, #tpu.memory_space<vmem>>, vector<16xf32>,
        tpu.vector_store %arg7[%swap3A_913, %swap3A_914, %swap3A_915], %bitcast3A_829 {strides = array<i32>} : memref<2x64x128xf32, #tpu.memory_space<vmem>>, vector<16xf32>,
        %swap3A_917 = arith.constant 1 : i32
        %swap3A_918 = arith.constant 45 : i32
        %swap3A_919 = arith.index_cast %swap3A_917 : i32 to index
        %swap3A_920 = arith.index_cast %swap3A_918 : i32 to index
        %swap3A_921 = arith.index_cast %mul3A_432 : i32 to index
        %swap3A_922 = tpu.vector_load %arg7[%swap3A_919, %swap3A_920, %swap3A_921] {strides = array<i32>} : memref<2x64x128xf32, #tpu.memory_space<vmem>>, vector<16xf32>,
        tpu.vector_store %arg7[%swap3A_919, %swap3A_920, %swap3A_921], %bitcast3A_830 {strides = array<i32>} : memref<2x64x128xf32, #tpu.memory_space<vmem>>, vector<16xf32>,
        %gather3A_923 = arith.constant 27648 : i32
        %gather3A_924 = tpu.memref_slice %arg6[%gather3A_923] : memref<32768xi32, #tpu.memory_space<vmem>> -> memref<1024xi32, #tpu.memory_space<vmem>>
        %gather3A_925 = tpu.vector_load_idx %gather3A_924[%or3A] : memref<1024xi32, #tpu.memory_space<vmem>>[vector<16xi32>], vector<16xi32>,
        %shift_left3A_926 = arith.constant 16 : i32
        %shift_left3A_927 = vector.broadcast %shift_left3A_926 : i32 to vector<16xi32>
        %shift_left3A_928 = arith.shli %gather3A_925, %shift_left3A_927 : vector<16xi32>
        %bitcast3A_929 = vector.bitcast %shift_left3A_928 : vector<16xi32> to vector<16xf32>
        %bitcast3A_930 = vector.bitcast %gather3A_925 : vector<16xi32> to vector<16xf32>
        %swap3A_931 = arith.constant 1 : i32
        %swap3A_932 = arith.constant 46 : i32
        %swap3A_933 = arith.index_cast %swap3A_931 : i32 to index
        %swap3A_934 = arith.index_cast %swap3A_932 : i32 to index
        %swap3A_935 = arith.index_cast %mul3A_432 : i32 to index
        %swap3A_936 = tpu.vector_load %arg7[%swap3A_933, %swap3A_934, %swap3A_935] {strides = array<i32>} : memref<2x64x128xf32, #tpu.memory_space<vmem>>, vector<16xf32>,
        tpu.vector_store %arg7[%swap3A_933, %swap3A_934, %swap3A_935], %bitcast3A_849 {strides = array<i32>} : memref<2x64x128xf32, #tpu.memory_space<vmem>>, vector<16xf32>,
        %swap3A_937 = arith.constant 1 : i32
        %swap3A_938 = arith.constant 47 : i32
        %swap3A_939 = arith.index_cast %swap3A_937 : i32 to index
        %swap3A_940 = arith.index_cast %swap3A_938 : i32 to index
        %swap3A_941 = arith.index_cast %mul3A_432 : i32 to index
        %swap3A_942 = tpu.vector_load %arg7[%swap3A_939, %swap3A_940, %swap3A_941] {strides = array<i32>} : memref<2x64x128xf32, #tpu.memory_space<vmem>>, vector<16xf32>,
        tpu.vector_store %arg7[%swap3A_939, %swap3A_940, %swap3A_941], %bitcast3A_850 {strides = array<i32>} : memref<2x64x128xf32, #tpu.memory_space<vmem>>, vector<16xf32>,
        %gather3A_943 = arith.constant 28672 : i32
        %gather3A_944 = tpu.memref_slice %arg6[%gather3A_943] : memref<32768xi32, #tpu.memory_space<vmem>> -> memref<1024xi32, #tpu.memory_space<vmem>>
        %gather3A_945 = tpu.vector_load_idx %gather3A_944[%or3A] : memref<1024xi32, #tpu.memory_space<vmem>>[vector<16xi32>], vector<16xi32>,
        %shift_left3A_946 = arith.constant 16 : i32
        %shift_left3A_947 = vector.broadcast %shift_left3A_946 : i32 to vector<16xi32>
        %shift_left3A_948 = arith.shli %gather3A_945, %shift_left3A_947 : vector<16xi32>
        %bitcast3A_949 = vector.bitcast %shift_left3A_948 : vector<16xi32> to vector<16xf32>
        %bitcast3A_950 = vector.bitcast %gather3A_945 : vector<16xi32> to vector<16xf32>
        %swap3A_951 = arith.constant 1 : i32
        %swap3A_952 = arith.constant 48 : i32
        %swap3A_953 = arith.index_cast %swap3A_951 : i32 to index
        %swap3A_954 = arith.index_cast %swap3A_952 : i32 to index
        %swap3A_955 = arith.index_cast %mul3A_432 : i32 to index
        %swap3A_956 = tpu.vector_load %arg7[%swap3A_953, %swap3A_954, %swap3A_955] {strides = array<i32>} : memref<2x64x128xf32, #tpu.memory_space<vmem>>, vector<16xf32>,
        tpu.vector_store %arg7[%swap3A_953, %swap3A_954, %swap3A_955], %bitcast3A_869 {strides = array<i32>} : memref<2x64x128xf32, #tpu.memory_space<vmem>>, vector<16xf32>,
        %swap3A_957 = arith.constant 1 : i32
        %swap3A_958 = arith.constant 49 : i32
        %swap3A_959 = arith.index_cast %swap3A_957 : i32 to index
        %swap3A_960 = arith.index_cast %swap3A_958 : i32 to index
        %swap3A_961 = arith.index_cast %mul3A_432 : i32 to index
        %swap3A_962 = tpu.vector_load %arg7[%swap3A_959, %swap3A_960, %swap3A_961] {strides = array<i32>} : memref<2x64x128xf32, #tpu.memory_space<vmem>>, vector<16xf32>,
        tpu.vector_store %arg7[%swap3A_959, %swap3A_960, %swap3A_961], %bitcast3A_870 {strides = array<i32>} : memref<2x64x128xf32, #tpu.memory_space<vmem>>, vector<16xf32>,
        %gather3A_963 = arith.constant 29696 : i32
        %gather3A_964 = tpu.memref_slice %arg6[%gather3A_963] : memref<32768xi32, #tpu.memory_space<vmem>> -> memref<1024xi32, #tpu.memory_space<vmem>>
        %gather3A_965 = tpu.vector_load_idx %gather3A_964[%or3A] : memref<1024xi32, #tpu.memory_space<vmem>>[vector<16xi32>], vector<16xi32>,
        %shift_left3A_966 = arith.constant 16 : i32
        %shift_left3A_967 = vector.broadcast %shift_left3A_966 : i32 to vector<16xi32>
        %shift_left3A_968 = arith.shli %gather3A_965, %shift_left3A_967 : vector<16xi32>
        %bitcast3A_969 = vector.bitcast %shift_left3A_968 : vector<16xi32> to vector<16xf32>
        %bitcast3A_970 = vector.bitcast %gather3A_965 : vector<16xi32> to vector<16xf32>
        %swap3A_971 = arith.constant 1 : i32
        %swap3A_972 = arith.constant 50 : i32
        %swap3A_973 = arith.index_cast %swap3A_971 : i32 to index
        %swap3A_974 = arith.index_cast %swap3A_972 : i32 to index
        %swap3A_975 = arith.index_cast %mul3A_432 : i32 to index
        %swap3A_976 = tpu.vector_load %arg7[%swap3A_973, %swap3A_974, %swap3A_975] {strides = array<i32>} : memref<2x64x128xf32, #tpu.memory_space<vmem>>, vector<16xf32>,
        tpu.vector_store %arg7[%swap3A_973, %swap3A_974, %swap3A_975], %bitcast3A_889 {strides = array<i32>} : memref<2x64x128xf32, #tpu.memory_space<vmem>>, vector<16xf32>,
        %swap3A_977 = arith.constant 1 : i32
        %swap3A_978 = arith.constant 51 : i32
        %swap3A_979 = arith.index_cast %swap3A_977 : i32 to index
        %swap3A_980 = arith.index_cast %swap3A_978 : i32 to index
        %swap3A_981 = arith.index_cast %mul3A_432 : i32 to index
        %swap3A_982 = tpu.vector_load %arg7[%swap3A_979, %swap3A_980, %swap3A_981] {strides = array<i32>} : memref<2x64x128xf32, #tpu.memory_space<vmem>>, vector<16xf32>,
        tpu.vector_store %arg7[%swap3A_979, %swap3A_980, %swap3A_981], %bitcast3A_890 {strides = array<i32>} : memref<2x64x128xf32, #tpu.memory_space<vmem>>, vector<16xf32>,
        %gather3A_983 = arith.constant 30720 : i32
        %gather3A_984 = tpu.memref_slice %arg6[%gather3A_983] : memref<32768xi32, #tpu.memory_space<vmem>> -> memref<1024xi32, #tpu.memory_space<vmem>>
        %gather3A_985 = tpu.vector_load_idx %gather3A_984[%or3A] : memref<1024xi32, #tpu.memory_space<vmem>>[vector<16xi32>], vector<16xi32>,
        %shift_left3A_986 = arith.constant 16 : i32
        %shift_left3A_987 = vector.broadcast %shift_left3A_986 : i32 to vector<16xi32>
        %shift_left3A_988 = arith.shli %gather3A_985, %shift_left3A_987 : vector<16xi32>
        %bitcast3A_989 = vector.bitcast %shift_left3A_988 : vector<16xi32> to vector<16xf32>
        %bitcast3A_990 = vector.bitcast %gather3A_985 : vector<16xi32> to vector<16xf32>
        %swap3A_991 = arith.constant 1 : i32
        %swap3A_992 = arith.constant 52 : i32
        %swap3A_993 = arith.index_cast %swap3A_991 : i32 to index
        %swap3A_994 = arith.index_cast %swap3A_992 : i32 to index
        %swap3A_995 = arith.index_cast %mul3A_432 : i32 to index
        %swap3A_996 = tpu.vector_load %arg7[%swap3A_993, %swap3A_994, %swap3A_995] {strides = array<i32>} : memref<2x64x128xf32, #tpu.memory_space<vmem>>, vector<16xf32>,
        tpu.vector_store %arg7[%swap3A_993, %swap3A_994, %swap3A_995], %bitcast3A_909 {strides = array<i32>} : memref<2x64x128xf32, #tpu.memory_space<vmem>>, vector<16xf32>,
        %swap3A_997 = arith.constant 1 : i32
        %swap3A_998 = arith.constant 53 : i32
        %swap3A_999 = arith.index_cast %swap3A_997 : i32 to index
        %swap3A_1000 = arith.index_cast %swap3A_998 : i32 to index
        %swap3A_1001 = arith.index_cast %mul3A_432 : i32 to index
        %swap3A_1002 = tpu.vector_load %arg7[%swap3A_999, %swap3A_1000, %swap3A_1001] {strides = array<i32>} : memref<2x64x128xf32, #tpu.memory_space<vmem>>, vector<16xf32>,
        tpu.vector_store %arg7[%swap3A_999, %swap3A_1000, %swap3A_1001], %bitcast3A_910 {strides = array<i32>} : memref<2x64x128xf32, #tpu.memory_space<vmem>>, vector<16xf32>,
        %gather3A_1003 = arith.constant 31744 : i32
        %gather3A_1004 = tpu.memref_slice %arg6[%gather3A_1003] : memref<32768xi32, #tpu.memory_space<vmem>> -> memref<1024xi32, #tpu.memory_space<vmem>>
        %gather3A_1005 = tpu.vector_load_idx %gather3A_1004[%or3A] : memref<1024xi32, #tpu.memory_space<vmem>>[vector<16xi32>], vector<16xi32>,
        %shift_left3A_1006 = arith.constant 16 : i32
        %shift_left3A_1007 = vector.broadcast %shift_left3A_1006 : i32 to vector<16xi32>
        %shift_left3A_1008 = arith.shli %gather3A_1005, %shift_left3A_1007 : vector<16xi32>
        %bitcast3A_1009 = vector.bitcast %shift_left3A_1008 : vector<16xi32> to vector<16xf32>
        %bitcast3A_1010 = vector.bitcast %gather3A_1005 : vector<16xi32> to vector<16xf32>
        %swap3A_1011 = arith.constant 1 : i32
        %swap3A_1012 = arith.constant 54 : i32
        %swap3A_1013 = arith.index_cast %swap3A_1011 : i32 to index
        %swap3A_1014 = arith.index_cast %swap3A_1012 : i32 to index
        %swap3A_1015 = arith.index_cast %mul3A_432 : i32 to index
        %swap3A_1016 = tpu.vector_load %arg7[%swap3A_1013, %swap3A_1014, %swap3A_1015] {strides = array<i32>} : memref<2x64x128xf32, #tpu.memory_space<vmem>>, vector<16xf32>,
        tpu.vector_store %arg7[%swap3A_1013, %swap3A_1014, %swap3A_1015], %bitcast3A_929 {strides = array<i32>} : memref<2x64x128xf32, #tpu.memory_space<vmem>>, vector<16xf32>,
        %swap3A_1017 = arith.constant 1 : i32
        %swap3A_1018 = arith.constant 55 : i32
        %swap3A_1019 = arith.index_cast %swap3A_1017 : i32 to index
        %swap3A_1020 = arith.index_cast %swap3A_1018 : i32 to index
        %swap3A_1021 = arith.index_cast %mul3A_432 : i32 to index
        %swap3A_1022 = tpu.vector_load %arg7[%swap3A_1019, %swap3A_1020, %swap3A_1021] {strides = array<i32>} : memref<2x64x128xf32, #tpu.memory_space<vmem>>, vector<16xf32>,
        tpu.vector_store %arg7[%swap3A_1019, %swap3A_1020, %swap3A_1021], %bitcast3A_930 {strides = array<i32>} : memref<2x64x128xf32, #tpu.memory_space<vmem>>, vector<16xf32>,
        %swap3A_1023 = arith.constant 1 : i32
        %swap3A_1024 = arith.constant 56 : i32
        %swap3A_1025 = arith.index_cast %swap3A_1023 : i32 to index
        %swap3A_1026 = arith.index_cast %swap3A_1024 : i32 to index
        %swap3A_1027 = arith.index_cast %mul3A_432 : i32 to index
        %swap3A_1028 = tpu.vector_load %arg7[%swap3A_1025, %swap3A_1026, %swap3A_1027] {strides = array<i32>} : memref<2x64x128xf32, #tpu.memory_space<vmem>>, vector<16xf32>,
        tpu.vector_store %arg7[%swap3A_1025, %swap3A_1026, %swap3A_1027], %bitcast3A_949 {strides = array<i32>} : memref<2x64x128xf32, #tpu.memory_space<vmem>>, vector<16xf32>,
        %swap3A_1029 = arith.constant 1 : i32
        %swap3A_1030 = arith.constant 57 : i32
        %swap3A_1031 = arith.index_cast %swap3A_1029 : i32 to index
        %swap3A_1032 = arith.index_cast %swap3A_1030 : i32 to index
        %swap3A_1033 = arith.index_cast %mul3A_432 : i32 to index
        %swap3A_1034 = tpu.vector_load %arg7[%swap3A_1031, %swap3A_1032, %swap3A_1033] {strides = array<i32>} : memref<2x64x128xf32, #tpu.memory_space<vmem>>, vector<16xf32>,
        tpu.vector_store %arg7[%swap3A_1031, %swap3A_1032, %swap3A_1033], %bitcast3A_950 {strides = array<i32>} : memref<2x64x128xf32, #tpu.memory_space<vmem>>, vector<16xf32>,
        %swap3A_1035 = arith.constant 1 : i32
        %swap3A_1036 = arith.constant 58 : i32
        %swap3A_1037 = arith.index_cast %swap3A_1035 : i32 to index
        %swap3A_1038 = arith.index_cast %swap3A_1036 : i32 to index
        %swap3A_1039 = arith.index_cast %mul3A_432 : i32 to index
        %swap3A_1040 = tpu.vector_load %arg7[%swap3A_1037, %swap3A_1038, %swap3A_1039] {strides = array<i32>} : memref<2x64x128xf32, #tpu.memory_space<vmem>>, vector<16xf32>,
        tpu.vector_store %arg7[%swap3A_1037, %swap3A_1038, %swap3A_1039], %bitcast3A_969 {strides = array<i32>} : memref<2x64x128xf32, #tpu.memory_space<vmem>>, vector<16xf32>,
        %swap3A_1041 = arith.constant 1 : i32
        %swap3A_1042 = arith.constant 59 : i32
        %swap3A_1043 = arith.index_cast %swap3A_1041 : i32 to index
        %swap3A_1044 = arith.index_cast %swap3A_1042 : i32 to index
        %swap3A_1045 = arith.index_cast %mul3A_432 : i32 to index
        %swap3A_1046 = tpu.vector_load %arg7[%swap3A_1043, %swap3A_1044, %swap3A_1045] {strides = array<i32>} : memref<2x64x128xf32, #tpu.memory_space<vmem>>, vector<16xf32>,
        tpu.vector_store %arg7[%swap3A_1043, %swap3A_1044, %swap3A_1045], %bitcast3A_970 {strides = array<i32>} : memref<2x64x128xf32, #tpu.memory_space<vmem>>, vector<16xf32>,
        %swap3A_1047 = arith.constant 1 : i32
        %swap3A_1048 = arith.constant 60 : i32
        %swap3A_1049 = arith.index_cast %swap3A_1047 : i32 to index
        %swap3A_1050 = arith.index_cast %swap3A_1048 : i32 to index
        %swap3A_1051 = arith.index_cast %mul3A_432 : i32 to index
        %swap3A_1052 = tpu.vector_load %arg7[%swap3A_1049, %swap3A_1050, %swap3A_1051] {strides = array<i32>} : memref<2x64x128xf32, #tpu.memory_space<vmem>>, vector<16xf32>,
        tpu.vector_store %arg7[%swap3A_1049, %swap3A_1050, %swap3A_1051], %bitcast3A_989 {strides = array<i32>} : memref<2x64x128xf32, #tpu.memory_space<vmem>>, vector<16xf32>,
        %swap3A_1053 = arith.constant 1 : i32
        %swap3A_1054 = arith.constant 61 : i32
        %swap3A_1055 = arith.index_cast %swap3A_1053 : i32 to index
        %swap3A_1056 = arith.index_cast %swap3A_1054 : i32 to index
        %swap3A_1057 = arith.index_cast %mul3A_432 : i32 to index
        %swap3A_1058 = tpu.vector_load %arg7[%swap3A_1055, %swap3A_1056, %swap3A_1057] {strides = array<i32>} : memref<2x64x128xf32, #tpu.memory_space<vmem>>, vector<16xf32>,
        tpu.vector_store %arg7[%swap3A_1055, %swap3A_1056, %swap3A_1057], %bitcast3A_990 {strides = array<i32>} : memref<2x64x128xf32, #tpu.memory_space<vmem>>, vector<16xf32>,
        %swap3A_1059 = arith.constant 1 : i32
        %swap3A_1060 = arith.constant 62 : i32
        %swap3A_1061 = arith.index_cast %swap3A_1059 : i32 to index
        %swap3A_1062 = arith.index_cast %swap3A_1060 : i32 to index
        %swap3A_1063 = arith.index_cast %mul3A_432 : i32 to index
        %swap3A_1064 = tpu.vector_load %arg7[%swap3A_1061, %swap3A_1062, %swap3A_1063] {strides = array<i32>} : memref<2x64x128xf32, #tpu.memory_space<vmem>>, vector<16xf32>,
        tpu.vector_store %arg7[%swap3A_1061, %swap3A_1062, %swap3A_1063], %bitcast3A_1009 {strides = array<i32>} : memref<2x64x128xf32, #tpu.memory_space<vmem>>, vector<16xf32>,
        %swap3A_1065 = arith.constant 1 : i32
        %swap3A_1066 = arith.constant 63 : i32
        %swap3A_1067 = arith.index_cast %swap3A_1065 : i32 to index
        %swap3A_1068 = arith.index_cast %swap3A_1066 : i32 to index
        %swap3A_1069 = arith.index_cast %mul3A_432 : i32 to index
        %swap3A_1070 = tpu.vector_load %arg7[%swap3A_1067, %swap3A_1068, %swap3A_1069] {strides = array<i32>} : memref<2x64x128xf32, #tpu.memory_space<vmem>>, vector<16xf32>,
        tpu.vector_store %arg7[%swap3A_1067, %swap3A_1068, %swap3A_1069], %bitcast3A_1010 {strides = array<i32>} : memref<2x64x128xf32, #tpu.memory_space<vmem>>, vector<16xf32>,
      }
      %scan3A_357 = arith.constant 8 : i32
      %jit3A_358 = arith.constant 4 : i32
      %div3A_359 = arith.divsi %add3A_252, %jit3A_358 : i32
      %sign3A_360 = arith.constant 0 : i32
      %sign3A_361 = arith.cmpi sgt, %add3A_252, %sign3A_360 : i32
      %sign3A_362 = arith.extui %sign3A_361 : i1 to i32
      %sign3A_363 = arith.constant 0 : i32
      %sign3A_364 = arith.cmpi slt, %add3A_252, %sign3A_363 : i32
      %sign3A_365 = arith.extui %sign3A_364 : i1 to i32
      %sign3A_366 = arith.subi %sign3A_362, %sign3A_365 : i32
      %sign3A_367 = arith.constant 0 : i32
      %sign3A_368 = arith.cmpi sgt, %jit3A_358, %sign3A_367 : i32
      %sign3A_369 = arith.extui %sign3A_368 : i1 to i32
      %sign3A_370 = arith.constant 0 : i32
      %sign3A_371 = arith.cmpi slt, %jit3A_358, %sign3A_370 : i32
      %sign3A_372 = arith.extui %sign3A_371 : i1 to i32
      %sign3A_373 = arith.subi %sign3A_369, %sign3A_372 : i32
      %ne3A_374 = arith.cmpi ne, %sign3A_366, %sign3A_373 : i32
      %rem3A_375 = arith.remsi %add3A_252, %jit3A_358 : i32
      %ne3A_376 = arith.constant 0 : i32
      %ne3A_377 = arith.cmpi ne, %rem3A_375, %ne3A_376 : i32
      %and3A_378 = arith.andi %ne3A_374, %ne3A_377 : i1
      %sub3A_379 = arith.constant 1 : i32
      %sub3A_380 = arith.subi %div3A_359, %sub3A_379 : i32
      %select_n3A_381 = arith.select %and3A_378, %sub3A_380, %div3A_359 : i32
      %jit3A_382 = arith.constant 4 : i32
      %eq3A_383 = arith.constant 0 : i32
      %eq3A_384 = arith.cmpi eq, %jit3A_382, %eq3A_383 : i32
      %jit3A_385 = arith.constant 1 : i32
      %select_n3A_386 = arith.select %eq3A_384, %jit3A_385, %jit3A_382 : i32
      %rem3A_387 = arith.remsi %add3A_252, %select_n3A_386 : i32
      %ne3A_388 = arith.constant 0 : i32
      %ne3A_389 = arith.cmpi ne, %rem3A_387, %ne3A_388 : i32
      %lt3A_390 = arith.constant 0 : i32
      %lt3A_391 = arith.cmpi slt, %rem3A_387, %lt3A_390 : i32
      %lt3A_392 = arith.constant 0 : i32
      %lt3A_393 = arith.cmpi slt, %select_n3A_386, %lt3A_392 : i32
      %ne3A_394 = arith.xori %lt3A_391, %lt3A_393 : i1
      %and3A_395 = arith.andi %ne3A_394, %ne3A_389 : i1
      %add3A_396 = arith.addi %rem3A_387, %select_n3A_386 : i32
      %select_n3A_397 = arith.select %and3A_395, %add3A_396, %rem3A_387 : i32
      %mul3A_398 = arith.constant 128 : i32
      %mul3A_399 = arith.muli %select_n3A_397, %mul3A_398 : i32
      %add3A_400 = arith.addi %mul3A_2, %mul3A_399 : i32
      %dma_start3A_401 = arith.constant 1 : i32
      %dma_start3A_402 = arith.constant 0 : i32
      %dma_start3A_403 = arith.constant 0 : i32
      %dma_start3A_404 = tpu.memref_slice %arg7[%dma_start3A_401, %dma_start3A_402, %dma_start3A_403] : memref<2x64x128xf32, #tpu.memory_space<vmem>> -> memref<1x64x128xf32, #tpu.memory_space<vmem>>
      %dma_start3A_405 = tpu.memref_squeeze %dma_start3A_404 : memref<1x64x128xf32, #tpu.memory_space<vmem>> -> memref<64x128xf32, #tpu.memory_space<vmem>>
      %dma_start3A_406 = arith.constant 0 : i32
      %dma_start3A_407 = tpu.memref_slice %arg4[%select_n3A_381, %dma_start3A_406, %add3A_400] : memref<50x64x16384xf32, #tpu.memory_space<hbm>> -> memref<1x64x128xf32, #tpu.memory_space<hbm>>
      %dma_start3A_408 = tpu.memref_squeeze %dma_start3A_407 : memref<1x64x128xf32, #tpu.memory_space<hbm>> -> memref<64x128xf32, #tpu.memory_space<hbm>>
      %dma_start3A_409 = arith.constant 0 : i32
      %dma_start3A_410 = tpu.memref_slice %arg4[%select_n3A_381, %dma_start3A_409, %add3A_400] : memref<50x64x16384xf32, #tpu.memory_space<hbm>> -> memref<1x64x128xf32, #tpu.memory_space<hbm>>
      %dma_start3A_411 = tpu.memref_squeeze %dma_start3A_410 : memref<1x64x128xf32, #tpu.memory_space<hbm>> -> memref<64x128xf32, #tpu.memory_space<hbm>>
      %dma_start3A_412 = arith.constant 0 : i32
      %dma_start3A_413 = arith.constant 0 : i32
      %dma_start3A_414 = tpu.memref_slice %arg7[%dma_start3A_401, %dma_start3A_412, %dma_start3A_413] : memref<2x64x128xf32, #tpu.memory_space<vmem>> -> memref<1x64x128xf32, #tpu.memory_space<vmem>>
      %dma_start3A_415 = tpu.memref_squeeze %dma_start3A_414 : memref<1x64x128xf32, #tpu.memory_space<vmem>> -> memref<64x128xf32, #tpu.memory_space<vmem>>
      tpu.enqueue_dma source(%dma_start3A_415 : memref<64x128xf32, #tpu.memory_space<vmem>>) target(%dma_start3A_411 : memref<64x128xf32, #tpu.memory_space<hbm>>) target_semaphore(%arg9 : memref<!tpu.dma_semaphore, #tpu.memory_space<semaphore_mem>>)
    }
    %scan3A_54 = arith.constant 99 : i32
    %add3A_55 = arith.constant 256 : i32
    %add3A_56 = arith.addi %mul3A_2, %add3A_55 : i32
    %dma_wait3A = arith.constant 0 : i32
    %dma_wait3A_57 = arith.constant 49 : i32
    %dma_wait3A_58 = arith.constant 0 : i32
    %dma_wait3A_59 = arith.constant 0 : i32
    %dma_wait3A_60 = tpu.memref_slice %arg7[%dma_wait3A, %dma_wait3A_58, %dma_wait3A_59] : memref<2x64x128xf32, #tpu.memory_space<vmem>> -> memref<1x64x128xf32, #tpu.memory_space<vmem>>
    %dma_wait3A_61 = tpu.memref_squeeze %dma_wait3A_60 : memref<1x64x128xf32, #tpu.memory_space<vmem>> -> memref<64x128xf32, #tpu.memory_space<vmem>>
    %dma_wait3A_62 = arith.constant 0 : i32
    %dma_wait3A_63 = tpu.memref_slice %arg4[%dma_wait3A_57, %dma_wait3A_62, %add3A_56] : memref<50x64x16384xf32, #tpu.memory_space<hbm>> -> memref<1x64x128xf32, #tpu.memory_space<hbm>>
    %dma_wait3A_64 = tpu.memref_squeeze %dma_wait3A_63 : memref<1x64x128xf32, #tpu.memory_space<hbm>> -> memref<64x128xf32, #tpu.memory_space<hbm>>
    %dma_wait3A_65 = arith.constant 0 : i32
    %dma_wait3A_66 = tpu.memref_slice %arg4[%dma_wait3A_57, %dma_wait3A_65, %add3A_56] : memref<50x64x16384xf32, #tpu.memory_space<hbm>> -> memref<1x64x128xf32, #tpu.memory_space<hbm>>
    %dma_wait3A_67 = tpu.memref_squeeze %dma_wait3A_66 : memref<1x64x128xf32, #tpu.memory_space<hbm>> -> memref<64x128xf32, #tpu.memory_space<hbm>>
    %dma_wait3A_68 = arith.constant 0 : i32
    %dma_wait3A_69 = arith.constant 0 : i32
    %dma_wait3A_70 = tpu.memref_slice %arg7[%dma_wait3A, %dma_wait3A_68, %dma_wait3A_69] : memref<2x64x128xf32, #tpu.memory_space<vmem>> -> memref<1x64x128xf32, #tpu.memory_space<vmem>>
    %dma_wait3A_71 = tpu.memref_squeeze %dma_wait3A_70 : memref<1x64x128xf32, #tpu.memory_space<vmem>> -> memref<64x128xf32, #tpu.memory_space<vmem>>
    tpu.wait_dma2 semaphore(%arg8 : memref<!tpu.dma_semaphore, #tpu.memory_space<semaphore_mem>>) src(%dma_wait3A_71 : memref<64x128xf32, #tpu.memory_space<vmem>>) dst(%dma_wait3A_67 : memref<64x128xf32, #tpu.memory_space<hbm>>)
    %add3A_72 = arith.constant 384 : i32
    %add3A_73 = arith.addi %mul3A_2, %add3A_72 : i32
    %dma_wait3A_74 = arith.constant 1 : i32
    %dma_wait3A_75 = arith.constant 49 : i32
    %dma_wait3A_76 = arith.constant 0 : i32
    %dma_wait3A_77 = arith.constant 0 : i32
    %dma_wait3A_78 = tpu.memref_slice %arg7[%dma_wait3A_74, %dma_wait3A_76, %dma_wait3A_77] : memref<2x64x128xf32, #tpu.memory_space<vmem>> -> memref<1x64x128xf32, #tpu.memory_space<vmem>>
    %dma_wait3A_79 = tpu.memref_squeeze %dma_wait3A_78 : memref<1x64x128xf32, #tpu.memory_space<vmem>> -> memref<64x128xf32, #tpu.memory_space<vmem>>
    %dma_wait3A_80 = arith.constant 0 : i32
    %dma_wait3A_81 = tpu.memref_slice %arg4[%dma_wait3A_75, %dma_wait3A_80, %add3A_73] : memref<50x64x16384xf32, #tpu.memory_space<hbm>> -> memref<1x64x128xf32, #tpu.memory_space<hbm>>
    %dma_wait3A_82 = tpu.memref_squeeze %dma_wait3A_81 : memref<1x64x128xf32, #tpu.memory_space<hbm>> -> memref<64x128xf32, #tpu.memory_space<hbm>>
    %dma_wait3A_83 = arith.constant 0 : i32
    %dma_wait3A_84 = tpu.memref_slice %arg4[%dma_wait3A_75, %dma_wait3A_83, %add3A_73] : memref<50x64x16384xf32, #tpu.memory_space<hbm>> -> memref<1x64x128xf32, #tpu.memory_space<hbm>>
    %dma_wait3A_85 = tpu.memref_squeeze %dma_wait3A_84 : memref<1x64x128xf32, #tpu.memory_space<hbm>> -> memref<64x128xf32, #tpu.memory_space<hbm>>
    %dma_wait3A_86 = arith.constant 0 : i32
    %dma_wait3A_87 = arith.constant 0 : i32
    %dma_wait3A_88 = tpu.memref_slice %arg7[%dma_wait3A_74, %dma_wait3A_86, %dma_wait3A_87] : memref<2x64x128xf32, #tpu.memory_space<vmem>> -> memref<1x64x128xf32, #tpu.memory_space<vmem>>
    %dma_wait3A_89 = tpu.memref_squeeze %dma_wait3A_88 : memref<1x64x128xf32, #tpu.memory_space<vmem>> -> memref<64x128xf32, #tpu.memory_space<vmem>>
    tpu.wait_dma2 semaphore(%arg9 : memref<!tpu.dma_semaphore, #tpu.memory_space<semaphore_mem>>) src(%dma_wait3A_89 : memref<64x128xf32, #tpu.memory_space<vmem>>) dst(%dma_wait3A_85 : memref<64x128xf32, #tpu.memory_space<hbm>>)
    return
  }
}

module attributes {stable_mosaic.version = 14 : i64} {
  func.func @_proj_body(%arg0: memref<128x256xf32, #tpu.memory_space<vmem>>, %arg1: memref<256x64xf32, #tpu.memory_space<vmem>>, %arg2: memref<1x64xf32, #tpu.memory_space<vmem>>, %arg3: memref<128x64xf32, #tpu.memory_space<vmem>>) attributes {dimension_semantics = [], scalar_prefetch = 0 : i64, scratch_operands = 0 : i64, tpu.core_type = #tpu.core_type<tc>} {
    %get3A = arith.constant 0 : index
    %get3A_0 = arith.constant 0 : index
    %get3A_1 = vector.load %arg0[%get3A, %get3A_0] : memref<128x256xf32, #tpu.memory_space<vmem>>, vector<128x256xf32>
    %get3A_2 = arith.constant 0 : index
    %get3A_3 = arith.constant 0 : index
    %get3A_4 = vector.load %arg1[%get3A_2, %get3A_3] : memref<256x64xf32, #tpu.memory_space<vmem>>, vector<256x64xf32>
    %dot_general3A = arith.constant dense<0.000000e+00> : vector<128x64xf32>
    %dot_general3A_5 = tpu.matmul %get3A_1, %get3A_4, %dot_general3A {dimension_numbers = #tpu.dot_dimension_numbers<[1], [0], [0], [1], [0, 0, 1, 1], [], []>, transpose_lhs_hint = false} : vector<128x256xf32>, vector<256x64xf32>, vector<128x64xf32> -> vector<128x64xf32>
    %get3A_6 = arith.constant 0 : index
    %get3A_7 = arith.constant 0 : index
    %get3A_8 = vector.load %arg2[%get3A_6, %get3A_7] : memref<1x64xf32, #tpu.memory_space<vmem>>, vector<1x64xf32>
    %add3A = vector.broadcast %get3A_8 : vector<1x64xf32> to vector<128x64xf32>
    %add3A_9 = arith.addf %dot_general3A_5, %add3A : vector<128x64xf32>
    %swap3A = arith.constant 0 : index
    %swap3A_10 = arith.constant 0 : index
    %swap3A_11 = vector.load %arg3[%swap3A, %swap3A_10] : memref<128x64xf32, #tpu.memory_space<vmem>>, vector<128x64xf32>
    tpu.vector_store %arg3[%swap3A, %swap3A_10], %add3A_9 {strides = array<i32>} : memref<128x64xf32, #tpu.memory_space<vmem>>, vector<128x64xf32>,
    return
  }
}

</mosaic_0001>

<sc_bundles>
// kernel: kernel.4.cloned.1.call-start
scs
__scs_entry_jumppad:
0x0: {  	(pc) =	sbr.rel $0x88, $3  }
0x1: {  	(tag) =	ssettag $0x0;
	lr =	simm.s32 $0x1  }
0x2: {  	[smem:$0x3F9D] =	sst lr;
	_ =	strace $0xD0000000  }
0x3: {  	_ = 	snop  }
0x4: {  	_ = 	snop  }
0x5: {  	_ = 	snop  }
0x6: {  	_ = 	snop  }
0x7: {  	_ = 	snop  }
__scs_overlays_trampoline_lowered:
0x8: {  	[smem:$0x3FAC] =	sst s0  }
0x9: {  	[smem:$0x3FAD] =	sst s1  }
0xa: {  	[smem:$0x3FAE] =	sst s2  }
0xb: {  	[smem:$0x3FAF] =	sst s3  }
0xc: {  	[smem:$0x3FB0] =	sst s4  }
0xd: {  	[smem:$0x3FB1] =	sst s5  }
0xe: {  	[smem:$0x3FB2] =	sst s6  }
0xf: {  	[smem:$0x3FB3] =	sst s7  }
0x10: {  	[smem:$0x3FB4] =	sst s8  }
0x11: {  	[smem:$0x3FB5] =	sst s9;
	s0 =	simm.s32 @!p0 $0x0  }
0x12: {  	s1 =	sld [smem:$0x3F9B];
	s0 =	simm.s32 @p0 $0x1  }
0x13: {  	[smem:$0x3FB6] =	sst s0;
	s0 =	simm.s32 @!p1 $0x0  }
0x14: {  	s2 =	sld [smem:$0x3F9A];
	s0 =	simm.s32 @p1 $0x1  }
0x15: {  	[smem:$0x3FB7] =	sst s0;
	s0 =	simm.s32 @!p2 $0x0  }
0x16: {  	s3 =	sld [smem:$0x3FDB];
	s0 =	simm.s32 @p2 $0x1  }
0x17: {  	s4 =	simm.s32 $0x1BF5;
	[smem:$0x3FB9] =	sst s0  }
0x18: {  	s0 =	sld [smem:$0x3F9C];
	_ =	swait.ge [sflag:s4], $0x0  }
0x19: {  	s7 =	sld [smem:$0x3F9D]  }
0x1a: {  	s8 =	sadd.s32 $0xFFFFE003, lr  }
0x1b: {  	s9 =	sadd.s32 $0xFFFFFEF7, lr;
	s5 =	simm.s32 $0xFFFFFFFF;
	p2 =	slt.u32 s8, $0xFFFFF086  }
0x1c: {  	p1 =	slt.u32 s9, $0xF7A;
	s5 =	simm.s32 @!p2 $0x0  }
0x1d: {  	s5 =	simm.s32 @p1 $0x1;
	p0 =	seq.s32 s7, s2  }
0x1e: {  	s7 =	smul.u32 @!p0 $0xF7A, s2;
	p2 =	seq.s32 @!p0 s5, $0x0  }
0x1f: {  	s9 =	smul.u32 $0xF7A, s1;
	s8 =	simm.s32 @!p0 $0x1BF5;
	p2 =	por !p2, p0  }
0x20: {  	[sflag:s8] =	ssyncset.s32 @!p0 $0xFFFFF086;
	s6 =	sadd.s32 @!p0 s3, s7;
	s7 =	simm.s32 @!p0 $0x108  }
0x21: {  	s3 =	sadd.s32 s3, s9;
	s6 =	sadd.s32 @!p0 $0x88, s6;
	s7 =	simm.s32 @p2 $0x1082  }
0x22: {  	[simem:s7], [sflag:s8] =	dma.local @!p0 [hbm:s6], $0xF7A  }
0x23: {  	s9 =	sor.u32 $0xD0000000, s2;
	s6 =	simm.s32 $0x108;
	_ =	swait.ge @!p0 [sflag:s8], $0x0  }
0x24: {  	s3 =	sadd.s32 $0x88, s3;
	s6 =	simm.s32 @!p1 $0x1082;
	[sflag:s4] =	ssyncset.s32 $0xFFFFF086  }
0x25: {  	[simem:s6], [sflag:s4] =	dma.local [hbm:s3], $0xF7A  }
0x26: {  	[smem:$0x3F9D] =	sst s1;
	(tag) =	ssettag s2;
	_ =	strace s9  }
0x27: {  	s1 =	sld [smem:$0x3FAD]  }
0x28: {  	s2 =	sld [smem:$0x3FAE]  }
0x29: {  	s4 =	sld [smem:$0x3FB0]  }
0x2a: {  	p0 =	seq.s32 s5, $0x0;
	s5 =	sld [smem:$0x3FB1]  }
0x2b: {  	s6 =	sld [smem:$0x3FB2]  }
0x2c: {  	s7 =	sld [smem:$0x3FB3]  }
0x2d: {  	s3 =	simm.s32 $0x108;
	s8 =	sld [smem:$0x3FB4]  }
0x2e: {  	s3 =	simm.s32 @!p0 $0x1082;
	s9 =	sld [smem:$0x3FB5]  }
0x2f: {  	lr =	sadd.s32 s0, s3;
	s0 =	sld [smem:$0x3FAC]  }
0x30: {  	s3 =	sld [smem:$0x3FAF]  }
0x31: {  	[smem:$0x3FB8] =	sst s10  }
0x32: {  	s10 =	sld [smem:$0x3FB6];
	_ =	sdelay $0x3  }
0x33: {  	p0 =	seq.s32 s10, $0x1;
	s10 =	sld [smem:$0x3FB8];
	_ =	sdelay $0x3  }
0x34: {  	[smem:$0x3FB8] =	sst s10  }
0x35: {  	s10 =	sld [smem:$0x3FB7];
	_ =	sdelay $0x3  }
0x36: {  	p1 =	seq.s32 s10, $0x1;
	s10 =	sld [smem:$0x3FB8];
	_ =	sdelay $0x3  }
0x37: {  	[smem:$0x3FB8] =	sst s10  }
0x38: {  	s10 =	sld [smem:$0x3FB9]  }
0x39: {  	_ = 	snop;
	(pc) =	sbr.ind lr, $3  }
0x3a: {  	_ = 	snop  }
0x3b: {  	_ = 	snop  }
0x3c: {  	p2 =	seq.s32 s10, $0x1;
	s10 =	sld [smem:$0x3FB8]  }
0x3d: {  	_ =	shalt  }
0x3e: {  	_ =	shalt  }
0x3f: {  	_ =	shalt  }
0x40: {  	_ =	shalt  }
0x41: {  	_ =	shalt  }
0x42: {  	_ =	shalt  }
0x43: {  	_ =	shalt  }
0x44: {  	_ =	shalt  }
0x45: {  	_ =	shalt  }
0x46: {  	_ =	shalt  }
0x47: {  	_ =	shalt  }
0x48: {  	_ =	shalt  }
0x49: {  	_ =	shalt  }
0x4a: {  	_ =	shalt  }
0x4b: {  	_ =	shalt  }
0x4c: {  	_ =	shalt  }
0x4d: {  	_ =	shalt  }
0x4e: {  	_ =	shalt  }
0x4f: {  	_ =	shalt  }
0x50: {  	_ =	shalt  }
0x51: {  	_ =	shalt  }
0x52: {  	_ =	shalt  }
0x53: {  	_ =	shalt  }
0x54: {  	_ =	shalt  }
0x55: {  	_ =	shalt  }
0x56: {  	_ =	shalt  }
0x57: {  	_ =	shalt  }
0x58: {  	_ =	shalt  }
0x59: {  	_ =	shalt  }
0x5a: {  	_ =	shalt  }
0x5b: {  	_ =	shalt  }
0x5c: {  	_ =	shalt  }
0x5d: {  	_ =	shalt  }
0x5e: {  	_ =	shalt  }
0x5f: {  	_ =	shalt  }
0x60: {  	_ =	shalt  }
0x61: {  	_ =	shalt  }
0x62: {  	_ =	shalt  }
0x63: {  	_ =	shalt  }
0x64: {  	_ =	shalt  }
0x65: {  	_ =	shalt  }
0x66: {  	_ =	shalt  }
0x67: {  	_ =	shalt  }
0x68: {  	_ =	shalt  }
0x69: {  	_ =	shalt  }
0x6a: {  	_ =	shalt  }
0x6b: {  	_ =	shalt  }
0x6c: {  	_ =	shalt  }
0x6d: {  	_ =	shalt  }
0x6e: {  	_ =	shalt  }
0x6f: {  	_ =	shalt  }
0x70: {  	_ =	shalt  }
0x71: {  	_ =	shalt  }
0x72: {  	_ =	shalt  }
0x73: {  	_ =	shalt  }
0x74: {  	_ =	shalt  }
0x75: {  	_ =	shalt  }
0x76: {  	_ =	shalt  }
0x77: {  	_ =	shalt  }
0x78: {  	_ =	shalt  }
0x79: {  	_ =	shalt  }
0x7a: {  	_ =	shalt  }
0x7b: {  	_ =	shalt  }
0x7c: {  	_ =	shalt  }
0x7d: {  	_ =	shalt  }
0x7e: {  	_ =	shalt  }
0x7f: {  	_ =	shalt  }
0x80: {  	_ =	shalt  }
0x81: {  	_ =	shalt  }
0x82: {  	_ =	shalt  }
0x83: {  	_ =	shalt  }
0x84: {  	_ =	shalt  }
0x85: {  	_ =	shalt  }
0x86: {  	_ =	shalt  }
0x87: {  	_ =	shalt  }
.Lfunc_end0:
.L_simem_size_0:
called_computation_lowered:
.L_overlay_start_0:
0x88: {  	s2 =	sld [smem:$0x3FD9]  }
0x89: {  	s3 =	sld [smem:$0x3FFE];
	_ =	sdelay $0x1  }
0x8a: {  	s1 =	srdreg.scid  }
0x8b: {  	s0 =	sand.u32 $0x1, s1  }
0x8c: {  	s17 =	sshll.u32 s0, $0xA;
	s2 =	sadd.s32 s3, s2  }
0x8d: {  	s2 =	sadd.s32 s2, s17  }
0x8e: {  	[smem:$0x3FC4] =	sst s2  }
0x8f: {  	_ = 	snop  }
0x90: {  	s2 =	sld [smem:$0x3FD0];
	(tm) =	ssettm $0x1  }
0x91: {  	s18 =	sld [smem:$0x3FFB];
	_ =	sdelay $0x3  }
0x92: {  	_ =	strace s18  }
0x93: {  	s3 =	sld [smem:$0x3FFC];
	_ =	sdelay $0x3  }
0x94: {  	_ =	strace s3  }
0x95: {  	s3 =	sld [smem:$0x3FFD];
	_ =	sdelay $0x3  }
0x96: {  	_ =	strace s3  }
0x97: {  	_ =	strace $0x8FFFFFFF  }
0x98: {  	s19 =	sld [smem:$0x3FDB];
	_ =	sdelay $0x1  }
0x99: {  	s4 =	simm.s32 $_scs_section_size  }
0x9a: {  	s5 =	simm.s32 $_size__tile_overlayer_lowered;
	s6 =	simm.s32 $_tile_overlayer_lowered  }
0x9b: {  	s22 =	simm.s32 $0x1BFF;
	s21 =	sshll.u32 s6, $0x1;
	s3 =	sadd.s32 s4, s19  }
0x9c: {  	s7 =	simm.s32 $0x0;
	s20 =	sshll.u32 s5, $0x1;
	s5 =	sadd.s32 s21, s3  }
0x9d: {  	[timem:s7], [sflag:s22] =	dma.local [hbm:s5], s20  }
0x9e: {  	_ =	swait.ge [sflag:s22], s20  }
0x9f: {  	s4 =	ssub.s32 $0x0, s20;
	[sflag:s22] =	ssyncset.done $0x0  }
0xa0: {  	[sflag:s22] =	ssyncadd.s32 s4;
	_ =	sdelay $0x1  }
0xa1: {  	s23 =	simm.s32 $0x1B8B  }
0xa2: {  	_ =	swait.ge [sflag:s23], $0x1  }
0xa3: {  	[sflag:s23] =	ssyncset.done $0x0  }
0xa4: {  	s25 =	simm.s32 $0x1B8E;
	s24 =	sld [smem:$0x3FFE];
	[sflag:s23] =	ssyncadd.s32 $0xFFFFFFFF  }
0xa5: {  	s26 =	simm.s32 $execute0_lowered;
	[smem:$0x3FD2] =	sst s25  }
0xa6: {  	s5 =	sshll.u32 s26, $0x1;
	_ =	strace $0x80000046;
	[dreg:$0x1] =	wrdreg $0xFFFFFFFF  }
0xa7: {  	s28 =	simm.s32 $_size_execute0_lowered;
	s3 =	sadd.s32 s3, s5;
	[dreg:$0x0] =	wrdreg $0x0  }
0xa8: {  	s5 =	sshll.u32 s28, $0x1;
	[dreg:$0x2] =	wrdreg s3  }
0xa9: {  	[dreg:$0x3] =	wrdreg s5  }
0xaa: {  	[dreg:$0x4] =	wrdreg $0xC0  }
0xab: {  	_ =	task [dreg:s7], $0x5FFFF  }
0xac: {  	[dreg:$0x1] =	wrdreg $0xFFFFFFFF  }
0xad: {  	[dreg:$0x0] =	wrdreg $0x60  }
0xae: {  	[dreg:$0x2] =	wrdreg s24  }
0xaf: {  	[dreg:$0x3] =	wrdreg s2  }
0xb0: {  	[dreg:$0x4] =	wrdreg $0x9  }
0xb1: {  	_ =	task.clear_ibuf [dreg:s7], $0x5FFFF;
	_ =	strace $0x90000046  }
0xb2: {  	s29 =	simm.s32 $0x9;
	_ =	strace $0x80000048  }
0xb3: {  	_ =	swait.ge [sflag:s29], $0x1  }
0xb4: {  	[sflag:s29] =	ssyncadd.s32 $0xFFFFFFFF  }
0xb5: {  	_ =	strace $0x90000048  }
0xb6: {  	_ =	sfence  }
0xb7: {  	s30 =	sld [smem:$0x0];
	_ =	sdelay $0x2  }
0xb8: {  	s31 =	sshll.u32 s1, $0xD;
	s1 =	sshrl.u32 s1, $0x2  }
0xb9: {  	s3 =	sand.u32 $0x4000, s31;
	s1 =	sadd.s32 s1, s30  }
0xba: {  	s0 =	sor.u32 s3, s0;
	s1 =	sshll.u32 s1, $0x11  }
0xbb: {  	s0 =	sor.u32 s1, s0  }
0xbc: {  	s0 =	sadd.s32 $0x8F2B, s0  }
0xbd: {  	[sflag:s0] =	ssyncadd.remote.s32 $0x1  }
0xbe: {  	_ =	sfence.sel $0xFFFF  }
0xbf: {  	[dreg:$0x0] =	wrdreg $0xFFFFFFFF;
	(pc) =	sbr.abs _section_cstart, $3  }
0xc0: {  	[dreg:$0x1] =	wrdreg $0xFFFFFFFF  }
0xc1: {  	_ =	task.clear_ibuf [dreg:s7], $0x2FFFF;
	_ =	strace $0x9FFFFFFF  }
0xc2: {  	(tm) =	ssettm $0x7FFFFFFF  }
0xc3: {  	_ =	shalt  }
tec
execute0_lowered:
.L_overlay_start_1:
0x0: {  	(tag) =	ssettag $0x1  }
0x1: {  	s0 =	rddreg [dreg:$0x0]  }
0x2: {  	s1 =	rddreg [dreg:$0x1];
	s2 =	srdreg.scid  }
0x3: {  	s3 =	stileid.u32;
	s12 =	simm.s32 $0x0;
	s2 =	sand.u32 $0x1, s2  }
0x4: {  	s3 =	sshll.u32 s3, $0xA;
	[smem:$0x7FF] =	sst s12;
	s5 =	sadd.s32 $0x600, s0  }
0x5: {  	s4 =	sshll.u32 s2, $0x9;
	_ =	strace $0x80000047;
	s2 =	ssub.s32 $0x2, s2  }
0x6: {  	[dreg:$0x5] =	wrdreg s5;
	s3 =	sor.u32 s4, s3;
	s29 =	sshrl.u32 s2, $0x1  }
0x7: {  	s4 =	sshll.u32 s3, $0x4;
	s2 =	ssub.s32 s2, s29;
	s30 =	sadd.s32 s1, s3  }
0x8: {  	s0 =	sadd.s32 s4, s0;
	[dreg:$0x7] =	wrdreg s30;
	s31 =	smax.u32 s2, $0x1  }
0x9: {  	s0 =	sadd.s32 $0x1600, s0;
	[dreg:$0x9] =	wrdreg s31  }
0xa: {  	v1 =	vlaneseq.u32;
	[dreg:$0x6] =	wrdreg s0;
	s0 =	sadd.s32 $0x80, s30  }
0xb: {  	s11 =	simm.s32 $0x10000;
	v0 =	vmul.u32 $0x80, v1;
	v1 =	vand.u32 $0x7, v1;
	s1 =	simm.s32 $0x0;
	[dreg:$0x8] =	wrdreg s0  }
.LBB2_1:
0xc: {  	[dreg:$0xa] =	wrdreg s1  }
0xd: {  	s10 =	rddreg [dreg:$0x5];
	s25 =	simm.s32 $0x3  }
0xe: {  	s18 =	simm.s32 $0x10400;
	s19 =	simm.s32 $0x11800;
	s20 =	simm.s32 $0x11C00  }
0xf: {  	s21 =	simm.s32 $0x12000;
	s22 =	simm.s32 $0x12400;
	s23 =	simm.s32 $0x12800  }
0x10: {  	s24 =	simm.s32 $0x12C00;
	s28 =	simm.s32 $0x13800;
	s29 =	simm.s32 $0x13C00  }
0x11: {  	s30 =	simm.s32 $0x14000;
	s31 =	simm.s32 $0x14400;
	s0 =	simm.s32 $0x14800  }
0x12: {  	s1 =	simm.s32 $0x14C00;
	s3 =	simm.s32 $0x15000;
	s4 =	simm.s32 $0x15400  }
0x13: {  	s6 =	simm.s32 $0x15800;
	s7 =	simm.s32 $0x15C00;
	s9 =	simm.s32 $0x16000  }
0x14: {  	[tilespmem:s11], [sflag:$0x3] =	stream.linear.gather [hbm4b:s10+s12], $0x8000, $0x38;
	[tilespmem:$0x1C000] =	vst v63  }
0x15: {  	s5 =	simm.s32 $0x16400;
	s2 =	simm.s32 $0x16800;
	_ =	swait.ge [sflag:s25], $0x8000  }
0x16: {  	s8 =	simm.s32 $0x16C00;
	s13 =	simm.s32 $0x17000;
	[sflag:s25] =	ssyncset.done $0x0  }
0x17: {  	s14 =	simm.s32 $0x17400;
	s26 =	rddreg [dreg:$0x6];
	[sflag:s25] =	ssyncadd.s32 $0xFFFF8000  }
0x18: {  	[tilespmem:s12], [sflag:$0x3] =	stream.linear.gather [hbm4b:s26+s12], $0x10000, $0x38;
	[tilespmem:$0x1C000] =	vst v63  }
0x19: {  	s15 =	simm.s32 $0x17800;
	s16 =	simm.s32 $0x17C00;
	_ =	swait.ge [sflag:s25], $0x10000  }
0x1a: {  	s10 =	simm.s32 $0x19000;
	s11 =	simm.s32 $0x0;
	[sflag:s25] =	ssyncset.done $0x0  }
0x1b: {  	s26 =	simm.s32 $0x13400;
	[sflag:s25] =	ssyncadd.s32 $0xFFFF0000;
	s25 =	simm.s32 $0x13000  }
.LBB2_2:
0x1c: {  	v2 =	vmov s11  }
0x1d: {  	v2 =	vshll.u32 v2, $0x7  }
0x1e: {  	v2 =	vor.u32 v0, v2;
	_ =	sdelay $0x4  }
0x1f: {  	v2 =	vld.idx.msk [tilespmem:v2+s12+$0x0], $0xffff;
	_ =	sdelay $0x4  }
0x20: {  	v2 =	vshll.u32 v2, $0x3  }
0x21: {  	v2 =	vor.u32 v1, v2;
	_ =	sdelay $0x3  }
0x22: {  	s17 =	simm.s32 $0x10000  }
0x23: {  	v3 =	vld.idx.msk [tilespmem:v2+s17+$0x0], $0xffff  }
0x24: {  	v4 =	vld.idx.msk [tilespmem:v2+s18+$0x0], $0xffff  }
0x25: {  	s17 =	simm.s32 $0x10800  }
0x26: {  	v5 =	vld.idx.msk [tilespmem:v2+s17+$0x0], $0xffff;
	s17 =	simm.s32 $0x10C00  }
0x27: {  	v6 =	vld.idx.msk [tilespmem:v2+s17+$0x0], $0xffff;
	s17 =	simm.s32 $0x11000  }
0x28: {  	v8 =	vld.idx.msk [tilespmem:v2+s17+$0x0], $0xffff;
	v7 =	vshll.u32 v3, $0x10;
	[tilespmem:s10+$0xFFFFF080] =	vst v3  }
0x29: {  	s17 =	simm.s32 $0x11400;
	v3 =	vshll.u32 v4, $0x10;
	[tilespmem:s10+$0xFFFFF000] =	vst v7  }
0x2a: {  	v7 =	vld.idx.msk [tilespmem:v2+s17+$0x0], $0xffff;
	[tilespmem:s10+$0xFFFFF100] =	vst v3  }
0x2b: {  	[tilespmem:s10+$0xFFFFF180] =	vst v4;
	v3 =	vshll.u32 v5, $0x10  }
0x2c: {  	v4 =	vld.idx.msk [tilespmem:v2+s19+$0x0], $0xffff;
	[tilespmem:s10+$0xFFFFF200] =	vst v3  }
0x2d: {  	[tilespmem:s10+$0xFFFFF280] =	vst v5;
	v3 =	vshll.u32 v6, $0x10  }
0x2e: {  	v5 =	vld.idx.msk [tilespmem:v2+s20+$0x0], $0xffff;
	[tilespmem:s10+$0xFFFFF300] =	vst v3  }
0x2f: {  	[tilespmem:s10+$0xFFFFF380] =	vst v6;
	v3 =	vshll.u32 v8, $0x10  }
0x30: {  	v6 =	vld.idx.msk [tilespmem:v2+s21+$0x0], $0xffff;
	[tilespmem:s10+$0xFFFFF400] =	vst v3  }
0x31: {  	[tilespmem:s10+$0xFFFFF480] =	vst v8  }
0x32: {  	v8 =	vld.idx.msk [tilespmem:v2+s22+$0x0], $0xffff;
	v3 =	vshll.u32 v7, $0x10;
	[tilespmem:s10+$0xFFFFF580] =	vst v7  }
0x33: {  	[tilespmem:s10+$0xFFFFF500] =	vst v3;
	v3 =	vshll.u32 v4, $0x10  }
0x34: {  	v7 =	vld.idx.msk [tilespmem:v2+s23+$0x0], $0xffff;
	[tilespmem:s10+$0xFFFFF600] =	vst v3  }
0x35: {  	[tilespmem:s10+$0xFFFFF680] =	vst v4;
	v3 =	vshll.u32 v5, $0x10  }
0x36: {  	v4 =	vld.idx.msk [tilespmem:v2+s24+$0x0], $0xffff;
	[tilespmem:s10+$0xFFFFF700] =	vst v3  }
0x37: {  	[tilespmem:s10+$0xFFFFF780] =	vst v5;
	v3 =	vshll.u32 v6, $0x10  }
0x38: {  	v5 =	vld.idx.msk [tilespmem:v2+s25+$0x0], $0xffff;
	[tilespmem:s10+$0xFFFFF800] =	vst v3  }
0x39: {  	[tilespmem:s10+$0xFFFFF880] =	vst v6;
	v3 =	vshll.u32 v8, $0x10  }
0x3a: {  	v6 =	vld.idx.msk [tilespmem:v2+s26+$0x0], $0xffff;
	[tilespmem:s10+$0xFFFFF900] =	vst v3  }
0x3b: {  	[tilespmem:s10+$0xFFFFF980] =	vst v8  }
0x3c: {  	v8 =	vld.idx.msk [tilespmem:v2+s28+$0x0], $0xffff;
	v3 =	vshll.u32 v7, $0x10;
	[tilespmem:s10+$0xFFFFFA80] =	vst v7  }
0x3d: {  	[tilespmem:s10+$0xFFFFFA00] =	vst v3;
	v3 =	vshll.u32 v4, $0x10  }
0x3e: {  	v7 =	vld.idx.msk [tilespmem:v2+s29+$0x0], $0xffff;
	[tilespmem:s10+$0xFFFFFB00] =	vst v3  }
0x3f: {  	[tilespmem:s10+$0xFFFFFB80] =	vst v4;
	v3 =	vshll.u32 v5, $0x10  }
0x40: {  	v4 =	vld.idx.msk [tilespmem:v2+s30+$0x0], $0xffff;
	[tilespmem:s10+$0xFFFFFC00] =	vst v3  }
0x41: {  	[tilespmem:s10+$0xFFFFFC80] =	vst v5;
	v3 =	vshll.u32 v6, $0x10  }
0x42: {  	v5 =	vld.idx.msk [tilespmem:v2+s31+$0x0], $0xffff;
	[tilespmem:s10+$0xFFFFFD00] =	vst v3  }
0x43: {  	[tilespmem:s10+$0xFFFFFD80] =	vst v6;
	v3 =	vshll.u32 v8, $0x10  }
0x44: {  	v6 =	vld.idx.msk [tilespmem:v2+s0+$0x0], $0xffff;
	[tilespmem:s10+$0xFFFFFE00] =	vst v3  }
0x45: {  	[tilespmem:s10+$0xFFFFFE80] =	vst v8  }
0x46: {  	v8 =	vld.idx.msk [tilespmem:v2+s1+$0x0], $0xffff;
	v3 =	vshll.u32 v7, $0x10;
	[tilespmem:s10+$0xFFFFFF80] =	vst v7  }
0x47: {  	[tilespmem:s10+$0xFFFFFF00] =	vst v3;
	v3 =	vshll.u32 v4, $0x10  }
0x48: {  	v7 =	vld.idx.msk [tilespmem:v2+s3+$0x0], $0xffff;
	[tilespmem:s10+$0x0] =	vst v3  }
0x49: {  	[tilespmem:s10+$0x80] =	vst v4;
	v3 =	vshll.u32 v5, $0x10  }
0x4a: {  	v4 =	vld.idx.msk [tilespmem:v2+s4+$0x0], $0xffff;
	[tilespmem:s10+$0x100] =	vst v3  }
0x4b: {  	[tilespmem:s10+$0x180] =	vst v5;
	v3 =	vshll.u32 v6, $0x10  }
0x4c: {  	v5 =	vld.idx.msk [tilespmem:v2+s6+$0x0], $0xffff;
	[tilespmem:s10+$0x200] =	vst v3  }
0x4d: {  	[tilespmem:s10+$0x280] =	vst v6;
	v3 =	vshll.u32 v8, $0x10  }
0x4e: {  	v6 =	vld.idx.msk [tilespmem:v2+s7+$0x0], $0xffff;
	[tilespmem:s10+$0x300] =	vst v3  }
0x4f: {  	[tilespmem:s10+$0x380] =	vst v8  }
0x50: {  	v8 =	vld.idx.msk [tilespmem:v2+s9+$0x0], $0xffff;
	v3 =	vshll.u32 v7, $0x10;
	[tilespmem:s10+$0x480] =	vst v7  }
0x51: {  	[tilespmem:s10+$0x400] =	vst v3;
	v3 =	vshll.u32 v4, $0x10  }
0x52: {  	v7 =	vld.idx.msk [tilespmem:v2+s5+$0x0], $0xffff;
	[tilespmem:s10+$0x500] =	vst v3  }
0x53: {  	[tilespmem:s10+$0x580] =	vst v4;
	v3 =	vshll.u32 v5, $0x10  }
0x54: {  	v4 =	vld.idx.msk [tilespmem:v2+s2+$0x0], $0xffff;
	[tilespmem:s10+$0x600] =	vst v3  }
0x55: {  	[tilespmem:s10+$0x680] =	vst v5;
	v3 =	vshll.u32 v6, $0x10  }
0x56: {  	v5 =	vld.idx.msk [tilespmem:v2+s8+$0x0], $0xffff;
	[tilespmem:s10+$0x700] =	vst v3  }
0x57: {  	[tilespmem:s10+$0x780] =	vst v6;
	v3 =	vshll.u32 v8, $0x10  }
0x58: {  	v6 =	vld.idx.msk [tilespmem:v2+s13+$0x0], $0xffff;
	[tilespmem:s10+$0x800] =	vst v3  }
0x59: {  	[tilespmem:s10+$0x880] =	vst v8  }
0x5a: {  	v8 =	vld.idx.msk [tilespmem:v2+s14+$0x0], $0xffff;
	v3 =	vshll.u32 v7, $0x10;
	[tilespmem:s10+$0x980] =	vst v7  }
0x5b: {  	[tilespmem:s10+$0x900] =	vst v3;
	v3 =	vshll.u32 v4, $0x10  }
0x5c: {  	v7 =	vld.idx.msk [tilespmem:v2+s15+$0x0], $0xffff;
	[tilespmem:s10+$0xA00] =	vst v3  }
0x5d: {  	[tilespmem:s10+$0xA80] =	vst v4;
	v3 =	vshll.u32 v5, $0x10  }
0x5e: {  	v2 =	vld.idx.msk [tilespmem:v2+s16+$0x0], $0xffff;
	[tilespmem:s10+$0xB00] =	vst v3  }
0x5f: {  	[tilespmem:s10+$0xB80] =	vst v5  }
0x60: {  	v3 =	vshll.u32 v6, $0x10;
	[tilespmem:s10+$0xC80] =	vst v6  }
0x61: {  	[tilespmem:s10+$0xC00] =	vst v3  }
0x62: {  	p0 =	sne.s32 s11, $0x70;
	v3 =	vshll.u32 v8, $0x10;
	[tilespmem:s10+$0xD80] =	vst v8  }
.Ltmp0:
0x63: {  	[tilespmem:s10+$0xD00] =	vst v3;
	(pc) =	sbr.rel @p0 .LBB2_2-.Ltmp0, $4  }
0x64: {  	v3 =	vshll.u32 v7, $0x10;
	[tilespmem:s10+$0xE80] =	vst v7  }
0x65: {  	[tilespmem:s10+$0xE00] =	vst v3  }
0x66: {  	v3 =	vshll.u32 v2, $0x10;
	[tilespmem:s10+$0xF80] =	vst v2  }
0x67: {  	s11 =	sadd.s32 $0x10, s11;
	[tilespmem:s10+$0xF00] =	vst v3;
	s10 =	sadd.s32 $0x10, s10  }
0x68: {  	s10 =	rddreg [dreg:$0x7]  }
0x69: {  	s11 =	simm.s32 $0x400;
	s17 =	simm.s32 $0x20000;
	s18 =	simm.s32 $0x18000  }
0x6a: {  	[hbm4b:s10+s11] =	stream.strided.scatter [tilespmem:s18], [sflag:$0x1], $0x2000, s17, s11, $0x38;
	[tilespmem:$0x1C000] =	vst v63  }
0x6b: {  	s18 =	simm.s32 $0x10400;
	s10 =	simm.s32 $0x80;
	s11 =	simm.s32 $0x1BF80  }
.LBB2_4:
0x6c: {  	v2 =	vmov s10  }
0x6d: {  	v2 =	vshll.u32 v2, $0x7  }
0x6e: {  	v2 =	vor.u32 v0, v2;
	_ =	sdelay $0x4  }
0x6f: {  	v2 =	vld.idx.msk [tilespmem:v2+s12+$0x0], $0xffff;
	_ =	sdelay $0x4  }
0x70: {  	v2 =	vshll.u32 v2, $0x3  }
0x71: {  	v2 =	vor.u32 v1, v2;
	_ =	sdelay $0x3  }
0x72: {  	s17 =	simm.s32 $0x10000  }
0x73: {  	v3 =	vld.idx.msk [tilespmem:v2+s17+$0x0], $0xffff  }
0x74: {  	v4 =	vld.idx.msk [tilespmem:v2+s18+$0x0], $0xffff  }
0x75: {  	s17 =	simm.s32 $0x10800  }
0x76: {  	v5 =	vld.idx.msk [tilespmem:v2+s17+$0x0], $0xffff;
	s17 =	simm.s32 $0x10C00  }
0x77: {  	v6 =	vld.idx.msk [tilespmem:v2+s17+$0x0], $0xffff;
	s17 =	simm.s32 $0x11000  }
0x78: {  	v8 =	vld.idx.msk [tilespmem:v2+s17+$0x0], $0xffff;
	v7 =	vshll.u32 v3, $0x10;
	[tilespmem:s11+$0xFFFFE100] =	vst v3  }
0x79: {  	s17 =	simm.s32 $0x11400;
	v3 =	vshll.u32 v4, $0x10;
	[tilespmem:s11+$0xFFFFE080] =	vst v7  }
0x7a: {  	v7 =	vld.idx.msk [tilespmem:v2+s17+$0x0], $0xffff;
	[tilespmem:s11+$0xFFFFE180] =	vst v3  }
0x7b: {  	[tilespmem:s11+$0xFFFFE200] =	vst v4;
	v3 =	vshll.u32 v5, $0x10  }
0x7c: {  	v4 =	vld.idx.msk [tilespmem:v2+s19+$0x0], $0xffff;
	[tilespmem:s11+$0xFFFFE280] =	vst v3  }
0x7d: {  	[tilespmem:s11+$0xFFFFE300] =	vst v5;
	v3 =	vshll.u32 v6, $0x10  }
0x7e: {  	v5 =	vld.idx.msk [tilespmem:v2+s20+$0x0], $0xffff;
	[tilespmem:s11+$0xFFFFE380] =	vst v3  }
0x7f: {  	[tilespmem:s11+$0xFFFFE400] =	vst v6;
	v3 =	vshll.u32 v8, $0x10  }
0x80: {  	v6 =	vld.idx.msk [tilespmem:v2+s21+$0x0], $0xffff;
	[tilespmem:s11+$0xFFFFE480] =	vst v3  }
0x81: {  	[tilespmem:s11+$0xFFFFE500] =	vst v8  }
0x82: {  	v8 =	vld.idx.msk [tilespmem:v2+s22+$0x0], $0xffff;
	v3 =	vshll.u32 v7, $0x10;
	[tilespmem:s11+$0xFFFFE600] =	vst v7  }
0x83: {  	[tilespmem:s11+$0xFFFFE580] =	vst v3;
	v3 =	vshll.u32 v4, $0x10  }
0x84: {  	v7 =	vld.idx.msk [tilespmem:v2+s23+$0x0], $0xffff;
	[tilespmem:s11+$0xFFFFE680] =	vst v3  }
0x85: {  	[tilespmem:s11+$0xFFFFE700] =	vst v4;
	v3 =	vshll.u32 v5, $0x10  }
0x86: {  	v4 =	vld.idx.msk [tilespmem:v2+s24+$0x0], $0xffff;
	[tilespmem:s11+$0xFFFFE780] =	vst v3  }
0x87: {  	[tilespmem:s11+$0xFFFFE800] =	vst v5;
	v3 =	vshll.u32 v6, $0x10  }
0x88: {  	v5 =	vld.idx.msk [tilespmem:v2+s25+$0x0], $0xffff;
	[tilespmem:s11+$0xFFFFE880] =	vst v3  }
0x89: {  	[tilespmem:s11+$0xFFFFE900] =	vst v6;
	v3 =	vshll.u32 v8, $0x10  }
0x8a: {  	v6 =	vld.idx.msk [tilespmem:v2+s26+$0x0], $0xffff;
	[tilespmem:s11+$0xFFFFE980] =	vst v3  }
0x8b: {  	[tilespmem:s11+$0xFFFFEA00] =	vst v8  }
0x8c: {  	v8 =	vld.idx.msk [tilespmem:v2+s28+$0x0], $0xffff;
	v3 =	vshll.u32 v7, $0x10;
	[tilespmem:s11+$0xFFFFEB00] =	vst v7  }
0x8d: {  	[tilespmem:s11+$0xFFFFEA80] =	vst v3;
	v3 =	vshll.u32 v4, $0x10  }
0x8e: {  	v7 =	vld.idx.msk [tilespmem:v2+s29+$0x0], $0xffff;
	[tilespmem:s11+$0xFFFFEB80] =	vst v3  }
0x8f: {  	[tilespmem:s11+$0xFFFFEC00] =	vst v4;
	v3 =	vshll.u32 v5, $0x10  }
0x90: {  	v4 =	vld.idx.msk [tilespmem:v2+s30+$0x0], $0xffff;
	[tilespmem:s11+$0xFFFFEC80] =	vst v3  }
0x91: {  	[tilespmem:s11+$0xFFFFED00] =	vst v5;
	v3 =	vshll.u32 v6, $0x10  }
0x92: {  	v5 =	vld.idx.msk [tilespmem:v2+s31+$0x0], $0xffff;
	[tilespmem:s11+$0xFFFFED80] =	vst v3  }
0x93: {  	[tilespmem:s11+$0xFFFFEE00] =	vst v6;
	v3 =	vshll.u32 v8, $0x10  }
0x94: {  	v6 =	vld.idx.msk [tilespmem:v2+s0+$0x0], $0xffff;
	[tilespmem:s11+$0xFFFFEE80] =	vst v3  }
0x95: {  	[tilespmem:s11+$0xFFFFEF00] =	vst v8  }
0x96: {  	v8 =	vld.idx.msk [tilespmem:v2+s1+$0x0], $0xffff;
	v3 =	vshll.u32 v7, $0x10;
	[tilespmem:s11+$0xFFFFF000] =	vst v7  }
0x97: {  	[tilespmem:s11+$0xFFFFEF80] =	vst v3;
	v3 =	vshll.u32 v4, $0x10  }
0x98: {  	v7 =	vld.idx.msk [tilespmem:v2+s3+$0x0], $0xffff;
	[tilespmem:s11+$0xFFFFF080] =	vst v3  }
0x99: {  	[tilespmem:s11+$0xFFFFF100] =	vst v4;
	v3 =	vshll.u32 v5, $0x10  }
0x9a: {  	v4 =	vld.idx.msk [tilespmem:v2+s4+$0x0], $0xffff;
	[tilespmem:s11+$0xFFFFF180] =	vst v3  }
0x9b: {  	[tilespmem:s11+$0xFFFFF200] =	vst v5;
	v3 =	vshll.u32 v6, $0x10  }
0x9c: {  	v5 =	vld.idx.msk [tilespmem:v2+s6+$0x0], $0xffff;
	[tilespmem:s11+$0xFFFFF280] =	vst v3  }
0x9d: {  	[tilespmem:s11+$0xFFFFF300] =	vst v6;
	v3 =	vshll.u32 v8, $0x10  }
0x9e: {  	v6 =	vld.idx.msk [tilespmem:v2+s7+$0x0], $0xffff;
	[tilespmem:s11+$0xFFFFF380] =	vst v3  }
0x9f: {  	[tilespmem:s11+$0xFFFFF400] =	vst v8  }
0xa0: {  	v8 =	vld.idx.msk [tilespmem:v2+s9+$0x0], $0xffff;
	v3 =	vshll.u32 v7, $0x10;
	[tilespmem:s11+$0xFFFFF500] =	vst v7  }
0xa1: {  	[tilespmem:s11+$0xFFFFF480] =	vst v3;
	v3 =	vshll.u32 v4, $0x10  }
0xa2: {  	v7 =	vld.idx.msk [tilespmem:v2+s5+$0x0], $0xffff;
	[tilespmem:s11+$0xFFFFF580] =	vst v3  }
0xa3: {  	[tilespmem:s11+$0xFFFFF600] =	vst v4;
	v3 =	vshll.u32 v5, $0x10  }
0xa4: {  	v4 =	vld.idx.msk [tilespmem:v2+s2+$0x0], $0xffff;
	[tilespmem:s11+$0xFFFFF680] =	vst v3  }
0xa5: {  	[tilespmem:s11+$0xFFFFF700] =	vst v5;
	v3 =	vshll.u32 v6, $0x10  }
0xa6: {  	v5 =	vld.idx.msk [tilespmem:v2+s8+$0x0], $0xffff;
	[tilespmem:s11+$0xFFFFF780] =	vst v3  }
0xa7: {  	[tilespmem:s11+$0xFFFFF800] =	vst v6;
	v3 =	vshll.u32 v8, $0x10  }
0xa8: {  	v6 =	vld.idx.msk [tilespmem:v2+s13+$0x0], $0xffff;
	[tilespmem:s11+$0xFFFFF880] =	vst v3  }
0xa9: {  	[tilespmem:s11+$0xFFFFF900] =	vst v8  }
0xaa: {  	v8 =	vld.idx.msk [tilespmem:v2+s14+$0x0], $0xffff;
	v3 =	vshll.u32 v7, $0x10;
	[tilespmem:s11+$0xFFFFFA00] =	vst v7  }
0xab: {  	[tilespmem:s11+$0xFFFFF980] =	vst v3;
	v3 =	vshll.u32 v4, $0x10  }
0xac: {  	v7 =	vld.idx.msk [tilespmem:v2+s15+$0x0], $0xffff;
	[tilespmem:s11+$0xFFFFFA80] =	vst v3  }
0xad: {  	[tilespmem:s11+$0xFFFFFB00] =	vst v4;
	v3 =	vshll.u32 v5, $0x10  }
0xae: {  	v2 =	vld.idx.msk [tilespmem:v2+s16+$0x0], $0xffff;
	[tilespmem:s11+$0xFFFFFB80] =	vst v3  }
0xaf: {  	[tilespmem:s11+$0xFFFFFC00] =	vst v5  }
0xb0: {  	v3 =	vshll.u32 v6, $0x10;
	[tilespmem:s11+$0xFFFFFD00] =	vst v6  }
0xb1: {  	[tilespmem:s11+$0xFFFFFC80] =	vst v3  }
0xb2: {  	p0 =	sne.s32 s10, $0xF0;
	v3 =	vshll.u32 v8, $0x10;
	[tilespmem:s11+$0xFFFFFE00] =	vst v8  }
.Ltmp1:
0xb3: {  	[tilespmem:s11+$0xFFFFFD80] =	vst v3;
	(pc) =	sbr.rel @p0 .LBB2_4-.Ltmp1, $4  }
0xb4: {  	v3 =	vshll.u32 v7, $0x10;
	[tilespmem:s11+$0xFFFFFF00] =	vst v7  }
0xb5: {  	[tilespmem:s11+$0xFFFFFE80] =	vst v3  }
0xb6: {  	v3 =	vshll.u32 v2, $0x10;
	[tilespmem:s11+$0x0] =	vst v2  }
0xb7: {  	s10 =	sadd.s32 $0x10, s10;
	[tilespmem:s11+$0xFFFFFF80] =	vst v3;
	s11 =	sadd.s32 $0x10, s11  }
0xb8: {  	s10 =	rddreg [dreg:$0x8]  }
0xb9: {  	s0 =	simm.s32 $0x400;
	s1 =	simm.s32 $0x20000;
	s2 =	simm.s32 $0x1A000  }
0xba: {  	[hbm4b:s10+s0] =	stream.strided.scatter [tilespmem:s2], [sflag:$0x2], $0x2000, s1, s0, $0x38;
	[tilespmem:$0x1C000] =	vst v63  }
0xbb: {  	p0 =	por $0x1, $0x1;
	s0 =	simm.s32 $0x0;
	s1 =	simm.s32 $0x2  }
.LBB2_6:
0xbc: {  	[dreg:$0xc] =	wrdreg s1  }
0xbd: {  	s10 =	sand.u32 $0x3, s1;
	s11 =	simm.s32 $0x1;
	[dreg:$0xb] =	wrdreg s0  }
0xbe: {  	s22 =	sshll.u32 s0, $0x1;
	s24 =	simm.s32 $0x1;
	s17 =	simm.s32 $0x10000  }
0xbf: {  	s18 =	simm.s32 $0x12400;
	s19 =	simm.s32 $0x12C00;
	s28 =	simm.s32 $0x13000  }
0xc0: {  	s29 =	simm.s32 $0x13400;
	s20 =	simm.s32 $0x13800;
	s30 =	simm.s32 $0x13C00  }
0xc1: {  	s31 =	simm.s32 $0x14400;
	s0 =	simm.s32 $0x14800;
	s1 =	simm.s32 $0x14C00  }
0xc2: {  	s3 =	simm.s32 $0x15000;
	s4 =	simm.s32 $0x15400;
	s6 =	simm.s32 $0x15800  }
0xc3: {  	s7 =	simm.s32 $0x15C00;
	s9 =	simm.s32 $0x16000;
	s5 =	simm.s32 $0x16400  }
0xc4: {  	s2 =	simm.s32 $0x16800;
	s8 =	simm.s32 $0x16C00;
	s13 =	simm.s32 $0x17000  }
0xc5: {  	s14 =	simm.s32 $0x17400;
	s15 =	simm.s32 $0x17800;
	s16 =	simm.s32 $0x17C00  }
0xc6: {  	s10 =	sshll.u32 s10, $0x7;
	s11 =	simm.s32 @!p0 $0x0;
	[dreg:$0xd] =	wrdreg s22  }
0xc7: {  	s23 =	sadd.s32 $0x2, s22;
	s22 =	simm.s32 $0x11400;
	s10 =	sadd.s32 $0x80, s10  }
0xc8: {  	s21 =	sshll.u32 s11, $0x8;
	s25 =	sshrl.u32 s23, $0x2;
	[dreg:$0x4] =	wrdreg s10  }
0xc9: {  	s11 =	simm.s32 $0x0;
	[dreg:$0x3] =	wrdreg s21;
	s10 =	sshll.u32 s23, $0x7  }
0xca: {  	s23 =	simm.s32 $0x11800;
	s21 =	simm.s32 $0x14000;
	_ =	swait.ge [sflag:s24], $0x2000  }
0xcb: {  	v2 =	vmov s25;
	[dreg:$0xe] =	wrdreg s25;
	s26 =	sand.u32 $0x100, s10;
	s10 =	simm.s32 $0x19000  }
0xcc: {  	v2 =	vand.u32 $0x7F, v2;
	s25 =	simm.s32 $0x12000;
	[sflag:s24] =	ssyncset.done $0x0;
	[dreg:$0x10] =	wrdreg s26  }
0xcd: {  	v2 =	vbroadcast v2, $0x0;
	s26 =	simm.s32 $0x12800;
	[sflag:s24] =	ssyncadd.s32 $0xFFFFE000;
	s24 =	simm.s32 $0x11C00  }
.LBB2_7:
0xce: {  	s12 =	rddreg [dreg:$0x3]  }
0xcf: {  	s12 =	sadd.s32 s11, s12  }
0xd0: {  	v3 =	vmov s12  }
0xd1: {  	v3 =	vshll.u32 v3, $0x7  }
0xd2: {  	v3 =	vor.u32 v0, v3  }
0xd3: {  	v3 =	vor.u32 v2, v3;
	_ =	sdelay $0x3  }
0xd4: {  	s12 =	simm.s32 $0x0  }
0xd5: {  	v3 =	vld.idx.msk [tilespmem:v3+s12+$0x0], $0xffff;
	_ =	sdelay $0x4  }
0xd6: {  	v3 =	vshll.u32 v3, $0x3  }
0xd7: {  	v3 =	vor.u32 v1, v3;
	_ =	sdelay $0x4  }
0xd8: {  	s12 =	simm.s32 $0x10400;
	v4 =	vld.idx.msk [tilespmem:v3+s17+$0x0], $0xffff  }
0xd9: {  	v5 =	vld.idx.msk [tilespmem:v3+s12+$0x0], $0xffff  }
0xda: {  	s12 =	simm.s32 $0x10800  }
0xdb: {  	v6 =	vld.idx.msk [tilespmem:v3+s12+$0x0], $0xffff;
	s12 =	simm.s32 $0x10C00  }
0xdc: {  	v7 =	vld.idx.msk [tilespmem:v3+s12+$0x0], $0xffff;
	s12 =	simm.s32 $0x11000  }
0xdd: {  	v9 =	vld.idx.msk [tilespmem:v3+s12+$0x0], $0xffff;
	v8 =	vshll.u32 v4, $0x10;
	[tilespmem:s10+$0xFFFFF080] =	vst v4  }
0xde: {  	v33 =	vshll.u32 v5, $0x10;
	[tilespmem:s10+$0xFFFFF000] =	vst v8  }
0xdf: {  	v8 =	vld.idx.msk [tilespmem:v3+s22+$0x0], $0xffff;
	[tilespmem:s10+$0xFFFFF100] =	vst v33  }
0xe0: {  	v34 =	vshll.u32 v6, $0x10;
	[tilespmem:s10+$0xFFFFF180] =	vst v5  }
0xe1: {  	v5 =	vld.idx.msk [tilespmem:v3+s23+$0x0], $0xffff;
	[tilespmem:s10+$0xFFFFF200] =	vst v34  }
0xe2: {  	v35 =	vshll.u32 v7, $0x10;
	[tilespmem:s10+$0xFFFFF280] =	vst v6  }
0xe3: {  	v6 =	vld.idx.msk [tilespmem:v3+s24+$0x0], $0xffff;
	[tilespmem:s10+$0xFFFFF300] =	vst v35  }
0xe4: {  	v36 =	vshll.u32 v9, $0x10;
	[tilespmem:s10+$0xFFFFF380] =	vst v7  }
0xe5: {  	v7 =	vld.idx.msk [tilespmem:v3+s25+$0x0], $0xffff;
	[tilespmem:s10+$0xFFFFF400] =	vst v36  }
0xe6: {  	[tilespmem:s10+$0xFFFFF480] =	vst v9  }
0xe7: {  	v9 =	vld.idx.msk [tilespmem:v3+s18+$0x0], $0xffff;
	v37 =	vshll.u32 v8, $0x10;
	[tilespmem:s10+$0xFFFFF580] =	vst v8  }
0xe8: {  	[tilespmem:s10+$0xFFFFF500] =	vst v37;
	v38 =	vshll.u32 v5, $0x10  }
0xe9: {  	v8 =	vld.idx.msk [tilespmem:v3+s26+$0x0], $0xffff;
	[tilespmem:s10+$0xFFFFF600] =	vst v38  }
0xea: {  	[tilespmem:s10+$0xFFFFF680] =	vst v5;
	v39 =	vshll.u32 v6, $0x10  }
0xeb: {  	v5 =	vld.idx.msk [tilespmem:v3+s19+$0x0], $0xffff;
	[tilespmem:s10+$0xFFFFF700] =	vst v39  }
0xec: {  	[tilespmem:s10+$0xFFFFF780] =	vst v6;
	v40 =	vshll.u32 v7, $0x10  }
0xed: {  	v6 =	vld.idx.msk [tilespmem:v3+s28+$0x0], $0xffff;
	[tilespmem:s10+$0xFFFFF800] =	vst v40  }
0xee: {  	[tilespmem:s10+$0xFFFFF880] =	vst v7;
	v41 =	vshll.u32 v9, $0x10  }
0xef: {  	v7 =	vld.idx.msk [tilespmem:v3+s29+$0x0], $0xffff;
	[tilespmem:s10+$0xFFFFF900] =	vst v41  }
0xf0: {  	[tilespmem:s10+$0xFFFFF980] =	vst v9  }
0xf1: {  	v9 =	vld.idx.msk [tilespmem:v3+s20+$0x0], $0xffff;
	v42 =	vshll.u32 v8, $0x10;
	[tilespmem:s10+$0xFFFFFA80] =	vst v8  }
0xf2: {  	[tilespmem:s10+$0xFFFFFA00] =	vst v42;
	v43 =	vshll.u32 v5, $0x10  }
0xf3: {  	v8 =	vld.idx.msk [tilespmem:v3+s30+$0x0], $0xffff;
	[tilespmem:s10+$0xFFFFFB00] =	vst v43  }
0xf4: {  	[tilespmem:s10+$0xFFFFFB80] =	vst v5;
	v44 =	vshll.u32 v6, $0x10  }
0xf5: {  	v5 =	vld.idx.msk [tilespmem:v3+s21+$0x0], $0xffff;
	[tilespmem:s10+$0xFFFFFC00] =	vst v44  }
0xf6: {  	[tilespmem:s10+$0xFFFFFC80] =	vst v6;
	v45 =	vshll.u32 v7, $0x10  }
0xf7: {  	v6 =	vld.idx.msk [tilespmem:v3+s31+$0x0], $0xffff;
	[tilespmem:s10+$0xFFFFFD00] =	vst v45  }
0xf8: {  	[tilespmem:s10+$0xFFFFFD80] =	vst v7;
	v46 =	vshll.u32 v9, $0x10  }
0xf9: {  	v7 =	vld.idx.msk [tilespmem:v3+s0+$0x0], $0xffff;
	[tilespmem:s10+$0xFFFFFE00] =	vst v46  }
0xfa: {  	[tilespmem:s10+$0xFFFFFE80] =	vst v9  }
0xfb: {  	v9 =	vld.idx.msk [tilespmem:v3+s1+$0x0], $0xffff;
	v47 =	vshll.u32 v8, $0x10;
	[tilespmem:s10+$0xFFFFFF80] =	vst v8  }
0xfc: {  	[tilespmem:s10+$0xFFFFFF00] =	vst v47;
	v48 =	vshll.u32 v5, $0x10  }
0xfd: {  	v8 =	vld.idx.msk [tilespmem:v3+s3+$0x0], $0xffff;
	[tilespmem:s10+$0x0] =	vst v48  }
0xfe: {  	[tilespmem:s10+$0x80] =	vst v5;
	v49 =	vshll.u32 v6, $0x10  }
0xff: {  	v5 =	vld.idx.msk [tilespmem:v3+s4+$0x0], $0xffff;
	[tilespmem:s10+$0x100] =	vst v49  }
0x100: {  	[tilespmem:s10+$0x180] =	vst v6;
	v50 =	vshll.u32 v7, $0x10  }
0x101: {  	v6 =	vld.idx.msk [tilespmem:v3+s6+$0x0], $0xffff;
	[tilespmem:s10+$0x200] =	vst v50  }
0x102: {  	[tilespmem:s10+$0x280] =	vst v7;
	v51 =	vshll.u32 v9, $0x10  }
0x103: {  	v7 =	vld.idx.msk [tilespmem:v3+s7+$0x0], $0xffff;
	[tilespmem:s10+$0x300] =	vst v51  }
0x104: {  	[tilespmem:s10+$0x380] =	vst v9  }
0x105: {  	v9 =	vld.idx.msk [tilespmem:v3+s9+$0x0], $0xffff;
	v52 =	vshll.u32 v8, $0x10;
	[tilespmem:s10+$0x480] =	vst v8  }
0x106: {  	[tilespmem:s10+$0x400] =	vst v52;
	v53 =	vshll.u32 v5, $0x10  }
0x107: {  	v8 =	vld.idx.msk [tilespmem:v3+s5+$0x0], $0xffff;
	[tilespmem:s10+$0x500] =	vst v53  }
0x108: {  	[tilespmem:s10+$0x580] =	vst v5;
	v54 =	vshll.u32 v6, $0x10  }
0x109: {  	v5 =	vld.idx.msk [tilespmem:v3+s2+$0x0], $0xffff;
	[tilespmem:s10+$0x600] =	vst v54  }
0x10a: {  	[tilespmem:s10+$0x680] =	vst v6;
	v55 =	vshll.u32 v7, $0x10  }
0x10b: {  	v6 =	vld.idx.msk [tilespmem:v3+s8+$0x0], $0xffff;
	[tilespmem:s10+$0x700] =	vst v55  }
0x10c: {  	[tilespmem:s10+$0x780] =	vst v7;
	v56 =	vshll.u32 v9, $0x10  }
0x10d: {  	v7 =	vld.idx.msk [tilespmem:v3+s13+$0x0], $0xffff;
	[tilespmem:s10+$0x800] =	vst v56  }
0x10e: {  	[tilespmem:s10+$0x880] =	vst v9  }
0x10f: {  	v9 =	vld.idx.msk [tilespmem:v3+s14+$0x0], $0xffff;
	v57 =	vshll.u32 v8, $0x10;
	[tilespmem:s10+$0x980] =	vst v8  }
0x110: {  	[tilespmem:s10+$0x900] =	vst v57;
	v58 =	vshll.u32 v5, $0x10  }
0x111: {  	v8 =	vld.idx.msk [tilespmem:v3+s15+$0x0], $0xffff;
	[tilespmem:s10+$0xA00] =	vst v58  }
0x112: {  	[tilespmem:s10+$0xA80] =	vst v5;
	v59 =	vshll.u32 v6, $0x10  }
0x113: {  	v3 =	vld.idx.msk [tilespmem:v3+s16+$0x0], $0xffff;
	[tilespmem:s10+$0xB00] =	vst v59  }
0x114: {  	[tilespmem:s10+$0xB80] =	vst v6  }
0x115: {  	v60 =	vshll.u32 v7, $0x10;
	[tilespmem:s10+$0xC80] =	vst v7  }
0x116: {  	[tilespmem:s10+$0xC00] =	vst v60  }
0x117: {  	p1 =	sne.s32 s11, $0x70;
	v61 =	vshll.u32 v9, $0x10;
	[tilespmem:s10+$0xD80] =	vst v9  }
.Ltmp2:
0x118: {  	[tilespmem:s10+$0xD00] =	vst v61;
	(pc) =	sbr.rel @p1 .LBB2_7-.Ltmp2, $4  }
0x119: {  	v62 =	vshll.u32 v8, $0x10;
	[tilespmem:s10+$0xE80] =	vst v8  }
0x11a: {  	[tilespmem:s10+$0xE00] =	vst v62  }
0x11b: {  	v63 =	vshll.u32 v3, $0x10;
	[tilespmem:s10+$0xF80] =	vst v3  }
0x11c: {  	s11 =	sadd.s32 $0x10, s11;
	[tilespmem:s10+$0xF00] =	vst v63;
	s10 =	sadd.s32 $0x10, s10  }
0x11d: {  	s10 =	rddreg [dreg:$0xe]  }
0x11e: {  	s11 =	rddreg [dreg:$0x7];
	s10 =	sshll.u32 s10, $0x11  }
0x11f: {  	s17 =	rddreg [dreg:$0x10];
	s12 =	simm.s32 $0x20000;
	s10 =	sadd.s32 s10, s11  }
0x120: {  	s11 =	simm.s32 $0x400;
	s10 =	sadd.s32 s17, s10;
	s17 =	simm.s32 $0x18000  }
0x121: {  	[hbm4b:s10+s11] =	stream.strided.scatter [tilespmem:s17], [sflag:$0x1], $0x2000, s12, s11, $0x38;
	[tilespmem:$0x1C000] =	vst v63  }
0x122: {  	s12 =	rddreg [dreg:$0xd]  }
0x123: {  	s11 =	simm.s32 $0x2;
	s10 =	sadd.s32 $0x3, s12  }
0x124: {  	_ =	swait.ge [sflag:s11], $0x2000;
	s17 =	sshrl.u32 s10, $0x2  }
0x125: {  	[sflag:s11] =	ssyncset.done $0x0;
	s10 =	sshll.u32 s10, $0x7;
	v2 =	vmov s17  }
0x126: {  	[dreg:$0xf] =	wrdreg s17;
	[sflag:s11] =	ssyncadd.s32 $0xFFFFE000;
	s10 =	sand.u32 $0x180, s10;
	v2 =	vand.u32 $0x7F, v2  }
0x127: {  	s11 =	simm.s32 $0x1BF80;
	[dreg:$0x11] =	wrdreg s10;
	s10 =	simm.s32 $0x0;
	v2 =	vbroadcast v2, $0x0  }
.LBB2_9:
0x128: {  	s12 =	rddreg [dreg:$0x4]  }
0x129: {  	s12 =	sadd.s32 s10, s12  }
0x12a: {  	v3 =	vmov s12  }
0x12b: {  	v3 =	vshll.u32 v3, $0x7  }
0x12c: {  	v3 =	vor.u32 v0, v3  }
0x12d: {  	v3 =	vor.u32 v2, v3;
	_ =	sdelay $0x3  }
0x12e: {  	s12 =	simm.s32 $0x0  }
0x12f: {  	v3 =	vld.idx.msk [tilespmem:v3+s12+$0x0], $0xffff;
	_ =	sdelay $0x4  }
0x130: {  	v3 =	vshll.u32 v3, $0x3  }
0x131: {  	v3 =	vor.u32 v1, v3;
	_ =	sdelay $0x3  }
0x132: {  	s17 =	simm.s32 $0x10000  }
0x133: {  	v4 =	vld.idx.msk [tilespmem:v3+s17+$0x0], $0xffff;
	s17 =	simm.s32 $0x10400  }
0x134: {  	v5 =	vld.idx.msk [tilespmem:v3+s17+$0x0], $0xffff  }
0x135: {  	s17 =	simm.s32 $0x10800  }
0x136: {  	v6 =	vld.idx.msk [tilespmem:v3+s17+$0x0], $0xffff;
	s17 =	simm.s32 $0x10C00  }
0x137: {  	v7 =	vld.idx.msk [tilespmem:v3+s17+$0x0], $0xffff;
	s17 =	simm.s32 $0x11000  }
0x138: {  	v9 =	vld.idx.msk [tilespmem:v3+s17+$0x0], $0xffff;
	v8 =	vshll.u32 v4, $0x10;
	[tilespmem:s11+$0xFFFFE100] =	vst v4  }
0x139: {  	[tilespmem:s11+$0xFFFFE080] =	vst v8;
	v33 =	vshll.u32 v5, $0x10  }
0x13a: {  	v8 =	vld.idx.msk [tilespmem:v3+s22+$0x0], $0xffff;
	[tilespmem:s11+$0xFFFFE180] =	vst v33  }
0x13b: {  	[tilespmem:s11+$0xFFFFE200] =	vst v5;
	v34 =	vshll.u32 v6, $0x10  }
0x13c: {  	v5 =	vld.idx.msk [tilespmem:v3+s23+$0x0], $0xffff;
	[tilespmem:s11+$0xFFFFE280] =	vst v34  }
0x13d: {  	[tilespmem:s11+$0xFFFFE300] =	vst v6;
	v35 =	vshll.u32 v7, $0x10  }
0x13e: {  	v6 =	vld.idx.msk [tilespmem:v3+s24+$0x0], $0xffff;
	[tilespmem:s11+$0xFFFFE380] =	vst v35  }
0x13f: {  	[tilespmem:s11+$0xFFFFE400] =	vst v7;
	v36 =	vshll.u32 v9, $0x10  }
0x140: {  	v7 =	vld.idx.msk [tilespmem:v3+s25+$0x0], $0xffff;
	[tilespmem:s11+$0xFFFFE480] =	vst v36  }
0x141: {  	[tilespmem:s11+$0xFFFFE500] =	vst v9  }
0x142: {  	v9 =	vld.idx.msk [tilespmem:v3+s18+$0x0], $0xffff;
	v37 =	vshll.u32 v8, $0x10;
	[tilespmem:s11+$0xFFFFE600] =	vst v8  }
0x143: {  	[tilespmem:s11+$0xFFFFE580] =	vst v37;
	v38 =	vshll.u32 v5, $0x10  }
0x144: {  	v8 =	vld.idx.msk [tilespmem:v3+s26+$0x0], $0xffff;
	[tilespmem:s11+$0xFFFFE680] =	vst v38  }
0x145: {  	[tilespmem:s11+$0xFFFFE700] =	vst v5;
	v39 =	vshll.u32 v6, $0x10  }
0x146: {  	v5 =	vld.idx.msk [tilespmem:v3+s19+$0x0], $0xffff;
	[tilespmem:s11+$0xFFFFE780] =	vst v39  }
0x147: {  	[tilespmem:s11+$0xFFFFE800] =	vst v6;
	v40 =	vshll.u32 v7, $0x10  }
0x148: {  	v6 =	vld.idx.msk [tilespmem:v3+s28+$0x0], $0xffff;
	[tilespmem:s11+$0xFFFFE880] =	vst v40  }
0x149: {  	[tilespmem:s11+$0xFFFFE900] =	vst v7;
	v41 =	vshll.u32 v9, $0x10  }
0x14a: {  	v7 =	vld.idx.msk [tilespmem:v3+s29+$0x0], $0xffff;
	[tilespmem:s11+$0xFFFFE980] =	vst v41  }
0x14b: {  	[tilespmem:s11+$0xFFFFEA00] =	vst v9  }
0x14c: {  	v9 =	vld.idx.msk [tilespmem:v3+s20+$0x0], $0xffff;
	v42 =	vshll.u32 v8, $0x10;
	[tilespmem:s11+$0xFFFFEB00] =	vst v8  }
0x14d: {  	[tilespmem:s11+$0xFFFFEA80] =	vst v42;
	v43 =	vshll.u32 v5, $0x10  }
0x14e: {  	v8 =	vld.idx.msk [tilespmem:v3+s30+$0x0], $0xffff;
	[tilespmem:s11+$0xFFFFEB80] =	vst v43  }
0x14f: {  	[tilespmem:s11+$0xFFFFEC00] =	vst v5;
	v44 =	vshll.u32 v6, $0x10  }
0x150: {  	v5 =	vld.idx.msk [tilespmem:v3+s21+$0x0], $0xffff;
	[tilespmem:s11+$0xFFFFEC80] =	vst v44  }
0x151: {  	[tilespmem:s11+$0xFFFFED00] =	vst v6;
	v45 =	vshll.u32 v7, $0x10  }
0x152: {  	v6 =	vld.idx.msk [tilespmem:v3+s31+$0x0], $0xffff;
	[tilespmem:s11+$0xFFFFED80] =	vst v45  }
0x153: {  	[tilespmem:s11+$0xFFFFEE00] =	vst v7;
	v46 =	vshll.u32 v9, $0x10  }
0x154: {  	v7 =	vld.idx.msk [tilespmem:v3+s0+$0x0], $0xffff;
	[tilespmem:s11+$0xFFFFEE80] =	vst v46  }
0x155: {  	[tilespmem:s11+$0xFFFFEF00] =	vst v9  }
0x156: {  	v9 =	vld.idx.msk [tilespmem:v3+s1+$0x0], $0xffff;
	v47 =	vshll.u32 v8, $0x10;
	[tilespmem:s11+$0xFFFFF000] =	vst v8  }
0x157: {  	[tilespmem:s11+$0xFFFFEF80] =	vst v47;
	v48 =	vshll.u32 v5, $0x10  }
0x158: {  	v8 =	vld.idx.msk [tilespmem:v3+s3+$0x0], $0xffff;
	[tilespmem:s11+$0xFFFFF080] =	vst v48  }
0x159: {  	[tilespmem:s11+$0xFFFFF100] =	vst v5;
	v49 =	vshll.u32 v6, $0x10  }
0x15a: {  	v5 =	vld.idx.msk [tilespmem:v3+s4+$0x0], $0xffff;
	[tilespmem:s11+$0xFFFFF180] =	vst v49  }
0x15b: {  	[tilespmem:s11+$0xFFFFF200] =	vst v6;
	v50 =	vshll.u32 v7, $0x10  }
0x15c: {  	v6 =	vld.idx.msk [tilespmem:v3+s6+$0x0], $0xffff;
	[tilespmem:s11+$0xFFFFF280] =	vst v50  }
0x15d: {  	[tilespmem:s11+$0xFFFFF300] =	vst v7;
	v51 =	vshll.u32 v9, $0x10  }
0x15e: {  	v7 =	vld.idx.msk [tilespmem:v3+s7+$0x0], $0xffff;
	[tilespmem:s11+$0xFFFFF380] =	vst v51  }
0x15f: {  	[tilespmem:s11+$0xFFFFF400] =	vst v9  }
0x160: {  	v9 =	vld.idx.msk [tilespmem:v3+s9+$0x0], $0xffff;
	v52 =	vshll.u32 v8, $0x10;
	[tilespmem:s11+$0xFFFFF500] =	vst v8  }
0x161: {  	[tilespmem:s11+$0xFFFFF480] =	vst v52;
	v53 =	vshll.u32 v5, $0x10  }
0x162: {  	v8 =	vld.idx.msk [tilespmem:v3+s5+$0x0], $0xffff;
	[tilespmem:s11+$0xFFFFF580] =	vst v53  }
0x163: {  	[tilespmem:s11+$0xFFFFF600] =	vst v5;
	v54 =	vshll.u32 v6, $0x10  }
0x164: {  	v5 =	vld.idx.msk [tilespmem:v3+s2+$0x0], $0xffff;
	[tilespmem:s11+$0xFFFFF680] =	vst v54  }
0x165: {  	[tilespmem:s11+$0xFFFFF700] =	vst v6;
	v55 =	vshll.u32 v7, $0x10  }
0x166: {  	v6 =	vld.idx.msk [tilespmem:v3+s8+$0x0], $0xffff;
	[tilespmem:s11+$0xFFFFF780] =	vst v55  }
0x167: {  	[tilespmem:s11+$0xFFFFF800] =	vst v7;
	v56 =	vshll.u32 v9, $0x10  }
0x168: {  	v7 =	vld.idx.msk [tilespmem:v3+s13+$0x0], $0xffff;
	[tilespmem:s11+$0xFFFFF880] =	vst v56  }
0x169: {  	[tilespmem:s11+$0xFFFFF900] =	vst v9  }
0x16a: {  	v9 =	vld.idx.msk [tilespmem:v3+s14+$0x0], $0xffff;
	v57 =	vshll.u32 v8, $0x10;
	[tilespmem:s11+$0xFFFFFA00] =	vst v8  }
0x16b: {  	[tilespmem:s11+$0xFFFFF980] =	vst v57;
	v58 =	vshll.u32 v5, $0x10  }
0x16c: {  	v8 =	vld.idx.msk [tilespmem:v3+s15+$0x0], $0xffff;
	[tilespmem:s11+$0xFFFFFA80] =	vst v58  }
0x16d: {  	[tilespmem:s11+$0xFFFFFB00] =	vst v5;
	v59 =	vshll.u32 v6, $0x10  }
0x16e: {  	v3 =	vld.idx.msk [tilespmem:v3+s16+$0x0], $0xffff;
	[tilespmem:s11+$0xFFFFFB80] =	vst v59  }
0x16f: {  	[tilespmem:s11+$0xFFFFFC00] =	vst v6  }
0x170: {  	v60 =	vshll.u32 v7, $0x10;
	[tilespmem:s11+$0xFFFFFD00] =	vst v7  }
0x171: {  	[tilespmem:s11+$0xFFFFFC80] =	vst v60  }
0x172: {  	p1 =	sne.s32 s10, $0x70;
	v61 =	vshll.u32 v9, $0x10;
	[tilespmem:s11+$0xFFFFFE00] =	vst v9  }
.Ltmp3:
0x173: {  	[tilespmem:s11+$0xFFFFFD80] =	vst v61;
	(pc) =	sbr.rel @p1 .LBB2_9-.Ltmp3, $4  }
0x174: {  	v62 =	vshll.u32 v8, $0x10;
	[tilespmem:s11+$0xFFFFFF00] =	vst v8  }
0x175: {  	[tilespmem:s11+$0xFFFFFE80] =	vst v62  }
0x176: {  	v63 =	vshll.u32 v3, $0x10;
	[tilespmem:s11+$0x0] =	vst v3  }
0x177: {  	s10 =	sadd.s32 $0x10, s10;
	[tilespmem:s11+$0xFFFFFF80] =	vst v63;
	s11 =	sadd.s32 $0x10, s11  }
0x178: {  	s0 =	rddreg [dreg:$0xf]  }
0x179: {  	s30 =	rddreg [dreg:$0xb]  }
0x17a: {  	s10 =	sshll.u32 s0, $0x11;
	s0 =	sadd.s32 $0x1, s30  }
0x17b: {  	s11 =	rddreg [dreg:$0x7];
	p1 =	sne.s32 s0, $0x63  }
.Ltmp4:
0x17c: {  	s28 =	rddreg [dreg:$0x11];
	(pc) =	sbr.rel @p1 .LBB2_6-.Ltmp4, $4  }
0x17d: {  	s29 =	simm.s32 $0x400;
	s1 =	simm.s32 $0x20000;
	s10 =	sadd.s32 s10, s11  }
0x17e: {  	s2 =	simm.s32 $0x1A000;
	s31 =	rddreg [dreg:$0xc];
	s10 =	sadd.s32 s28, s10  }
0x17f: {  	[hbm4b:s10+s29] =	stream.strided.scatter [tilespmem:s2], [sflag:$0x2], $0x2000, s1, s29, $0x38;
	[tilespmem:$0x1C000] =	vst v63  }
0x180: {  	p0 =	por !p0, !p0;
	s1 =	sadd.s32 $0x2, s31  }
0x181: {  	s0 =	simm.s32 $0x1  }
0x182: {  	_ =	swait.ge [sflag:s0], $0x2000  }
0x183: {  	[sflag:s0] =	ssyncset.done $0x0  }
0x184: {  	s31 =	simm.s32 $0x2;
	[sflag:s0] =	ssyncadd.s32 $0xFFFFE000  }
0x185: {  	_ =	swait.ge [sflag:s31], $0x2000  }
0x186: {  	s1 =	rddreg [dreg:$0xa]  }
0x187: {  	s10 =	rddreg [dreg:$0x9];
	s1 =	sadd.s32 $0x1, s1  }
0x188: {  	p0 =	sne.s32 s1, s10  }
.Ltmp5:
0x189: {  	_ = 	snop;
	(pc) =	sbr.rel @p0 .LBB2_1-.Ltmp5, $3  }
0x18a: {  	_ =	sdelay $0x1  }
0x18b: {  	[sflag:s31] =	ssyncset.done $0x0  }
0x18c: {  	s11 =	simm.s32 $0x10000;
	[sflag:s31] =	ssyncadd.s32 $0xFFFFE000  }
0x18d: {  	_ =	sfence.sel $0x180000  }
0x18e: {  	[bflag:$0x0] =	sbarrier.arrive $0xFFFF  }
0x18f: {  	_ =	strace $0x90000047  }
0x190: {  	s0 =	stileid.u32;
	[bflag:$0x2] =	sbarrier.arrive $0xFFFF  }
0x191: {  	p0 =	sne.s32 s0, $0x0;
	s0 =	rddreg [dreg:$0x2]  }
0x192: {  	s0 =	sadd.s32 @!p0 $0x100000, s0  }
0x193: {  	[sflag:s0] =	ssyncadd.tile.s32 @!p0 $0x1;
	_ =	shalt  }
.Lfunc_end2:
_tile_overlayer_lowered:
.L_overlay_start_2:
0x194: {  	(tag) =	ssettag $0x2  }
0x195: {  	s0 =	rddreg [dreg:$0x0];
	s2 =	stileid.u32  }
0x196: {  	s1 =	rddreg [dreg:$0x1];
	p0 =	sne.s32 s2, $0x0  }
0x197: {  	s3 =	rddreg [dreg:$0x2];
	[bflag:$0x3] =	sbarrier.arrive $0xFFFF;
	s2 =	simm.s32 @!p0 $0x1C03  }
0x198: {  	[timem:s3], [sflag:s2] =	dma.local @!p0 [hbm:s0], s1  }
0x199: {  	s0 =	simm.s32 @!p0 $0x3  }
0x19a: {  	_ =	swait.ge @!p0 [sflag:s0], s1  }
0x19b: {  	s1 =	ssub.s32 @!p0 $0x0, s1;
	[sflag:s0] =	ssyncset.done @!p0 $0x0  }
0x19c: {  	[sflag:s0] =	ssyncadd.s32 @!p0 s1  }
0x19d: {  	[bflag:$0x3] =	sbarrier.arrive $0xFFFF  }
0x19e: {  	_ =	shalt  }

</sc_bundles>
